<compile_context>
chip_gen: v7x
topology: tpu7x:2x2x1
jax: 0.10.2.dev20260603
libtpu: 0.0.44.dev20260713+nightly
codegen_flags: <defaults>
</compile_context>

<pallas_src>
import functools

import jax
import jax.numpy as jnp
from jax import lax
from jax.experimental import pallas as pl
from jax.experimental.pallas import tpu as pltpu
from jax.experimental.pallas import tpu_sc as plsc

IMG = 512.0
IOU_THR = 0.5
SCORE_THR = 0.05
MAX_OUT = 64
NUM_CLASSES = 80
N = 20000
NEG = -1e9

L = 16
CH0 = 128
NP = 20480
NL1 = NP // CH0
NL2 = L
OUTW = 5 * MAX_OUT

NUM_SC_CORES = 2
NUM_SUBCORES = 16
NW = NUM_SC_CORES * NUM_SUBCORES
CLASSES_PER_W = (NUM_CLASSES + NW - 1) // NW


def _prep_tc_kernel(s_ref, anc_ref, reg_ref, lvl1_ref, lvl2_ref, boxes_ref):
    s = s_ref[...]
    nfull = N // CH0
    c1a = jnp.max(s[:, :nfull * CH0].reshape(NUM_CLASSES, nfull, CH0),
                  axis=2)
    c1b = jnp.max(s[:, nfull * CH0:], axis=1, keepdims=True)
    c1 = jnp.concatenate(
        [c1a, c1b,
         jnp.full((NUM_CLASSES, NL1 - nfull - 1), NEG, jnp.float32)], axis=1)
    l1 = jnp.where(c1 > SCORE_THR, c1, NEG)
    lvl1_ref[...] = l1
    c2 = jnp.max(l1.reshape(NUM_CLASSES, 10, L), axis=2)
    lvl2_ref[...] = jnp.concatenate(
        [c2, jnp.full((NUM_CLASSES, NL2 - 10), NEG, jnp.float32)], axis=1)
    a0 = anc_ref[0, :]
    a1 = anc_ref[1, :]
    a2 = anc_ref[2, :]
    a3 = anc_ref[3, :]
    r0 = reg_ref[0, :]
    r1 = reg_ref[1, :]
    r2 = reg_ref[2, :]
    r3 = reg_ref[3, :]
    w = a2 - a0
    h = a3 - a1
    cx = a0 + 0.5 * w
    cy = a1 + 0.5 * h
    dx = r0 * 0.1
    dy = r1 * 0.1
    dw = r2 * 0.2
    dh = r3 * 0.2
    pcx = cx + dx * w
    pcy = cy + dy * h
    pw = jnp.exp(dw) * w
    ph = jnp.exp(dh) * h
    boxes_ref[0, :] = jnp.maximum(pcx - 0.5 * pw, 0.0)
    boxes_ref[1, :] = jnp.maximum(pcy - 0.5 * ph, 0.0)
    boxes_ref[2, :] = jnp.minimum(pcx + 0.5 * pw, IMG)
    boxes_ref[3, :] = jnp.minimum(pcy + 0.5 * ph, IMG)


def _prep(scores_t, anchors_t, regression_t):
    return pl.pallas_call(
        _prep_tc_kernel,
        out_shape=[
            jax.ShapeDtypeStruct((NUM_CLASSES, NL1), jnp.float32),
            jax.ShapeDtypeStruct((NUM_CLASSES, NL2), jnp.float32),
            jax.ShapeDtypeStruct((4, N), jnp.float32),
        ],
    )(scores_t, anchors_t, regression_t)


def _smax(v, perms):
    for p in perms:
        v = jnp.maximum(v, jnp.take(v, p))
    return v


def _sc_nms_kernel(scores_hbm, lvl1_hbm, lvl2_hbm, boxes_hbm, out_hbm,
                   sc_a, sc_b, l1_a, l1_b, l2_a, l2_b,
                   bx1_v, by1_v, bx2_v, by2_v,
                   sxa1, sya1, sxa2, sya2, osa,
                   sxb1, syb1, sxb2, syb2, osb,
                   stg0, stg1, stg2,
                   semb, sem0, sem1, semo):
    wid = lax.axis_index("s") * NUM_SC_CORES + lax.axis_index("c")
    iot = lax.iota(jnp.int32, L)
    perms = [iot ^ (1 << k) for k in range(4)]
    zeros = jnp.zeros((L,), jnp.float32)
    negv = jnp.full((L,), NEG, jnp.float32)
    thrv = jnp.full((L,), SCORE_THR, jnp.float32)
    iouv = jnp.full((L,), IOU_THR, jnp.float32)

    bufs = [(sc_a, l1_a, l2_a, sem0), (sc_b, l1_b, l2_b, sem1)]
    sels = [(sxa1, sya1, sxa2, sya2, osa), (sxb1, syb1, sxb2, syb2, osb)]
    stgs = [stg0, stg1, stg2]

    def fire(c, t):
        sc_v, l1_v, l2_v, sem = bufs[t % 2]
        return [pltpu.async_copy(scores_hbm.at[c], sc_v, sem),
                pltpu.async_copy(lvl1_hbm.at[c], l1_v, sem),
                pltpu.async_copy(lvl2_hbm.at[c], l2_v, sem)]

    def zero_sel(sel):
        for ref in sel:
            for k in range(MAX_OUT // L):
                ref[pl.ds(k * L, L)] = zeros

    def half(count, mv, t, si):
        sc_v, l1_v, l2_v, _ = bufs[t % 2]
        sx1_v, sy1_v, sx2_v, sy2_v, os_v = sels[si]
        v2 = l2_v[...]
        j2 = plsc.all_reduce_ffs(v2 == mv)[0]
        v1 = l1_v[pl.ds(j2 * L, L)]
        j1loc = plsc.all_reduce_ffs(v1 == mv)[0]
        j1 = j2 * L + j1loc
        base0 = j1 * CH0
        r2v = _smax(jnp.where(iot == j2, negv, v2), perms)
        r1v = _smax(jnp.where(iot == j1loc, negv, v1), perms)
        offs = [jnp.minimum(base0 + k * L, N - L) for k in range(CH0 // L)]
        subs = []
        cand = jnp.full((L,), 4096, jnp.int32)
        for k in range(CH0 // L):
            sk = sc_v[pl.ds(offs[k], L)]
            subs.append(sk)
            f = plsc.all_reduce_ffs(sk == mv)
            cand = jnp.minimum(
                cand, jnp.where(f == L, 4096, k * L + f))
        idx_loc = cand[0]
        lane = lax.rem(idx_loc, L)
        k0 = lax.div(idx_loc, L)
        off0 = base0 + k0 * L
        idx = base0 + idx_loc
        sub = sc_v[pl.ds(off0, L)]
        subn = jnp.where(iot == lane, negv, sub)
        sc_v[pl.ds(off0, L)] = subn
        part = jnp.where(jnp.full((L,), offs[0] == off0), subn, subs[0])
        for k in range(1, CH0 // L):
            sk = jnp.where(jnp.full((L,), offs[k] == off0), subn, subs[k])
            part = jnp.maximum(part, sk)
        m1v_raw = _smax(part, perms)
        m1v = jnp.where(m1v_raw > thrv, m1v_raw, negv)
        v1n = jnp.where(iot == j1loc, m1v, v1)
        l1_v[pl.ds(j2 * L, L)] = v1n
        m2v = jnp.maximum(m1v, r1v)
        v2n = jnp.where(iot == j2, m2v, v2)
        l2_v[...] = v2n
        m_next = jnp.maximum(m2v, r2v)
        idxv = jnp.full((L,), idx, jnp.int32)
        cx1 = plsc.load_gather(bx1_v, [idxv])
        cy1 = plsc.load_gather(by1_v, [idxv])
        cx2 = plsc.load_gather(bx2_v, [idxv])
        cy2 = plsc.load_gather(by2_v, [idxv])
        ca = (cx2 - cx1) * (cy2 - cy1)
        acc = zeros
        for k in range(MAX_OUT // L):
            sx1 = sx1_v[pl.ds(k * L, L)]
            sy1 = sy1_v[pl.ds(k * L, L)]
            sx2 = sx2_v[pl.ds(k * L, L)]
            sy2 = sy2_v[pl.ds(k * L, L)]
            xx1 = jnp.maximum(sx1, cx1)
            yy1 = jnp.maximum(sy1, cy1)
            xx2 = jnp.minimum(sx2, cx2)
            yy2 = jnp.minimum(sy2, cy2)
            inter = jnp.maximum(xx2 - xx1, 0.0) * jnp.maximum(yy2 - yy1, 0.0)
            sa = (sx2 - sx1) * (sy2 - sy1)
            iou = inter / (ca + sa - inter + 1e-8)
            acc = jnp.maximum(acc, iou)
        ok = jnp.logical_not(jnp.any(acc > iouv))
        coff = lax.div(count, L) * L
        lmask = jnp.logical_and(iot == (count - coff),
                                jnp.full((L,), ok))
        for ref, val in ((sx1_v, cx1), (sy1_v, cy1),
                         (sx2_v, cx2), (sy2_v, cy2), (os_v, mv)):
            w = ref[pl.ds(coff, L)]
            ref[pl.ds(coff, L)] = jnp.where(lmask, val, w)
        return count + ok.astype(jnp.int32), m_next

    def stage_out(c, t, si):
        stg = stgs[t]
        sx1_v, sy1_v, sx2_v, sy2_v, os_v = sels[si]
        for i, ref in enumerate((os_v, sx1_v, sy1_v, sx2_v, sy2_v)):
            for k in range(MAX_OUT // L):
                stg[pl.ds(i * MAX_OUT + k * L, L)] = ref[pl.ds(k * L, L)]
        return pltpu.async_copy(stg, out_hbm.at[c], semo)

    def walk(c, t):
        _, l1_v, l2_v, _ = bufs[t % 2]
        zero_sel(sels[0])
        m0 = _smax(l2_v[...], perms)

        def cond(carry):
            count, mv = carry
            return jnp.logical_and(count < MAX_OUT, jnp.any(mv > thrv))

        def body(carry):
            return half(carry[0], carry[1], t, 0)

        lax.while_loop(cond, body, (jnp.int32(0), m0))
        return stage_out(c, t, 0)

    hb = [pltpu.async_copy(boxes_hbm.at[0], bx1_v, semb),
          pltpu.async_copy(boxes_hbm.at[1], by1_v, semb),
          pltpu.async_copy(boxes_hbm.at[2], bx2_v, semb),
          pltpu.async_copy(boxes_hbm.at[3], by2_v, semb)]
    h0 = fire(wid, 0)
    h1 = fire(wid + NW, 1)
    for h in hb + h0:
        h.wait()

    ho0 = walk(wid, 0)

    has3 = wid + 2 * NW < NUM_CLASSES
    c2 = jnp.minimum(wid + 2 * NW, NUM_CLASSES - 1)
    h2 = fire(c2, 2)
    for h in h1:
        h.wait()
    ho1 = walk(wid + NW, 1)
    for h in h2:
        h.wait()

    @pl.when(has3)
    def _():
        walk(wid + 2 * NW, 2).wait()
    ho0.wait()
    ho1.wait()


@functools.partial(
    pl.kernel,
    out_type=jax.ShapeDtypeStruct((NUM_CLASSES, OUTW), jnp.float32),
    mesh=plsc.VectorSubcoreMesh(core_axis_name="c", subcore_axis_name="s",
                                num_cores=NUM_SC_CORES,
                                num_subcores=NUM_SUBCORES),
    compiler_params=pltpu.CompilerParams(needs_layout_passes=False),
    scratch_types=[
        pltpu.VMEM((N,), jnp.float32),
        pltpu.VMEM((N,), jnp.float32),
        pltpu.VMEM((NL1,), jnp.float32),
        pltpu.VMEM((NL1,), jnp.float32),
        pltpu.VMEM((NL2,), jnp.float32),
        pltpu.VMEM((NL2,), jnp.float32),
        pltpu.VMEM((N,), jnp.float32),
        pltpu.VMEM((N,), jnp.float32),
        pltpu.VMEM((N,), jnp.float32),
        pltpu.VMEM((N,), jnp.float32),
        pltpu.VMEM((MAX_OUT,), jnp.float32),
        pltpu.VMEM((MAX_OUT,), jnp.float32),
        pltpu.VMEM((MAX_OUT,), jnp.float32),
        pltpu.VMEM((MAX_OUT,), jnp.float32),
        pltpu.VMEM((MAX_OUT,), jnp.float32),
        pltpu.VMEM((MAX_OUT,), jnp.float32),
        pltpu.VMEM((MAX_OUT,), jnp.float32),
        pltpu.VMEM((MAX_OUT,), jnp.float32),
        pltpu.VMEM((MAX_OUT,), jnp.float32),
        pltpu.VMEM((MAX_OUT,), jnp.float32),
        pltpu.VMEM((OUTW,), jnp.float32),
        pltpu.VMEM((OUTW,), jnp.float32),
        pltpu.VMEM((OUTW,), jnp.float32),
        pltpu.SemaphoreType.DMA,
        pltpu.SemaphoreType.DMA,
        pltpu.SemaphoreType.DMA,
        pltpu.SemaphoreType.DMA,
    ],
)
def _sc_nms(scores, lvl1, lvl2, boxes, out, *scratch):
    _sc_nms_kernel(scores, lvl1, lvl2, boxes, out, *scratch)


def kernel(classification, regression, anchors):
    scores_t = classification[0].T
    anchors_t = anchors[0].T
    regression_t = regression[0].T
    l1, l2, boxes = _prep(scores_t, anchors_t, regression_t)
    out = _sc_nms(scores_t, l1, l2, boxes)
    outs = out[:, :MAX_OUT]
    final_scores = outs.reshape(-1)
    labels = jnp.broadcast_to(
        jnp.arange(NUM_CLASSES, dtype=jnp.int32)[:, None],
        (NUM_CLASSES, MAX_OUT))
    final_labels = jnp.where(outs > SCORE_THR, labels, -1).reshape(-1)
    final_boxes = (out[:, MAX_OUT:].reshape(NUM_CLASSES, 4, MAX_OUT)
                   .transpose(0, 2, 1).reshape(-1, 4))
    return final_scores, final_labels, final_boxes

# --- scband reference (transcript-rebuilt; emitter-appended) ---
"""Pipeline reference for scband-retina-net-53575422051039 (READ-ONLY COPY).

The authoritative reference and input builder live on the scoring server;
editing this copy changes nothing except your own understanding.
"""

import jax, jax.numpy as jnp
import numpy as np
from jax import lax

IMG = 512.0
IOU_THR = 0.5
SCORE_THR = 0.05
MAX_OUT = 64
NUM_CLASSES = 80
N = 20000
NEG = -1e9


def setup_inputs(seed: int = 0) -> dict:
    key = jax.random.key(seed)
    k1, k2, k3, k4, k5 = jax.random.split(key, 5)
    classification = jax.random.uniform(k1, (1, N, NUM_CLASSES), dtype=jnp.float32)
    regression = jax.random.normal(k2, (1, N, 4), dtype=jnp.float32) * 0.1
    cx = jax.random.uniform(k3, (N,), dtype=jnp.float32) * IMG
    cy = jax.random.uniform(k4, (N,), dtype=jnp.float32) * IMG
    wh = jax.random.uniform(k5, (N, 2), dtype=jnp.float32) * 112.0 + 16.0
    anchors = jnp.stack([cx - wh[:, 0] * 0.5, cy - wh[:, 1] * 0.5,
                         cx + wh[:, 0] * 0.5, cy + wh[:, 1] * 0.5], axis=1)[None]
    return {"classification": classification, "regression": regression, "anchors": anchors}


def _decode_and_clip(anchors, regression):
    # BBoxTransform (std = [0.1,0.1,0.2,0.2]) followed by ClipBoxes
    w = anchors[:, 2] - anchors[:, 0]
    h = anchors[:, 3] - anchors[:, 1]
    cx = anchors[:, 0] + 0.5 * w
    cy = anchors[:, 1] + 0.5 * h
    dx = regression[:, 0] * 0.1
    dy = regression[:, 1] * 0.1
    dw = regression[:, 2] * 0.2
    dh = regression[:, 3] * 0.2
    pcx = cx + dx * w
    pcy = cy + dy * h
    pw = jnp.exp(dw) * w
    ph = jnp.exp(dh) * h
    x1 = jnp.maximum(pcx - 0.5 * pw, 0.0)
    y1 = jnp.maximum(pcy - 0.5 * ph, 0.0)
    x2 = jnp.minimum(pcx + 0.5 * pw, IMG)
    y2 = jnp.minimum(pcy + 0.5 * ph, IMG)
    return jnp.stack([x1, y1, x2, y2], axis=1)


def _iou_one_vs_all(box, boxes):
    xx1 = jnp.maximum(box[0], boxes[:, 0])
    yy1 = jnp.maximum(box[1], boxes[:, 1])
    xx2 = jnp.minimum(box[2], boxes[:, 2])
    yy2 = jnp.minimum(box[3], boxes[:, 3])
    inter = jnp.clip(xx2 - xx1, 0.0) * jnp.clip(yy2 - yy1, 0.0)
    a0 = (box[2] - box[0]) * (box[3] - box[1])
    a1 = (boxes[:, 2] - boxes[:, 0]) * (boxes[:, 3] - boxes[:, 1])
    return inter / (a0 + a1 - inter + 1e-8)


def _nms_single_class(boxes, scores_masked):
    # iterative greedy NMS via scan; scores_masked has NEG where score <= SCORE_THR
    def step(s, _):
        idx = jnp.argmax(s)
        best = s[idx]
        iou = _iou_one_vs_all(boxes[idx], boxes)
        suppress = iou > IOU_THR
        ns = jnp.where(suppress, NEG, s)
        ns = ns.at[idx].set(NEG)
        valid = best > SCORE_THR
        return ns, (idx, valid)
    _, (idxs, valids) = lax.scan(step, scores_masked, None, length=MAX_OUT)
    return idxs, valids


def reference(classification, regression, anchors):
    boxes = _decode_and_clip(anchors[0], regression[0])  # [N,4]
    scores_all = classification[0]                        # [N,C]
    masked = jnp.where(scores_all > SCORE_THR, scores_all, NEG)

    def per_class(s):
        idxs, valids = _nms_single_class(boxes, s)
        v = valids.astype(jnp.float32)
        sel_s = jnp.take(s, idxs) * v
        sel_b = jnp.take(boxes, idxs, axis=0) * v[:, None]
        return sel_s, sel_b, valids

    sel_s, sel_b, valids = jax.vmap(per_class, in_axes=1)(masked)
    labels = jnp.broadcast_to(jnp.arange(NUM_CLASSES, dtype=jnp.int32)[:, None], (NUM_CLASSES, MAX_OUT))
    final_scores = sel_s.reshape(-1)
    final_labels = jnp.where(valids.reshape(-1), labels.reshape(-1), -1)
    final_boxes = sel_b.reshape(-1, 4)
    return final_scores, final_labels, final_boxes

if __name__ == "__main__":
    import jax
    _d = setup_inputs()
    print(jax.jit(kernel)(*tuple(_d.values())))

</pallas_src>

<mosaic_0001>
#map = affine_map<(d0, d1) -> (0, 0)>
module attributes {stable_mosaic.version = 14 : i64} {
  func.func @_sc_nms(%arg0: i32, %arg1: i32, %arg2: memref<80x20000xf32, #tpu.memory_space<hbm>>, %arg3: memref<80x160xf32, #tpu.memory_space<hbm>>, %arg4: memref<80x16xf32, #tpu.memory_space<hbm>>, %arg5: memref<4x20000xf32, #tpu.memory_space<hbm>>, %arg6: memref<80x320xf32, #tpu.memory_space<hbm>>, %arg7: memref<20000xf32, #tpu.memory_space<vmem>>, %arg8: memref<20000xf32, #tpu.memory_space<vmem>>, %arg9: memref<160xf32, #tpu.memory_space<vmem>>, %arg10: memref<160xf32, #tpu.memory_space<vmem>>, %arg11: memref<16xf32, #tpu.memory_space<vmem>>, %arg12: memref<16xf32, #tpu.memory_space<vmem>>, %arg13: memref<20000xf32, #tpu.memory_space<vmem>>, %arg14: memref<20000xf32, #tpu.memory_space<vmem>>, %arg15: memref<20000xf32, #tpu.memory_space<vmem>>, %arg16: memref<20000xf32, #tpu.memory_space<vmem>>, %arg17: memref<64xf32, #tpu.memory_space<vmem>>, %arg18: memref<64xf32, #tpu.memory_space<vmem>>, %arg19: memref<64xf32, #tpu.memory_space<vmem>>, %arg20: memref<64xf32, #tpu.memory_space<vmem>>, %arg21: memref<64xf32, #tpu.memory_space<vmem>>, %arg22: memref<64xf32, #tpu.memory_space<vmem>>, %arg23: memref<64xf32, #tpu.memory_space<vmem>>, %arg24: memref<64xf32, #tpu.memory_space<vmem>>, %arg25: memref<64xf32, #tpu.memory_space<vmem>>, %arg26: memref<64xf32, #tpu.memory_space<vmem>>, %arg27: memref<320xf32, #tpu.memory_space<vmem>>, %arg28: memref<320xf32, #tpu.memory_space<vmem>>, %arg29: memref<320xf32, #tpu.memory_space<vmem>>, %arg30: memref<!tpu.dma_semaphore, #tpu.memory_space<semaphore_mem>>, %arg31: memref<!tpu.dma_semaphore, #tpu.memory_space<semaphore_mem>>, %arg32: memref<!tpu.dma_semaphore, #tpu.memory_space<semaphore_mem>>, %arg33: memref<!tpu.dma_semaphore, #tpu.memory_space<semaphore_mem>>) attributes {dimension_semantics = [#tpu.dimension_semantics<core_parallel>, #tpu.dimension_semantics<subcore_parallel>], iteration_bounds = array<i64: 2, 16>, scalar_prefetch = 0 : i64, scratch_operands = 27 : i64, tpu.core_type = #tpu.core_type<sc_vector_subcore>, window_params = [{transform_indices = #map}, {transform_indices = #map}, {transform_indices = #map}, {transform_indices = #map}, {transform_indices = #map}]} {
    %mul3A = arith.constant 2 : i32
    %mul3A_0 = arith.muli %arg1, %mul3A : i32
    %add3A = arith.addi %mul3A_0, %arg0 : i32
    %iota3A = tpu.iota {dimensions = array<i32: 0>} : vector<16xi32>
    %xor3A = arith.constant 1 : i32
    %xor3A_1 = vector.broadcast %xor3A : i32 to vector<16xi32>
    %xor3A_2 = arith.xori %iota3A, %xor3A_1 : vector<16xi32>
    %xor3A_3 = arith.constant 2 : i32
    %xor3A_4 = vector.broadcast %xor3A_3 : i32 to vector<16xi32>
    %xor3A_5 = arith.xori %iota3A, %xor3A_4 : vector<16xi32>
    %xor3A_6 = arith.constant 4 : i32
    %xor3A_7 = vector.broadcast %xor3A_6 : i32 to vector<16xi32>
    %xor3A_8 = arith.xori %iota3A, %xor3A_7 : vector<16xi32>
    %xor3A_9 = arith.constant 8 : i32
    %xor3A_10 = vector.broadcast %xor3A_9 : i32 to vector<16xi32>
    %xor3A_11 = arith.xori %iota3A, %xor3A_10 : vector<16xi32>
    %broadcast_in_dim3A = arith.constant 0.000000e+00 : f32
    %broadcast_in_dim3A_12 = vector.broadcast %broadcast_in_dim3A : f32 to vector<16xf32>
    %broadcast_in_dim3A_13 = arith.constant -1.000000e+09 : f32
    %broadcast_in_dim3A_14 = vector.broadcast %broadcast_in_dim3A_13 : f32 to vector<16xf32>
    %broadcast_in_dim3A_15 = arith.constant 5.000000e-02 : f32
    %broadcast_in_dim3A_16 = vector.broadcast %broadcast_in_dim3A_15 : f32 to vector<16xf32>
    %broadcast_in_dim3A_17 = arith.constant 5.000000e-01 : f32
    %broadcast_in_dim3A_18 = vector.broadcast %broadcast_in_dim3A_17 : f32 to vector<16xf32>
    %dma_start3A = arith.constant 0 : i32
    %dma_start3A_19 = arith.constant 0 : i32
    %dma_start3A_20 = tpu.memref_slice %arg5[%dma_start3A, %dma_start3A_19] : memref<4x20000xf32, #tpu.memory_space<hbm>> -> memref<1x20000xf32, #tpu.memory_space<hbm>>
    %dma_start3A_21 = tpu.memref_squeeze %dma_start3A_20 : memref<1x20000xf32, #tpu.memory_space<hbm>> -> memref<20000xf32, #tpu.memory_space<hbm>>
    %dma_start3A_22 = arith.constant 0 : i32
    %dma_start3A_23 = tpu.memref_slice %arg5[%dma_start3A, %dma_start3A_22] : memref<4x20000xf32, #tpu.memory_space<hbm>> -> memref<1x20000xf32, #tpu.memory_space<hbm>>
    %dma_start3A_24 = tpu.memref_squeeze %dma_start3A_23 : memref<1x20000xf32, #tpu.memory_space<hbm>> -> memref<20000xf32, #tpu.memory_space<hbm>>
    tpu.enqueue_dma source(%dma_start3A_24 : memref<20000xf32, #tpu.memory_space<hbm>>) target(%arg13 : memref<20000xf32, #tpu.memory_space<vmem>>) target_semaphore(%arg30 : memref<!tpu.dma_semaphore, #tpu.memory_space<semaphore_mem>>)
    %dma_start3A_25 = arith.constant 1 : i32
    %dma_start3A_26 = arith.constant 0 : i32
    %dma_start3A_27 = tpu.memref_slice %arg5[%dma_start3A_25, %dma_start3A_26] : memref<4x20000xf32, #tpu.memory_space<hbm>> -> memref<1x20000xf32, #tpu.memory_space<hbm>>
    %dma_start3A_28 = tpu.memref_squeeze %dma_start3A_27 : memref<1x20000xf32, #tpu.memory_space<hbm>> -> memref<20000xf32, #tpu.memory_space<hbm>>
    %dma_start3A_29 = arith.constant 0 : i32
    %dma_start3A_30 = tpu.memref_slice %arg5[%dma_start3A_25, %dma_start3A_29] : memref<4x20000xf32, #tpu.memory_space<hbm>> -> memref<1x20000xf32, #tpu.memory_space<hbm>>
    %dma_start3A_31 = tpu.memref_squeeze %dma_start3A_30 : memref<1x20000xf32, #tpu.memory_space<hbm>> -> memref<20000xf32, #tpu.memory_space<hbm>>
    tpu.enqueue_dma source(%dma_start3A_31 : memref<20000xf32, #tpu.memory_space<hbm>>) target(%arg14 : memref<20000xf32, #tpu.memory_space<vmem>>) target_semaphore(%arg30 : memref<!tpu.dma_semaphore, #tpu.memory_space<semaphore_mem>>)
    %dma_start3A_32 = arith.constant 2 : i32
    %dma_start3A_33 = arith.constant 0 : i32
    %dma_start3A_34 = tpu.memref_slice %arg5[%dma_start3A_32, %dma_start3A_33] : memref<4x20000xf32, #tpu.memory_space<hbm>> -> memref<1x20000xf32, #tpu.memory_space<hbm>>
    %dma_start3A_35 = tpu.memref_squeeze %dma_start3A_34 : memref<1x20000xf32, #tpu.memory_space<hbm>> -> memref<20000xf32, #tpu.memory_space<hbm>>
    %dma_start3A_36 = arith.constant 0 : i32
    %dma_start3A_37 = tpu.memref_slice %arg5[%dma_start3A_32, %dma_start3A_36] : memref<4x20000xf32, #tpu.memory_space<hbm>> -> memref<1x20000xf32, #tpu.memory_space<hbm>>
    %dma_start3A_38 = tpu.memref_squeeze %dma_start3A_37 : memref<1x20000xf32, #tpu.memory_space<hbm>> -> memref<20000xf32, #tpu.memory_space<hbm>>
    tpu.enqueue_dma source(%dma_start3A_38 : memref<20000xf32, #tpu.memory_space<hbm>>) target(%arg15 : memref<20000xf32, #tpu.memory_space<vmem>>) target_semaphore(%arg30 : memref<!tpu.dma_semaphore, #tpu.memory_space<semaphore_mem>>)
    %dma_start3A_39 = arith.constant 3 : i32
    %dma_start3A_40 = arith.constant 0 : i32
    %dma_start3A_41 = tpu.memref_slice %arg5[%dma_start3A_39, %dma_start3A_40] : memref<4x20000xf32, #tpu.memory_space<hbm>> -> memref<1x20000xf32, #tpu.memory_space<hbm>>
    %dma_start3A_42 = tpu.memref_squeeze %dma_start3A_41 : memref<1x20000xf32, #tpu.memory_space<hbm>> -> memref<20000xf32, #tpu.memory_space<hbm>>
    %dma_start3A_43 = arith.constant 0 : i32
    %dma_start3A_44 = tpu.memref_slice %arg5[%dma_start3A_39, %dma_start3A_43] : memref<4x20000xf32, #tpu.memory_space<hbm>> -> memref<1x20000xf32, #tpu.memory_space<hbm>>
    %dma_start3A_45 = tpu.memref_squeeze %dma_start3A_44 : memref<1x20000xf32, #tpu.memory_space<hbm>> -> memref<20000xf32, #tpu.memory_space<hbm>>
    tpu.enqueue_dma source(%dma_start3A_45 : memref<20000xf32, #tpu.memory_space<hbm>>) target(%arg16 : memref<20000xf32, #tpu.memory_space<vmem>>) target_semaphore(%arg30 : memref<!tpu.dma_semaphore, #tpu.memory_space<semaphore_mem>>)
    %dma_start3A_46 = arith.constant 0 : i32
    %dma_start3A_47 = tpu.memref_slice %arg2[%add3A, %dma_start3A_46] : memref<80x20000xf32, #tpu.memory_space<hbm>> -> memref<1x20000xf32, #tpu.memory_space<hbm>>
    %dma_start3A_48 = tpu.memref_squeeze %dma_start3A_47 : memref<1x20000xf32, #tpu.memory_space<hbm>> -> memref<20000xf32, #tpu.memory_space<hbm>>
    %dma_start3A_49 = arith.constant 0 : i32
    %dma_start3A_50 = tpu.memref_slice %arg2[%add3A, %dma_start3A_49] : memref<80x20000xf32, #tpu.memory_space<hbm>> -> memref<1x20000xf32, #tpu.memory_space<hbm>>
    %dma_start3A_51 = tpu.memref_squeeze %dma_start3A_50 : memref<1x20000xf32, #tpu.memory_space<hbm>> -> memref<20000xf32, #tpu.memory_space<hbm>>
    tpu.enqueue_dma source(%dma_start3A_51 : memref<20000xf32, #tpu.memory_space<hbm>>) target(%arg7 : memref<20000xf32, #tpu.memory_space<vmem>>) target_semaphore(%arg31 : memref<!tpu.dma_semaphore, #tpu.memory_space<semaphore_mem>>)
    %dma_start3A_52 = arith.constant 0 : i32
    %dma_start3A_53 = tpu.memref_slice %arg3[%add3A, %dma_start3A_52] : memref<80x160xf32, #tpu.memory_space<hbm>> -> memref<1x160xf32, #tpu.memory_space<hbm>>
    %dma_start3A_54 = tpu.memref_squeeze %dma_start3A_53 : memref<1x160xf32, #tpu.memory_space<hbm>> -> memref<160xf32, #tpu.memory_space<hbm>>
    %dma_start3A_55 = arith.constant 0 : i32
    %dma_start3A_56 = tpu.memref_slice %arg3[%add3A, %dma_start3A_55] : memref<80x160xf32, #tpu.memory_space<hbm>> -> memref<1x160xf32, #tpu.memory_space<hbm>>
    %dma_start3A_57 = tpu.memref_squeeze %dma_start3A_56 : memref<1x160xf32, #tpu.memory_space<hbm>> -> memref<160xf32, #tpu.memory_space<hbm>>
    tpu.enqueue_dma source(%dma_start3A_57 : memref<160xf32, #tpu.memory_space<hbm>>) target(%arg9 : memref<160xf32, #tpu.memory_space<vmem>>) target_semaphore(%arg31 : memref<!tpu.dma_semaphore, #tpu.memory_space<semaphore_mem>>)
    %dma_start3A_58 = arith.constant 0 : i32
    %dma_start3A_59 = tpu.memref_slice %arg4[%add3A, %dma_start3A_58] : memref<80x16xf32, #tpu.memory_space<hbm>> -> memref<1x16xf32, #tpu.memory_space<hbm>>
    %dma_start3A_60 = tpu.memref_squeeze %dma_start3A_59 : memref<1x16xf32, #tpu.memory_space<hbm>> -> memref<16xf32, #tpu.memory_space<hbm>>
    %dma_start3A_61 = arith.constant 0 : i32
    %dma_start3A_62 = tpu.memref_slice %arg4[%add3A, %dma_start3A_61] : memref<80x16xf32, #tpu.memory_space<hbm>> -> memref<1x16xf32, #tpu.memory_space<hbm>>
    %dma_start3A_63 = tpu.memref_squeeze %dma_start3A_62 : memref<1x16xf32, #tpu.memory_space<hbm>> -> memref<16xf32, #tpu.memory_space<hbm>>
    tpu.enqueue_dma source(%dma_start3A_63 : memref<16xf32, #tpu.memory_space<hbm>>) target(%arg11 : memref<16xf32, #tpu.memory_space<vmem>>) target_semaphore(%arg31 : memref<!tpu.dma_semaphore, #tpu.memory_space<semaphore_mem>>)
    %add3A_64 = arith.constant 32 : i32
    %add3A_65 = arith.addi %add3A, %add3A_64 : i32
    %dma_start3A_66 = arith.constant 0 : i32
    %dma_start3A_67 = tpu.memref_slice %arg2[%add3A_65, %dma_start3A_66] : memref<80x20000xf32, #tpu.memory_space<hbm>> -> memref<1x20000xf32, #tpu.memory_space<hbm>>
    %dma_start3A_68 = tpu.memref_squeeze %dma_start3A_67 : memref<1x20000xf32, #tpu.memory_space<hbm>> -> memref<20000xf32, #tpu.memory_space<hbm>>
    %dma_start3A_69 = arith.constant 0 : i32
    %dma_start3A_70 = tpu.memref_slice %arg2[%add3A_65, %dma_start3A_69] : memref<80x20000xf32, #tpu.memory_space<hbm>> -> memref<1x20000xf32, #tpu.memory_space<hbm>>
    %dma_start3A_71 = tpu.memref_squeeze %dma_start3A_70 : memref<1x20000xf32, #tpu.memory_space<hbm>> -> memref<20000xf32, #tpu.memory_space<hbm>>
    tpu.enqueue_dma source(%dma_start3A_71 : memref<20000xf32, #tpu.memory_space<hbm>>) target(%arg8 : memref<20000xf32, #tpu.memory_space<vmem>>) target_semaphore(%arg32 : memref<!tpu.dma_semaphore, #tpu.memory_space<semaphore_mem>>)
    %dma_start3A_72 = arith.constant 0 : i32
    %dma_start3A_73 = tpu.memref_slice %arg3[%add3A_65, %dma_start3A_72] : memref<80x160xf32, #tpu.memory_space<hbm>> -> memref<1x160xf32, #tpu.memory_space<hbm>>
    %dma_start3A_74 = tpu.memref_squeeze %dma_start3A_73 : memref<1x160xf32, #tpu.memory_space<hbm>> -> memref<160xf32, #tpu.memory_space<hbm>>
    %dma_start3A_75 = arith.constant 0 : i32
    %dma_start3A_76 = tpu.memref_slice %arg3[%add3A_65, %dma_start3A_75] : memref<80x160xf32, #tpu.memory_space<hbm>> -> memref<1x160xf32, #tpu.memory_space<hbm>>
    %dma_start3A_77 = tpu.memref_squeeze %dma_start3A_76 : memref<1x160xf32, #tpu.memory_space<hbm>> -> memref<160xf32, #tpu.memory_space<hbm>>
    tpu.enqueue_dma source(%dma_start3A_77 : memref<160xf32, #tpu.memory_space<hbm>>) target(%arg10 : memref<160xf32, #tpu.memory_space<vmem>>) target_semaphore(%arg32 : memref<!tpu.dma_semaphore, #tpu.memory_space<semaphore_mem>>)
    %dma_start3A_78 = arith.constant 0 : i32
    %dma_start3A_79 = tpu.memref_slice %arg4[%add3A_65, %dma_start3A_78] : memref<80x16xf32, #tpu.memory_space<hbm>> -> memref<1x16xf32, #tpu.memory_space<hbm>>
    %dma_start3A_80 = tpu.memref_squeeze %dma_start3A_79 : memref<1x16xf32, #tpu.memory_space<hbm>> -> memref<16xf32, #tpu.memory_space<hbm>>
    %dma_start3A_81 = arith.constant 0 : i32
    %dma_start3A_82 = tpu.memref_slice %arg4[%add3A_65, %dma_start3A_81] : memref<80x16xf32, #tpu.memory_space<hbm>> -> memref<1x16xf32, #tpu.memory_space<hbm>>
    %dma_start3A_83 = tpu.memref_squeeze %dma_start3A_82 : memref<1x16xf32, #tpu.memory_space<hbm>> -> memref<16xf32, #tpu.memory_space<hbm>>
    tpu.enqueue_dma source(%dma_start3A_83 : memref<16xf32, #tpu.memory_space<hbm>>) target(%arg12 : memref<16xf32, #tpu.memory_space<vmem>>) target_semaphore(%arg32 : memref<!tpu.dma_semaphore, #tpu.memory_space<semaphore_mem>>)
    %dma_wait3A = arith.constant 0 : i32
    %dma_wait3A_84 = arith.constant 0 : i32
    %dma_wait3A_85 = tpu.memref_slice %arg5[%dma_wait3A, %dma_wait3A_84] : memref<4x20000xf32, #tpu.memory_space<hbm>> -> memref<1x20000xf32, #tpu.memory_space<hbm>>
    %dma_wait3A_86 = tpu.memref_squeeze %dma_wait3A_85 : memref<1x20000xf32, #tpu.memory_space<hbm>> -> memref<20000xf32, #tpu.memory_space<hbm>>
    %dma_wait3A_87 = arith.constant 0 : i32
    %dma_wait3A_88 = tpu.memref_slice %arg5[%dma_wait3A, %dma_wait3A_87] : memref<4x20000xf32, #tpu.memory_space<hbm>> -> memref<1x20000xf32, #tpu.memory_space<hbm>>
    %dma_wait3A_89 = tpu.memref_squeeze %dma_wait3A_88 : memref<1x20000xf32, #tpu.memory_space<hbm>> -> memref<20000xf32, #tpu.memory_space<hbm>>
    tpu.wait_dma2 semaphore(%arg30 : memref<!tpu.dma_semaphore, #tpu.memory_space<semaphore_mem>>) src(%dma_wait3A_89 : memref<20000xf32, #tpu.memory_space<hbm>>) dst(%arg13 : memref<20000xf32, #tpu.memory_space<vmem>>)
    %dma_wait3A_90 = arith.constant 1 : i32
    %dma_wait3A_91 = arith.constant 0 : i32
    %dma_wait3A_92 = tpu.memref_slice %arg5[%dma_wait3A_90, %dma_wait3A_91] : memref<4x20000xf32, #tpu.memory_space<hbm>> -> memref<1x20000xf32, #tpu.memory_space<hbm>>
    %dma_wait3A_93 = tpu.memref_squeeze %dma_wait3A_92 : memref<1x20000xf32, #tpu.memory_space<hbm>> -> memref<20000xf32, #tpu.memory_space<hbm>>
    %dma_wait3A_94 = arith.constant 0 : i32
    %dma_wait3A_95 = tpu.memref_slice %arg5[%dma_wait3A_90, %dma_wait3A_94] : memref<4x20000xf32, #tpu.memory_space<hbm>> -> memref<1x20000xf32, #tpu.memory_space<hbm>>
    %dma_wait3A_96 = tpu.memref_squeeze %dma_wait3A_95 : memref<1x20000xf32, #tpu.memory_space<hbm>> -> memref<20000xf32, #tpu.memory_space<hbm>>
    tpu.wait_dma2 semaphore(%arg30 : memref<!tpu.dma_semaphore, #tpu.memory_space<semaphore_mem>>) src(%dma_wait3A_96 : memref<20000xf32, #tpu.memory_space<hbm>>) dst(%arg14 : memref<20000xf32, #tpu.memory_space<vmem>>)
    %dma_wait3A_97 = arith.constant 2 : i32
    %dma_wait3A_98 = arith.constant 0 : i32
    %dma_wait3A_99 = tpu.memref_slice %arg5[%dma_wait3A_97, %dma_wait3A_98] : memref<4x20000xf32, #tpu.memory_space<hbm>> -> memref<1x20000xf32, #tpu.memory_space<hbm>>
    %dma_wait3A_100 = tpu.memref_squeeze %dma_wait3A_99 : memref<1x20000xf32, #tpu.memory_space<hbm>> -> memref<20000xf32, #tpu.memory_space<hbm>>
    %dma_wait3A_101 = arith.constant 0 : i32
    %dma_wait3A_102 = tpu.memref_slice %arg5[%dma_wait3A_97, %dma_wait3A_101] : memref<4x20000xf32, #tpu.memory_space<hbm>> -> memref<1x20000xf32, #tpu.memory_space<hbm>>
    %dma_wait3A_103 = tpu.memref_squeeze %dma_wait3A_102 : memref<1x20000xf32, #tpu.memory_space<hbm>> -> memref<20000xf32, #tpu.memory_space<hbm>>
    tpu.wait_dma2 semaphore(%arg30 : memref<!tpu.dma_semaphore, #tpu.memory_space<semaphore_mem>>) src(%dma_wait3A_103 : memref<20000xf32, #tpu.memory_space<hbm>>) dst(%arg15 : memref<20000xf32, #tpu.memory_space<vmem>>)
    %dma_wait3A_104 = arith.constant 3 : i32
    %dma_wait3A_105 = arith.constant 0 : i32
    %dma_wait3A_106 = tpu.memref_slice %arg5[%dma_wait3A_104, %dma_wait3A_105] : memref<4x20000xf32, #tpu.memory_space<hbm>> -> memref<1x20000xf32, #tpu.memory_space<hbm>>
    %dma_wait3A_107 = tpu.memref_squeeze %dma_wait3A_106 : memref<1x20000xf32, #tpu.memory_space<hbm>> -> memref<20000xf32, #tpu.memory_space<hbm>>
    %dma_wait3A_108 = arith.constant 0 : i32
    %dma_wait3A_109 = tpu.memref_slice %arg5[%dma_wait3A_104, %dma_wait3A_108] : memref<4x20000xf32, #tpu.memory_space<hbm>> -> memref<1x20000xf32, #tpu.memory_space<hbm>>
    %dma_wait3A_110 = tpu.memref_squeeze %dma_wait3A_109 : memref<1x20000xf32, #tpu.memory_space<hbm>> -> memref<20000xf32, #tpu.memory_space<hbm>>
    tpu.wait_dma2 semaphore(%arg30 : memref<!tpu.dma_semaphore, #tpu.memory_space<semaphore_mem>>) src(%dma_wait3A_110 : memref<20000xf32, #tpu.memory_space<hbm>>) dst(%arg16 : memref<20000xf32, #tpu.memory_space<vmem>>)
    %dma_wait3A_111 = arith.constant 0 : i32
    %dma_wait3A_112 = tpu.memref_slice %arg2[%add3A, %dma_wait3A_111] : memref<80x20000xf32, #tpu.memory_space<hbm>> -> memref<1x20000xf32, #tpu.memory_space<hbm>>
    %dma_wait3A_113 = tpu.memref_squeeze %dma_wait3A_112 : memref<1x20000xf32, #tpu.memory_space<hbm>> -> memref<20000xf32, #tpu.memory_space<hbm>>
    %dma_wait3A_114 = arith.constant 0 : i32
    %dma_wait3A_115 = tpu.memref_slice %arg2[%add3A, %dma_wait3A_114] : memref<80x20000xf32, #tpu.memory_space<hbm>> -> memref<1x20000xf32, #tpu.memory_space<hbm>>
    %dma_wait3A_116 = tpu.memref_squeeze %dma_wait3A_115 : memref<1x20000xf32, #tpu.memory_space<hbm>> -> memref<20000xf32, #tpu.memory_space<hbm>>
    tpu.wait_dma2 semaphore(%arg31 : memref<!tpu.dma_semaphore, #tpu.memory_space<semaphore_mem>>) src(%dma_wait3A_116 : memref<20000xf32, #tpu.memory_space<hbm>>) dst(%arg7 : memref<20000xf32, #tpu.memory_space<vmem>>)
    %dma_wait3A_117 = arith.constant 0 : i32
    %dma_wait3A_118 = tpu.memref_slice %arg3[%add3A, %dma_wait3A_117] : memref<80x160xf32, #tpu.memory_space<hbm>> -> memref<1x160xf32, #tpu.memory_space<hbm>>
    %dma_wait3A_119 = tpu.memref_squeeze %dma_wait3A_118 : memref<1x160xf32, #tpu.memory_space<hbm>> -> memref<160xf32, #tpu.memory_space<hbm>>
    %dma_wait3A_120 = arith.constant 0 : i32
    %dma_wait3A_121 = tpu.memref_slice %arg3[%add3A, %dma_wait3A_120] : memref<80x160xf32, #tpu.memory_space<hbm>> -> memref<1x160xf32, #tpu.memory_space<hbm>>
    %dma_wait3A_122 = tpu.memref_squeeze %dma_wait3A_121 : memref<1x160xf32, #tpu.memory_space<hbm>> -> memref<160xf32, #tpu.memory_space<hbm>>
    tpu.wait_dma2 semaphore(%arg31 : memref<!tpu.dma_semaphore, #tpu.memory_space<semaphore_mem>>) src(%dma_wait3A_122 : memref<160xf32, #tpu.memory_space<hbm>>) dst(%arg9 : memref<160xf32, #tpu.memory_space<vmem>>)
    %dma_wait3A_123 = arith.constant 0 : i32
    %dma_wait3A_124 = tpu.memref_slice %arg4[%add3A, %dma_wait3A_123] : memref<80x16xf32, #tpu.memory_space<hbm>> -> memref<1x16xf32, #tpu.memory_space<hbm>>
    %dma_wait3A_125 = tpu.memref_squeeze %dma_wait3A_124 : memref<1x16xf32, #tpu.memory_space<hbm>> -> memref<16xf32, #tpu.memory_space<hbm>>
    %dma_wait3A_126 = arith.constant 0 : i32
    %dma_wait3A_127 = tpu.memref_slice %arg4[%add3A, %dma_wait3A_126] : memref<80x16xf32, #tpu.memory_space<hbm>> -> memref<1x16xf32, #tpu.memory_space<hbm>>
    %dma_wait3A_128 = tpu.memref_squeeze %dma_wait3A_127 : memref<1x16xf32, #tpu.memory_space<hbm>> -> memref<16xf32, #tpu.memory_space<hbm>>
    tpu.wait_dma2 semaphore(%arg31 : memref<!tpu.dma_semaphore, #tpu.memory_space<semaphore_mem>>) src(%dma_wait3A_128 : memref<16xf32, #tpu.memory_space<hbm>>) dst(%arg11 : memref<16xf32, #tpu.memory_space<vmem>>)
    %swap3A = arith.constant 0 : index
    %swap3A_129 = tpu.vector_load %arg17[%swap3A] {strides = array<i32>} : memref<64xf32, #tpu.memory_space<vmem>>, vector<16xf32>,
    tpu.vector_store %arg17[%swap3A], %broadcast_in_dim3A_12 {strides = array<i32>} : memref<64xf32, #tpu.memory_space<vmem>>, vector<16xf32>,
    %swap3A_130 = arith.constant 16 : index
    %swap3A_131 = tpu.vector_load %arg17[%swap3A_130] {strides = array<i32>} : memref<64xf32, #tpu.memory_space<vmem>>, vector<16xf32>,
    tpu.vector_store %arg17[%swap3A_130], %broadcast_in_dim3A_12 {strides = array<i32>} : memref<64xf32, #tpu.memory_space<vmem>>, vector<16xf32>,
    %swap3A_132 = arith.constant 32 : index
    %swap3A_133 = tpu.vector_load %arg17[%swap3A_132] {strides = array<i32>} : memref<64xf32, #tpu.memory_space<vmem>>, vector<16xf32>,
    tpu.vector_store %arg17[%swap3A_132], %broadcast_in_dim3A_12 {strides = array<i32>} : memref<64xf32, #tpu.memory_space<vmem>>, vector<16xf32>,
    %swap3A_134 = arith.constant 48 : index
    %swap3A_135 = tpu.vector_load %arg17[%swap3A_134] {strides = array<i32>} : memref<64xf32, #tpu.memory_space<vmem>>, vector<16xf32>,
    tpu.vector_store %arg17[%swap3A_134], %broadcast_in_dim3A_12 {strides = array<i32>} : memref<64xf32, #tpu.memory_space<vmem>>, vector<16xf32>,
    %swap3A_136 = arith.constant 0 : index
    %swap3A_137 = tpu.vector_load %arg18[%swap3A_136] {strides = array<i32>} : memref<64xf32, #tpu.memory_space<vmem>>, vector<16xf32>,
    tpu.vector_store %arg18[%swap3A_136], %broadcast_in_dim3A_12 {strides = array<i32>} : memref<64xf32, #tpu.memory_space<vmem>>, vector<16xf32>,
    %swap3A_138 = arith.constant 16 : index
    %swap3A_139 = tpu.vector_load %arg18[%swap3A_138] {strides = array<i32>} : memref<64xf32, #tpu.memory_space<vmem>>, vector<16xf32>,
    tpu.vector_store %arg18[%swap3A_138], %broadcast_in_dim3A_12 {strides = array<i32>} : memref<64xf32, #tpu.memory_space<vmem>>, vector<16xf32>,
    %swap3A_140 = arith.constant 32 : index
    %swap3A_141 = tpu.vector_load %arg18[%swap3A_140] {strides = array<i32>} : memref<64xf32, #tpu.memory_space<vmem>>, vector<16xf32>,
    tpu.vector_store %arg18[%swap3A_140], %broadcast_in_dim3A_12 {strides = array<i32>} : memref<64xf32, #tpu.memory_space<vmem>>, vector<16xf32>,
    %swap3A_142 = arith.constant 48 : index
    %swap3A_143 = tpu.vector_load %arg18[%swap3A_142] {strides = array<i32>} : memref<64xf32, #tpu.memory_space<vmem>>, vector<16xf32>,
    tpu.vector_store %arg18[%swap3A_142], %broadcast_in_dim3A_12 {strides = array<i32>} : memref<64xf32, #tpu.memory_space<vmem>>, vector<16xf32>,
    %swap3A_144 = arith.constant 0 : index
    %swap3A_145 = tpu.vector_load %arg19[%swap3A_144] {strides = array<i32>} : memref<64xf32, #tpu.memory_space<vmem>>, vector<16xf32>,
    tpu.vector_store %arg19[%swap3A_144], %broadcast_in_dim3A_12 {strides = array<i32>} : memref<64xf32, #tpu.memory_space<vmem>>, vector<16xf32>,
    %swap3A_146 = arith.constant 16 : index
    %swap3A_147 = tpu.vector_load %arg19[%swap3A_146] {strides = array<i32>} : memref<64xf32, #tpu.memory_space<vmem>>, vector<16xf32>,
    tpu.vector_store %arg19[%swap3A_146], %broadcast_in_dim3A_12 {strides = array<i32>} : memref<64xf32, #tpu.memory_space<vmem>>, vector<16xf32>,
    %swap3A_148 = arith.constant 32 : index
    %swap3A_149 = tpu.vector_load %arg19[%swap3A_148] {strides = array<i32>} : memref<64xf32, #tpu.memory_space<vmem>>, vector<16xf32>,
    tpu.vector_store %arg19[%swap3A_148], %broadcast_in_dim3A_12 {strides = array<i32>} : memref<64xf32, #tpu.memory_space<vmem>>, vector<16xf32>,
    %swap3A_150 = arith.constant 48 : index
    %swap3A_151 = tpu.vector_load %arg19[%swap3A_150] {strides = array<i32>} : memref<64xf32, #tpu.memory_space<vmem>>, vector<16xf32>,
    tpu.vector_store %arg19[%swap3A_150], %broadcast_in_dim3A_12 {strides = array<i32>} : memref<64xf32, #tpu.memory_space<vmem>>, vector<16xf32>,
    %swap3A_152 = arith.constant 0 : index
    %swap3A_153 = tpu.vector_load %arg20[%swap3A_152] {strides = array<i32>} : memref<64xf32, #tpu.memory_space<vmem>>, vector<16xf32>,
    tpu.vector_store %arg20[%swap3A_152], %broadcast_in_dim3A_12 {strides = array<i32>} : memref<64xf32, #tpu.memory_space<vmem>>, vector<16xf32>,
    %swap3A_154 = arith.constant 16 : index
    %swap3A_155 = tpu.vector_load %arg20[%swap3A_154] {strides = array<i32>} : memref<64xf32, #tpu.memory_space<vmem>>, vector<16xf32>,
    tpu.vector_store %arg20[%swap3A_154], %broadcast_in_dim3A_12 {strides = array<i32>} : memref<64xf32, #tpu.memory_space<vmem>>, vector<16xf32>,
    %swap3A_156 = arith.constant 32 : index
    %swap3A_157 = tpu.vector_load %arg20[%swap3A_156] {strides = array<i32>} : memref<64xf32, #tpu.memory_space<vmem>>, vector<16xf32>,
    tpu.vector_store %arg20[%swap3A_156], %broadcast_in_dim3A_12 {strides = array<i32>} : memref<64xf32, #tpu.memory_space<vmem>>, vector<16xf32>,
    %swap3A_158 = arith.constant 48 : index
    %swap3A_159 = tpu.vector_load %arg20[%swap3A_158] {strides = array<i32>} : memref<64xf32, #tpu.memory_space<vmem>>, vector<16xf32>,
    tpu.vector_store %arg20[%swap3A_158], %broadcast_in_dim3A_12 {strides = array<i32>} : memref<64xf32, #tpu.memory_space<vmem>>, vector<16xf32>,
    %swap3A_160 = arith.constant 0 : index
    %swap3A_161 = tpu.vector_load %arg21[%swap3A_160] {strides = array<i32>} : memref<64xf32, #tpu.memory_space<vmem>>, vector<16xf32>,
    tpu.vector_store %arg21[%swap3A_160], %broadcast_in_dim3A_12 {strides = array<i32>} : memref<64xf32, #tpu.memory_space<vmem>>, vector<16xf32>,
    %swap3A_162 = arith.constant 16 : index
    %swap3A_163 = tpu.vector_load %arg21[%swap3A_162] {strides = array<i32>} : memref<64xf32, #tpu.memory_space<vmem>>, vector<16xf32>,
    tpu.vector_store %arg21[%swap3A_162], %broadcast_in_dim3A_12 {strides = array<i32>} : memref<64xf32, #tpu.memory_space<vmem>>, vector<16xf32>,
    %swap3A_164 = arith.constant 32 : index
    %swap3A_165 = tpu.vector_load %arg21[%swap3A_164] {strides = array<i32>} : memref<64xf32, #tpu.memory_space<vmem>>, vector<16xf32>,
    tpu.vector_store %arg21[%swap3A_164], %broadcast_in_dim3A_12 {strides = array<i32>} : memref<64xf32, #tpu.memory_space<vmem>>, vector<16xf32>,
    %swap3A_166 = arith.constant 48 : index
    %swap3A_167 = tpu.vector_load %arg21[%swap3A_166] {strides = array<i32>} : memref<64xf32, #tpu.memory_space<vmem>>, vector<16xf32>,
    tpu.vector_store %arg21[%swap3A_166], %broadcast_in_dim3A_12 {strides = array<i32>} : memref<64xf32, #tpu.memory_space<vmem>>, vector<16xf32>,
    %get3A = arith.constant 0 : index
    %get3A_168 = tpu.vector_load %arg11[%get3A] {strides = array<i32>} : memref<16xf32, #tpu.memory_space<vmem>>, vector<16xf32>,
    %lt3A = arith.constant 0 : i32
    %lt3A_169 = vector.broadcast %lt3A : i32 to vector<16xi32>
    %lt3A_170 = arith.cmpi slt, %xor3A_2, %lt3A_169 : vector<16xi32>
    %add3A_171 = arith.constant 16 : i32
    %add3A_172 = vector.broadcast %add3A_171 : i32 to vector<16xi32>
    %add3A_173 = arith.addi %xor3A_2, %add3A_172 : vector<16xi32>
    %select_n3A = arith.select %lt3A_170, %add3A_173, %xor3A_2 : vector<16xi1>, vector<16xi32>
    %broadcast_in_dim3A_174 = vector.shape_cast %select_n3A : vector<16xi32> to vector<16x1xi32>
    %gather3A = vector.shape_cast %broadcast_in_dim3A_174 : vector<16x1xi32> to vector<16xi32>
    %gather3A_175 = tpu.dynamic_gather %get3A_168[%gather3A] in [0] : vector<16xf32>, vector<16xi32> -> vector<16xf32>
    %max3A = arith.maximumf %get3A_168, %gather3A_175 : vector<16xf32>
    %lt3A_176 = arith.constant 0 : i32
    %lt3A_177 = vector.broadcast %lt3A_176 : i32 to vector<16xi32>
    %lt3A_178 = arith.cmpi slt, %xor3A_5, %lt3A_177 : vector<16xi32>
    %add3A_179 = arith.constant 16 : i32
    %add3A_180 = vector.broadcast %add3A_179 : i32 to vector<16xi32>
    %add3A_181 = arith.addi %xor3A_5, %add3A_180 : vector<16xi32>
    %select_n3A_182 = arith.select %lt3A_178, %add3A_181, %xor3A_5 : vector<16xi1>, vector<16xi32>
    %broadcast_in_dim3A_183 = vector.shape_cast %select_n3A_182 : vector<16xi32> to vector<16x1xi32>
    %gather3A_184 = vector.shape_cast %broadcast_in_dim3A_183 : vector<16x1xi32> to vector<16xi32>
    %gather3A_185 = tpu.dynamic_gather %max3A[%gather3A_184] in [0] : vector<16xf32>, vector<16xi32> -> vector<16xf32>
    %max3A_186 = arith.maximumf %max3A, %gather3A_185 : vector<16xf32>
    %lt3A_187 = arith.constant 0 : i32
    %lt3A_188 = vector.broadcast %lt3A_187 : i32 to vector<16xi32>
    %lt3A_189 = arith.cmpi slt, %xor3A_8, %lt3A_188 : vector<16xi32>
    %add3A_190 = arith.constant 16 : i32
    %add3A_191 = vector.broadcast %add3A_190 : i32 to vector<16xi32>
    %add3A_192 = arith.addi %xor3A_8, %add3A_191 : vector<16xi32>
    %select_n3A_193 = arith.select %lt3A_189, %add3A_192, %xor3A_8 : vector<16xi1>, vector<16xi32>
    %broadcast_in_dim3A_194 = vector.shape_cast %select_n3A_193 : vector<16xi32> to vector<16x1xi32>
    %gather3A_195 = vector.shape_cast %broadcast_in_dim3A_194 : vector<16x1xi32> to vector<16xi32>
    %gather3A_196 = tpu.dynamic_gather %max3A_186[%gather3A_195] in [0] : vector<16xf32>, vector<16xi32> -> vector<16xf32>
    %max3A_197 = arith.maximumf %max3A_186, %gather3A_196 : vector<16xf32>
    %lt3A_198 = arith.constant 0 : i32
    %lt3A_199 = vector.broadcast %lt3A_198 : i32 to vector<16xi32>
    %lt3A_200 = arith.cmpi slt, %xor3A_11, %lt3A_199 : vector<16xi32>
    %add3A_201 = arith.constant 16 : i32
    %add3A_202 = vector.broadcast %add3A_201 : i32 to vector<16xi32>
    %add3A_203 = arith.addi %xor3A_11, %add3A_202 : vector<16xi32>
    %select_n3A_204 = arith.select %lt3A_200, %add3A_203, %xor3A_11 : vector<16xi1>, vector<16xi32>
    %broadcast_in_dim3A_205 = vector.shape_cast %select_n3A_204 : vector<16xi32> to vector<16x1xi32>
    %gather3A_206 = vector.shape_cast %broadcast_in_dim3A_205 : vector<16x1xi32> to vector<16xi32>
    %gather3A_207 = tpu.dynamic_gather %max3A_197[%gather3A_206] in [0] : vector<16xf32>, vector<16xi32> -> vector<16xf32>
    %max3A_208 = arith.maximumf %max3A_197, %gather3A_207 : vector<16xf32>
    %while3A = arith.constant 0 : i32
    %while3A_209:2 = scf.while (%while3A_546 = %while3A, %while3A_547 = %max3A_208) : (i32, vector<16xf32>) -> (i32, vector<16xf32>) {
      %lt3A_548 = arith.constant 64 : i32
      %lt3A_549 = arith.cmpi slt, %while3A_546, %lt3A_548 : i32
      %gt3A = arith.cmpf ogt, %while3A_547, %broadcast_in_dim3A_16 : vector<16xf32>
      %reduce_or3A = arith.constant 1.000000e+00 : f32
      %reduce_or3A_550 = arith.constant 0.000000e+00 : f32
      %reduce_or3A_551 = vector.broadcast %reduce_or3A : f32 to vector<16xf32>
      %reduce_or3A_552 = vector.broadcast %reduce_or3A_550 : f32 to vector<16xf32>
      %reduce_or3A_553 = arith.select %gt3A, %reduce_or3A_551, %reduce_or3A_552 : vector<16xi1>, vector<16xf32>
      %reduce_or3A_554 = arith.constant true
      %reduce_or3A_555 = vector.broadcast %reduce_or3A_554 : i1 to vector<16xi1>
      %reduce_or3A_556 = tpu.scan <max>, %reduce_or3A_553 masked %reduce_or3A_555 : vector<16xf32>, vector<16xi1> -> vector<16xf32>
      %reduce_or3A_557 = vector.extract %reduce_or3A_556[15] : f32 from vector<16xf32>
      %reduce_or3A_558 = arith.constant 0.000000e+00 : f32
      %reduce_or3A_559 = arith.cmpf ogt, %reduce_or3A_557, %reduce_or3A_558 : f32
      %and3A = arith.andi %lt3A_549, %reduce_or3A_559 : i1
      scf.condition(%and3A) %while3A_546, %while3A_547 : i32, vector<16xf32>
    } do {
    ^bb0(%while3A_546: i32, %while3A_547: vector<16xf32>):
      %get3A_548 = arith.constant 0 : index
      %get3A_549 = tpu.vector_load %arg11[%get3A_548] {strides = array<i32>} : memref<16xf32, #tpu.memory_space<vmem>>, vector<16xf32>,
      %eq3A = arith.cmpf oeq, %get3A_549, %while3A_547 : vector<16xf32>
      %all_reduce_ffs3A = tpu.all_reduce %eq3A {dim = 0 : i64, kind = #tpu.reduction_kind<find_first_set>} : vector<16xi1> -> vector<16xi32>
      %slice3A = vector.extract_strided_slice %all_reduce_ffs3A {offsets = [0], sizes = [1], strides = [1]} : vector<16xi32> to vector<1xi32>
      %squeeze3A = vector.extract %slice3A[0] : i32 from vector<1xi32>
      %mul3A_550 = arith.constant 16 : i32
      %mul3A_551 = arith.muli %squeeze3A, %mul3A_550 : i32
      %get3A_552 = arith.index_cast %mul3A_551 : i32 to index
      %get3A_553 = tpu.vector_load %arg9[%get3A_552] {strides = array<i32>} : memref<160xf32, #tpu.memory_space<vmem>>, vector<16xf32>,
      %eq3A_554 = arith.cmpf oeq, %get3A_553, %while3A_547 : vector<16xf32>
      %all_reduce_ffs3A_555 = tpu.all_reduce %eq3A_554 {dim = 0 : i64, kind = #tpu.reduction_kind<find_first_set>} : vector<16xi1> -> vector<16xi32>
      %slice3A_556 = vector.extract_strided_slice %all_reduce_ffs3A_555 {offsets = [0], sizes = [1], strides = [1]} : vector<16xi32> to vector<1xi32>
      %squeeze3A_557 = vector.extract %slice3A_556[0] : i32 from vector<1xi32>
      %mul3A_558 = arith.constant 16 : i32
      %mul3A_559 = arith.muli %squeeze3A, %mul3A_558 : i32
      %add3A_560 = arith.addi %mul3A_559, %squeeze3A_557 : i32
      %mul3A_561 = arith.constant 128 : i32
      %mul3A_562 = arith.muli %add3A_560, %mul3A_561 : i32
      %eq3A_563 = vector.broadcast %squeeze3A : i32 to vector<16xi32>
      %eq3A_564 = arith.cmpi eq, %iota3A, %eq3A_563 : vector<16xi32>
      %select_n3A_565 = arith.select %eq3A_564, %broadcast_in_dim3A_14, %get3A_549 : vector<16xi1>, vector<16xf32>
      %lt3A_566 = arith.constant 0 : i32
      %lt3A_567 = vector.broadcast %lt3A_566 : i32 to vector<16xi32>
      %lt3A_568 = arith.cmpi slt, %xor3A_2, %lt3A_567 : vector<16xi32>
      %add3A_569 = arith.constant 16 : i32
      %add3A_570 = vector.broadcast %add3A_569 : i32 to vector<16xi32>
      %add3A_571 = arith.addi %xor3A_2, %add3A_570 : vector<16xi32>
      %select_n3A_572 = arith.select %lt3A_568, %add3A_571, %xor3A_2 : vector<16xi1>, vector<16xi32>
      %broadcast_in_dim3A_573 = vector.shape_cast %select_n3A_572 : vector<16xi32> to vector<16x1xi32>
      %gather3A_574 = vector.shape_cast %broadcast_in_dim3A_573 : vector<16x1xi32> to vector<16xi32>
      %gather3A_575 = tpu.dynamic_gather %select_n3A_565[%gather3A_574] in [0] : vector<16xf32>, vector<16xi32> -> vector<16xf32>
      %max3A_576 = arith.maximumf %select_n3A_565, %gather3A_575 : vector<16xf32>
      %lt3A_577 = arith.constant 0 : i32
      %lt3A_578 = vector.broadcast %lt3A_577 : i32 to vector<16xi32>
      %lt3A_579 = arith.cmpi slt, %xor3A_5, %lt3A_578 : vector<16xi32>
      %add3A_580 = arith.constant 16 : i32
      %add3A_581 = vector.broadcast %add3A_580 : i32 to vector<16xi32>
      %add3A_582 = arith.addi %xor3A_5, %add3A_581 : vector<16xi32>
      %select_n3A_583 = arith.select %lt3A_579, %add3A_582, %xor3A_5 : vector<16xi1>, vector<16xi32>
      %broadcast_in_dim3A_584 = vector.shape_cast %select_n3A_583 : vector<16xi32> to vector<16x1xi32>
      %gather3A_585 = vector.shape_cast %broadcast_in_dim3A_584 : vector<16x1xi32> to vector<16xi32>
      %gather3A_586 = tpu.dynamic_gather %max3A_576[%gather3A_585] in [0] : vector<16xf32>, vector<16xi32> -> vector<16xf32>
      %max3A_587 = arith.maximumf %max3A_576, %gather3A_586 : vector<16xf32>
      %lt3A_588 = arith.constant 0 : i32
      %lt3A_589 = vector.broadcast %lt3A_588 : i32 to vector<16xi32>
      %lt3A_590 = arith.cmpi slt, %xor3A_8, %lt3A_589 : vector<16xi32>
      %add3A_591 = arith.constant 16 : i32
      %add3A_592 = vector.broadcast %add3A_591 : i32 to vector<16xi32>
      %add3A_593 = arith.addi %xor3A_8, %add3A_592 : vector<16xi32>
      %select_n3A_594 = arith.select %lt3A_590, %add3A_593, %xor3A_8 : vector<16xi1>, vector<16xi32>
      %broadcast_in_dim3A_595 = vector.shape_cast %select_n3A_594 : vector<16xi32> to vector<16x1xi32>
      %gather3A_596 = vector.shape_cast %broadcast_in_dim3A_595 : vector<16x1xi32> to vector<16xi32>
      %gather3A_597 = tpu.dynamic_gather %max3A_587[%gather3A_596] in [0] : vector<16xf32>, vector<16xi32> -> vector<16xf32>
      %max3A_598 = arith.maximumf %max3A_587, %gather3A_597 : vector<16xf32>
      %lt3A_599 = arith.constant 0 : i32
      %lt3A_600 = vector.broadcast %lt3A_599 : i32 to vector<16xi32>
      %lt3A_601 = arith.cmpi slt, %xor3A_11, %lt3A_600 : vector<16xi32>
      %add3A_602 = arith.constant 16 : i32
      %add3A_603 = vector.broadcast %add3A_602 : i32 to vector<16xi32>
      %add3A_604 = arith.addi %xor3A_11, %add3A_603 : vector<16xi32>
      %select_n3A_605 = arith.select %lt3A_601, %add3A_604, %xor3A_11 : vector<16xi1>, vector<16xi32>
      %broadcast_in_dim3A_606 = vector.shape_cast %select_n3A_605 : vector<16xi32> to vector<16x1xi32>
      %gather3A_607 = vector.shape_cast %broadcast_in_dim3A_606 : vector<16x1xi32> to vector<16xi32>
      %gather3A_608 = tpu.dynamic_gather %max3A_598[%gather3A_607] in [0] : vector<16xf32>, vector<16xi32> -> vector<16xf32>
      %max3A_609 = arith.maximumf %max3A_598, %gather3A_608 : vector<16xf32>
      %eq3A_610 = vector.broadcast %squeeze3A_557 : i32 to vector<16xi32>
      %eq3A_611 = arith.cmpi eq, %iota3A, %eq3A_610 : vector<16xi32>
      %select_n3A_612 = arith.select %eq3A_611, %broadcast_in_dim3A_14, %get3A_553 : vector<16xi1>, vector<16xf32>
      %lt3A_613 = arith.constant 0 : i32
      %lt3A_614 = vector.broadcast %lt3A_613 : i32 to vector<16xi32>
      %lt3A_615 = arith.cmpi slt, %xor3A_2, %lt3A_614 : vector<16xi32>
      %add3A_616 = arith.constant 16 : i32
      %add3A_617 = vector.broadcast %add3A_616 : i32 to vector<16xi32>
      %add3A_618 = arith.addi %xor3A_2, %add3A_617 : vector<16xi32>
      %select_n3A_619 = arith.select %lt3A_615, %add3A_618, %xor3A_2 : vector<16xi1>, vector<16xi32>
      %broadcast_in_dim3A_620 = vector.shape_cast %select_n3A_619 : vector<16xi32> to vector<16x1xi32>
      %gather3A_621 = vector.shape_cast %broadcast_in_dim3A_620 : vector<16x1xi32> to vector<16xi32>
      %gather3A_622 = tpu.dynamic_gather %select_n3A_612[%gather3A_621] in [0] : vector<16xf32>, vector<16xi32> -> vector<16xf32>
      %max3A_623 = arith.maximumf %select_n3A_612, %gather3A_622 : vector<16xf32>
      %lt3A_624 = arith.constant 0 : i32
      %lt3A_625 = vector.broadcast %lt3A_624 : i32 to vector<16xi32>
      %lt3A_626 = arith.cmpi slt, %xor3A_5, %lt3A_625 : vector<16xi32>
      %add3A_627 = arith.constant 16 : i32
      %add3A_628 = vector.broadcast %add3A_627 : i32 to vector<16xi32>
      %add3A_629 = arith.addi %xor3A_5, %add3A_628 : vector<16xi32>
      %select_n3A_630 = arith.select %lt3A_626, %add3A_629, %xor3A_5 : vector<16xi1>, vector<16xi32>
      %broadcast_in_dim3A_631 = vector.shape_cast %select_n3A_630 : vector<16xi32> to vector<16x1xi32>
      %gather3A_632 = vector.shape_cast %broadcast_in_dim3A_631 : vector<16x1xi32> to vector<16xi32>
      %gather3A_633 = tpu.dynamic_gather %max3A_623[%gather3A_632] in [0] : vector<16xf32>, vector<16xi32> -> vector<16xf32>
      %max3A_634 = arith.maximumf %max3A_623, %gather3A_633 : vector<16xf32>
      %lt3A_635 = arith.constant 0 : i32
      %lt3A_636 = vector.broadcast %lt3A_635 : i32 to vector<16xi32>
      %lt3A_637 = arith.cmpi slt, %xor3A_8, %lt3A_636 : vector<16xi32>
      %add3A_638 = arith.constant 16 : i32
      %add3A_639 = vector.broadcast %add3A_638 : i32 to vector<16xi32>
      %add3A_640 = arith.addi %xor3A_8, %add3A_639 : vector<16xi32>
      %select_n3A_641 = arith.select %lt3A_637, %add3A_640, %xor3A_8 : vector<16xi1>, vector<16xi32>
      %broadcast_in_dim3A_642 = vector.shape_cast %select_n3A_641 : vector<16xi32> to vector<16x1xi32>
      %gather3A_643 = vector.shape_cast %broadcast_in_dim3A_642 : vector<16x1xi32> to vector<16xi32>
      %gather3A_644 = tpu.dynamic_gather %max3A_634[%gather3A_643] in [0] : vector<16xf32>, vector<16xi32> -> vector<16xf32>
      %max3A_645 = arith.maximumf %max3A_634, %gather3A_644 : vector<16xf32>
      %lt3A_646 = arith.constant 0 : i32
      %lt3A_647 = vector.broadcast %lt3A_646 : i32 to vector<16xi32>
      %lt3A_648 = arith.cmpi slt, %xor3A_11, %lt3A_647 : vector<16xi32>
      %add3A_649 = arith.constant 16 : i32
      %add3A_650 = vector.broadcast %add3A_649 : i32 to vector<16xi32>
      %add3A_651 = arith.addi %xor3A_11, %add3A_650 : vector<16xi32>
      %select_n3A_652 = arith.select %lt3A_648, %add3A_651, %xor3A_11 : vector<16xi1>, vector<16xi32>
      %broadcast_in_dim3A_653 = vector.shape_cast %select_n3A_652 : vector<16xi32> to vector<16x1xi32>
      %gather3A_654 = vector.shape_cast %broadcast_in_dim3A_653 : vector<16x1xi32> to vector<16xi32>
      %gather3A_655 = tpu.dynamic_gather %max3A_645[%gather3A_654] in [0] : vector<16xf32>, vector<16xi32> -> vector<16xf32>
      %max3A_656 = arith.maximumf %max3A_645, %gather3A_655 : vector<16xf32>
      %add3A_657 = arith.constant 0 : i32
      %add3A_658 = arith.addi %mul3A_562, %add3A_657 : i32
      %min3A_659 = arith.constant 19984 : i32
      %min3A_660 = arith.minsi %add3A_658, %min3A_659 : i32
      %add3A_661 = arith.constant 16 : i32
      %add3A_662 = arith.addi %mul3A_562, %add3A_661 : i32
      %min3A_663 = arith.constant 19984 : i32
      %min3A_664 = arith.minsi %add3A_662, %min3A_663 : i32
      %add3A_665 = arith.constant 32 : i32
      %add3A_666 = arith.addi %mul3A_562, %add3A_665 : i32
      %min3A_667 = arith.constant 19984 : i32
      %min3A_668 = arith.minsi %add3A_666, %min3A_667 : i32
      %add3A_669 = arith.constant 48 : i32
      %add3A_670 = arith.addi %mul3A_562, %add3A_669 : i32
      %min3A_671 = arith.constant 19984 : i32
      %min3A_672 = arith.minsi %add3A_670, %min3A_671 : i32
      %add3A_673 = arith.constant 64 : i32
      %add3A_674 = arith.addi %mul3A_562, %add3A_673 : i32
      %min3A_675 = arith.constant 19984 : i32
      %min3A_676 = arith.minsi %add3A_674, %min3A_675 : i32
      %add3A_677 = arith.constant 80 : i32
      %add3A_678 = arith.addi %mul3A_562, %add3A_677 : i32
      %min3A_679 = arith.constant 19984 : i32
      %min3A_680 = arith.minsi %add3A_678, %min3A_679 : i32
      %add3A_681 = arith.constant 96 : i32
      %add3A_682 = arith.addi %mul3A_562, %add3A_681 : i32
      %min3A_683 = arith.constant 19984 : i32
      %min3A_684 = arith.minsi %add3A_682, %min3A_683 : i32
      %add3A_685 = arith.constant 112 : i32
      %add3A_686 = arith.addi %mul3A_562, %add3A_685 : i32
      %min3A_687 = arith.constant 19984 : i32
      %min3A_688 = arith.minsi %add3A_686, %min3A_687 : i32
      %broadcast_in_dim3A_689 = arith.constant 4096 : i32
      %broadcast_in_dim3A_690 = vector.broadcast %broadcast_in_dim3A_689 : i32 to vector<16xi32>
      %get3A_691 = arith.index_cast %min3A_660 : i32 to index
      %get3A_692 = tpu.vector_load %arg7[%get3A_691] {strides = array<i32>} : memref<20000xf32, #tpu.memory_space<vmem>>, vector<16xf32>,
      %eq3A_693 = arith.cmpf oeq, %get3A_692, %while3A_547 : vector<16xf32>
      %all_reduce_ffs3A_694 = tpu.all_reduce %eq3A_693 {dim = 0 : i64, kind = #tpu.reduction_kind<find_first_set>} : vector<16xi1> -> vector<16xi32>
      %eq3A_695 = arith.constant 16 : i32
      %eq3A_696 = vector.broadcast %eq3A_695 : i32 to vector<16xi32>
      %eq3A_697 = arith.cmpi eq, %all_reduce_ffs3A_694, %eq3A_696 : vector<16xi32>
      %add3A_698 = arith.constant 0 : i32
      %add3A_699 = vector.broadcast %add3A_698 : i32 to vector<16xi32>
      %add3A_700 = arith.addi %add3A_699, %all_reduce_ffs3A_694 : vector<16xi32>
      %jit3A = arith.constant 4096 : i32
      %broadcast_in_dim3A_701 = vector.broadcast %jit3A : i32 to vector<16xi32>
      %select_n3A_702 = arith.select %eq3A_697, %broadcast_in_dim3A_701, %add3A_700 : vector<16xi1>, vector<16xi32>
      %min3A_703 = arith.minsi %broadcast_in_dim3A_690, %select_n3A_702 : vector<16xi32>
      %get3A_704 = arith.index_cast %min3A_664 : i32 to index
      %get3A_705 = tpu.vector_load %arg7[%get3A_704] {strides = array<i32>} : memref<20000xf32, #tpu.memory_space<vmem>>, vector<16xf32>,
      %eq3A_706 = arith.cmpf oeq, %get3A_705, %while3A_547 : vector<16xf32>
      %all_reduce_ffs3A_707 = tpu.all_reduce %eq3A_706 {dim = 0 : i64, kind = #tpu.reduction_kind<find_first_set>} : vector<16xi1> -> vector<16xi32>
      %eq3A_708 = arith.constant 16 : i32
      %eq3A_709 = vector.broadcast %eq3A_708 : i32 to vector<16xi32>
      %eq3A_710 = arith.cmpi eq, %all_reduce_ffs3A_707, %eq3A_709 : vector<16xi32>
      %add3A_711 = arith.constant 16 : i32
      %add3A_712 = vector.broadcast %add3A_711 : i32 to vector<16xi32>
      %add3A_713 = arith.addi %add3A_712, %all_reduce_ffs3A_707 : vector<16xi32>
      %jit3A_714 = arith.constant 4096 : i32
      %broadcast_in_dim3A_715 = vector.broadcast %jit3A_714 : i32 to vector<16xi32>
      %select_n3A_716 = arith.select %eq3A_710, %broadcast_in_dim3A_715, %add3A_713 : vector<16xi1>, vector<16xi32>
      %min3A_717 = arith.minsi %min3A_703, %select_n3A_716 : vector<16xi32>
      %get3A_718 = arith.index_cast %min3A_668 : i32 to index
      %get3A_719 = tpu.vector_load %arg7[%get3A_718] {strides = array<i32>} : memref<20000xf32, #tpu.memory_space<vmem>>, vector<16xf32>,
      %eq3A_720 = arith.cmpf oeq, %get3A_719, %while3A_547 : vector<16xf32>
      %all_reduce_ffs3A_721 = tpu.all_reduce %eq3A_720 {dim = 0 : i64, kind = #tpu.reduction_kind<find_first_set>} : vector<16xi1> -> vector<16xi32>
      %eq3A_722 = arith.constant 16 : i32
      %eq3A_723 = vector.broadcast %eq3A_722 : i32 to vector<16xi32>
      %eq3A_724 = arith.cmpi eq, %all_reduce_ffs3A_721, %eq3A_723 : vector<16xi32>
      %add3A_725 = arith.constant 32 : i32
      %add3A_726 = vector.broadcast %add3A_725 : i32 to vector<16xi32>
      %add3A_727 = arith.addi %add3A_726, %all_reduce_ffs3A_721 : vector<16xi32>
      %jit3A_728 = arith.constant 4096 : i32
      %broadcast_in_dim3A_729 = vector.broadcast %jit3A_728 : i32 to vector<16xi32>
      %select_n3A_730 = arith.select %eq3A_724, %broadcast_in_dim3A_729, %add3A_727 : vector<16xi1>, vector<16xi32>
      %min3A_731 = arith.minsi %min3A_717, %select_n3A_730 : vector<16xi32>
      %get3A_732 = arith.index_cast %min3A_672 : i32 to index
      %get3A_733 = tpu.vector_load %arg7[%get3A_732] {strides = array<i32>} : memref<20000xf32, #tpu.memory_space<vmem>>, vector<16xf32>,
      %eq3A_734 = arith.cmpf oeq, %get3A_733, %while3A_547 : vector<16xf32>
      %all_reduce_ffs3A_735 = tpu.all_reduce %eq3A_734 {dim = 0 : i64, kind = #tpu.reduction_kind<find_first_set>} : vector<16xi1> -> vector<16xi32>
      %eq3A_736 = arith.constant 16 : i32
      %eq3A_737 = vector.broadcast %eq3A_736 : i32 to vector<16xi32>
      %eq3A_738 = arith.cmpi eq, %all_reduce_ffs3A_735, %eq3A_737 : vector<16xi32>
      %add3A_739 = arith.constant 48 : i32
      %add3A_740 = vector.broadcast %add3A_739 : i32 to vector<16xi32>
      %add3A_741 = arith.addi %add3A_740, %all_reduce_ffs3A_735 : vector<16xi32>
      %jit3A_742 = arith.constant 4096 : i32
      %broadcast_in_dim3A_743 = vector.broadcast %jit3A_742 : i32 to vector<16xi32>
      %select_n3A_744 = arith.select %eq3A_738, %broadcast_in_dim3A_743, %add3A_741 : vector<16xi1>, vector<16xi32>
      %min3A_745 = arith.minsi %min3A_731, %select_n3A_744 : vector<16xi32>
      %get3A_746 = arith.index_cast %min3A_676 : i32 to index
      %get3A_747 = tpu.vector_load %arg7[%get3A_746] {strides = array<i32>} : memref<20000xf32, #tpu.memory_space<vmem>>, vector<16xf32>,
      %eq3A_748 = arith.cmpf oeq, %get3A_747, %while3A_547 : vector<16xf32>
      %all_reduce_ffs3A_749 = tpu.all_reduce %eq3A_748 {dim = 0 : i64, kind = #tpu.reduction_kind<find_first_set>} : vector<16xi1> -> vector<16xi32>
      %eq3A_750 = arith.constant 16 : i32
      %eq3A_751 = vector.broadcast %eq3A_750 : i32 to vector<16xi32>
      %eq3A_752 = arith.cmpi eq, %all_reduce_ffs3A_749, %eq3A_751 : vector<16xi32>
      %add3A_753 = arith.constant 64 : i32
      %add3A_754 = vector.broadcast %add3A_753 : i32 to vector<16xi32>
      %add3A_755 = arith.addi %add3A_754, %all_reduce_ffs3A_749 : vector<16xi32>
      %jit3A_756 = arith.constant 4096 : i32
      %broadcast_in_dim3A_757 = vector.broadcast %jit3A_756 : i32 to vector<16xi32>
      %select_n3A_758 = arith.select %eq3A_752, %broadcast_in_dim3A_757, %add3A_755 : vector<16xi1>, vector<16xi32>
      %min3A_759 = arith.minsi %min3A_745, %select_n3A_758 : vector<16xi32>
      %get3A_760 = arith.index_cast %min3A_680 : i32 to index
      %get3A_761 = tpu.vector_load %arg7[%get3A_760] {strides = array<i32>} : memref<20000xf32, #tpu.memory_space<vmem>>, vector<16xf32>,
      %eq3A_762 = arith.cmpf oeq, %get3A_761, %while3A_547 : vector<16xf32>
      %all_reduce_ffs3A_763 = tpu.all_reduce %eq3A_762 {dim = 0 : i64, kind = #tpu.reduction_kind<find_first_set>} : vector<16xi1> -> vector<16xi32>
      %eq3A_764 = arith.constant 16 : i32
      %eq3A_765 = vector.broadcast %eq3A_764 : i32 to vector<16xi32>
      %eq3A_766 = arith.cmpi eq, %all_reduce_ffs3A_763, %eq3A_765 : vector<16xi32>
      %add3A_767 = arith.constant 80 : i32
      %add3A_768 = vector.broadcast %add3A_767 : i32 to vector<16xi32>
      %add3A_769 = arith.addi %add3A_768, %all_reduce_ffs3A_763 : vector<16xi32>
      %jit3A_770 = arith.constant 4096 : i32
      %broadcast_in_dim3A_771 = vector.broadcast %jit3A_770 : i32 to vector<16xi32>
      %select_n3A_772 = arith.select %eq3A_766, %broadcast_in_dim3A_771, %add3A_769 : vector<16xi1>, vector<16xi32>
      %min3A_773 = arith.minsi %min3A_759, %select_n3A_772 : vector<16xi32>
      %get3A_774 = arith.index_cast %min3A_684 : i32 to index
      %get3A_775 = tpu.vector_load %arg7[%get3A_774] {strides = array<i32>} : memref<20000xf32, #tpu.memory_space<vmem>>, vector<16xf32>,
      %eq3A_776 = arith.cmpf oeq, %get3A_775, %while3A_547 : vector<16xf32>
      %all_reduce_ffs3A_777 = tpu.all_reduce %eq3A_776 {dim = 0 : i64, kind = #tpu.reduction_kind<find_first_set>} : vector<16xi1> -> vector<16xi32>
      %eq3A_778 = arith.constant 16 : i32
      %eq3A_779 = vector.broadcast %eq3A_778 : i32 to vector<16xi32>
      %eq3A_780 = arith.cmpi eq, %all_reduce_ffs3A_777, %eq3A_779 : vector<16xi32>
      %add3A_781 = arith.constant 96 : i32
      %add3A_782 = vector.broadcast %add3A_781 : i32 to vector<16xi32>
      %add3A_783 = arith.addi %add3A_782, %all_reduce_ffs3A_777 : vector<16xi32>
      %jit3A_784 = arith.constant 4096 : i32
      %broadcast_in_dim3A_785 = vector.broadcast %jit3A_784 : i32 to vector<16xi32>
      %select_n3A_786 = arith.select %eq3A_780, %broadcast_in_dim3A_785, %add3A_783 : vector<16xi1>, vector<16xi32>
      %min3A_787 = arith.minsi %min3A_773, %select_n3A_786 : vector<16xi32>
      %get3A_788 = arith.index_cast %min3A_688 : i32 to index
      %get3A_789 = tpu.vector_load %arg7[%get3A_788] {strides = array<i32>} : memref<20000xf32, #tpu.memory_space<vmem>>, vector<16xf32>,
      %eq3A_790 = arith.cmpf oeq, %get3A_789, %while3A_547 : vector<16xf32>
      %all_reduce_ffs3A_791 = tpu.all_reduce %eq3A_790 {dim = 0 : i64, kind = #tpu.reduction_kind<find_first_set>} : vector<16xi1> -> vector<16xi32>
      %eq3A_792 = arith.constant 16 : i32
      %eq3A_793 = vector.broadcast %eq3A_792 : i32 to vector<16xi32>
      %eq3A_794 = arith.cmpi eq, %all_reduce_ffs3A_791, %eq3A_793 : vector<16xi32>
      %add3A_795 = arith.constant 112 : i32
      %add3A_796 = vector.broadcast %add3A_795 : i32 to vector<16xi32>
      %add3A_797 = arith.addi %add3A_796, %all_reduce_ffs3A_791 : vector<16xi32>
      %jit3A_798 = arith.constant 4096 : i32
      %broadcast_in_dim3A_799 = vector.broadcast %jit3A_798 : i32 to vector<16xi32>
      %select_n3A_800 = arith.select %eq3A_794, %broadcast_in_dim3A_799, %add3A_797 : vector<16xi1>, vector<16xi32>
      %min3A_801 = arith.minsi %min3A_787, %select_n3A_800 : vector<16xi32>
      %slice3A_802 = vector.extract_strided_slice %min3A_801 {offsets = [0], sizes = [1], strides = [1]} : vector<16xi32> to vector<1xi32>
      %squeeze3A_803 = vector.extract %slice3A_802[0] : i32 from vector<1xi32>
      %rem3A = arith.constant 16 : i32
      %rem3A_804 = arith.remsi %squeeze3A_803, %rem3A : i32
      %div3A = arith.constant 16 : i32
      %div3A_805 = arith.divsi %squeeze3A_803, %div3A : i32
      %mul3A_806 = arith.constant 16 : i32
      %mul3A_807 = arith.muli %div3A_805, %mul3A_806 : i32
      %add3A_808 = arith.addi %mul3A_562, %mul3A_807 : i32
      %add3A_809 = arith.addi %mul3A_562, %squeeze3A_803 : i32
      %get3A_810 = arith.index_cast %add3A_808 : i32 to index
      %get3A_811 = tpu.vector_load %arg7[%get3A_810] {strides = array<i32>} : memref<20000xf32, #tpu.memory_space<vmem>>, vector<16xf32>,
      %eq3A_812 = vector.broadcast %rem3A_804 : i32 to vector<16xi32>
      %eq3A_813 = arith.cmpi eq, %iota3A, %eq3A_812 : vector<16xi32>
      %select_n3A_814 = arith.select %eq3A_813, %broadcast_in_dim3A_14, %get3A_811 : vector<16xi1>, vector<16xf32>
      %swap3A_815 = arith.index_cast %add3A_808 : i32 to index
      %swap3A_816 = tpu.vector_load %arg7[%swap3A_815] {strides = array<i32>} : memref<20000xf32, #tpu.memory_space<vmem>>, vector<16xf32>,
      tpu.vector_store %arg7[%swap3A_815], %select_n3A_814 {strides = array<i32>} : memref<20000xf32, #tpu.memory_space<vmem>>, vector<16xf32>,
      %eq3A_817 = arith.cmpi eq, %min3A_660, %add3A_808 : i32
      %broadcast_in_dim3A_818 = vector.broadcast %eq3A_817 : i1 to vector<16xi1>
      %select_n3A_819 = arith.select %broadcast_in_dim3A_818, %select_n3A_814, %get3A_692 : vector<16xi1>, vector<16xf32>
      %eq3A_820 = arith.cmpi eq, %min3A_664, %add3A_808 : i32
      %broadcast_in_dim3A_821 = vector.broadcast %eq3A_820 : i1 to vector<16xi1>
      %select_n3A_822 = arith.select %broadcast_in_dim3A_821, %select_n3A_814, %get3A_705 : vector<16xi1>, vector<16xf32>
      %max3A_823 = arith.maximumf %select_n3A_819, %select_n3A_822 : vector<16xf32>
      %eq3A_824 = arith.cmpi eq, %min3A_668, %add3A_808 : i32
      %broadcast_in_dim3A_825 = vector.broadcast %eq3A_824 : i1 to vector<16xi1>
      %select_n3A_826 = arith.select %broadcast_in_dim3A_825, %select_n3A_814, %get3A_719 : vector<16xi1>, vector<16xf32>
      %max3A_827 = arith.maximumf %max3A_823, %select_n3A_826 : vector<16xf32>
      %eq3A_828 = arith.cmpi eq, %min3A_672, %add3A_808 : i32
      %broadcast_in_dim3A_829 = vector.broadcast %eq3A_828 : i1 to vector<16xi1>
      %select_n3A_830 = arith.select %broadcast_in_dim3A_829, %select_n3A_814, %get3A_733 : vector<16xi1>, vector<16xf32>
      %max3A_831 = arith.maximumf %max3A_827, %select_n3A_830 : vector<16xf32>
      %eq3A_832 = arith.cmpi eq, %min3A_676, %add3A_808 : i32
      %broadcast_in_dim3A_833 = vector.broadcast %eq3A_832 : i1 to vector<16xi1>
      %select_n3A_834 = arith.select %broadcast_in_dim3A_833, %select_n3A_814, %get3A_747 : vector<16xi1>, vector<16xf32>
      %max3A_835 = arith.maximumf %max3A_831, %select_n3A_834 : vector<16xf32>
      %eq3A_836 = arith.cmpi eq, %min3A_680, %add3A_808 : i32
      %broadcast_in_dim3A_837 = vector.broadcast %eq3A_836 : i1 to vector<16xi1>
      %select_n3A_838 = arith.select %broadcast_in_dim3A_837, %select_n3A_814, %get3A_761 : vector<16xi1>, vector<16xf32>
      %max3A_839 = arith.maximumf %max3A_835, %select_n3A_838 : vector<16xf32>
      %eq3A_840 = arith.cmpi eq, %min3A_684, %add3A_808 : i32
      %broadcast_in_dim3A_841 = vector.broadcast %eq3A_840 : i1 to vector<16xi1>
      %select_n3A_842 = arith.select %broadcast_in_dim3A_841, %select_n3A_814, %get3A_775 : vector<16xi1>, vector<16xf32>
      %max3A_843 = arith.maximumf %max3A_839, %select_n3A_842 : vector<16xf32>
      %eq3A_844 = arith.cmpi eq, %min3A_688, %add3A_808 : i32
      %broadcast_in_dim3A_845 = vector.broadcast %eq3A_844 : i1 to vector<16xi1>
      %select_n3A_846 = arith.select %broadcast_in_dim3A_845, %select_n3A_814, %get3A_789 : vector<16xi1>, vector<16xf32>
      %max3A_847 = arith.maximumf %max3A_843, %select_n3A_846 : vector<16xf32>
      %lt3A_848 = arith.constant 0 : i32
      %lt3A_849 = vector.broadcast %lt3A_848 : i32 to vector<16xi32>
      %lt3A_850 = arith.cmpi slt, %xor3A_2, %lt3A_849 : vector<16xi32>
      %add3A_851 = arith.constant 16 : i32
      %add3A_852 = vector.broadcast %add3A_851 : i32 to vector<16xi32>
      %add3A_853 = arith.addi %xor3A_2, %add3A_852 : vector<16xi32>
      %select_n3A_854 = arith.select %lt3A_850, %add3A_853, %xor3A_2 : vector<16xi1>, vector<16xi32>
      %broadcast_in_dim3A_855 = vector.shape_cast %select_n3A_854 : vector<16xi32> to vector<16x1xi32>
      %gather3A_856 = vector.shape_cast %broadcast_in_dim3A_855 : vector<16x1xi32> to vector<16xi32>
      %gather3A_857 = tpu.dynamic_gather %max3A_847[%gather3A_856] in [0] : vector<16xf32>, vector<16xi32> -> vector<16xf32>
      %max3A_858 = arith.maximumf %max3A_847, %gather3A_857 : vector<16xf32>
      %lt3A_859 = arith.constant 0 : i32
      %lt3A_860 = vector.broadcast %lt3A_859 : i32 to vector<16xi32>
      %lt3A_861 = arith.cmpi slt, %xor3A_5, %lt3A_860 : vector<16xi32>
      %add3A_862 = arith.constant 16 : i32
      %add3A_863 = vector.broadcast %add3A_862 : i32 to vector<16xi32>
      %add3A_864 = arith.addi %xor3A_5, %add3A_863 : vector<16xi32>
      %select_n3A_865 = arith.select %lt3A_861, %add3A_864, %xor3A_5 : vector<16xi1>, vector<16xi32>
      %broadcast_in_dim3A_866 = vector.shape_cast %select_n3A_865 : vector<16xi32> to vector<16x1xi32>
      %gather3A_867 = vector.shape_cast %broadcast_in_dim3A_866 : vector<16x1xi32> to vector<16xi32>
      %gather3A_868 = tpu.dynamic_gather %max3A_858[%gather3A_867] in [0] : vector<16xf32>, vector<16xi32> -> vector<16xf32>
      %max3A_869 = arith.maximumf %max3A_858, %gather3A_868 : vector<16xf32>
      %lt3A_870 = arith.constant 0 : i32
      %lt3A_871 = vector.broadcast %lt3A_870 : i32 to vector<16xi32>
      %lt3A_872 = arith.cmpi slt, %xor3A_8, %lt3A_871 : vector<16xi32>
      %add3A_873 = arith.constant 16 : i32
      %add3A_874 = vector.broadcast %add3A_873 : i32 to vector<16xi32>
      %add3A_875 = arith.addi %xor3A_8, %add3A_874 : vector<16xi32>
      %select_n3A_876 = arith.select %lt3A_872, %add3A_875, %xor3A_8 : vector<16xi1>, vector<16xi32>
      %broadcast_in_dim3A_877 = vector.shape_cast %select_n3A_876 : vector<16xi32> to vector<16x1xi32>
      %gather3A_878 = vector.shape_cast %broadcast_in_dim3A_877 : vector<16x1xi32> to vector<16xi32>
      %gather3A_879 = tpu.dynamic_gather %max3A_869[%gather3A_878] in [0] : vector<16xf32>, vector<16xi32> -> vector<16xf32>
      %max3A_880 = arith.maximumf %max3A_869, %gather3A_879 : vector<16xf32>
      %lt3A_881 = arith.constant 0 : i32
      %lt3A_882 = vector.broadcast %lt3A_881 : i32 to vector<16xi32>
      %lt3A_883 = arith.cmpi slt, %xor3A_11, %lt3A_882 : vector<16xi32>
      %add3A_884 = arith.constant 16 : i32
      %add3A_885 = vector.broadcast %add3A_884 : i32 to vector<16xi32>
      %add3A_886 = arith.addi %xor3A_11, %add3A_885 : vector<16xi32>
      %select_n3A_887 = arith.select %lt3A_883, %add3A_886, %xor3A_11 : vector<16xi1>, vector<16xi32>
      %broadcast_in_dim3A_888 = vector.shape_cast %select_n3A_887 : vector<16xi32> to vector<16x1xi32>
      %gather3A_889 = vector.shape_cast %broadcast_in_dim3A_888 : vector<16x1xi32> to vector<16xi32>
      %gather3A_890 = tpu.dynamic_gather %max3A_880[%gather3A_889] in [0] : vector<16xf32>, vector<16xi32> -> vector<16xf32>
      %max3A_891 = arith.maximumf %max3A_880, %gather3A_890 : vector<16xf32>
      %gt3A = arith.cmpf ogt, %max3A_891, %broadcast_in_dim3A_16 : vector<16xf32>
      %select_n3A_892 = arith.select %gt3A, %max3A_891, %broadcast_in_dim3A_14 : vector<16xi1>, vector<16xf32>
      %eq3A_893 = vector.broadcast %squeeze3A_557 : i32 to vector<16xi32>
      %eq3A_894 = arith.cmpi eq, %iota3A, %eq3A_893 : vector<16xi32>
      %select_n3A_895 = arith.select %eq3A_894, %select_n3A_892, %get3A_553 : vector<16xi1>, vector<16xf32>
      %mul3A_896 = arith.constant 16 : i32
      %mul3A_897 = arith.muli %squeeze3A, %mul3A_896 : i32
      %swap3A_898 = arith.index_cast %mul3A_897 : i32 to index
      %swap3A_899 = tpu.vector_load %arg9[%swap3A_898] {strides = array<i32>} : memref<160xf32, #tpu.memory_space<vmem>>, vector<16xf32>,
      tpu.vector_store %arg9[%swap3A_898], %select_n3A_895 {strides = array<i32>} : memref<160xf32, #tpu.memory_space<vmem>>, vector<16xf32>,
      %max3A_900 = arith.maximumf %select_n3A_892, %max3A_656 : vector<16xf32>
      %eq3A_901 = vector.broadcast %squeeze3A : i32 to vector<16xi32>
      %eq3A_902 = arith.cmpi eq, %iota3A, %eq3A_901 : vector<16xi32>
      %select_n3A_903 = arith.select %eq3A_902, %max3A_900, %get3A_549 : vector<16xi1>, vector<16xf32>
      %swap3A_904 = arith.constant 0 : index
      %swap3A_905 = tpu.vector_load %arg11[%swap3A_904] {strides = array<i32>} : memref<16xf32, #tpu.memory_space<vmem>>, vector<16xf32>,
      tpu.vector_store %arg11[%swap3A_904], %select_n3A_903 {strides = array<i32>} : memref<16xf32, #tpu.memory_space<vmem>>, vector<16xf32>,
      %max3A_906 = arith.maximumf %max3A_900, %max3A_609 : vector<16xf32>
      %broadcast_in_dim3A_907 = vector.broadcast %add3A_809 : i32 to vector<16xi32>
      %gather3A_908 = tpu.vector_load_idx %arg13[%broadcast_in_dim3A_907] : memref<20000xf32, #tpu.memory_space<vmem>>[vector<16xi32>], vector<16xf32>,
      %gather3A_909 = tpu.vector_load_idx %arg14[%broadcast_in_dim3A_907] : memref<20000xf32, #tpu.memory_space<vmem>>[vector<16xi32>], vector<16xf32>,
      %gather3A_910 = tpu.vector_load_idx %arg15[%broadcast_in_dim3A_907] : memref<20000xf32, #tpu.memory_space<vmem>>[vector<16xi32>], vector<16xf32>,
      %gather3A_911 = tpu.vector_load_idx %arg16[%broadcast_in_dim3A_907] : memref<20000xf32, #tpu.memory_space<vmem>>[vector<16xi32>], vector<16xf32>,
      %sub3A = arith.subf %gather3A_910, %gather3A_908 : vector<16xf32>
      %sub3A_912 = arith.subf %gather3A_911, %gather3A_909 : vector<16xf32>
      %mul3A_913 = arith.mulf %sub3A, %sub3A_912 : vector<16xf32>
      %get3A_914 = arith.constant 0 : index
      %get3A_915 = tpu.vector_load %arg17[%get3A_914] {strides = array<i32>} : memref<64xf32, #tpu.memory_space<vmem>>, vector<16xf32>,
      %get3A_916 = arith.constant 0 : index
      %get3A_917 = tpu.vector_load %arg18[%get3A_916] {strides = array<i32>} : memref<64xf32, #tpu.memory_space<vmem>>, vector<16xf32>,
      %get3A_918 = arith.constant 0 : index
      %get3A_919 = tpu.vector_load %arg19[%get3A_918] {strides = array<i32>} : memref<64xf32, #tpu.memory_space<vmem>>, vector<16xf32>,
      %get3A_920 = arith.constant 0 : index
      %get3A_921 = tpu.vector_load %arg20[%get3A_920] {strides = array<i32>} : memref<64xf32, #tpu.memory_space<vmem>>, vector<16xf32>,
      %max3A_922 = arith.maximumf %get3A_915, %gather3A_908 : vector<16xf32>
      %max3A_923 = arith.maximumf %get3A_917, %gather3A_909 : vector<16xf32>
      %min3A_924 = arith.minimumf %get3A_919, %gather3A_910 : vector<16xf32>
      %min3A_925 = arith.minimumf %get3A_921, %gather3A_911 : vector<16xf32>
      %sub3A_926 = arith.subf %min3A_924, %max3A_922 : vector<16xf32>
      %max3A_927 = arith.constant 0.000000e+00 : f32
      %max3A_928 = vector.broadcast %max3A_927 : f32 to vector<16xf32>
      %max3A_929 = arith.maximumf %sub3A_926, %max3A_928 : vector<16xf32>
      %sub3A_930 = arith.subf %min3A_925, %max3A_923 : vector<16xf32>
      %max3A_931 = arith.constant 0.000000e+00 : f32
      %max3A_932 = vector.broadcast %max3A_931 : f32 to vector<16xf32>
      %max3A_933 = arith.maximumf %sub3A_930, %max3A_932 : vector<16xf32>
      %mul3A_934 = arith.mulf %max3A_929, %max3A_933 : vector<16xf32>
      %sub3A_935 = arith.subf %get3A_919, %get3A_915 : vector<16xf32>
      %sub3A_936 = arith.subf %get3A_921, %get3A_917 : vector<16xf32>
      %mul3A_937 = arith.mulf %sub3A_935, %sub3A_936 : vector<16xf32>
      %add3A_938 = arith.addf %mul3A_913, %mul3A_937 : vector<16xf32>
      %sub3A_939 = arith.subf %add3A_938, %mul3A_934 : vector<16xf32>
      %add3A_940 = arith.constant 9.99999993E-9 : f32
      %add3A_941 = vector.broadcast %add3A_940 : f32 to vector<16xf32>
      %add3A_942 = arith.addf %sub3A_939, %add3A_941 : vector<16xf32>
      %div3A_943 = arith.divf %mul3A_934, %add3A_942 : vector<16xf32>
      %max3A_944 = arith.maximumf %broadcast_in_dim3A_12, %div3A_943 : vector<16xf32>
      %get3A_945 = arith.constant 16 : index
      %get3A_946 = tpu.vector_load %arg17[%get3A_945] {strides = array<i32>} : memref<64xf32, #tpu.memory_space<vmem>>, vector<16xf32>,
      %get3A_947 = arith.constant 16 : index
      %get3A_948 = tpu.vector_load %arg18[%get3A_947] {strides = array<i32>} : memref<64xf32, #tpu.memory_space<vmem>>, vector<16xf32>,
      %get3A_949 = arith.constant 16 : index
      %get3A_950 = tpu.vector_load %arg19[%get3A_949] {strides = array<i32>} : memref<64xf32, #tpu.memory_space<vmem>>, vector<16xf32>,
      %get3A_951 = arith.constant 16 : index
      %get3A_952 = tpu.vector_load %arg20[%get3A_951] {strides = array<i32>} : memref<64xf32, #tpu.memory_space<vmem>>, vector<16xf32>,
      %max3A_953 = arith.maximumf %get3A_946, %gather3A_908 : vector<16xf32>
      %max3A_954 = arith.maximumf %get3A_948, %gather3A_909 : vector<16xf32>
      %min3A_955 = arith.minimumf %get3A_950, %gather3A_910 : vector<16xf32>
      %min3A_956 = arith.minimumf %get3A_952, %gather3A_911 : vector<16xf32>
      %sub3A_957 = arith.subf %min3A_955, %max3A_953 : vector<16xf32>
      %max3A_958 = arith.constant 0.000000e+00 : f32
      %max3A_959 = vector.broadcast %max3A_958 : f32 to vector<16xf32>
      %max3A_960 = arith.maximumf %sub3A_957, %max3A_959 : vector<16xf32>
      %sub3A_961 = arith.subf %min3A_956, %max3A_954 : vector<16xf32>
      %max3A_962 = arith.constant 0.000000e+00 : f32
      %max3A_963 = vector.broadcast %max3A_962 : f32 to vector<16xf32>
      %max3A_964 = arith.maximumf %sub3A_961, %max3A_963 : vector<16xf32>
      %mul3A_965 = arith.mulf %max3A_960, %max3A_964 : vector<16xf32>
      %sub3A_966 = arith.subf %get3A_950, %get3A_946 : vector<16xf32>
      %sub3A_967 = arith.subf %get3A_952, %get3A_948 : vector<16xf32>
      %mul3A_968 = arith.mulf %sub3A_966, %sub3A_967 : vector<16xf32>
      %add3A_969 = arith.addf %mul3A_913, %mul3A_968 : vector<16xf32>
      %sub3A_970 = arith.subf %add3A_969, %mul3A_965 : vector<16xf32>
      %add3A_971 = arith.constant 9.99999993E-9 : f32
      %add3A_972 = vector.broadcast %add3A_971 : f32 to vector<16xf32>
      %add3A_973 = arith.addf %sub3A_970, %add3A_972 : vector<16xf32>
      %div3A_974 = arith.divf %mul3A_965, %add3A_973 : vector<16xf32>
      %max3A_975 = arith.maximumf %max3A_944, %div3A_974 : vector<16xf32>
      %get3A_976 = arith.constant 32 : index
      %get3A_977 = tpu.vector_load %arg17[%get3A_976] {strides = array<i32>} : memref<64xf32, #tpu.memory_space<vmem>>, vector<16xf32>,
      %get3A_978 = arith.constant 32 : index
      %get3A_979 = tpu.vector_load %arg18[%get3A_978] {strides = array<i32>} : memref<64xf32, #tpu.memory_space<vmem>>, vector<16xf32>,
      %get3A_980 = arith.constant 32 : index
      %get3A_981 = tpu.vector_load %arg19[%get3A_980] {strides = array<i32>} : memref<64xf32, #tpu.memory_space<vmem>>, vector<16xf32>,
      %get3A_982 = arith.constant 32 : index
      %get3A_983 = tpu.vector_load %arg20[%get3A_982] {strides = array<i32>} : memref<64xf32, #tpu.memory_space<vmem>>, vector<16xf32>,
      %max3A_984 = arith.maximumf %get3A_977, %gather3A_908 : vector<16xf32>
      %max3A_985 = arith.maximumf %get3A_979, %gather3A_909 : vector<16xf32>
      %min3A_986 = arith.minimumf %get3A_981, %gather3A_910 : vector<16xf32>
      %min3A_987 = arith.minimumf %get3A_983, %gather3A_911 : vector<16xf32>
      %sub3A_988 = arith.subf %min3A_986, %max3A_984 : vector<16xf32>
      %max3A_989 = arith.constant 0.000000e+00 : f32
      %max3A_990 = vector.broadcast %max3A_989 : f32 to vector<16xf32>
      %max3A_991 = arith.maximumf %sub3A_988, %max3A_990 : vector<16xf32>
      %sub3A_992 = arith.subf %min3A_987, %max3A_985 : vector<16xf32>
      %max3A_993 = arith.constant 0.000000e+00 : f32
      %max3A_994 = vector.broadcast %max3A_993 : f32 to vector<16xf32>
      %max3A_995 = arith.maximumf %sub3A_992, %max3A_994 : vector<16xf32>
      %mul3A_996 = arith.mulf %max3A_991, %max3A_995 : vector<16xf32>
      %sub3A_997 = arith.subf %get3A_981, %get3A_977 : vector<16xf32>
      %sub3A_998 = arith.subf %get3A_983, %get3A_979 : vector<16xf32>
      %mul3A_999 = arith.mulf %sub3A_997, %sub3A_998 : vector<16xf32>
      %add3A_1000 = arith.addf %mul3A_913, %mul3A_999 : vector<16xf32>
      %sub3A_1001 = arith.subf %add3A_1000, %mul3A_996 : vector<16xf32>
      %add3A_1002 = arith.constant 9.99999993E-9 : f32
      %add3A_1003 = vector.broadcast %add3A_1002 : f32 to vector<16xf32>
      %add3A_1004 = arith.addf %sub3A_1001, %add3A_1003 : vector<16xf32>
      %div3A_1005 = arith.divf %mul3A_996, %add3A_1004 : vector<16xf32>
      %max3A_1006 = arith.maximumf %max3A_975, %div3A_1005 : vector<16xf32>
      %get3A_1007 = arith.constant 48 : index
      %get3A_1008 = tpu.vector_load %arg17[%get3A_1007] {strides = array<i32>} : memref<64xf32, #tpu.memory_space<vmem>>, vector<16xf32>,
      %get3A_1009 = arith.constant 48 : index
      %get3A_1010 = tpu.vector_load %arg18[%get3A_1009] {strides = array<i32>} : memref<64xf32, #tpu.memory_space<vmem>>, vector<16xf32>,
      %get3A_1011 = arith.constant 48 : index
      %get3A_1012 = tpu.vector_load %arg19[%get3A_1011] {strides = array<i32>} : memref<64xf32, #tpu.memory_space<vmem>>, vector<16xf32>,
      %get3A_1013 = arith.constant 48 : index
      %get3A_1014 = tpu.vector_load %arg20[%get3A_1013] {strides = array<i32>} : memref<64xf32, #tpu.memory_space<vmem>>, vector<16xf32>,
      %max3A_1015 = arith.maximumf %get3A_1008, %gather3A_908 : vector<16xf32>
      %max3A_1016 = arith.maximumf %get3A_1010, %gather3A_909 : vector<16xf32>
      %min3A_1017 = arith.minimumf %get3A_1012, %gather3A_910 : vector<16xf32>
      %min3A_1018 = arith.minimumf %get3A_1014, %gather3A_911 : vector<16xf32>
      %sub3A_1019 = arith.subf %min3A_1017, %max3A_1015 : vector<16xf32>
      %max3A_1020 = arith.constant 0.000000e+00 : f32
      %max3A_1021 = vector.broadcast %max3A_1020 : f32 to vector<16xf32>
      %max3A_1022 = arith.maximumf %sub3A_1019, %max3A_1021 : vector<16xf32>
      %sub3A_1023 = arith.subf %min3A_1018, %max3A_1016 : vector<16xf32>
      %max3A_1024 = arith.constant 0.000000e+00 : f32
      %max3A_1025 = vector.broadcast %max3A_1024 : f32 to vector<16xf32>
      %max3A_1026 = arith.maximumf %sub3A_1023, %max3A_1025 : vector<16xf32>
      %mul3A_1027 = arith.mulf %max3A_1022, %max3A_1026 : vector<16xf32>
      %sub3A_1028 = arith.subf %get3A_1012, %get3A_1008 : vector<16xf32>
      %sub3A_1029 = arith.subf %get3A_1014, %get3A_1010 : vector<16xf32>
      %mul3A_1030 = arith.mulf %sub3A_1028, %sub3A_1029 : vector<16xf32>
      %add3A_1031 = arith.addf %mul3A_913, %mul3A_1030 : vector<16xf32>
      %sub3A_1032 = arith.subf %add3A_1031, %mul3A_1027 : vector<16xf32>
      %add3A_1033 = arith.constant 9.99999993E-9 : f32
      %add3A_1034 = vector.broadcast %add3A_1033 : f32 to vector<16xf32>
      %add3A_1035 = arith.addf %sub3A_1032, %add3A_1034 : vector<16xf32>
      %div3A_1036 = arith.divf %mul3A_1027, %add3A_1035 : vector<16xf32>
      %max3A_1037 = arith.maximumf %max3A_1006, %div3A_1036 : vector<16xf32>
      %gt3A_1038 = arith.cmpf ogt, %max3A_1037, %broadcast_in_dim3A_18 : vector<16xf32>
      %reduce_or3A = arith.constant 1.000000e+00 : f32
      %reduce_or3A_1039 = arith.constant 0.000000e+00 : f32
      %reduce_or3A_1040 = vector.broadcast %reduce_or3A : f32 to vector<16xf32>
      %reduce_or3A_1041 = vector.broadcast %reduce_or3A_1039 : f32 to vector<16xf32>
      %reduce_or3A_1042 = arith.select %gt3A_1038, %reduce_or3A_1040, %reduce_or3A_1041 : vector<16xi1>, vector<16xf32>
      %reduce_or3A_1043 = arith.constant true
      %reduce_or3A_1044 = vector.broadcast %reduce_or3A_1043 : i1 to vector<16xi1>
      %reduce_or3A_1045 = tpu.scan <max>, %reduce_or3A_1042 masked %reduce_or3A_1044 : vector<16xf32>, vector<16xi1> -> vector<16xf32>
      %reduce_or3A_1046 = vector.extract %reduce_or3A_1045[15] : f32 from vector<16xf32>
      %reduce_or3A_1047 = arith.constant 0.000000e+00 : f32
      %reduce_or3A_1048 = arith.cmpf ogt, %reduce_or3A_1046, %reduce_or3A_1047 : f32
      %not3A = arith.constant true
      %not3A_1049 = arith.xori %reduce_or3A_1048, %not3A : i1
      %div3A_1050 = arith.constant 16 : i32
      %div3A_1051 = arith.divsi %while3A_546, %div3A_1050 : i32
      %mul3A_1052 = arith.constant 16 : i32
      %mul3A_1053 = arith.muli %div3A_1051, %mul3A_1052 : i32
      %sub3A_1054 = arith.subi %while3A_546, %mul3A_1053 : i32
      %eq3A_1055 = vector.broadcast %sub3A_1054 : i32 to vector<16xi32>
      %eq3A_1056 = arith.cmpi eq, %iota3A, %eq3A_1055 : vector<16xi32>
      %broadcast_in_dim3A_1057 = vector.broadcast %not3A_1049 : i1 to vector<16xi1>
      %and3A = arith.andi %eq3A_1056, %broadcast_in_dim3A_1057 : vector<16xi1>
      %get3A_1058 = arith.index_cast %mul3A_1053 : i32 to index
      %get3A_1059 = tpu.vector_load %arg17[%get3A_1058] {strides = array<i32>} : memref<64xf32, #tpu.memory_space<vmem>>, vector<16xf32>,
      %select_n3A_1060 = arith.select %and3A, %gather3A_908, %get3A_1059 : vector<16xi1>, vector<16xf32>
      %swap3A_1061 = arith.index_cast %mul3A_1053 : i32 to index
      %swap3A_1062 = tpu.vector_load %arg17[%swap3A_1061] {strides = array<i32>} : memref<64xf32, #tpu.memory_space<vmem>>, vector<16xf32>,
      tpu.vector_store %arg17[%swap3A_1061], %select_n3A_1060 {strides = array<i32>} : memref<64xf32, #tpu.memory_space<vmem>>, vector<16xf32>,
      %get3A_1063 = arith.index_cast %mul3A_1053 : i32 to index
      %get3A_1064 = tpu.vector_load %arg18[%get3A_1063] {strides = array<i32>} : memref<64xf32, #tpu.memory_space<vmem>>, vector<16xf32>,
      %select_n3A_1065 = arith.select %and3A, %gather3A_909, %get3A_1064 : vector<16xi1>, vector<16xf32>
      %swap3A_1066 = arith.index_cast %mul3A_1053 : i32 to index
      %swap3A_1067 = tpu.vector_load %arg18[%swap3A_1066] {strides = array<i32>} : memref<64xf32, #tpu.memory_space<vmem>>, vector<16xf32>,
      tpu.vector_store %arg18[%swap3A_1066], %select_n3A_1065 {strides = array<i32>} : memref<64xf32, #tpu.memory_space<vmem>>, vector<16xf32>,
      %get3A_1068 = arith.index_cast %mul3A_1053 : i32 to index
      %get3A_1069 = tpu.vector_load %arg19[%get3A_1068] {strides = array<i32>} : memref<64xf32, #tpu.memory_space<vmem>>, vector<16xf32>,
      %select_n3A_1070 = arith.select %and3A, %gather3A_910, %get3A_1069 : vector<16xi1>, vector<16xf32>
      %swap3A_1071 = arith.index_cast %mul3A_1053 : i32 to index
      %swap3A_1072 = tpu.vector_load %arg19[%swap3A_1071] {strides = array<i32>} : memref<64xf32, #tpu.memory_space<vmem>>, vector<16xf32>,
      tpu.vector_store %arg19[%swap3A_1071], %select_n3A_1070 {strides = array<i32>} : memref<64xf32, #tpu.memory_space<vmem>>, vector<16xf32>,
      %get3A_1073 = arith.index_cast %mul3A_1053 : i32 to index
      %get3A_1074 = tpu.vector_load %arg20[%get3A_1073] {strides = array<i32>} : memref<64xf32, #tpu.memory_space<vmem>>, vector<16xf32>,
      %select_n3A_1075 = arith.select %and3A, %gather3A_911, %get3A_1074 : vector<16xi1>, vector<16xf32>
      %swap3A_1076 = arith.index_cast %mul3A_1053 : i32 to index
      %swap3A_1077 = tpu.vector_load %arg20[%swap3A_1076] {strides = array<i32>} : memref<64xf32, #tpu.memory_space<vmem>>, vector<16xf32>,
      tpu.vector_store %arg20[%swap3A_1076], %select_n3A_1075 {strides = array<i32>} : memref<64xf32, #tpu.memory_space<vmem>>, vector<16xf32>,
      %get3A_1078 = arith.index_cast %mul3A_1053 : i32 to index
      %get3A_1079 = tpu.vector_load %arg21[%get3A_1078] {strides = array<i32>} : memref<64xf32, #tpu.memory_space<vmem>>, vector<16xf32>,
      %select_n3A_1080 = arith.select %and3A, %while3A_547, %get3A_1079 : vector<16xi1>, vector<16xf32>
      %swap3A_1081 = arith.index_cast %mul3A_1053 : i32 to index
      %swap3A_1082 = tpu.vector_load %arg21[%swap3A_1081] {strides = array<i32>} : memref<64xf32, #tpu.memory_space<vmem>>, vector<16xf32>,
      tpu.vector_store %arg21[%swap3A_1081], %select_n3A_1080 {strides = array<i32>} : memref<64xf32, #tpu.memory_space<vmem>>, vector<16xf32>,
      %convert_element_type3A_1083 = arith.extui %not3A_1049 : i1 to i32
      %add3A_1084 = arith.addi %while3A_546, %convert_element_type3A_1083 : i32
      scf.yield %add3A_1084, %max3A_906 : i32, vector<16xf32>
    }
    %get3A_210 = arith.constant 0 : index
    %get3A_211 = tpu.vector_load %arg21[%get3A_210] {strides = array<i32>} : memref<64xf32, #tpu.memory_space<vmem>>, vector<16xf32>,
    %swap3A_212 = arith.constant 0 : index
    %swap3A_213 = tpu.vector_load %arg27[%swap3A_212] {strides = array<i32>} : memref<320xf32, #tpu.memory_space<vmem>>, vector<16xf32>,
    tpu.vector_store %arg27[%swap3A_212], %get3A_211 {strides = array<i32>} : memref<320xf32, #tpu.memory_space<vmem>>, vector<16xf32>,
    %get3A_214 = arith.constant 16 : index
    %get3A_215 = tpu.vector_load %arg21[%get3A_214] {strides = array<i32>} : memref<64xf32, #tpu.memory_space<vmem>>, vector<16xf32>,
    %swap3A_216 = arith.constant 16 : index
    %swap3A_217 = tpu.vector_load %arg27[%swap3A_216] {strides = array<i32>} : memref<320xf32, #tpu.memory_space<vmem>>, vector<16xf32>,
    tpu.vector_store %arg27[%swap3A_216], %get3A_215 {strides = array<i32>} : memref<320xf32, #tpu.memory_space<vmem>>, vector<16xf32>,
    %get3A_218 = arith.constant 32 : index
    %get3A_219 = tpu.vector_load %arg21[%get3A_218] {strides = array<i32>} : memref<64xf32, #tpu.memory_space<vmem>>, vector<16xf32>,
    %swap3A_220 = arith.constant 32 : index
    %swap3A_221 = tpu.vector_load %arg27[%swap3A_220] {strides = array<i32>} : memref<320xf32, #tpu.memory_space<vmem>>, vector<16xf32>,
    tpu.vector_store %arg27[%swap3A_220], %get3A_219 {strides = array<i32>} : memref<320xf32, #tpu.memory_space<vmem>>, vector<16xf32>,
    %get3A_222 = arith.constant 48 : index
    %get3A_223 = tpu.vector_load %arg21[%get3A_222] {strides = array<i32>} : memref<64xf32, #tpu.memory_space<vmem>>, vector<16xf32>,
    %swap3A_224 = arith.constant 48 : index
    %swap3A_225 = tpu.vector_load %arg27[%swap3A_224] {strides = array<i32>} : memref<320xf32, #tpu.memory_space<vmem>>, vector<16xf32>,
    tpu.vector_store %arg27[%swap3A_224], %get3A_223 {strides = array<i32>} : memref<320xf32, #tpu.memory_space<vmem>>, vector<16xf32>,
    %get3A_226 = arith.constant 0 : index
    %get3A_227 = tpu.vector_load %arg17[%get3A_226] {strides = array<i32>} : memref<64xf32, #tpu.memory_space<vmem>>, vector<16xf32>,
    %swap3A_228 = arith.constant 64 : index
    %swap3A_229 = tpu.vector_load %arg27[%swap3A_228] {strides = array<i32>} : memref<320xf32, #tpu.memory_space<vmem>>, vector<16xf32>,
    tpu.vector_store %arg27[%swap3A_228], %get3A_227 {strides = array<i32>} : memref<320xf32, #tpu.memory_space<vmem>>, vector<16xf32>,
    %get3A_230 = arith.constant 16 : index
    %get3A_231 = tpu.vector_load %arg17[%get3A_230] {strides = array<i32>} : memref<64xf32, #tpu.memory_space<vmem>>, vector<16xf32>,
    %swap3A_232 = arith.constant 80 : index
    %swap3A_233 = tpu.vector_load %arg27[%swap3A_232] {strides = array<i32>} : memref<320xf32, #tpu.memory_space<vmem>>, vector<16xf32>,
    tpu.vector_store %arg27[%swap3A_232], %get3A_231 {strides = array<i32>} : memref<320xf32, #tpu.memory_space<vmem>>, vector<16xf32>,
    %get3A_234 = arith.constant 32 : index
    %get3A_235 = tpu.vector_load %arg17[%get3A_234] {strides = array<i32>} : memref<64xf32, #tpu.memory_space<vmem>>, vector<16xf32>,
    %swap3A_236 = arith.constant 96 : index
    %swap3A_237 = tpu.vector_load %arg27[%swap3A_236] {strides = array<i32>} : memref<320xf32, #tpu.memory_space<vmem>>, vector<16xf32>,
    tpu.vector_store %arg27[%swap3A_236], %get3A_235 {strides = array<i32>} : memref<320xf32, #tpu.memory_space<vmem>>, vector<16xf32>,
    %get3A_238 = arith.constant 48 : index
    %get3A_239 = tpu.vector_load %arg17[%get3A_238] {strides = array<i32>} : memref<64xf32, #tpu.memory_space<vmem>>, vector<16xf32>,
    %swap3A_240 = arith.constant 112 : index
    %swap3A_241 = tpu.vector_load %arg27[%swap3A_240] {strides = array<i32>} : memref<320xf32, #tpu.memory_space<vmem>>, vector<16xf32>,
    tpu.vector_store %arg27[%swap3A_240], %get3A_239 {strides = array<i32>} : memref<320xf32, #tpu.memory_space<vmem>>, vector<16xf32>,
    %get3A_242 = arith.constant 0 : index
    %get3A_243 = tpu.vector_load %arg18[%get3A_242] {strides = array<i32>} : memref<64xf32, #tpu.memory_space<vmem>>, vector<16xf32>,
    %swap3A_244 = arith.constant 128 : index
    %swap3A_245 = tpu.vector_load %arg27[%swap3A_244] {strides = array<i32>} : memref<320xf32, #tpu.memory_space<vmem>>, vector<16xf32>,
    tpu.vector_store %arg27[%swap3A_244], %get3A_243 {strides = array<i32>} : memref<320xf32, #tpu.memory_space<vmem>>, vector<16xf32>,
    %get3A_246 = arith.constant 16 : index
    %get3A_247 = tpu.vector_load %arg18[%get3A_246] {strides = array<i32>} : memref<64xf32, #tpu.memory_space<vmem>>, vector<16xf32>,
    %swap3A_248 = arith.constant 144 : index
    %swap3A_249 = tpu.vector_load %arg27[%swap3A_248] {strides = array<i32>} : memref<320xf32, #tpu.memory_space<vmem>>, vector<16xf32>,
    tpu.vector_store %arg27[%swap3A_248], %get3A_247 {strides = array<i32>} : memref<320xf32, #tpu.memory_space<vmem>>, vector<16xf32>,
    %get3A_250 = arith.constant 32 : index
    %get3A_251 = tpu.vector_load %arg18[%get3A_250] {strides = array<i32>} : memref<64xf32, #tpu.memory_space<vmem>>, vector<16xf32>,
    %swap3A_252 = arith.constant 160 : index
    %swap3A_253 = tpu.vector_load %arg27[%swap3A_252] {strides = array<i32>} : memref<320xf32, #tpu.memory_space<vmem>>, vector<16xf32>,
    tpu.vector_store %arg27[%swap3A_252], %get3A_251 {strides = array<i32>} : memref<320xf32, #tpu.memory_space<vmem>>, vector<16xf32>,
    %get3A_254 = arith.constant 48 : index
    %get3A_255 = tpu.vector_load %arg18[%get3A_254] {strides = array<i32>} : memref<64xf32, #tpu.memory_space<vmem>>, vector<16xf32>,
    %swap3A_256 = arith.constant 176 : index
    %swap3A_257 = tpu.vector_load %arg27[%swap3A_256] {strides = array<i32>} : memref<320xf32, #tpu.memory_space<vmem>>, vector<16xf32>,
    tpu.vector_store %arg27[%swap3A_256], %get3A_255 {strides = array<i32>} : memref<320xf32, #tpu.memory_space<vmem>>, vector<16xf32>,
    %get3A_258 = arith.constant 0 : index
    %get3A_259 = tpu.vector_load %arg19[%get3A_258] {strides = array<i32>} : memref<64xf32, #tpu.memory_space<vmem>>, vector<16xf32>,
    %swap3A_260 = arith.constant 192 : index
    %swap3A_261 = tpu.vector_load %arg27[%swap3A_260] {strides = array<i32>} : memref<320xf32, #tpu.memory_space<vmem>>, vector<16xf32>,
    tpu.vector_store %arg27[%swap3A_260], %get3A_259 {strides = array<i32>} : memref<320xf32, #tpu.memory_space<vmem>>, vector<16xf32>,
    %get3A_262 = arith.constant 16 : index
    %get3A_263 = tpu.vector_load %arg19[%get3A_262] {strides = array<i32>} : memref<64xf32, #tpu.memory_space<vmem>>, vector<16xf32>,
    %swap3A_264 = arith.constant 208 : index
    %swap3A_265 = tpu.vector_load %arg27[%swap3A_264] {strides = array<i32>} : memref<320xf32, #tpu.memory_space<vmem>>, vector<16xf32>,
    tpu.vector_store %arg27[%swap3A_264], %get3A_263 {strides = array<i32>} : memref<320xf32, #tpu.memory_space<vmem>>, vector<16xf32>,
    %get3A_266 = arith.constant 32 : index
    %get3A_267 = tpu.vector_load %arg19[%get3A_266] {strides = array<i32>} : memref<64xf32, #tpu.memory_space<vmem>>, vector<16xf32>,
    %swap3A_268 = arith.constant 224 : index
    %swap3A_269 = tpu.vector_load %arg27[%swap3A_268] {strides = array<i32>} : memref<320xf32, #tpu.memory_space<vmem>>, vector<16xf32>,
    tpu.vector_store %arg27[%swap3A_268], %get3A_267 {strides = array<i32>} : memref<320xf32, #tpu.memory_space<vmem>>, vector<16xf32>,
    %get3A_270 = arith.constant 48 : index
    %get3A_271 = tpu.vector_load %arg19[%get3A_270] {strides = array<i32>} : memref<64xf32, #tpu.memory_space<vmem>>, vector<16xf32>,
    %swap3A_272 = arith.constant 240 : index
    %swap3A_273 = tpu.vector_load %arg27[%swap3A_272] {strides = array<i32>} : memref<320xf32, #tpu.memory_space<vmem>>, vector<16xf32>,
    tpu.vector_store %arg27[%swap3A_272], %get3A_271 {strides = array<i32>} : memref<320xf32, #tpu.memory_space<vmem>>, vector<16xf32>,
    %get3A_274 = arith.constant 0 : index
    %get3A_275 = tpu.vector_load %arg20[%get3A_274] {strides = array<i32>} : memref<64xf32, #tpu.memory_space<vmem>>, vector<16xf32>,
    %swap3A_276 = arith.constant 256 : index
    %swap3A_277 = tpu.vector_load %arg27[%swap3A_276] {strides = array<i32>} : memref<320xf32, #tpu.memory_space<vmem>>, vector<16xf32>,
    tpu.vector_store %arg27[%swap3A_276], %get3A_275 {strides = array<i32>} : memref<320xf32, #tpu.memory_space<vmem>>, vector<16xf32>,
    %get3A_278 = arith.constant 16 : index
    %get3A_279 = tpu.vector_load %arg20[%get3A_278] {strides = array<i32>} : memref<64xf32, #tpu.memory_space<vmem>>, vector<16xf32>,
    %swap3A_280 = arith.constant 272 : index
    %swap3A_281 = tpu.vector_load %arg27[%swap3A_280] {strides = array<i32>} : memref<320xf32, #tpu.memory_space<vmem>>, vector<16xf32>,
    tpu.vector_store %arg27[%swap3A_280], %get3A_279 {strides = array<i32>} : memref<320xf32, #tpu.memory_space<vmem>>, vector<16xf32>,
    %get3A_282 = arith.constant 32 : index
    %get3A_283 = tpu.vector_load %arg20[%get3A_282] {strides = array<i32>} : memref<64xf32, #tpu.memory_space<vmem>>, vector<16xf32>,
    %swap3A_284 = arith.constant 288 : index
    %swap3A_285 = tpu.vector_load %arg27[%swap3A_284] {strides = array<i32>} : memref<320xf32, #tpu.memory_space<vmem>>, vector<16xf32>,
    tpu.vector_store %arg27[%swap3A_284], %get3A_283 {strides = array<i32>} : memref<320xf32, #tpu.memory_space<vmem>>, vector<16xf32>,
    %get3A_286 = arith.constant 48 : index
    %get3A_287 = tpu.vector_load %arg20[%get3A_286] {strides = array<i32>} : memref<64xf32, #tpu.memory_space<vmem>>, vector<16xf32>,
    %swap3A_288 = arith.constant 304 : index
    %swap3A_289 = tpu.vector_load %arg27[%swap3A_288] {strides = array<i32>} : memref<320xf32, #tpu.memory_space<vmem>>, vector<16xf32>,
    tpu.vector_store %arg27[%swap3A_288], %get3A_287 {strides = array<i32>} : memref<320xf32, #tpu.memory_space<vmem>>, vector<16xf32>,
    %dma_start3A_290 = arith.constant 0 : i32
    %dma_start3A_291 = tpu.memref_slice %arg6[%add3A, %dma_start3A_290] : memref<80x320xf32, #tpu.memory_space<hbm>> -> memref<1x320xf32, #tpu.memory_space<hbm>>
    %dma_start3A_292 = tpu.memref_squeeze %dma_start3A_291 : memref<1x320xf32, #tpu.memory_space<hbm>> -> memref<320xf32, #tpu.memory_space<hbm>>
    %dma_start3A_293 = arith.constant 0 : i32
    %dma_start3A_294 = tpu.memref_slice %arg6[%add3A, %dma_start3A_293] : memref<80x320xf32, #tpu.memory_space<hbm>> -> memref<1x320xf32, #tpu.memory_space<hbm>>
    %dma_start3A_295 = tpu.memref_squeeze %dma_start3A_294 : memref<1x320xf32, #tpu.memory_space<hbm>> -> memref<320xf32, #tpu.memory_space<hbm>>
    tpu.enqueue_dma source(%arg27 : memref<320xf32, #tpu.memory_space<vmem>>) target(%dma_start3A_295 : memref<320xf32, #tpu.memory_space<hbm>>) target_semaphore(%arg33 : memref<!tpu.dma_semaphore, #tpu.memory_space<semaphore_mem>>)
    %add3A_296 = arith.constant 64 : i32
    %add3A_297 = arith.addi %add3A, %add3A_296 : i32
    %lt3A_298 = arith.constant 80 : i32
    %lt3A_299 = arith.cmpi slt, %add3A_297, %lt3A_298 : i32
    %add3A_300 = arith.constant 64 : i32
    %add3A_301 = arith.addi %add3A, %add3A_300 : i32
    %min3A = arith.constant 79 : i32
    %min3A_302 = arith.minsi %add3A_301, %min3A : i32
    %dma_start3A_303 = arith.constant 0 : i32
    %dma_start3A_304 = tpu.memref_slice %arg2[%min3A_302, %dma_start3A_303] : memref<80x20000xf32, #tpu.memory_space<hbm>> -> memref<1x20000xf32, #tpu.memory_space<hbm>>
    %dma_start3A_305 = tpu.memref_squeeze %dma_start3A_304 : memref<1x20000xf32, #tpu.memory_space<hbm>> -> memref<20000xf32, #tpu.memory_space<hbm>>
    %dma_start3A_306 = arith.constant 0 : i32
    %dma_start3A_307 = tpu.memref_slice %arg2[%min3A_302, %dma_start3A_306] : memref<80x20000xf32, #tpu.memory_space<hbm>> -> memref<1x20000xf32, #tpu.memory_space<hbm>>
    %dma_start3A_308 = tpu.memref_squeeze %dma_start3A_307 : memref<1x20000xf32, #tpu.memory_space<hbm>> -> memref<20000xf32, #tpu.memory_space<hbm>>
    tpu.enqueue_dma source(%dma_start3A_308 : memref<20000xf32, #tpu.memory_space<hbm>>) target(%arg7 : memref<20000xf32, #tpu.memory_space<vmem>>) target_semaphore(%arg31 : memref<!tpu.dma_semaphore, #tpu.memory_space<semaphore_mem>>)
    %dma_start3A_309 = arith.constant 0 : i32
    %dma_start3A_310 = tpu.memref_slice %arg3[%min3A_302, %dma_start3A_309] : memref<80x160xf32, #tpu.memory_space<hbm>> -> memref<1x160xf32, #tpu.memory_space<hbm>>
    %dma_start3A_311 = tpu.memref_squeeze %dma_start3A_310 : memref<1x160xf32, #tpu.memory_space<hbm>> -> memref<160xf32, #tpu.memory_space<hbm>>
    %dma_start3A_312 = arith.constant 0 : i32
    %dma_start3A_313 = tpu.memref_slice %arg3[%min3A_302, %dma_start3A_312] : memref<80x160xf32, #tpu.memory_space<hbm>> -> memref<1x160xf32, #tpu.memory_space<hbm>>
    %dma_start3A_314 = tpu.memref_squeeze %dma_start3A_313 : memref<1x160xf32, #tpu.memory_space<hbm>> -> memref<160xf32, #tpu.memory_space<hbm>>
    tpu.enqueue_dma source(%dma_start3A_314 : memref<160xf32, #tpu.memory_space<hbm>>) target(%arg9 : memref<160xf32, #tpu.memory_space<vmem>>) target_semaphore(%arg31 : memref<!tpu.dma_semaphore, #tpu.memory_space<semaphore_mem>>)
    %dma_start3A_315 = arith.constant 0 : i32
    %dma_start3A_316 = tpu.memref_slice %arg4[%min3A_302, %dma_start3A_315] : memref<80x16xf32, #tpu.memory_space<hbm>> -> memref<1x16xf32, #tpu.memory_space<hbm>>
    %dma_start3A_317 = tpu.memref_squeeze %dma_start3A_316 : memref<1x16xf32, #tpu.memory_space<hbm>> -> memref<16xf32, #tpu.memory_space<hbm>>
    %dma_start3A_318 = arith.constant 0 : i32
    %dma_start3A_319 = tpu.memref_slice %arg4[%min3A_302, %dma_start3A_318] : memref<80x16xf32, #tpu.memory_space<hbm>> -> memref<1x16xf32, #tpu.memory_space<hbm>>
    %dma_start3A_320 = tpu.memref_squeeze %dma_start3A_319 : memref<1x16xf32, #tpu.memory_space<hbm>> -> memref<16xf32, #tpu.memory_space<hbm>>
    tpu.enqueue_dma source(%dma_start3A_320 : memref<16xf32, #tpu.memory_space<hbm>>) target(%arg11 : memref<16xf32, #tpu.memory_space<vmem>>) target_semaphore(%arg31 : memref<!tpu.dma_semaphore, #tpu.memory_space<semaphore_mem>>)
    %dma_wait3A_321 = arith.constant 0 : i32
    %dma_wait3A_322 = tpu.memref_slice %arg2[%add3A_65, %dma_wait3A_321] : memref<80x20000xf32, #tpu.memory_space<hbm>> -> memref<1x20000xf32, #tpu.memory_space<hbm>>
    %dma_wait3A_323 = tpu.memref_squeeze %dma_wait3A_322 : memref<1x20000xf32, #tpu.memory_space<hbm>> -> memref<20000xf32, #tpu.memory_space<hbm>>
    %dma_wait3A_324 = arith.constant 0 : i32
    %dma_wait3A_325 = tpu.memref_slice %arg2[%add3A_65, %dma_wait3A_324] : memref<80x20000xf32, #tpu.memory_space<hbm>> -> memref<1x20000xf32, #tpu.memory_space<hbm>>
    %dma_wait3A_326 = tpu.memref_squeeze %dma_wait3A_325 : memref<1x20000xf32, #tpu.memory_space<hbm>> -> memref<20000xf32, #tpu.memory_space<hbm>>
    tpu.wait_dma2 semaphore(%arg32 : memref<!tpu.dma_semaphore, #tpu.memory_space<semaphore_mem>>) src(%dma_wait3A_326 : memref<20000xf32, #tpu.memory_space<hbm>>) dst(%arg8 : memref<20000xf32, #tpu.memory_space<vmem>>)
    %dma_wait3A_327 = arith.constant 0 : i32
    %dma_wait3A_328 = tpu.memref_slice %arg3[%add3A_65, %dma_wait3A_327] : memref<80x160xf32, #tpu.memory_space<hbm>> -> memref<1x160xf32, #tpu.memory_space<hbm>>
    %dma_wait3A_329 = tpu.memref_squeeze %dma_wait3A_328 : memref<1x160xf32, #tpu.memory_space<hbm>> -> memref<160xf32, #tpu.memory_space<hbm>>
    %dma_wait3A_330 = arith.constant 0 : i32
    %dma_wait3A_331 = tpu.memref_slice %arg3[%add3A_65, %dma_wait3A_330] : memref<80x160xf32, #tpu.memory_space<hbm>> -> memref<1x160xf32, #tpu.memory_space<hbm>>
    %dma_wait3A_332 = tpu.memref_squeeze %dma_wait3A_331 : memref<1x160xf32, #tpu.memory_space<hbm>> -> memref<160xf32, #tpu.memory_space<hbm>>
    tpu.wait_dma2 semaphore(%arg32 : memref<!tpu.dma_semaphore, #tpu.memory_space<semaphore_mem>>) src(%dma_wait3A_332 : memref<160xf32, #tpu.memory_space<hbm>>) dst(%arg10 : memref<160xf32, #tpu.memory_space<vmem>>)
    %dma_wait3A_333 = arith.constant 0 : i32
    %dma_wait3A_334 = tpu.memref_slice %arg4[%add3A_65, %dma_wait3A_333] : memref<80x16xf32, #tpu.memory_space<hbm>> -> memref<1x16xf32, #tpu.memory_space<hbm>>
    %dma_wait3A_335 = tpu.memref_squeeze %dma_wait3A_334 : memref<1x16xf32, #tpu.memory_space<hbm>> -> memref<16xf32, #tpu.memory_space<hbm>>
    %dma_wait3A_336 = arith.constant 0 : i32
    %dma_wait3A_337 = tpu.memref_slice %arg4[%add3A_65, %dma_wait3A_336] : memref<80x16xf32, #tpu.memory_space<hbm>> -> memref<1x16xf32, #tpu.memory_space<hbm>>
    %dma_wait3A_338 = tpu.memref_squeeze %dma_wait3A_337 : memref<1x16xf32, #tpu.memory_space<hbm>> -> memref<16xf32, #tpu.memory_space<hbm>>
    tpu.wait_dma2 semaphore(%arg32 : memref<!tpu.dma_semaphore, #tpu.memory_space<semaphore_mem>>) src(%dma_wait3A_338 : memref<16xf32, #tpu.memory_space<hbm>>) dst(%arg12 : memref<16xf32, #tpu.memory_space<vmem>>)
    %add3A_339 = arith.constant 32 : i32
    %add3A_340 = arith.addi %add3A, %add3A_339 : i32
    %swap3A_341 = arith.constant 0 : index
    %swap3A_342 = tpu.vector_load %arg17[%swap3A_341] {strides = array<i32>} : memref<64xf32, #tpu.memory_space<vmem>>, vector<16xf32>,
    tpu.vector_store %arg17[%swap3A_341], %broadcast_in_dim3A_12 {strides = array<i32>} : memref<64xf32, #tpu.memory_space<vmem>>, vector<16xf32>,
    %swap3A_343 = arith.constant 16 : index
    %swap3A_344 = tpu.vector_load %arg17[%swap3A_343] {strides = array<i32>} : memref<64xf32, #tpu.memory_space<vmem>>, vector<16xf32>,
    tpu.vector_store %arg17[%swap3A_343], %broadcast_in_dim3A_12 {strides = array<i32>} : memref<64xf32, #tpu.memory_space<vmem>>, vector<16xf32>,
    %swap3A_345 = arith.constant 32 : index
    %swap3A_346 = tpu.vector_load %arg17[%swap3A_345] {strides = array<i32>} : memref<64xf32, #tpu.memory_space<vmem>>, vector<16xf32>,
    tpu.vector_store %arg17[%swap3A_345], %broadcast_in_dim3A_12 {strides = array<i32>} : memref<64xf32, #tpu.memory_space<vmem>>, vector<16xf32>,
    %swap3A_347 = arith.constant 48 : index
    %swap3A_348 = tpu.vector_load %arg17[%swap3A_347] {strides = array<i32>} : memref<64xf32, #tpu.memory_space<vmem>>, vector<16xf32>,
    tpu.vector_store %arg17[%swap3A_347], %broadcast_in_dim3A_12 {strides = array<i32>} : memref<64xf32, #tpu.memory_space<vmem>>, vector<16xf32>,
    %swap3A_349 = arith.constant 0 : index
    %swap3A_350 = tpu.vector_load %arg18[%swap3A_349] {strides = array<i32>} : memref<64xf32, #tpu.memory_space<vmem>>, vector<16xf32>,
    tpu.vector_store %arg18[%swap3A_349], %broadcast_in_dim3A_12 {strides = array<i32>} : memref<64xf32, #tpu.memory_space<vmem>>, vector<16xf32>,
    %swap3A_351 = arith.constant 16 : index
    %swap3A_352 = tpu.vector_load %arg18[%swap3A_351] {strides = array<i32>} : memref<64xf32, #tpu.memory_space<vmem>>, vector<16xf32>,
    tpu.vector_store %arg18[%swap3A_351], %broadcast_in_dim3A_12 {strides = array<i32>} : memref<64xf32, #tpu.memory_space<vmem>>, vector<16xf32>,
    %swap3A_353 = arith.constant 32 : index
    %swap3A_354 = tpu.vector_load %arg18[%swap3A_353] {strides = array<i32>} : memref<64xf32, #tpu.memory_space<vmem>>, vector<16xf32>,
    tpu.vector_store %arg18[%swap3A_353], %broadcast_in_dim3A_12 {strides = array<i32>} : memref<64xf32, #tpu.memory_space<vmem>>, vector<16xf32>,
    %swap3A_355 = arith.constant 48 : index
    %swap3A_356 = tpu.vector_load %arg18[%swap3A_355] {strides = array<i32>} : memref<64xf32, #tpu.memory_space<vmem>>, vector<16xf32>,
    tpu.vector_store %arg18[%swap3A_355], %broadcast_in_dim3A_12 {strides = array<i32>} : memref<64xf32, #tpu.memory_space<vmem>>, vector<16xf32>,
    %swap3A_357 = arith.constant 0 : index
    %swap3A_358 = tpu.vector_load %arg19[%swap3A_357] {strides = array<i32>} : memref<64xf32, #tpu.memory_space<vmem>>, vector<16xf32>,
    tpu.vector_store %arg19[%swap3A_357], %broadcast_in_dim3A_12 {strides = array<i32>} : memref<64xf32, #tpu.memory_space<vmem>>, vector<16xf32>,
    %swap3A_359 = arith.constant 16 : index
    %swap3A_360 = tpu.vector_load %arg19[%swap3A_359] {strides = array<i32>} : memref<64xf32, #tpu.memory_space<vmem>>, vector<16xf32>,
    tpu.vector_store %arg19[%swap3A_359], %broadcast_in_dim3A_12 {strides = array<i32>} : memref<64xf32, #tpu.memory_space<vmem>>, vector<16xf32>,
    %swap3A_361 = arith.constant 32 : index
    %swap3A_362 = tpu.vector_load %arg19[%swap3A_361] {strides = array<i32>} : memref<64xf32, #tpu.memory_space<vmem>>, vector<16xf32>,
    tpu.vector_store %arg19[%swap3A_361], %broadcast_in_dim3A_12 {strides = array<i32>} : memref<64xf32, #tpu.memory_space<vmem>>, vector<16xf32>,
    %swap3A_363 = arith.constant 48 : index
    %swap3A_364 = tpu.vector_load %arg19[%swap3A_363] {strides = array<i32>} : memref<64xf32, #tpu.memory_space<vmem>>, vector<16xf32>,
    tpu.vector_store %arg19[%swap3A_363], %broadcast_in_dim3A_12 {strides = array<i32>} : memref<64xf32, #tpu.memory_space<vmem>>, vector<16xf32>,
    %swap3A_365 = arith.constant 0 : index
    %swap3A_366 = tpu.vector_load %arg20[%swap3A_365] {strides = array<i32>} : memref<64xf32, #tpu.memory_space<vmem>>, vector<16xf32>,
    tpu.vector_store %arg20[%swap3A_365], %broadcast_in_dim3A_12 {strides = array<i32>} : memref<64xf32, #tpu.memory_space<vmem>>, vector<16xf32>,
    %swap3A_367 = arith.constant 16 : index
    %swap3A_368 = tpu.vector_load %arg20[%swap3A_367] {strides = array<i32>} : memref<64xf32, #tpu.memory_space<vmem>>, vector<16xf32>,
    tpu.vector_store %arg20[%swap3A_367], %broadcast_in_dim3A_12 {strides = array<i32>} : memref<64xf32, #tpu.memory_space<vmem>>, vector<16xf32>,
    %swap3A_369 = arith.constant 32 : index
    %swap3A_370 = tpu.vector_load %arg20[%swap3A_369] {strides = array<i32>} : memref<64xf32, #tpu.memory_space<vmem>>, vector<16xf32>,
    tpu.vector_store %arg20[%swap3A_369], %broadcast_in_dim3A_12 {strides = array<i32>} : memref<64xf32, #tpu.memory_space<vmem>>, vector<16xf32>,
    %swap3A_371 = arith.constant 48 : index
    %swap3A_372 = tpu.vector_load %arg20[%swap3A_371] {strides = array<i32>} : memref<64xf32, #tpu.memory_space<vmem>>, vector<16xf32>,
    tpu.vector_store %arg20[%swap3A_371], %broadcast_in_dim3A_12 {strides = array<i32>} : memref<64xf32, #tpu.memory_space<vmem>>, vector<16xf32>,
    %swap3A_373 = arith.constant 0 : index
    %swap3A_374 = tpu.vector_load %arg21[%swap3A_373] {strides = array<i32>} : memref<64xf32, #tpu.memory_space<vmem>>, vector<16xf32>,
    tpu.vector_store %arg21[%swap3A_373], %broadcast_in_dim3A_12 {strides = array<i32>} : memref<64xf32, #tpu.memory_space<vmem>>, vector<16xf32>,
    %swap3A_375 = arith.constant 16 : index
    %swap3A_376 = tpu.vector_load %arg21[%swap3A_375] {strides = array<i32>} : memref<64xf32, #tpu.memory_space<vmem>>, vector<16xf32>,
    tpu.vector_store %arg21[%swap3A_375], %broadcast_in_dim3A_12 {strides = array<i32>} : memref<64xf32, #tpu.memory_space<vmem>>, vector<16xf32>,
    %swap3A_377 = arith.constant 32 : index
    %swap3A_378 = tpu.vector_load %arg21[%swap3A_377] {strides = array<i32>} : memref<64xf32, #tpu.memory_space<vmem>>, vector<16xf32>,
    tpu.vector_store %arg21[%swap3A_377], %broadcast_in_dim3A_12 {strides = array<i32>} : memref<64xf32, #tpu.memory_space<vmem>>, vector<16xf32>,
    %swap3A_379 = arith.constant 48 : index
    %swap3A_380 = tpu.vector_load %arg21[%swap3A_379] {strides = array<i32>} : memref<64xf32, #tpu.memory_space<vmem>>, vector<16xf32>,
    tpu.vector_store %arg21[%swap3A_379], %broadcast_in_dim3A_12 {strides = array<i32>} : memref<64xf32, #tpu.memory_space<vmem>>, vector<16xf32>,
    %get3A_381 = arith.constant 0 : index
    %get3A_382 = tpu.vector_load %arg12[%get3A_381] {strides = array<i32>} : memref<16xf32, #tpu.memory_space<vmem>>, vector<16xf32>,
    %lt3A_383 = arith.constant 0 : i32
    %lt3A_384 = vector.broadcast %lt3A_383 : i32 to vector<16xi32>
    %lt3A_385 = arith.cmpi slt, %xor3A_2, %lt3A_384 : vector<16xi32>
    %add3A_386 = arith.constant 16 : i32
    %add3A_387 = vector.broadcast %add3A_386 : i32 to vector<16xi32>
    %add3A_388 = arith.addi %xor3A_2, %add3A_387 : vector<16xi32>
    %select_n3A_389 = arith.select %lt3A_385, %add3A_388, %xor3A_2 : vector<16xi1>, vector<16xi32>
    %broadcast_in_dim3A_390 = vector.shape_cast %select_n3A_389 : vector<16xi32> to vector<16x1xi32>
    %gather3A_391 = vector.shape_cast %broadcast_in_dim3A_390 : vector<16x1xi32> to vector<16xi32>
    %gather3A_392 = tpu.dynamic_gather %get3A_382[%gather3A_391] in [0] : vector<16xf32>, vector<16xi32> -> vector<16xf32>
    %max3A_393 = arith.maximumf %get3A_382, %gather3A_392 : vector<16xf32>
    %lt3A_394 = arith.constant 0 : i32
    %lt3A_395 = vector.broadcast %lt3A_394 : i32 to vector<16xi32>
    %lt3A_396 = arith.cmpi slt, %xor3A_5, %lt3A_395 : vector<16xi32>
    %add3A_397 = arith.constant 16 : i32
    %add3A_398 = vector.broadcast %add3A_397 : i32 to vector<16xi32>
    %add3A_399 = arith.addi %xor3A_5, %add3A_398 : vector<16xi32>
    %select_n3A_400 = arith.select %lt3A_396, %add3A_399, %xor3A_5 : vector<16xi1>, vector<16xi32>
    %broadcast_in_dim3A_401 = vector.shape_cast %select_n3A_400 : vector<16xi32> to vector<16x1xi32>
    %gather3A_402 = vector.shape_cast %broadcast_in_dim3A_401 : vector<16x1xi32> to vector<16xi32>
    %gather3A_403 = tpu.dynamic_gather %max3A_393[%gather3A_402] in [0] : vector<16xf32>, vector<16xi32> -> vector<16xf32>
    %max3A_404 = arith.maximumf %max3A_393, %gather3A_403 : vector<16xf32>
    %lt3A_405 = arith.constant 0 : i32
    %lt3A_406 = vector.broadcast %lt3A_405 : i32 to vector<16xi32>
    %lt3A_407 = arith.cmpi slt, %xor3A_8, %lt3A_406 : vector<16xi32>
    %add3A_408 = arith.constant 16 : i32
    %add3A_409 = vector.broadcast %add3A_408 : i32 to vector<16xi32>
    %add3A_410 = arith.addi %xor3A_8, %add3A_409 : vector<16xi32>
    %select_n3A_411 = arith.select %lt3A_407, %add3A_410, %xor3A_8 : vector<16xi1>, vector<16xi32>
    %broadcast_in_dim3A_412 = vector.shape_cast %select_n3A_411 : vector<16xi32> to vector<16x1xi32>
    %gather3A_413 = vector.shape_cast %broadcast_in_dim3A_412 : vector<16x1xi32> to vector<16xi32>
    %gather3A_414 = tpu.dynamic_gather %max3A_404[%gather3A_413] in [0] : vector<16xf32>, vector<16xi32> -> vector<16xf32>
    %max3A_415 = arith.maximumf %max3A_404, %gather3A_414 : vector<16xf32>
    %lt3A_416 = arith.constant 0 : i32
    %lt3A_417 = vector.broadcast %lt3A_416 : i32 to vector<16xi32>
    %lt3A_418 = arith.cmpi slt, %xor3A_11, %lt3A_417 : vector<16xi32>
    %add3A_419 = arith.constant 16 : i32
    %add3A_420 = vector.broadcast %add3A_419 : i32 to vector<16xi32>
    %add3A_421 = arith.addi %xor3A_11, %add3A_420 : vector<16xi32>
    %select_n3A_422 = arith.select %lt3A_418, %add3A_421, %xor3A_11 : vector<16xi1>, vector<16xi32>
    %broadcast_in_dim3A_423 = vector.shape_cast %select_n3A_422 : vector<16xi32> to vector<16x1xi32>
    %gather3A_424 = vector.shape_cast %broadcast_in_dim3A_423 : vector<16x1xi32> to vector<16xi32>
    %gather3A_425 = tpu.dynamic_gather %max3A_415[%gather3A_424] in [0] : vector<16xf32>, vector<16xi32> -> vector<16xf32>
    %max3A_426 = arith.maximumf %max3A_415, %gather3A_425 : vector<16xf32>
    %while3A_427 = arith.constant 0 : i32
    %while3A_428:2 = scf.while (%while3A_546 = %while3A_427, %while3A_547 = %max3A_426) : (i32, vector<16xf32>) -> (i32, vector<16xf32>) {
      %lt3A_548 = arith.constant 64 : i32
      %lt3A_549 = arith.cmpi slt, %while3A_546, %lt3A_548 : i32
      %gt3A = arith.cmpf ogt, %while3A_547, %broadcast_in_dim3A_16 : vector<16xf32>
      %reduce_or3A = arith.constant 1.000000e+00 : f32
      %reduce_or3A_550 = arith.constant 0.000000e+00 : f32
      %reduce_or3A_551 = vector.broadcast %reduce_or3A : f32 to vector<16xf32>
      %reduce_or3A_552 = vector.broadcast %reduce_or3A_550 : f32 to vector<16xf32>
      %reduce_or3A_553 = arith.select %gt3A, %reduce_or3A_551, %reduce_or3A_552 : vector<16xi1>, vector<16xf32>
      %reduce_or3A_554 = arith.constant true
      %reduce_or3A_555 = vector.broadcast %reduce_or3A_554 : i1 to vector<16xi1>
      %reduce_or3A_556 = tpu.scan <max>, %reduce_or3A_553 masked %reduce_or3A_555 : vector<16xf32>, vector<16xi1> -> vector<16xf32>
      %reduce_or3A_557 = vector.extract %reduce_or3A_556[15] : f32 from vector<16xf32>
      %reduce_or3A_558 = arith.constant 0.000000e+00 : f32
      %reduce_or3A_559 = arith.cmpf ogt, %reduce_or3A_557, %reduce_or3A_558 : f32
      %and3A = arith.andi %lt3A_549, %reduce_or3A_559 : i1
      scf.condition(%and3A) %while3A_546, %while3A_547 : i32, vector<16xf32>
    } do {
    ^bb0(%while3A_546: i32, %while3A_547: vector<16xf32>):
      %get3A_548 = arith.constant 0 : index
      %get3A_549 = tpu.vector_load %arg12[%get3A_548] {strides = array<i32>} : memref<16xf32, #tpu.memory_space<vmem>>, vector<16xf32>,
      %eq3A = arith.cmpf oeq, %get3A_549, %while3A_547 : vector<16xf32>
      %all_reduce_ffs3A = tpu.all_reduce %eq3A {dim = 0 : i64, kind = #tpu.reduction_kind<find_first_set>} : vector<16xi1> -> vector<16xi32>
      %slice3A = vector.extract_strided_slice %all_reduce_ffs3A {offsets = [0], sizes = [1], strides = [1]} : vector<16xi32> to vector<1xi32>
      %squeeze3A = vector.extract %slice3A[0] : i32 from vector<1xi32>
      %mul3A_550 = arith.constant 16 : i32
      %mul3A_551 = arith.muli %squeeze3A, %mul3A_550 : i32
      %get3A_552 = arith.index_cast %mul3A_551 : i32 to index
      %get3A_553 = tpu.vector_load %arg10[%get3A_552] {strides = array<i32>} : memref<160xf32, #tpu.memory_space<vmem>>, vector<16xf32>,
      %eq3A_554 = arith.cmpf oeq, %get3A_553, %while3A_547 : vector<16xf32>
      %all_reduce_ffs3A_555 = tpu.all_reduce %eq3A_554 {dim = 0 : i64, kind = #tpu.reduction_kind<find_first_set>} : vector<16xi1> -> vector<16xi32>
      %slice3A_556 = vector.extract_strided_slice %all_reduce_ffs3A_555 {offsets = [0], sizes = [1], strides = [1]} : vector<16xi32> to vector<1xi32>
      %squeeze3A_557 = vector.extract %slice3A_556[0] : i32 from vector<1xi32>
      %mul3A_558 = arith.constant 16 : i32
      %mul3A_559 = arith.muli %squeeze3A, %mul3A_558 : i32
      %add3A_560 = arith.addi %mul3A_559, %squeeze3A_557 : i32
      %mul3A_561 = arith.constant 128 : i32
      %mul3A_562 = arith.muli %add3A_560, %mul3A_561 : i32
      %eq3A_563 = vector.broadcast %squeeze3A : i32 to vector<16xi32>
      %eq3A_564 = arith.cmpi eq, %iota3A, %eq3A_563 : vector<16xi32>
      %select_n3A_565 = arith.select %eq3A_564, %broadcast_in_dim3A_14, %get3A_549 : vector<16xi1>, vector<16xf32>
      %lt3A_566 = arith.constant 0 : i32
      %lt3A_567 = vector.broadcast %lt3A_566 : i32 to vector<16xi32>
      %lt3A_568 = arith.cmpi slt, %xor3A_2, %lt3A_567 : vector<16xi32>
      %add3A_569 = arith.constant 16 : i32
      %add3A_570 = vector.broadcast %add3A_569 : i32 to vector<16xi32>
      %add3A_571 = arith.addi %xor3A_2, %add3A_570 : vector<16xi32>
      %select_n3A_572 = arith.select %lt3A_568, %add3A_571, %xor3A_2 : vector<16xi1>, vector<16xi32>
      %broadcast_in_dim3A_573 = vector.shape_cast %select_n3A_572 : vector<16xi32> to vector<16x1xi32>
      %gather3A_574 = vector.shape_cast %broadcast_in_dim3A_573 : vector<16x1xi32> to vector<16xi32>
      %gather3A_575 = tpu.dynamic_gather %select_n3A_565[%gather3A_574] in [0] : vector<16xf32>, vector<16xi32> -> vector<16xf32>
      %max3A_576 = arith.maximumf %select_n3A_565, %gather3A_575 : vector<16xf32>
      %lt3A_577 = arith.constant 0 : i32
      %lt3A_578 = vector.broadcast %lt3A_577 : i32 to vector<16xi32>
      %lt3A_579 = arith.cmpi slt, %xor3A_5, %lt3A_578 : vector<16xi32>
      %add3A_580 = arith.constant 16 : i32
      %add3A_581 = vector.broadcast %add3A_580 : i32 to vector<16xi32>
      %add3A_582 = arith.addi %xor3A_5, %add3A_581 : vector<16xi32>
      %select_n3A_583 = arith.select %lt3A_579, %add3A_582, %xor3A_5 : vector<16xi1>, vector<16xi32>
      %broadcast_in_dim3A_584 = vector.shape_cast %select_n3A_583 : vector<16xi32> to vector<16x1xi32>
      %gather3A_585 = vector.shape_cast %broadcast_in_dim3A_584 : vector<16x1xi32> to vector<16xi32>
      %gather3A_586 = tpu.dynamic_gather %max3A_576[%gather3A_585] in [0] : vector<16xf32>, vector<16xi32> -> vector<16xf32>
      %max3A_587 = arith.maximumf %max3A_576, %gather3A_586 : vector<16xf32>
      %lt3A_588 = arith.constant 0 : i32
      %lt3A_589 = vector.broadcast %lt3A_588 : i32 to vector<16xi32>
      %lt3A_590 = arith.cmpi slt, %xor3A_8, %lt3A_589 : vector<16xi32>
      %add3A_591 = arith.constant 16 : i32
      %add3A_592 = vector.broadcast %add3A_591 : i32 to vector<16xi32>
      %add3A_593 = arith.addi %xor3A_8, %add3A_592 : vector<16xi32>
      %select_n3A_594 = arith.select %lt3A_590, %add3A_593, %xor3A_8 : vector<16xi1>, vector<16xi32>
      %broadcast_in_dim3A_595 = vector.shape_cast %select_n3A_594 : vector<16xi32> to vector<16x1xi32>
      %gather3A_596 = vector.shape_cast %broadcast_in_dim3A_595 : vector<16x1xi32> to vector<16xi32>
      %gather3A_597 = tpu.dynamic_gather %max3A_587[%gather3A_596] in [0] : vector<16xf32>, vector<16xi32> -> vector<16xf32>
      %max3A_598 = arith.maximumf %max3A_587, %gather3A_597 : vector<16xf32>
      %lt3A_599 = arith.constant 0 : i32
      %lt3A_600 = vector.broadcast %lt3A_599 : i32 to vector<16xi32>
      %lt3A_601 = arith.cmpi slt, %xor3A_11, %lt3A_600 : vector<16xi32>
      %add3A_602 = arith.constant 16 : i32
      %add3A_603 = vector.broadcast %add3A_602 : i32 to vector<16xi32>
      %add3A_604 = arith.addi %xor3A_11, %add3A_603 : vector<16xi32>
      %select_n3A_605 = arith.select %lt3A_601, %add3A_604, %xor3A_11 : vector<16xi1>, vector<16xi32>
      %broadcast_in_dim3A_606 = vector.shape_cast %select_n3A_605 : vector<16xi32> to vector<16x1xi32>
      %gather3A_607 = vector.shape_cast %broadcast_in_dim3A_606 : vector<16x1xi32> to vector<16xi32>
      %gather3A_608 = tpu.dynamic_gather %max3A_598[%gather3A_607] in [0] : vector<16xf32>, vector<16xi32> -> vector<16xf32>
      %max3A_609 = arith.maximumf %max3A_598, %gather3A_608 : vector<16xf32>
      %eq3A_610 = vector.broadcast %squeeze3A_557 : i32 to vector<16xi32>
      %eq3A_611 = arith.cmpi eq, %iota3A, %eq3A_610 : vector<16xi32>
      %select_n3A_612 = arith.select %eq3A_611, %broadcast_in_dim3A_14, %get3A_553 : vector<16xi1>, vector<16xf32>
      %lt3A_613 = arith.constant 0 : i32
      %lt3A_614 = vector.broadcast %lt3A_613 : i32 to vector<16xi32>
      %lt3A_615 = arith.cmpi slt, %xor3A_2, %lt3A_614 : vector<16xi32>
      %add3A_616 = arith.constant 16 : i32
      %add3A_617 = vector.broadcast %add3A_616 : i32 to vector<16xi32>
      %add3A_618 = arith.addi %xor3A_2, %add3A_617 : vector<16xi32>
      %select_n3A_619 = arith.select %lt3A_615, %add3A_618, %xor3A_2 : vector<16xi1>, vector<16xi32>
      %broadcast_in_dim3A_620 = vector.shape_cast %select_n3A_619 : vector<16xi32> to vector<16x1xi32>
      %gather3A_621 = vector.shape_cast %broadcast_in_dim3A_620 : vector<16x1xi32> to vector<16xi32>
      %gather3A_622 = tpu.dynamic_gather %select_n3A_612[%gather3A_621] in [0] : vector<16xf32>, vector<16xi32> -> vector<16xf32>
      %max3A_623 = arith.maximumf %select_n3A_612, %gather3A_622 : vector<16xf32>
      %lt3A_624 = arith.constant 0 : i32
      %lt3A_625 = vector.broadcast %lt3A_624 : i32 to vector<16xi32>
      %lt3A_626 = arith.cmpi slt, %xor3A_5, %lt3A_625 : vector<16xi32>
      %add3A_627 = arith.constant 16 : i32
      %add3A_628 = vector.broadcast %add3A_627 : i32 to vector<16xi32>
      %add3A_629 = arith.addi %xor3A_5, %add3A_628 : vector<16xi32>
      %select_n3A_630 = arith.select %lt3A_626, %add3A_629, %xor3A_5 : vector<16xi1>, vector<16xi32>
      %broadcast_in_dim3A_631 = vector.shape_cast %select_n3A_630 : vector<16xi32> to vector<16x1xi32>
      %gather3A_632 = vector.shape_cast %broadcast_in_dim3A_631 : vector<16x1xi32> to vector<16xi32>
      %gather3A_633 = tpu.dynamic_gather %max3A_623[%gather3A_632] in [0] : vector<16xf32>, vector<16xi32> -> vector<16xf32>
      %max3A_634 = arith.maximumf %max3A_623, %gather3A_633 : vector<16xf32>
      %lt3A_635 = arith.constant 0 : i32
      %lt3A_636 = vector.broadcast %lt3A_635 : i32 to vector<16xi32>
      %lt3A_637 = arith.cmpi slt, %xor3A_8, %lt3A_636 : vector<16xi32>
      %add3A_638 = arith.constant 16 : i32
      %add3A_639 = vector.broadcast %add3A_638 : i32 to vector<16xi32>
      %add3A_640 = arith.addi %xor3A_8, %add3A_639 : vector<16xi32>
      %select_n3A_641 = arith.select %lt3A_637, %add3A_640, %xor3A_8 : vector<16xi1>, vector<16xi32>
      %broadcast_in_dim3A_642 = vector.shape_cast %select_n3A_641 : vector<16xi32> to vector<16x1xi32>
      %gather3A_643 = vector.shape_cast %broadcast_in_dim3A_642 : vector<16x1xi32> to vector<16xi32>
      %gather3A_644 = tpu.dynamic_gather %max3A_634[%gather3A_643] in [0] : vector<16xf32>, vector<16xi32> -> vector<16xf32>
      %max3A_645 = arith.maximumf %max3A_634, %gather3A_644 : vector<16xf32>
      %lt3A_646 = arith.constant 0 : i32
      %lt3A_647 = vector.broadcast %lt3A_646 : i32 to vector<16xi32>
      %lt3A_648 = arith.cmpi slt, %xor3A_11, %lt3A_647 : vector<16xi32>
      %add3A_649 = arith.constant 16 : i32
      %add3A_650 = vector.broadcast %add3A_649 : i32 to vector<16xi32>
      %add3A_651 = arith.addi %xor3A_11, %add3A_650 : vector<16xi32>
      %select_n3A_652 = arith.select %lt3A_648, %add3A_651, %xor3A_11 : vector<16xi1>, vector<16xi32>
      %broadcast_in_dim3A_653 = vector.shape_cast %select_n3A_652 : vector<16xi32> to vector<16x1xi32>
      %gather3A_654 = vector.shape_cast %broadcast_in_dim3A_653 : vector<16x1xi32> to vector<16xi32>
      %gather3A_655 = tpu.dynamic_gather %max3A_645[%gather3A_654] in [0] : vector<16xf32>, vector<16xi32> -> vector<16xf32>
      %max3A_656 = arith.maximumf %max3A_645, %gather3A_655 : vector<16xf32>
      %add3A_657 = arith.constant 0 : i32
      %add3A_658 = arith.addi %mul3A_562, %add3A_657 : i32
      %min3A_659 = arith.constant 19984 : i32
      %min3A_660 = arith.minsi %add3A_658, %min3A_659 : i32
      %add3A_661 = arith.constant 16 : i32
      %add3A_662 = arith.addi %mul3A_562, %add3A_661 : i32
      %min3A_663 = arith.constant 19984 : i32
      %min3A_664 = arith.minsi %add3A_662, %min3A_663 : i32
      %add3A_665 = arith.constant 32 : i32
      %add3A_666 = arith.addi %mul3A_562, %add3A_665 : i32
      %min3A_667 = arith.constant 19984 : i32
      %min3A_668 = arith.minsi %add3A_666, %min3A_667 : i32
      %add3A_669 = arith.constant 48 : i32
      %add3A_670 = arith.addi %mul3A_562, %add3A_669 : i32
      %min3A_671 = arith.constant 19984 : i32
      %min3A_672 = arith.minsi %add3A_670, %min3A_671 : i32
      %add3A_673 = arith.constant 64 : i32
      %add3A_674 = arith.addi %mul3A_562, %add3A_673 : i32
      %min3A_675 = arith.constant 19984 : i32
      %min3A_676 = arith.minsi %add3A_674, %min3A_675 : i32
      %add3A_677 = arith.constant 80 : i32
      %add3A_678 = arith.addi %mul3A_562, %add3A_677 : i32
      %min3A_679 = arith.constant 19984 : i32
      %min3A_680 = arith.minsi %add3A_678, %min3A_679 : i32
      %add3A_681 = arith.constant 96 : i32
      %add3A_682 = arith.addi %mul3A_562, %add3A_681 : i32
      %min3A_683 = arith.constant 19984 : i32
      %min3A_684 = arith.minsi %add3A_682, %min3A_683 : i32
      %add3A_685 = arith.constant 112 : i32
      %add3A_686 = arith.addi %mul3A_562, %add3A_685 : i32
      %min3A_687 = arith.constant 19984 : i32
      %min3A_688 = arith.minsi %add3A_686, %min3A_687 : i32
      %broadcast_in_dim3A_689 = arith.constant 4096 : i32
      %broadcast_in_dim3A_690 = vector.broadcast %broadcast_in_dim3A_689 : i32 to vector<16xi32>
      %get3A_691 = arith.index_cast %min3A_660 : i32 to index
      %get3A_692 = tpu.vector_load %arg8[%get3A_691] {strides = array<i32>} : memref<20000xf32, #tpu.memory_space<vmem>>, vector<16xf32>,
      %eq3A_693 = arith.cmpf oeq, %get3A_692, %while3A_547 : vector<16xf32>
      %all_reduce_ffs3A_694 = tpu.all_reduce %eq3A_693 {dim = 0 : i64, kind = #tpu.reduction_kind<find_first_set>} : vector<16xi1> -> vector<16xi32>
      %eq3A_695 = arith.constant 16 : i32
      %eq3A_696 = vector.broadcast %eq3A_695 : i32 to vector<16xi32>
      %eq3A_697 = arith.cmpi eq, %all_reduce_ffs3A_694, %eq3A_696 : vector<16xi32>
      %add3A_698 = arith.constant 0 : i32
      %add3A_699 = vector.broadcast %add3A_698 : i32 to vector<16xi32>
      %add3A_700 = arith.addi %add3A_699, %all_reduce_ffs3A_694 : vector<16xi32>
      %jit3A = arith.constant 4096 : i32
      %broadcast_in_dim3A_701 = vector.broadcast %jit3A : i32 to vector<16xi32>
      %select_n3A_702 = arith.select %eq3A_697, %broadcast_in_dim3A_701, %add3A_700 : vector<16xi1>, vector<16xi32>
      %min3A_703 = arith.minsi %broadcast_in_dim3A_690, %select_n3A_702 : vector<16xi32>
      %get3A_704 = arith.index_cast %min3A_664 : i32 to index
      %get3A_705 = tpu.vector_load %arg8[%get3A_704] {strides = array<i32>} : memref<20000xf32, #tpu.memory_space<vmem>>, vector<16xf32>,
      %eq3A_706 = arith.cmpf oeq, %get3A_705, %while3A_547 : vector<16xf32>
      %all_reduce_ffs3A_707 = tpu.all_reduce %eq3A_706 {dim = 0 : i64, kind = #tpu.reduction_kind<find_first_set>} : vector<16xi1> -> vector<16xi32>
      %eq3A_708 = arith.constant 16 : i32
      %eq3A_709 = vector.broadcast %eq3A_708 : i32 to vector<16xi32>
      %eq3A_710 = arith.cmpi eq, %all_reduce_ffs3A_707, %eq3A_709 : vector<16xi32>
      %add3A_711 = arith.constant 16 : i32
      %add3A_712 = vector.broadcast %add3A_711 : i32 to vector<16xi32>
      %add3A_713 = arith.addi %add3A_712, %all_reduce_ffs3A_707 : vector<16xi32>
      %jit3A_714 = arith.constant 4096 : i32
      %broadcast_in_dim3A_715 = vector.broadcast %jit3A_714 : i32 to vector<16xi32>
      %select_n3A_716 = arith.select %eq3A_710, %broadcast_in_dim3A_715, %add3A_713 : vector<16xi1>, vector<16xi32>
      %min3A_717 = arith.minsi %min3A_703, %select_n3A_716 : vector<16xi32>
      %get3A_718 = arith.index_cast %min3A_668 : i32 to index
      %get3A_719 = tpu.vector_load %arg8[%get3A_718] {strides = array<i32>} : memref<20000xf32, #tpu.memory_space<vmem>>, vector<16xf32>,
      %eq3A_720 = arith.cmpf oeq, %get3A_719, %while3A_547 : vector<16xf32>
      %all_reduce_ffs3A_721 = tpu.all_reduce %eq3A_720 {dim = 0 : i64, kind = #tpu.reduction_kind<find_first_set>} : vector<16xi1> -> vector<16xi32>
      %eq3A_722 = arith.constant 16 : i32
      %eq3A_723 = vector.broadcast %eq3A_722 : i32 to vector<16xi32>
      %eq3A_724 = arith.cmpi eq, %all_reduce_ffs3A_721, %eq3A_723 : vector<16xi32>
      %add3A_725 = arith.constant 32 : i32
      %add3A_726 = vector.broadcast %add3A_725 : i32 to vector<16xi32>
      %add3A_727 = arith.addi %add3A_726, %all_reduce_ffs3A_721 : vector<16xi32>
      %jit3A_728 = arith.constant 4096 : i32
      %broadcast_in_dim3A_729 = vector.broadcast %jit3A_728 : i32 to vector<16xi32>
      %select_n3A_730 = arith.select %eq3A_724, %broadcast_in_dim3A_729, %add3A_727 : vector<16xi1>, vector<16xi32>
      %min3A_731 = arith.minsi %min3A_717, %select_n3A_730 : vector<16xi32>
      %get3A_732 = arith.index_cast %min3A_672 : i32 to index
      %get3A_733 = tpu.vector_load %arg8[%get3A_732] {strides = array<i32>} : memref<20000xf32, #tpu.memory_space<vmem>>, vector<16xf32>,
      %eq3A_734 = arith.cmpf oeq, %get3A_733, %while3A_547 : vector<16xf32>
      %all_reduce_ffs3A_735 = tpu.all_reduce %eq3A_734 {dim = 0 : i64, kind = #tpu.reduction_kind<find_first_set>} : vector<16xi1> -> vector<16xi32>
      %eq3A_736 = arith.constant 16 : i32
      %eq3A_737 = vector.broadcast %eq3A_736 : i32 to vector<16xi32>
      %eq3A_738 = arith.cmpi eq, %all_reduce_ffs3A_735, %eq3A_737 : vector<16xi32>
      %add3A_739 = arith.constant 48 : i32
      %add3A_740 = vector.broadcast %add3A_739 : i32 to vector<16xi32>
      %add3A_741 = arith.addi %add3A_740, %all_reduce_ffs3A_735 : vector<16xi32>
      %jit3A_742 = arith.constant 4096 : i32
      %broadcast_in_dim3A_743 = vector.broadcast %jit3A_742 : i32 to vector<16xi32>
      %select_n3A_744 = arith.select %eq3A_738, %broadcast_in_dim3A_743, %add3A_741 : vector<16xi1>, vector<16xi32>
      %min3A_745 = arith.minsi %min3A_731, %select_n3A_744 : vector<16xi32>
      %get3A_746 = arith.index_cast %min3A_676 : i32 to index
      %get3A_747 = tpu.vector_load %arg8[%get3A_746] {strides = array<i32>} : memref<20000xf32, #tpu.memory_space<vmem>>, vector<16xf32>,
      %eq3A_748 = arith.cmpf oeq, %get3A_747, %while3A_547 : vector<16xf32>
      %all_reduce_ffs3A_749 = tpu.all_reduce %eq3A_748 {dim = 0 : i64, kind = #tpu.reduction_kind<find_first_set>} : vector<16xi1> -> vector<16xi32>
      %eq3A_750 = arith.constant 16 : i32
      %eq3A_751 = vector.broadcast %eq3A_750 : i32 to vector<16xi32>
      %eq3A_752 = arith.cmpi eq, %all_reduce_ffs3A_749, %eq3A_751 : vector<16xi32>
      %add3A_753 = arith.constant 64 : i32
      %add3A_754 = vector.broadcast %add3A_753 : i32 to vector<16xi32>
      %add3A_755 = arith.addi %add3A_754, %all_reduce_ffs3A_749 : vector<16xi32>
      %jit3A_756 = arith.constant 4096 : i32
      %broadcast_in_dim3A_757 = vector.broadcast %jit3A_756 : i32 to vector<16xi32>
      %select_n3A_758 = arith.select %eq3A_752, %broadcast_in_dim3A_757, %add3A_755 : vector<16xi1>, vector<16xi32>
      %min3A_759 = arith.minsi %min3A_745, %select_n3A_758 : vector<16xi32>
      %get3A_760 = arith.index_cast %min3A_680 : i32 to index
      %get3A_761 = tpu.vector_load %arg8[%get3A_760] {strides = array<i32>} : memref<20000xf32, #tpu.memory_space<vmem>>, vector<16xf32>,
      %eq3A_762 = arith.cmpf oeq, %get3A_761, %while3A_547 : vector<16xf32>
      %all_reduce_ffs3A_763 = tpu.all_reduce %eq3A_762 {dim = 0 : i64, kind = #tpu.reduction_kind<find_first_set>} : vector<16xi1> -> vector<16xi32>
      %eq3A_764 = arith.constant 16 : i32
      %eq3A_765 = vector.broadcast %eq3A_764 : i32 to vector<16xi32>
      %eq3A_766 = arith.cmpi eq, %all_reduce_ffs3A_763, %eq3A_765 : vector<16xi32>
      %add3A_767 = arith.constant 80 : i32
      %add3A_768 = vector.broadcast %add3A_767 : i32 to vector<16xi32>
      %add3A_769 = arith.addi %add3A_768, %all_reduce_ffs3A_763 : vector<16xi32>
      %jit3A_770 = arith.constant 4096 : i32
      %broadcast_in_dim3A_771 = vector.broadcast %jit3A_770 : i32 to vector<16xi32>
      %select_n3A_772 = arith.select %eq3A_766, %broadcast_in_dim3A_771, %add3A_769 : vector<16xi1>, vector<16xi32>
      %min3A_773 = arith.minsi %min3A_759, %select_n3A_772 : vector<16xi32>
      %get3A_774 = arith.index_cast %min3A_684 : i32 to index
      %get3A_775 = tpu.vector_load %arg8[%get3A_774] {strides = array<i32>} : memref<20000xf32, #tpu.memory_space<vmem>>, vector<16xf32>,
      %eq3A_776 = arith.cmpf oeq, %get3A_775, %while3A_547 : vector<16xf32>
      %all_reduce_ffs3A_777 = tpu.all_reduce %eq3A_776 {dim = 0 : i64, kind = #tpu.reduction_kind<find_first_set>} : vector<16xi1> -> vector<16xi32>
      %eq3A_778 = arith.constant 16 : i32
      %eq3A_779 = vector.broadcast %eq3A_778 : i32 to vector<16xi32>
      %eq3A_780 = arith.cmpi eq, %all_reduce_ffs3A_777, %eq3A_779 : vector<16xi32>
      %add3A_781 = arith.constant 96 : i32
      %add3A_782 = vector.broadcast %add3A_781 : i32 to vector<16xi32>
      %add3A_783 = arith.addi %add3A_782, %all_reduce_ffs3A_777 : vector<16xi32>
      %jit3A_784 = arith.constant 4096 : i32
      %broadcast_in_dim3A_785 = vector.broadcast %jit3A_784 : i32 to vector<16xi32>
      %select_n3A_786 = arith.select %eq3A_780, %broadcast_in_dim3A_785, %add3A_783 : vector<16xi1>, vector<16xi32>
      %min3A_787 = arith.minsi %min3A_773, %select_n3A_786 : vector<16xi32>
      %get3A_788 = arith.index_cast %min3A_688 : i32 to index
      %get3A_789 = tpu.vector_load %arg8[%get3A_788] {strides = array<i32>} : memref<20000xf32, #tpu.memory_space<vmem>>, vector<16xf32>,
      %eq3A_790 = arith.cmpf oeq, %get3A_789, %while3A_547 : vector<16xf32>
      %all_reduce_ffs3A_791 = tpu.all_reduce %eq3A_790 {dim = 0 : i64, kind = #tpu.reduction_kind<find_first_set>} : vector<16xi1> -> vector<16xi32>
      %eq3A_792 = arith.constant 16 : i32
      %eq3A_793 = vector.broadcast %eq3A_792 : i32 to vector<16xi32>
      %eq3A_794 = arith.cmpi eq, %all_reduce_ffs3A_791, %eq3A_793 : vector<16xi32>
      %add3A_795 = arith.constant 112 : i32
      %add3A_796 = vector.broadcast %add3A_795 : i32 to vector<16xi32>
      %add3A_797 = arith.addi %add3A_796, %all_reduce_ffs3A_791 : vector<16xi32>
      %jit3A_798 = arith.constant 4096 : i32
      %broadcast_in_dim3A_799 = vector.broadcast %jit3A_798 : i32 to vector<16xi32>
      %select_n3A_800 = arith.select %eq3A_794, %broadcast_in_dim3A_799, %add3A_797 : vector<16xi1>, vector<16xi32>
      %min3A_801 = arith.minsi %min3A_787, %select_n3A_800 : vector<16xi32>
      %slice3A_802 = vector.extract_strided_slice %min3A_801 {offsets = [0], sizes = [1], strides = [1]} : vector<16xi32> to vector<1xi32>
      %squeeze3A_803 = vector.extract %slice3A_802[0] : i32 from vector<1xi32>
      %rem3A = arith.constant 16 : i32
      %rem3A_804 = arith.remsi %squeeze3A_803, %rem3A : i32
      %div3A = arith.constant 16 : i32
      %div3A_805 = arith.divsi %squeeze3A_803, %div3A : i32
      %mul3A_806 = arith.constant 16 : i32
      %mul3A_807 = arith.muli %div3A_805, %mul3A_806 : i32
      %add3A_808 = arith.addi %mul3A_562, %mul3A_807 : i32
      %add3A_809 = arith.addi %mul3A_562, %squeeze3A_803 : i32
      %get3A_810 = arith.index_cast %add3A_808 : i32 to index
      %get3A_811 = tpu.vector_load %arg8[%get3A_810] {strides = array<i32>} : memref<20000xf32, #tpu.memory_space<vmem>>, vector<16xf32>,
      %eq3A_812 = vector.broadcast %rem3A_804 : i32 to vector<16xi32>
      %eq3A_813 = arith.cmpi eq, %iota3A, %eq3A_812 : vector<16xi32>
      %select_n3A_814 = arith.select %eq3A_813, %broadcast_in_dim3A_14, %get3A_811 : vector<16xi1>, vector<16xf32>
      %swap3A_815 = arith.index_cast %add3A_808 : i32 to index
      %swap3A_816 = tpu.vector_load %arg8[%swap3A_815] {strides = array<i32>} : memref<20000xf32, #tpu.memory_space<vmem>>, vector<16xf32>,
      tpu.vector_store %arg8[%swap3A_815], %select_n3A_814 {strides = array<i32>} : memref<20000xf32, #tpu.memory_space<vmem>>, vector<16xf32>,
      %eq3A_817 = arith.cmpi eq, %min3A_660, %add3A_808 : i32
      %broadcast_in_dim3A_818 = vector.broadcast %eq3A_817 : i1 to vector<16xi1>
      %select_n3A_819 = arith.select %broadcast_in_dim3A_818, %select_n3A_814, %get3A_692 : vector<16xi1>, vector<16xf32>
      %eq3A_820 = arith.cmpi eq, %min3A_664, %add3A_808 : i32
      %broadcast_in_dim3A_821 = vector.broadcast %eq3A_820 : i1 to vector<16xi1>
      %select_n3A_822 = arith.select %broadcast_in_dim3A_821, %select_n3A_814, %get3A_705 : vector<16xi1>, vector<16xf32>
      %max3A_823 = arith.maximumf %select_n3A_819, %select_n3A_822 : vector<16xf32>
      %eq3A_824 = arith.cmpi eq, %min3A_668, %add3A_808 : i32
      %broadcast_in_dim3A_825 = vector.broadcast %eq3A_824 : i1 to vector<16xi1>
      %select_n3A_826 = arith.select %broadcast_in_dim3A_825, %select_n3A_814, %get3A_719 : vector<16xi1>, vector<16xf32>
      %max3A_827 = arith.maximumf %max3A_823, %select_n3A_826 : vector<16xf32>
      %eq3A_828 = arith.cmpi eq, %min3A_672, %add3A_808 : i32
      %broadcast_in_dim3A_829 = vector.broadcast %eq3A_828 : i1 to vector<16xi1>
      %select_n3A_830 = arith.select %broadcast_in_dim3A_829, %select_n3A_814, %get3A_733 : vector<16xi1>, vector<16xf32>
      %max3A_831 = arith.maximumf %max3A_827, %select_n3A_830 : vector<16xf32>
      %eq3A_832 = arith.cmpi eq, %min3A_676, %add3A_808 : i32
      %broadcast_in_dim3A_833 = vector.broadcast %eq3A_832 : i1 to vector<16xi1>
      %select_n3A_834 = arith.select %broadcast_in_dim3A_833, %select_n3A_814, %get3A_747 : vector<16xi1>, vector<16xf32>
      %max3A_835 = arith.maximumf %max3A_831, %select_n3A_834 : vector<16xf32>
      %eq3A_836 = arith.cmpi eq, %min3A_680, %add3A_808 : i32
      %broadcast_in_dim3A_837 = vector.broadcast %eq3A_836 : i1 to vector<16xi1>
      %select_n3A_838 = arith.select %broadcast_in_dim3A_837, %select_n3A_814, %get3A_761 : vector<16xi1>, vector<16xf32>
      %max3A_839 = arith.maximumf %max3A_835, %select_n3A_838 : vector<16xf32>
      %eq3A_840 = arith.cmpi eq, %min3A_684, %add3A_808 : i32
      %broadcast_in_dim3A_841 = vector.broadcast %eq3A_840 : i1 to vector<16xi1>
      %select_n3A_842 = arith.select %broadcast_in_dim3A_841, %select_n3A_814, %get3A_775 : vector<16xi1>, vector<16xf32>
      %max3A_843 = arith.maximumf %max3A_839, %select_n3A_842 : vector<16xf32>
      %eq3A_844 = arith.cmpi eq, %min3A_688, %add3A_808 : i32
      %broadcast_in_dim3A_845 = vector.broadcast %eq3A_844 : i1 to vector<16xi1>
      %select_n3A_846 = arith.select %broadcast_in_dim3A_845, %select_n3A_814, %get3A_789 : vector<16xi1>, vector<16xf32>
      %max3A_847 = arith.maximumf %max3A_843, %select_n3A_846 : vector<16xf32>
      %lt3A_848 = arith.constant 0 : i32
      %lt3A_849 = vector.broadcast %lt3A_848 : i32 to vector<16xi32>
      %lt3A_850 = arith.cmpi slt, %xor3A_2, %lt3A_849 : vector<16xi32>
      %add3A_851 = arith.constant 16 : i32
      %add3A_852 = vector.broadcast %add3A_851 : i32 to vector<16xi32>
      %add3A_853 = arith.addi %xor3A_2, %add3A_852 : vector<16xi32>
      %select_n3A_854 = arith.select %lt3A_850, %add3A_853, %xor3A_2 : vector<16xi1>, vector<16xi32>
      %broadcast_in_dim3A_855 = vector.shape_cast %select_n3A_854 : vector<16xi32> to vector<16x1xi32>
      %gather3A_856 = vector.shape_cast %broadcast_in_dim3A_855 : vector<16x1xi32> to vector<16xi32>
      %gather3A_857 = tpu.dynamic_gather %max3A_847[%gather3A_856] in [0] : vector<16xf32>, vector<16xi32> -> vector<16xf32>
      %max3A_858 = arith.maximumf %max3A_847, %gather3A_857 : vector<16xf32>
      %lt3A_859 = arith.constant 0 : i32
      %lt3A_860 = vector.broadcast %lt3A_859 : i32 to vector<16xi32>
      %lt3A_861 = arith.cmpi slt, %xor3A_5, %lt3A_860 : vector<16xi32>
      %add3A_862 = arith.constant 16 : i32
      %add3A_863 = vector.broadcast %add3A_862 : i32 to vector<16xi32>
      %add3A_864 = arith.addi %xor3A_5, %add3A_863 : vector<16xi32>
      %select_n3A_865 = arith.select %lt3A_861, %add3A_864, %xor3A_5 : vector<16xi1>, vector<16xi32>
      %broadcast_in_dim3A_866 = vector.shape_cast %select_n3A_865 : vector<16xi32> to vector<16x1xi32>
      %gather3A_867 = vector.shape_cast %broadcast_in_dim3A_866 : vector<16x1xi32> to vector<16xi32>
      %gather3A_868 = tpu.dynamic_gather %max3A_858[%gather3A_867] in [0] : vector<16xf32>, vector<16xi32> -> vector<16xf32>
      %max3A_869 = arith.maximumf %max3A_858, %gather3A_868 : vector<16xf32>
      %lt3A_870 = arith.constant 0 : i32
      %lt3A_871 = vector.broadcast %lt3A_870 : i32 to vector<16xi32>
      %lt3A_872 = arith.cmpi slt, %xor3A_8, %lt3A_871 : vector<16xi32>
      %add3A_873 = arith.constant 16 : i32
      %add3A_874 = vector.broadcast %add3A_873 : i32 to vector<16xi32>
      %add3A_875 = arith.addi %xor3A_8, %add3A_874 : vector<16xi32>
      %select_n3A_876 = arith.select %lt3A_872, %add3A_875, %xor3A_8 : vector<16xi1>, vector<16xi32>
      %broadcast_in_dim3A_877 = vector.shape_cast %select_n3A_876 : vector<16xi32> to vector<16x1xi32>
      %gather3A_878 = vector.shape_cast %broadcast_in_dim3A_877 : vector<16x1xi32> to vector<16xi32>
      %gather3A_879 = tpu.dynamic_gather %max3A_869[%gather3A_878] in [0] : vector<16xf32>, vector<16xi32> -> vector<16xf32>
      %max3A_880 = arith.maximumf %max3A_869, %gather3A_879 : vector<16xf32>
      %lt3A_881 = arith.constant 0 : i32
      %lt3A_882 = vector.broadcast %lt3A_881 : i32 to vector<16xi32>
      %lt3A_883 = arith.cmpi slt, %xor3A_11, %lt3A_882 : vector<16xi32>
      %add3A_884 = arith.constant 16 : i32
      %add3A_885 = vector.broadcast %add3A_884 : i32 to vector<16xi32>
      %add3A_886 = arith.addi %xor3A_11, %add3A_885 : vector<16xi32>
      %select_n3A_887 = arith.select %lt3A_883, %add3A_886, %xor3A_11 : vector<16xi1>, vector<16xi32>
      %broadcast_in_dim3A_888 = vector.shape_cast %select_n3A_887 : vector<16xi32> to vector<16x1xi32>
      %gather3A_889 = vector.shape_cast %broadcast_in_dim3A_888 : vector<16x1xi32> to vector<16xi32>
      %gather3A_890 = tpu.dynamic_gather %max3A_880[%gather3A_889] in [0] : vector<16xf32>, vector<16xi32> -> vector<16xf32>
      %max3A_891 = arith.maximumf %max3A_880, %gather3A_890 : vector<16xf32>
      %gt3A = arith.cmpf ogt, %max3A_891, %broadcast_in_dim3A_16 : vector<16xf32>
      %select_n3A_892 = arith.select %gt3A, %max3A_891, %broadcast_in_dim3A_14 : vector<16xi1>, vector<16xf32>
      %eq3A_893 = vector.broadcast %squeeze3A_557 : i32 to vector<16xi32>
      %eq3A_894 = arith.cmpi eq, %iota3A, %eq3A_893 : vector<16xi32>
      %select_n3A_895 = arith.select %eq3A_894, %select_n3A_892, %get3A_553 : vector<16xi1>, vector<16xf32>
      %mul3A_896 = arith.constant 16 : i32
      %mul3A_897 = arith.muli %squeeze3A, %mul3A_896 : i32
      %swap3A_898 = arith.index_cast %mul3A_897 : i32 to index
      %swap3A_899 = tpu.vector_load %arg10[%swap3A_898] {strides = array<i32>} : memref<160xf32, #tpu.memory_space<vmem>>, vector<16xf32>,
      tpu.vector_store %arg10[%swap3A_898], %select_n3A_895 {strides = array<i32>} : memref<160xf32, #tpu.memory_space<vmem>>, vector<16xf32>,
      %max3A_900 = arith.maximumf %select_n3A_892, %max3A_656 : vector<16xf32>
      %eq3A_901 = vector.broadcast %squeeze3A : i32 to vector<16xi32>
      %eq3A_902 = arith.cmpi eq, %iota3A, %eq3A_901 : vector<16xi32>
      %select_n3A_903 = arith.select %eq3A_902, %max3A_900, %get3A_549 : vector<16xi1>, vector<16xf32>
      %swap3A_904 = arith.constant 0 : index
      %swap3A_905 = tpu.vector_load %arg12[%swap3A_904] {strides = array<i32>} : memref<16xf32, #tpu.memory_space<vmem>>, vector<16xf32>,
      tpu.vector_store %arg12[%swap3A_904], %select_n3A_903 {strides = array<i32>} : memref<16xf32, #tpu.memory_space<vmem>>, vector<16xf32>,
      %max3A_906 = arith.maximumf %max3A_900, %max3A_609 : vector<16xf32>
      %broadcast_in_dim3A_907 = vector.broadcast %add3A_809 : i32 to vector<16xi32>
      %gather3A_908 = tpu.vector_load_idx %arg13[%broadcast_in_dim3A_907] : memref<20000xf32, #tpu.memory_space<vmem>>[vector<16xi32>], vector<16xf32>,
      %gather3A_909 = tpu.vector_load_idx %arg14[%broadcast_in_dim3A_907] : memref<20000xf32, #tpu.memory_space<vmem>>[vector<16xi32>], vector<16xf32>,
      %gather3A_910 = tpu.vector_load_idx %arg15[%broadcast_in_dim3A_907] : memref<20000xf32, #tpu.memory_space<vmem>>[vector<16xi32>], vector<16xf32>,
      %gather3A_911 = tpu.vector_load_idx %arg16[%broadcast_in_dim3A_907] : memref<20000xf32, #tpu.memory_space<vmem>>[vector<16xi32>], vector<16xf32>,
      %sub3A = arith.subf %gather3A_910, %gather3A_908 : vector<16xf32>
      %sub3A_912 = arith.subf %gather3A_911, %gather3A_909 : vector<16xf32>
      %mul3A_913 = arith.mulf %sub3A, %sub3A_912 : vector<16xf32>
      %get3A_914 = arith.constant 0 : index
      %get3A_915 = tpu.vector_load %arg17[%get3A_914] {strides = array<i32>} : memref<64xf32, #tpu.memory_space<vmem>>, vector<16xf32>,
      %get3A_916 = arith.constant 0 : index
      %get3A_917 = tpu.vector_load %arg18[%get3A_916] {strides = array<i32>} : memref<64xf32, #tpu.memory_space<vmem>>, vector<16xf32>,
      %get3A_918 = arith.constant 0 : index
      %get3A_919 = tpu.vector_load %arg19[%get3A_918] {strides = array<i32>} : memref<64xf32, #tpu.memory_space<vmem>>, vector<16xf32>,
      %get3A_920 = arith.constant 0 : index
      %get3A_921 = tpu.vector_load %arg20[%get3A_920] {strides = array<i32>} : memref<64xf32, #tpu.memory_space<vmem>>, vector<16xf32>,
      %max3A_922 = arith.maximumf %get3A_915, %gather3A_908 : vector<16xf32>
      %max3A_923 = arith.maximumf %get3A_917, %gather3A_909 : vector<16xf32>
      %min3A_924 = arith.minimumf %get3A_919, %gather3A_910 : vector<16xf32>
      %min3A_925 = arith.minimumf %get3A_921, %gather3A_911 : vector<16xf32>
      %sub3A_926 = arith.subf %min3A_924, %max3A_922 : vector<16xf32>
      %max3A_927 = arith.constant 0.000000e+00 : f32
      %max3A_928 = vector.broadcast %max3A_927 : f32 to vector<16xf32>
      %max3A_929 = arith.maximumf %sub3A_926, %max3A_928 : vector<16xf32>
      %sub3A_930 = arith.subf %min3A_925, %max3A_923 : vector<16xf32>
      %max3A_931 = arith.constant 0.000000e+00 : f32
      %max3A_932 = vector.broadcast %max3A_931 : f32 to vector<16xf32>
      %max3A_933 = arith.maximumf %sub3A_930, %max3A_932 : vector<16xf32>
      %mul3A_934 = arith.mulf %max3A_929, %max3A_933 : vector<16xf32>
      %sub3A_935 = arith.subf %get3A_919, %get3A_915 : vector<16xf32>
      %sub3A_936 = arith.subf %get3A_921, %get3A_917 : vector<16xf32>
      %mul3A_937 = arith.mulf %sub3A_935, %sub3A_936 : vector<16xf32>
      %add3A_938 = arith.addf %mul3A_913, %mul3A_937 : vector<16xf32>
      %sub3A_939 = arith.subf %add3A_938, %mul3A_934 : vector<16xf32>
      %add3A_940 = arith.constant 9.99999993E-9 : f32
      %add3A_941 = vector.broadcast %add3A_940 : f32 to vector<16xf32>
      %add3A_942 = arith.addf %sub3A_939, %add3A_941 : vector<16xf32>
      %div3A_943 = arith.divf %mul3A_934, %add3A_942 : vector<16xf32>
      %max3A_944 = arith.maximumf %broadcast_in_dim3A_12, %div3A_943 : vector<16xf32>
      %get3A_945 = arith.constant 16 : index
      %get3A_946 = tpu.vector_load %arg17[%get3A_945] {strides = array<i32>} : memref<64xf32, #tpu.memory_space<vmem>>, vector<16xf32>,
      %get3A_947 = arith.constant 16 : index
      %get3A_948 = tpu.vector_load %arg18[%get3A_947] {strides = array<i32>} : memref<64xf32, #tpu.memory_space<vmem>>, vector<16xf32>,
      %get3A_949 = arith.constant 16 : index
      %get3A_950 = tpu.vector_load %arg19[%get3A_949] {strides = array<i32>} : memref<64xf32, #tpu.memory_space<vmem>>, vector<16xf32>,
      %get3A_951 = arith.constant 16 : index
      %get3A_952 = tpu.vector_load %arg20[%get3A_951] {strides = array<i32>} : memref<64xf32, #tpu.memory_space<vmem>>, vector<16xf32>,
      %max3A_953 = arith.maximumf %get3A_946, %gather3A_908 : vector<16xf32>
      %max3A_954 = arith.maximumf %get3A_948, %gather3A_909 : vector<16xf32>
      %min3A_955 = arith.minimumf %get3A_950, %gather3A_910 : vector<16xf32>
      %min3A_956 = arith.minimumf %get3A_952, %gather3A_911 : vector<16xf32>
      %sub3A_957 = arith.subf %min3A_955, %max3A_953 : vector<16xf32>
      %max3A_958 = arith.constant 0.000000e+00 : f32
      %max3A_959 = vector.broadcast %max3A_958 : f32 to vector<16xf32>
      %max3A_960 = arith.maximumf %sub3A_957, %max3A_959 : vector<16xf32>
      %sub3A_961 = arith.subf %min3A_956, %max3A_954 : vector<16xf32>
      %max3A_962 = arith.constant 0.000000e+00 : f32
      %max3A_963 = vector.broadcast %max3A_962 : f32 to vector<16xf32>
      %max3A_964 = arith.maximumf %sub3A_961, %max3A_963 : vector<16xf32>
      %mul3A_965 = arith.mulf %max3A_960, %max3A_964 : vector<16xf32>
      %sub3A_966 = arith.subf %get3A_950, %get3A_946 : vector<16xf32>
      %sub3A_967 = arith.subf %get3A_952, %get3A_948 : vector<16xf32>
      %mul3A_968 = arith.mulf %sub3A_966, %sub3A_967 : vector<16xf32>
      %add3A_969 = arith.addf %mul3A_913, %mul3A_968 : vector<16xf32>
      %sub3A_970 = arith.subf %add3A_969, %mul3A_965 : vector<16xf32>
      %add3A_971 = arith.constant 9.99999993E-9 : f32
      %add3A_972 = vector.broadcast %add3A_971 : f32 to vector<16xf32>
      %add3A_973 = arith.addf %sub3A_970, %add3A_972 : vector<16xf32>
      %div3A_974 = arith.divf %mul3A_965, %add3A_973 : vector<16xf32>
      %max3A_975 = arith.maximumf %max3A_944, %div3A_974 : vector<16xf32>
      %get3A_976 = arith.constant 32 : index
      %get3A_977 = tpu.vector_load %arg17[%get3A_976] {strides = array<i32>} : memref<64xf32, #tpu.memory_space<vmem>>, vector<16xf32>,
      %get3A_978 = arith.constant 32 : index
      %get3A_979 = tpu.vector_load %arg18[%get3A_978] {strides = array<i32>} : memref<64xf32, #tpu.memory_space<vmem>>, vector<16xf32>,
      %get3A_980 = arith.constant 32 : index
      %get3A_981 = tpu.vector_load %arg19[%get3A_980] {strides = array<i32>} : memref<64xf32, #tpu.memory_space<vmem>>, vector<16xf32>,
      %get3A_982 = arith.constant 32 : index
      %get3A_983 = tpu.vector_load %arg20[%get3A_982] {strides = array<i32>} : memref<64xf32, #tpu.memory_space<vmem>>, vector<16xf32>,
      %max3A_984 = arith.maximumf %get3A_977, %gather3A_908 : vector<16xf32>
      %max3A_985 = arith.maximumf %get3A_979, %gather3A_909 : vector<16xf32>
      %min3A_986 = arith.minimumf %get3A_981, %gather3A_910 : vector<16xf32>
      %min3A_987 = arith.minimumf %get3A_983, %gather3A_911 : vector<16xf32>
      %sub3A_988 = arith.subf %min3A_986, %max3A_984 : vector<16xf32>
      %max3A_989 = arith.constant 0.000000e+00 : f32
      %max3A_990 = vector.broadcast %max3A_989 : f32 to vector<16xf32>
      %max3A_991 = arith.maximumf %sub3A_988, %max3A_990 : vector<16xf32>
      %sub3A_992 = arith.subf %min3A_987, %max3A_985 : vector<16xf32>
      %max3A_993 = arith.constant 0.000000e+00 : f32
      %max3A_994 = vector.broadcast %max3A_993 : f32 to vector<16xf32>
      %max3A_995 = arith.maximumf %sub3A_992, %max3A_994 : vector<16xf32>
      %mul3A_996 = arith.mulf %max3A_991, %max3A_995 : vector<16xf32>
      %sub3A_997 = arith.subf %get3A_981, %get3A_977 : vector<16xf32>
      %sub3A_998 = arith.subf %get3A_983, %get3A_979 : vector<16xf32>
      %mul3A_999 = arith.mulf %sub3A_997, %sub3A_998 : vector<16xf32>
      %add3A_1000 = arith.addf %mul3A_913, %mul3A_999 : vector<16xf32>
      %sub3A_1001 = arith.subf %add3A_1000, %mul3A_996 : vector<16xf32>
      %add3A_1002 = arith.constant 9.99999993E-9 : f32
      %add3A_1003 = vector.broadcast %add3A_1002 : f32 to vector<16xf32>
      %add3A_1004 = arith.addf %sub3A_1001, %add3A_1003 : vector<16xf32>
      %div3A_1005 = arith.divf %mul3A_996, %add3A_1004 : vector<16xf32>
      %max3A_1006 = arith.maximumf %max3A_975, %div3A_1005 : vector<16xf32>
      %get3A_1007 = arith.constant 48 : index
      %get3A_1008 = tpu.vector_load %arg17[%get3A_1007] {strides = array<i32>} : memref<64xf32, #tpu.memory_space<vmem>>, vector<16xf32>,
      %get3A_1009 = arith.constant 48 : index
      %get3A_1010 = tpu.vector_load %arg18[%get3A_1009] {strides = array<i32>} : memref<64xf32, #tpu.memory_space<vmem>>, vector<16xf32>,
      %get3A_1011 = arith.constant 48 : index
      %get3A_1012 = tpu.vector_load %arg19[%get3A_1011] {strides = array<i32>} : memref<64xf32, #tpu.memory_space<vmem>>, vector<16xf32>,
      %get3A_1013 = arith.constant 48 : index
      %get3A_1014 = tpu.vector_load %arg20[%get3A_1013] {strides = array<i32>} : memref<64xf32, #tpu.memory_space<vmem>>, vector<16xf32>,
      %max3A_1015 = arith.maximumf %get3A_1008, %gather3A_908 : vector<16xf32>
      %max3A_1016 = arith.maximumf %get3A_1010, %gather3A_909 : vector<16xf32>
      %min3A_1017 = arith.minimumf %get3A_1012, %gather3A_910 : vector<16xf32>
      %min3A_1018 = arith.minimumf %get3A_1014, %gather3A_911 : vector<16xf32>
      %sub3A_1019 = arith.subf %min3A_1017, %max3A_1015 : vector<16xf32>
      %max3A_1020 = arith.constant 0.000000e+00 : f32
      %max3A_1021 = vector.broadcast %max3A_1020 : f32 to vector<16xf32>
      %max3A_1022 = arith.maximumf %sub3A_1019, %max3A_1021 : vector<16xf32>
      %sub3A_1023 = arith.subf %min3A_1018, %max3A_1016 : vector<16xf32>
      %max3A_1024 = arith.constant 0.000000e+00 : f32
      %max3A_1025 = vector.broadcast %max3A_1024 : f32 to vector<16xf32>
      %max3A_1026 = arith.maximumf %sub3A_1023, %max3A_1025 : vector<16xf32>
      %mul3A_1027 = arith.mulf %max3A_1022, %max3A_1026 : vector<16xf32>
      %sub3A_1028 = arith.subf %get3A_1012, %get3A_1008 : vector<16xf32>
      %sub3A_1029 = arith.subf %get3A_1014, %get3A_1010 : vector<16xf32>
      %mul3A_1030 = arith.mulf %sub3A_1028, %sub3A_1029 : vector<16xf32>
      %add3A_1031 = arith.addf %mul3A_913, %mul3A_1030 : vector<16xf32>
      %sub3A_1032 = arith.subf %add3A_1031, %mul3A_1027 : vector<16xf32>
      %add3A_1033 = arith.constant 9.99999993E-9 : f32
      %add3A_1034 = vector.broadcast %add3A_1033 : f32 to vector<16xf32>
      %add3A_1035 = arith.addf %sub3A_1032, %add3A_1034 : vector<16xf32>
      %div3A_1036 = arith.divf %mul3A_1027, %add3A_1035 : vector<16xf32>
      %max3A_1037 = arith.maximumf %max3A_1006, %div3A_1036 : vector<16xf32>
      %gt3A_1038 = arith.cmpf ogt, %max3A_1037, %broadcast_in_dim3A_18 : vector<16xf32>
      %reduce_or3A = arith.constant 1.000000e+00 : f32
      %reduce_or3A_1039 = arith.constant 0.000000e+00 : f32
      %reduce_or3A_1040 = vector.broadcast %reduce_or3A : f32 to vector<16xf32>
      %reduce_or3A_1041 = vector.broadcast %reduce_or3A_1039 : f32 to vector<16xf32>
      %reduce_or3A_1042 = arith.select %gt3A_1038, %reduce_or3A_1040, %reduce_or3A_1041 : vector<16xi1>, vector<16xf32>
      %reduce_or3A_1043 = arith.constant true
      %reduce_or3A_1044 = vector.broadcast %reduce_or3A_1043 : i1 to vector<16xi1>
      %reduce_or3A_1045 = tpu.scan <max>, %reduce_or3A_1042 masked %reduce_or3A_1044 : vector<16xf32>, vector<16xi1> -> vector<16xf32>
      %reduce_or3A_1046 = vector.extract %reduce_or3A_1045[15] : f32 from vector<16xf32>
      %reduce_or3A_1047 = arith.constant 0.000000e+00 : f32
      %reduce_or3A_1048 = arith.cmpf ogt, %reduce_or3A_1046, %reduce_or3A_1047 : f32
      %not3A = arith.constant true
      %not3A_1049 = arith.xori %reduce_or3A_1048, %not3A : i1
      %div3A_1050 = arith.constant 16 : i32
      %div3A_1051 = arith.divsi %while3A_546, %div3A_1050 : i32
      %mul3A_1052 = arith.constant 16 : i32
      %mul3A_1053 = arith.muli %div3A_1051, %mul3A_1052 : i32
      %sub3A_1054 = arith.subi %while3A_546, %mul3A_1053 : i32
      %eq3A_1055 = vector.broadcast %sub3A_1054 : i32 to vector<16xi32>
      %eq3A_1056 = arith.cmpi eq, %iota3A, %eq3A_1055 : vector<16xi32>
      %broadcast_in_dim3A_1057 = vector.broadcast %not3A_1049 : i1 to vector<16xi1>
      %and3A = arith.andi %eq3A_1056, %broadcast_in_dim3A_1057 : vector<16xi1>
      %get3A_1058 = arith.index_cast %mul3A_1053 : i32 to index
      %get3A_1059 = tpu.vector_load %arg17[%get3A_1058] {strides = array<i32>} : memref<64xf32, #tpu.memory_space<vmem>>, vector<16xf32>,
      %select_n3A_1060 = arith.select %and3A, %gather3A_908, %get3A_1059 : vector<16xi1>, vector<16xf32>
      %swap3A_1061 = arith.index_cast %mul3A_1053 : i32 to index
      %swap3A_1062 = tpu.vector_load %arg17[%swap3A_1061] {strides = array<i32>} : memref<64xf32, #tpu.memory_space<vmem>>, vector<16xf32>,
      tpu.vector_store %arg17[%swap3A_1061], %select_n3A_1060 {strides = array<i32>} : memref<64xf32, #tpu.memory_space<vmem>>, vector<16xf32>,
      %get3A_1063 = arith.index_cast %mul3A_1053 : i32 to index
      %get3A_1064 = tpu.vector_load %arg18[%get3A_1063] {strides = array<i32>} : memref<64xf32, #tpu.memory_space<vmem>>, vector<16xf32>,
      %select_n3A_1065 = arith.select %and3A, %gather3A_909, %get3A_1064 : vector<16xi1>, vector<16xf32>
      %swap3A_1066 = arith.index_cast %mul3A_1053 : i32 to index
      %swap3A_1067 = tpu.vector_load %arg18[%swap3A_1066] {strides = array<i32>} : memref<64xf32, #tpu.memory_space<vmem>>, vector<16xf32>,
      tpu.vector_store %arg18[%swap3A_1066], %select_n3A_1065 {strides = array<i32>} : memref<64xf32, #tpu.memory_space<vmem>>, vector<16xf32>,
      %get3A_1068 = arith.index_cast %mul3A_1053 : i32 to index
      %get3A_1069 = tpu.vector_load %arg19[%get3A_1068] {strides = array<i32>} : memref<64xf32, #tpu.memory_space<vmem>>, vector<16xf32>,
      %select_n3A_1070 = arith.select %and3A, %gather3A_910, %get3A_1069 : vector<16xi1>, vector<16xf32>
      %swap3A_1071 = arith.index_cast %mul3A_1053 : i32 to index
      %swap3A_1072 = tpu.vector_load %arg19[%swap3A_1071] {strides = array<i32>} : memref<64xf32, #tpu.memory_space<vmem>>, vector<16xf32>,
      tpu.vector_store %arg19[%swap3A_1071], %select_n3A_1070 {strides = array<i32>} : memref<64xf32, #tpu.memory_space<vmem>>, vector<16xf32>,
      %get3A_1073 = arith.index_cast %mul3A_1053 : i32 to index
      %get3A_1074 = tpu.vector_load %arg20[%get3A_1073] {strides = array<i32>} : memref<64xf32, #tpu.memory_space<vmem>>, vector<16xf32>,
      %select_n3A_1075 = arith.select %and3A, %gather3A_911, %get3A_1074 : vector<16xi1>, vector<16xf32>
      %swap3A_1076 = arith.index_cast %mul3A_1053 : i32 to index
      %swap3A_1077 = tpu.vector_load %arg20[%swap3A_1076] {strides = array<i32>} : memref<64xf32, #tpu.memory_space<vmem>>, vector<16xf32>,
      tpu.vector_store %arg20[%swap3A_1076], %select_n3A_1075 {strides = array<i32>} : memref<64xf32, #tpu.memory_space<vmem>>, vector<16xf32>,
      %get3A_1078 = arith.index_cast %mul3A_1053 : i32 to index
      %get3A_1079 = tpu.vector_load %arg21[%get3A_1078] {strides = array<i32>} : memref<64xf32, #tpu.memory_space<vmem>>, vector<16xf32>,
      %select_n3A_1080 = arith.select %and3A, %while3A_547, %get3A_1079 : vector<16xi1>, vector<16xf32>
      %swap3A_1081 = arith.index_cast %mul3A_1053 : i32 to index
      %swap3A_1082 = tpu.vector_load %arg21[%swap3A_1081] {strides = array<i32>} : memref<64xf32, #tpu.memory_space<vmem>>, vector<16xf32>,
      tpu.vector_store %arg21[%swap3A_1081], %select_n3A_1080 {strides = array<i32>} : memref<64xf32, #tpu.memory_space<vmem>>, vector<16xf32>,
      %convert_element_type3A_1083 = arith.extui %not3A_1049 : i1 to i32
      %add3A_1084 = arith.addi %while3A_546, %convert_element_type3A_1083 : i32
      scf.yield %add3A_1084, %max3A_906 : i32, vector<16xf32>
    }
    %get3A_429 = arith.constant 0 : index
    %get3A_430 = tpu.vector_load %arg21[%get3A_429] {strides = array<i32>} : memref<64xf32, #tpu.memory_space<vmem>>, vector<16xf32>,
    %swap3A_431 = arith.constant 0 : index
    %swap3A_432 = tpu.vector_load %arg28[%swap3A_431] {strides = array<i32>} : memref<320xf32, #tpu.memory_space<vmem>>, vector<16xf32>,
    tpu.vector_store %arg28[%swap3A_431], %get3A_430 {strides = array<i32>} : memref<320xf32, #tpu.memory_space<vmem>>, vector<16xf32>,
    %get3A_433 = arith.constant 16 : index
    %get3A_434 = tpu.vector_load %arg21[%get3A_433] {strides = array<i32>} : memref<64xf32, #tpu.memory_space<vmem>>, vector<16xf32>,
    %swap3A_435 = arith.constant 16 : index
    %swap3A_436 = tpu.vector_load %arg28[%swap3A_435] {strides = array<i32>} : memref<320xf32, #tpu.memory_space<vmem>>, vector<16xf32>,
    tpu.vector_store %arg28[%swap3A_435], %get3A_434 {strides = array<i32>} : memref<320xf32, #tpu.memory_space<vmem>>, vector<16xf32>,
    %get3A_437 = arith.constant 32 : index
    %get3A_438 = tpu.vector_load %arg21[%get3A_437] {strides = array<i32>} : memref<64xf32, #tpu.memory_space<vmem>>, vector<16xf32>,
    %swap3A_439 = arith.constant 32 : index
    %swap3A_440 = tpu.vector_load %arg28[%swap3A_439] {strides = array<i32>} : memref<320xf32, #tpu.memory_space<vmem>>, vector<16xf32>,
    tpu.vector_store %arg28[%swap3A_439], %get3A_438 {strides = array<i32>} : memref<320xf32, #tpu.memory_space<vmem>>, vector<16xf32>,
    %get3A_441 = arith.constant 48 : index
    %get3A_442 = tpu.vector_load %arg21[%get3A_441] {strides = array<i32>} : memref<64xf32, #tpu.memory_space<vmem>>, vector<16xf32>,
    %swap3A_443 = arith.constant 48 : index
    %swap3A_444 = tpu.vector_load %arg28[%swap3A_443] {strides = array<i32>} : memref<320xf32, #tpu.memory_space<vmem>>, vector<16xf32>,
    tpu.vector_store %arg28[%swap3A_443], %get3A_442 {strides = array<i32>} : memref<320xf32, #tpu.memory_space<vmem>>, vector<16xf32>,
    %get3A_445 = arith.constant 0 : index
    %get3A_446 = tpu.vector_load %arg17[%get3A_445] {strides = array<i32>} : memref<64xf32, #tpu.memory_space<vmem>>, vector<16xf32>,
    %swap3A_447 = arith.constant 64 : index
    %swap3A_448 = tpu.vector_load %arg28[%swap3A_447] {strides = array<i32>} : memref<320xf32, #tpu.memory_space<vmem>>, vector<16xf32>,
    tpu.vector_store %arg28[%swap3A_447], %get3A_446 {strides = array<i32>} : memref<320xf32, #tpu.memory_space<vmem>>, vector<16xf32>,
    %get3A_449 = arith.constant 16 : index
    %get3A_450 = tpu.vector_load %arg17[%get3A_449] {strides = array<i32>} : memref<64xf32, #tpu.memory_space<vmem>>, vector<16xf32>,
    %swap3A_451 = arith.constant 80 : index
    %swap3A_452 = tpu.vector_load %arg28[%swap3A_451] {strides = array<i32>} : memref<320xf32, #tpu.memory_space<vmem>>, vector<16xf32>,
    tpu.vector_store %arg28[%swap3A_451], %get3A_450 {strides = array<i32>} : memref<320xf32, #tpu.memory_space<vmem>>, vector<16xf32>,
    %get3A_453 = arith.constant 32 : index
    %get3A_454 = tpu.vector_load %arg17[%get3A_453] {strides = array<i32>} : memref<64xf32, #tpu.memory_space<vmem>>, vector<16xf32>,
    %swap3A_455 = arith.constant 96 : index
    %swap3A_456 = tpu.vector_load %arg28[%swap3A_455] {strides = array<i32>} : memref<320xf32, #tpu.memory_space<vmem>>, vector<16xf32>,
    tpu.vector_store %arg28[%swap3A_455], %get3A_454 {strides = array<i32>} : memref<320xf32, #tpu.memory_space<vmem>>, vector<16xf32>,
    %get3A_457 = arith.constant 48 : index
    %get3A_458 = tpu.vector_load %arg17[%get3A_457] {strides = array<i32>} : memref<64xf32, #tpu.memory_space<vmem>>, vector<16xf32>,
    %swap3A_459 = arith.constant 112 : index
    %swap3A_460 = tpu.vector_load %arg28[%swap3A_459] {strides = array<i32>} : memref<320xf32, #tpu.memory_space<vmem>>, vector<16xf32>,
    tpu.vector_store %arg28[%swap3A_459], %get3A_458 {strides = array<i32>} : memref<320xf32, #tpu.memory_space<vmem>>, vector<16xf32>,
    %get3A_461 = arith.constant 0 : index
    %get3A_462 = tpu.vector_load %arg18[%get3A_461] {strides = array<i32>} : memref<64xf32, #tpu.memory_space<vmem>>, vector<16xf32>,
    %swap3A_463 = arith.constant 128 : index
    %swap3A_464 = tpu.vector_load %arg28[%swap3A_463] {strides = array<i32>} : memref<320xf32, #tpu.memory_space<vmem>>, vector<16xf32>,
    tpu.vector_store %arg28[%swap3A_463], %get3A_462 {strides = array<i32>} : memref<320xf32, #tpu.memory_space<vmem>>, vector<16xf32>,
    %get3A_465 = arith.constant 16 : index
    %get3A_466 = tpu.vector_load %arg18[%get3A_465] {strides = array<i32>} : memref<64xf32, #tpu.memory_space<vmem>>, vector<16xf32>,
    %swap3A_467 = arith.constant 144 : index
    %swap3A_468 = tpu.vector_load %arg28[%swap3A_467] {strides = array<i32>} : memref<320xf32, #tpu.memory_space<vmem>>, vector<16xf32>,
    tpu.vector_store %arg28[%swap3A_467], %get3A_466 {strides = array<i32>} : memref<320xf32, #tpu.memory_space<vmem>>, vector<16xf32>,
    %get3A_469 = arith.constant 32 : index
    %get3A_470 = tpu.vector_load %arg18[%get3A_469] {strides = array<i32>} : memref<64xf32, #tpu.memory_space<vmem>>, vector<16xf32>,
    %swap3A_471 = arith.constant 160 : index
    %swap3A_472 = tpu.vector_load %arg28[%swap3A_471] {strides = array<i32>} : memref<320xf32, #tpu.memory_space<vmem>>, vector<16xf32>,
    tpu.vector_store %arg28[%swap3A_471], %get3A_470 {strides = array<i32>} : memref<320xf32, #tpu.memory_space<vmem>>, vector<16xf32>,
    %get3A_473 = arith.constant 48 : index
    %get3A_474 = tpu.vector_load %arg18[%get3A_473] {strides = array<i32>} : memref<64xf32, #tpu.memory_space<vmem>>, vector<16xf32>,
    %swap3A_475 = arith.constant 176 : index
    %swap3A_476 = tpu.vector_load %arg28[%swap3A_475] {strides = array<i32>} : memref<320xf32, #tpu.memory_space<vmem>>, vector<16xf32>,
    tpu.vector_store %arg28[%swap3A_475], %get3A_474 {strides = array<i32>} : memref<320xf32, #tpu.memory_space<vmem>>, vector<16xf32>,
    %get3A_477 = arith.constant 0 : index
    %get3A_478 = tpu.vector_load %arg19[%get3A_477] {strides = array<i32>} : memref<64xf32, #tpu.memory_space<vmem>>, vector<16xf32>,
    %swap3A_479 = arith.constant 192 : index
    %swap3A_480 = tpu.vector_load %arg28[%swap3A_479] {strides = array<i32>} : memref<320xf32, #tpu.memory_space<vmem>>, vector<16xf32>,
    tpu.vector_store %arg28[%swap3A_479], %get3A_478 {strides = array<i32>} : memref<320xf32, #tpu.memory_space<vmem>>, vector<16xf32>,
    %get3A_481 = arith.constant 16 : index
    %get3A_482 = tpu.vector_load %arg19[%get3A_481] {strides = array<i32>} : memref<64xf32, #tpu.memory_space<vmem>>, vector<16xf32>,
    %swap3A_483 = arith.constant 208 : index
    %swap3A_484 = tpu.vector_load %arg28[%swap3A_483] {strides = array<i32>} : memref<320xf32, #tpu.memory_space<vmem>>, vector<16xf32>,
    tpu.vector_store %arg28[%swap3A_483], %get3A_482 {strides = array<i32>} : memref<320xf32, #tpu.memory_space<vmem>>, vector<16xf32>,
    %get3A_485 = arith.constant 32 : index
    %get3A_486 = tpu.vector_load %arg19[%get3A_485] {strides = array<i32>} : memref<64xf32, #tpu.memory_space<vmem>>, vector<16xf32>,
    %swap3A_487 = arith.constant 224 : index
    %swap3A_488 = tpu.vector_load %arg28[%swap3A_487] {strides = array<i32>} : memref<320xf32, #tpu.memory_space<vmem>>, vector<16xf32>,
    tpu.vector_store %arg28[%swap3A_487], %get3A_486 {strides = array<i32>} : memref<320xf32, #tpu.memory_space<vmem>>, vector<16xf32>,
    %get3A_489 = arith.constant 48 : index
    %get3A_490 = tpu.vector_load %arg19[%get3A_489] {strides = array<i32>} : memref<64xf32, #tpu.memory_space<vmem>>, vector<16xf32>,
    %swap3A_491 = arith.constant 240 : index
    %swap3A_492 = tpu.vector_load %arg28[%swap3A_491] {strides = array<i32>} : memref<320xf32, #tpu.memory_space<vmem>>, vector<16xf32>,
    tpu.vector_store %arg28[%swap3A_491], %get3A_490 {strides = array<i32>} : memref<320xf32, #tpu.memory_space<vmem>>, vector<16xf32>,
    %get3A_493 = arith.constant 0 : index
    %get3A_494 = tpu.vector_load %arg20[%get3A_493] {strides = array<i32>} : memref<64xf32, #tpu.memory_space<vmem>>, vector<16xf32>,
    %swap3A_495 = arith.constant 256 : index
    %swap3A_496 = tpu.vector_load %arg28[%swap3A_495] {strides = array<i32>} : memref<320xf32, #tpu.memory_space<vmem>>, vector<16xf32>,
    tpu.vector_store %arg28[%swap3A_495], %get3A_494 {strides = array<i32>} : memref<320xf32, #tpu.memory_space<vmem>>, vector<16xf32>,
    %get3A_497 = arith.constant 16 : index
    %get3A_498 = tpu.vector_load %arg20[%get3A_497] {strides = array<i32>} : memref<64xf32, #tpu.memory_space<vmem>>, vector<16xf32>,
    %swap3A_499 = arith.constant 272 : index
    %swap3A_500 = tpu.vector_load %arg28[%swap3A_499] {strides = array<i32>} : memref<320xf32, #tpu.memory_space<vmem>>, vector<16xf32>,
    tpu.vector_store %arg28[%swap3A_499], %get3A_498 {strides = array<i32>} : memref<320xf32, #tpu.memory_space<vmem>>, vector<16xf32>,
    %get3A_501 = arith.constant 32 : index
    %get3A_502 = tpu.vector_load %arg20[%get3A_501] {strides = array<i32>} : memref<64xf32, #tpu.memory_space<vmem>>, vector<16xf32>,
    %swap3A_503 = arith.constant 288 : index
    %swap3A_504 = tpu.vector_load %arg28[%swap3A_503] {strides = array<i32>} : memref<320xf32, #tpu.memory_space<vmem>>, vector<16xf32>,
    tpu.vector_store %arg28[%swap3A_503], %get3A_502 {strides = array<i32>} : memref<320xf32, #tpu.memory_space<vmem>>, vector<16xf32>,
    %get3A_505 = arith.constant 48 : index
    %get3A_506 = tpu.vector_load %arg20[%get3A_505] {strides = array<i32>} : memref<64xf32, #tpu.memory_space<vmem>>, vector<16xf32>,
    %swap3A_507 = arith.constant 304 : index
    %swap3A_508 = tpu.vector_load %arg28[%swap3A_507] {strides = array<i32>} : memref<320xf32, #tpu.memory_space<vmem>>, vector<16xf32>,
    tpu.vector_store %arg28[%swap3A_507], %get3A_506 {strides = array<i32>} : memref<320xf32, #tpu.memory_space<vmem>>, vector<16xf32>,
    %dma_start3A_509 = arith.constant 0 : i32
    %dma_start3A_510 = tpu.memref_slice %arg6[%add3A_340, %dma_start3A_509] : memref<80x320xf32, #tpu.memory_space<hbm>> -> memref<1x320xf32, #tpu.memory_space<hbm>>
    %dma_start3A_511 = tpu.memref_squeeze %dma_start3A_510 : memref<1x320xf32, #tpu.memory_space<hbm>> -> memref<320xf32, #tpu.memory_space<hbm>>
    %dma_start3A_512 = arith.constant 0 : i32
    %dma_start3A_513 = tpu.memref_slice %arg6[%add3A_340, %dma_start3A_512] : memref<80x320xf32, #tpu.memory_space<hbm>> -> memref<1x320xf32, #tpu.memory_space<hbm>>
    %dma_start3A_514 = tpu.memref_squeeze %dma_start3A_513 : memref<1x320xf32, #tpu.memory_space<hbm>> -> memref<320xf32, #tpu.memory_space<hbm>>
    tpu.enqueue_dma source(%arg28 : memref<320xf32, #tpu.memory_space<vmem>>) target(%dma_start3A_514 : memref<320xf32, #tpu.memory_space<hbm>>) target_semaphore(%arg33 : memref<!tpu.dma_semaphore, #tpu.memory_space<semaphore_mem>>)
    %dma_wait3A_515 = arith.constant 0 : i32
    %dma_wait3A_516 = tpu.memref_slice %arg2[%min3A_302, %dma_wait3A_515] : memref<80x20000xf32, #tpu.memory_space<hbm>> -> memref<1x20000xf32, #tpu.memory_space<hbm>>
    %dma_wait3A_517 = tpu.memref_squeeze %dma_wait3A_516 : memref<1x20000xf32, #tpu.memory_space<hbm>> -> memref<20000xf32, #tpu.memory_space<hbm>>
    %dma_wait3A_518 = arith.constant 0 : i32
    %dma_wait3A_519 = tpu.memref_slice %arg2[%min3A_302, %dma_wait3A_518] : memref<80x20000xf32, #tpu.memory_space<hbm>> -> memref<1x20000xf32, #tpu.memory_space<hbm>>
    %dma_wait3A_520 = tpu.memref_squeeze %dma_wait3A_519 : memref<1x20000xf32, #tpu.memory_space<hbm>> -> memref<20000xf32, #tpu.memory_space<hbm>>
    tpu.wait_dma2 semaphore(%arg31 : memref<!tpu.dma_semaphore, #tpu.memory_space<semaphore_mem>>) src(%dma_wait3A_520 : memref<20000xf32, #tpu.memory_space<hbm>>) dst(%arg7 : memref<20000xf32, #tpu.memory_space<vmem>>)
    %dma_wait3A_521 = arith.constant 0 : i32
    %dma_wait3A_522 = tpu.memref_slice %arg3[%min3A_302, %dma_wait3A_521] : memref<80x160xf32, #tpu.memory_space<hbm>> -> memref<1x160xf32, #tpu.memory_space<hbm>>
    %dma_wait3A_523 = tpu.memref_squeeze %dma_wait3A_522 : memref<1x160xf32, #tpu.memory_space<hbm>> -> memref<160xf32, #tpu.memory_space<hbm>>
    %dma_wait3A_524 = arith.constant 0 : i32
    %dma_wait3A_525 = tpu.memref_slice %arg3[%min3A_302, %dma_wait3A_524] : memref<80x160xf32, #tpu.memory_space<hbm>> -> memref<1x160xf32, #tpu.memory_space<hbm>>
    %dma_wait3A_526 = tpu.memref_squeeze %dma_wait3A_525 : memref<1x160xf32, #tpu.memory_space<hbm>> -> memref<160xf32, #tpu.memory_space<hbm>>
    tpu.wait_dma2 semaphore(%arg31 : memref<!tpu.dma_semaphore, #tpu.memory_space<semaphore_mem>>) src(%dma_wait3A_526 : memref<160xf32, #tpu.memory_space<hbm>>) dst(%arg9 : memref<160xf32, #tpu.memory_space<vmem>>)
    %dma_wait3A_527 = arith.constant 0 : i32
    %dma_wait3A_528 = tpu.memref_slice %arg4[%min3A_302, %dma_wait3A_527] : memref<80x16xf32, #tpu.memory_space<hbm>> -> memref<1x16xf32, #tpu.memory_space<hbm>>
    %dma_wait3A_529 = tpu.memref_squeeze %dma_wait3A_528 : memref<1x16xf32, #tpu.memory_space<hbm>> -> memref<16xf32, #tpu.memory_space<hbm>>
    %dma_wait3A_530 = arith.constant 0 : i32
    %dma_wait3A_531 = tpu.memref_slice %arg4[%min3A_302, %dma_wait3A_530] : memref<80x16xf32, #tpu.memory_space<hbm>> -> memref<1x16xf32, #tpu.memory_space<hbm>>
    %dma_wait3A_532 = tpu.memref_squeeze %dma_wait3A_531 : memref<1x16xf32, #tpu.memory_space<hbm>> -> memref<16xf32, #tpu.memory_space<hbm>>
    tpu.wait_dma2 semaphore(%arg31 : memref<!tpu.dma_semaphore, #tpu.memory_space<semaphore_mem>>) src(%dma_wait3A_532 : memref<16xf32, #tpu.memory_space<hbm>>) dst(%arg11 : memref<16xf32, #tpu.memory_space<vmem>>)
    %convert_element_type3A = arith.extui %lt3A_299 : i1 to i32
    %cond3A = arith.constant 0 : i32
    %cond3A_533 = arith.cmpi ne, %convert_element_type3A, %cond3A : i32
    scf.if %cond3A_533 {
      %add3A_546 = arith.constant 64 : i32
      %add3A_547 = arith.addi %add3A, %add3A_546 : i32
      %swap3A_548 = arith.constant 0 : index
      %swap3A_549 = tpu.vector_load %arg17[%swap3A_548] {strides = array<i32>} : memref<64xf32, #tpu.memory_space<vmem>>, vector<16xf32>,
      tpu.vector_store %arg17[%swap3A_548], %broadcast_in_dim3A_12 {strides = array<i32>} : memref<64xf32, #tpu.memory_space<vmem>>, vector<16xf32>,
      %swap3A_550 = arith.constant 16 : index
      %swap3A_551 = tpu.vector_load %arg17[%swap3A_550] {strides = array<i32>} : memref<64xf32, #tpu.memory_space<vmem>>, vector<16xf32>,
      tpu.vector_store %arg17[%swap3A_550], %broadcast_in_dim3A_12 {strides = array<i32>} : memref<64xf32, #tpu.memory_space<vmem>>, vector<16xf32>,
      %swap3A_552 = arith.constant 32 : index
      %swap3A_553 = tpu.vector_load %arg17[%swap3A_552] {strides = array<i32>} : memref<64xf32, #tpu.memory_space<vmem>>, vector<16xf32>,
      tpu.vector_store %arg17[%swap3A_552], %broadcast_in_dim3A_12 {strides = array<i32>} : memref<64xf32, #tpu.memory_space<vmem>>, vector<16xf32>,
      %swap3A_554 = arith.constant 48 : index
      %swap3A_555 = tpu.vector_load %arg17[%swap3A_554] {strides = array<i32>} : memref<64xf32, #tpu.memory_space<vmem>>, vector<16xf32>,
      tpu.vector_store %arg17[%swap3A_554], %broadcast_in_dim3A_12 {strides = array<i32>} : memref<64xf32, #tpu.memory_space<vmem>>, vector<16xf32>,
      %swap3A_556 = arith.constant 0 : index
      %swap3A_557 = tpu.vector_load %arg18[%swap3A_556] {strides = array<i32>} : memref<64xf32, #tpu.memory_space<vmem>>, vector<16xf32>,
      tpu.vector_store %arg18[%swap3A_556], %broadcast_in_dim3A_12 {strides = array<i32>} : memref<64xf32, #tpu.memory_space<vmem>>, vector<16xf32>,
      %swap3A_558 = arith.constant 16 : index
      %swap3A_559 = tpu.vector_load %arg18[%swap3A_558] {strides = array<i32>} : memref<64xf32, #tpu.memory_space<vmem>>, vector<16xf32>,
      tpu.vector_store %arg18[%swap3A_558], %broadcast_in_dim3A_12 {strides = array<i32>} : memref<64xf32, #tpu.memory_space<vmem>>, vector<16xf32>,
      %swap3A_560 = arith.constant 32 : index
      %swap3A_561 = tpu.vector_load %arg18[%swap3A_560] {strides = array<i32>} : memref<64xf32, #tpu.memory_space<vmem>>, vector<16xf32>,
      tpu.vector_store %arg18[%swap3A_560], %broadcast_in_dim3A_12 {strides = array<i32>} : memref<64xf32, #tpu.memory_space<vmem>>, vector<16xf32>,
      %swap3A_562 = arith.constant 48 : index
      %swap3A_563 = tpu.vector_load %arg18[%swap3A_562] {strides = array<i32>} : memref<64xf32, #tpu.memory_space<vmem>>, vector<16xf32>,
      tpu.vector_store %arg18[%swap3A_562], %broadcast_in_dim3A_12 {strides = array<i32>} : memref<64xf32, #tpu.memory_space<vmem>>, vector<16xf32>,
      %swap3A_564 = arith.constant 0 : index
      %swap3A_565 = tpu.vector_load %arg19[%swap3A_564] {strides = array<i32>} : memref<64xf32, #tpu.memory_space<vmem>>, vector<16xf32>,
      tpu.vector_store %arg19[%swap3A_564], %broadcast_in_dim3A_12 {strides = array<i32>} : memref<64xf32, #tpu.memory_space<vmem>>, vector<16xf32>,
      %swap3A_566 = arith.constant 16 : index
      %swap3A_567 = tpu.vector_load %arg19[%swap3A_566] {strides = array<i32>} : memref<64xf32, #tpu.memory_space<vmem>>, vector<16xf32>,
      tpu.vector_store %arg19[%swap3A_566], %broadcast_in_dim3A_12 {strides = array<i32>} : memref<64xf32, #tpu.memory_space<vmem>>, vector<16xf32>,
      %swap3A_568 = arith.constant 32 : index
      %swap3A_569 = tpu.vector_load %arg19[%swap3A_568] {strides = array<i32>} : memref<64xf32, #tpu.memory_space<vmem>>, vector<16xf32>,
      tpu.vector_store %arg19[%swap3A_568], %broadcast_in_dim3A_12 {strides = array<i32>} : memref<64xf32, #tpu.memory_space<vmem>>, vector<16xf32>,
      %swap3A_570 = arith.constant 48 : index
      %swap3A_571 = tpu.vector_load %arg19[%swap3A_570] {strides = array<i32>} : memref<64xf32, #tpu.memory_space<vmem>>, vector<16xf32>,
      tpu.vector_store %arg19[%swap3A_570], %broadcast_in_dim3A_12 {strides = array<i32>} : memref<64xf32, #tpu.memory_space<vmem>>, vector<16xf32>,
      %swap3A_572 = arith.constant 0 : index
      %swap3A_573 = tpu.vector_load %arg20[%swap3A_572] {strides = array<i32>} : memref<64xf32, #tpu.memory_space<vmem>>, vector<16xf32>,
      tpu.vector_store %arg20[%swap3A_572], %broadcast_in_dim3A_12 {strides = array<i32>} : memref<64xf32, #tpu.memory_space<vmem>>, vector<16xf32>,
      %swap3A_574 = arith.constant 16 : index
      %swap3A_575 = tpu.vector_load %arg20[%swap3A_574] {strides = array<i32>} : memref<64xf32, #tpu.memory_space<vmem>>, vector<16xf32>,
      tpu.vector_store %arg20[%swap3A_574], %broadcast_in_dim3A_12 {strides = array<i32>} : memref<64xf32, #tpu.memory_space<vmem>>, vector<16xf32>,
      %swap3A_576 = arith.constant 32 : index
      %swap3A_577 = tpu.vector_load %arg20[%swap3A_576] {strides = array<i32>} : memref<64xf32, #tpu.memory_space<vmem>>, vector<16xf32>,
      tpu.vector_store %arg20[%swap3A_576], %broadcast_in_dim3A_12 {strides = array<i32>} : memref<64xf32, #tpu.memory_space<vmem>>, vector<16xf32>,
      %swap3A_578 = arith.constant 48 : index
      %swap3A_579 = tpu.vector_load %arg20[%swap3A_578] {strides = array<i32>} : memref<64xf32, #tpu.memory_space<vmem>>, vector<16xf32>,
      tpu.vector_store %arg20[%swap3A_578], %broadcast_in_dim3A_12 {strides = array<i32>} : memref<64xf32, #tpu.memory_space<vmem>>, vector<16xf32>,
      %swap3A_580 = arith.constant 0 : index
      %swap3A_581 = tpu.vector_load %arg21[%swap3A_580] {strides = array<i32>} : memref<64xf32, #tpu.memory_space<vmem>>, vector<16xf32>,
      tpu.vector_store %arg21[%swap3A_580], %broadcast_in_dim3A_12 {strides = array<i32>} : memref<64xf32, #tpu.memory_space<vmem>>, vector<16xf32>,
      %swap3A_582 = arith.constant 16 : index
      %swap3A_583 = tpu.vector_load %arg21[%swap3A_582] {strides = array<i32>} : memref<64xf32, #tpu.memory_space<vmem>>, vector<16xf32>,
      tpu.vector_store %arg21[%swap3A_582], %broadcast_in_dim3A_12 {strides = array<i32>} : memref<64xf32, #tpu.memory_space<vmem>>, vector<16xf32>,
      %swap3A_584 = arith.constant 32 : index
      %swap3A_585 = tpu.vector_load %arg21[%swap3A_584] {strides = array<i32>} : memref<64xf32, #tpu.memory_space<vmem>>, vector<16xf32>,
      tpu.vector_store %arg21[%swap3A_584], %broadcast_in_dim3A_12 {strides = array<i32>} : memref<64xf32, #tpu.memory_space<vmem>>, vector<16xf32>,
      %swap3A_586 = arith.constant 48 : index
      %swap3A_587 = tpu.vector_load %arg21[%swap3A_586] {strides = array<i32>} : memref<64xf32, #tpu.memory_space<vmem>>, vector<16xf32>,
      tpu.vector_store %arg21[%swap3A_586], %broadcast_in_dim3A_12 {strides = array<i32>} : memref<64xf32, #tpu.memory_space<vmem>>, vector<16xf32>,
      %get3A_588 = arith.constant 0 : index
      %get3A_589 = tpu.vector_load %arg11[%get3A_588] {strides = array<i32>} : memref<16xf32, #tpu.memory_space<vmem>>, vector<16xf32>,
      %lt3A_590 = arith.constant 0 : i32
      %lt3A_591 = vector.broadcast %lt3A_590 : i32 to vector<16xi32>
      %lt3A_592 = arith.cmpi slt, %xor3A_2, %lt3A_591 : vector<16xi32>
      %add3A_593 = arith.constant 16 : i32
      %add3A_594 = vector.broadcast %add3A_593 : i32 to vector<16xi32>
      %add3A_595 = arith.addi %xor3A_2, %add3A_594 : vector<16xi32>
      %select_n3A_596 = arith.select %lt3A_592, %add3A_595, %xor3A_2 : vector<16xi1>, vector<16xi32>
      %broadcast_in_dim3A_597 = vector.shape_cast %select_n3A_596 : vector<16xi32> to vector<16x1xi32>
      %gather3A_598 = vector.shape_cast %broadcast_in_dim3A_597 : vector<16x1xi32> to vector<16xi32>
      %gather3A_599 = tpu.dynamic_gather %get3A_589[%gather3A_598] in [0] : vector<16xf32>, vector<16xi32> -> vector<16xf32>
      %max3A_600 = arith.maximumf %get3A_589, %gather3A_599 : vector<16xf32>
      %lt3A_601 = arith.constant 0 : i32
      %lt3A_602 = vector.broadcast %lt3A_601 : i32 to vector<16xi32>
      %lt3A_603 = arith.cmpi slt, %xor3A_5, %lt3A_602 : vector<16xi32>
      %add3A_604 = arith.constant 16 : i32
      %add3A_605 = vector.broadcast %add3A_604 : i32 to vector<16xi32>
      %add3A_606 = arith.addi %xor3A_5, %add3A_605 : vector<16xi32>
      %select_n3A_607 = arith.select %lt3A_603, %add3A_606, %xor3A_5 : vector<16xi1>, vector<16xi32>
      %broadcast_in_dim3A_608 = vector.shape_cast %select_n3A_607 : vector<16xi32> to vector<16x1xi32>
      %gather3A_609 = vector.shape_cast %broadcast_in_dim3A_608 : vector<16x1xi32> to vector<16xi32>
      %gather3A_610 = tpu.dynamic_gather %max3A_600[%gather3A_609] in [0] : vector<16xf32>, vector<16xi32> -> vector<16xf32>
      %max3A_611 = arith.maximumf %max3A_600, %gather3A_610 : vector<16xf32>
      %lt3A_612 = arith.constant 0 : i32
      %lt3A_613 = vector.broadcast %lt3A_612 : i32 to vector<16xi32>
      %lt3A_614 = arith.cmpi slt, %xor3A_8, %lt3A_613 : vector<16xi32>
      %add3A_615 = arith.constant 16 : i32
      %add3A_616 = vector.broadcast %add3A_615 : i32 to vector<16xi32>
      %add3A_617 = arith.addi %xor3A_8, %add3A_616 : vector<16xi32>
      %select_n3A_618 = arith.select %lt3A_614, %add3A_617, %xor3A_8 : vector<16xi1>, vector<16xi32>
      %broadcast_in_dim3A_619 = vector.shape_cast %select_n3A_618 : vector<16xi32> to vector<16x1xi32>
      %gather3A_620 = vector.shape_cast %broadcast_in_dim3A_619 : vector<16x1xi32> to vector<16xi32>
      %gather3A_621 = tpu.dynamic_gather %max3A_611[%gather3A_620] in [0] : vector<16xf32>, vector<16xi32> -> vector<16xf32>
      %max3A_622 = arith.maximumf %max3A_611, %gather3A_621 : vector<16xf32>
      %lt3A_623 = arith.constant 0 : i32
      %lt3A_624 = vector.broadcast %lt3A_623 : i32 to vector<16xi32>
      %lt3A_625 = arith.cmpi slt, %xor3A_11, %lt3A_624 : vector<16xi32>
      %add3A_626 = arith.constant 16 : i32
      %add3A_627 = vector.broadcast %add3A_626 : i32 to vector<16xi32>
      %add3A_628 = arith.addi %xor3A_11, %add3A_627 : vector<16xi32>
      %select_n3A_629 = arith.select %lt3A_625, %add3A_628, %xor3A_11 : vector<16xi1>, vector<16xi32>
      %broadcast_in_dim3A_630 = vector.shape_cast %select_n3A_629 : vector<16xi32> to vector<16x1xi32>
      %gather3A_631 = vector.shape_cast %broadcast_in_dim3A_630 : vector<16x1xi32> to vector<16xi32>
      %gather3A_632 = tpu.dynamic_gather %max3A_622[%gather3A_631] in [0] : vector<16xf32>, vector<16xi32> -> vector<16xf32>
      %max3A_633 = arith.maximumf %max3A_622, %gather3A_632 : vector<16xf32>
      %while3A_634 = arith.constant 0 : i32
      %while3A_635:2 = scf.while (%while3A_728 = %while3A_634, %while3A_729 = %max3A_633) : (i32, vector<16xf32>) -> (i32, vector<16xf32>) {
        %lt3A_730 = arith.constant 64 : i32
        %lt3A_731 = arith.cmpi slt, %while3A_728, %lt3A_730 : i32
        %gt3A = arith.cmpf ogt, %while3A_729, %broadcast_in_dim3A_16 : vector<16xf32>
        %reduce_or3A = arith.constant 1.000000e+00 : f32
        %reduce_or3A_732 = arith.constant 0.000000e+00 : f32
        %reduce_or3A_733 = vector.broadcast %reduce_or3A : f32 to vector<16xf32>
        %reduce_or3A_734 = vector.broadcast %reduce_or3A_732 : f32 to vector<16xf32>
        %reduce_or3A_735 = arith.select %gt3A, %reduce_or3A_733, %reduce_or3A_734 : vector<16xi1>, vector<16xf32>
        %reduce_or3A_736 = arith.constant true
        %reduce_or3A_737 = vector.broadcast %reduce_or3A_736 : i1 to vector<16xi1>
        %reduce_or3A_738 = tpu.scan <max>, %reduce_or3A_735 masked %reduce_or3A_737 : vector<16xf32>, vector<16xi1> -> vector<16xf32>
        %reduce_or3A_739 = vector.extract %reduce_or3A_738[15] : f32 from vector<16xf32>
        %reduce_or3A_740 = arith.constant 0.000000e+00 : f32
        %reduce_or3A_741 = arith.cmpf ogt, %reduce_or3A_739, %reduce_or3A_740 : f32
        %and3A = arith.andi %lt3A_731, %reduce_or3A_741 : i1
        scf.condition(%and3A) %while3A_728, %while3A_729 : i32, vector<16xf32>
      } do {
      ^bb0(%while3A_728: i32, %while3A_729: vector<16xf32>):
        %get3A_730 = arith.constant 0 : index
        %get3A_731 = tpu.vector_load %arg11[%get3A_730] {strides = array<i32>} : memref<16xf32, #tpu.memory_space<vmem>>, vector<16xf32>,
        %eq3A = arith.cmpf oeq, %get3A_731, %while3A_729 : vector<16xf32>
        %all_reduce_ffs3A = tpu.all_reduce %eq3A {dim = 0 : i64, kind = #tpu.reduction_kind<find_first_set>} : vector<16xi1> -> vector<16xi32>
        %slice3A = vector.extract_strided_slice %all_reduce_ffs3A {offsets = [0], sizes = [1], strides = [1]} : vector<16xi32> to vector<1xi32>
        %squeeze3A = vector.extract %slice3A[0] : i32 from vector<1xi32>
        %mul3A_732 = arith.constant 16 : i32
        %mul3A_733 = arith.muli %squeeze3A, %mul3A_732 : i32
        %get3A_734 = arith.index_cast %mul3A_733 : i32 to index
        %get3A_735 = tpu.vector_load %arg9[%get3A_734] {strides = array<i32>} : memref<160xf32, #tpu.memory_space<vmem>>, vector<16xf32>,
        %eq3A_736 = arith.cmpf oeq, %get3A_735, %while3A_729 : vector<16xf32>
        %all_reduce_ffs3A_737 = tpu.all_reduce %eq3A_736 {dim = 0 : i64, kind = #tpu.reduction_kind<find_first_set>} : vector<16xi1> -> vector<16xi32>
        %slice3A_738 = vector.extract_strided_slice %all_reduce_ffs3A_737 {offsets = [0], sizes = [1], strides = [1]} : vector<16xi32> to vector<1xi32>
        %squeeze3A_739 = vector.extract %slice3A_738[0] : i32 from vector<1xi32>
        %mul3A_740 = arith.constant 16 : i32
        %mul3A_741 = arith.muli %squeeze3A, %mul3A_740 : i32
        %add3A_742 = arith.addi %mul3A_741, %squeeze3A_739 : i32
        %mul3A_743 = arith.constant 128 : i32
        %mul3A_744 = arith.muli %add3A_742, %mul3A_743 : i32
        %eq3A_745 = vector.broadcast %squeeze3A : i32 to vector<16xi32>
        %eq3A_746 = arith.cmpi eq, %iota3A, %eq3A_745 : vector<16xi32>
        %select_n3A_747 = arith.select %eq3A_746, %broadcast_in_dim3A_14, %get3A_731 : vector<16xi1>, vector<16xf32>
        %lt3A_748 = arith.constant 0 : i32
        %lt3A_749 = vector.broadcast %lt3A_748 : i32 to vector<16xi32>
        %lt3A_750 = arith.cmpi slt, %xor3A_2, %lt3A_749 : vector<16xi32>
        %add3A_751 = arith.constant 16 : i32
        %add3A_752 = vector.broadcast %add3A_751 : i32 to vector<16xi32>
        %add3A_753 = arith.addi %xor3A_2, %add3A_752 : vector<16xi32>
        %select_n3A_754 = arith.select %lt3A_750, %add3A_753, %xor3A_2 : vector<16xi1>, vector<16xi32>
        %broadcast_in_dim3A_755 = vector.shape_cast %select_n3A_754 : vector<16xi32> to vector<16x1xi32>
        %gather3A_756 = vector.shape_cast %broadcast_in_dim3A_755 : vector<16x1xi32> to vector<16xi32>
        %gather3A_757 = tpu.dynamic_gather %select_n3A_747[%gather3A_756] in [0] : vector<16xf32>, vector<16xi32> -> vector<16xf32>
        %max3A_758 = arith.maximumf %select_n3A_747, %gather3A_757 : vector<16xf32>
        %lt3A_759 = arith.constant 0 : i32
        %lt3A_760 = vector.broadcast %lt3A_759 : i32 to vector<16xi32>
        %lt3A_761 = arith.cmpi slt, %xor3A_5, %lt3A_760 : vector<16xi32>
        %add3A_762 = arith.constant 16 : i32
        %add3A_763 = vector.broadcast %add3A_762 : i32 to vector<16xi32>
        %add3A_764 = arith.addi %xor3A_5, %add3A_763 : vector<16xi32>
        %select_n3A_765 = arith.select %lt3A_761, %add3A_764, %xor3A_5 : vector<16xi1>, vector<16xi32>
        %broadcast_in_dim3A_766 = vector.shape_cast %select_n3A_765 : vector<16xi32> to vector<16x1xi32>
        %gather3A_767 = vector.shape_cast %broadcast_in_dim3A_766 : vector<16x1xi32> to vector<16xi32>
        %gather3A_768 = tpu.dynamic_gather %max3A_758[%gather3A_767] in [0] : vector<16xf32>, vector<16xi32> -> vector<16xf32>
        %max3A_769 = arith.maximumf %max3A_758, %gather3A_768 : vector<16xf32>
        %lt3A_770 = arith.constant 0 : i32
        %lt3A_771 = vector.broadcast %lt3A_770 : i32 to vector<16xi32>
        %lt3A_772 = arith.cmpi slt, %xor3A_8, %lt3A_771 : vector<16xi32>
        %add3A_773 = arith.constant 16 : i32
        %add3A_774 = vector.broadcast %add3A_773 : i32 to vector<16xi32>
        %add3A_775 = arith.addi %xor3A_8, %add3A_774 : vector<16xi32>
        %select_n3A_776 = arith.select %lt3A_772, %add3A_775, %xor3A_8 : vector<16xi1>, vector<16xi32>
        %broadcast_in_dim3A_777 = vector.shape_cast %select_n3A_776 : vector<16xi32> to vector<16x1xi32>
        %gather3A_778 = vector.shape_cast %broadcast_in_dim3A_777 : vector<16x1xi32> to vector<16xi32>
        %gather3A_779 = tpu.dynamic_gather %max3A_769[%gather3A_778] in [0] : vector<16xf32>, vector<16xi32> -> vector<16xf32>
        %max3A_780 = arith.maximumf %max3A_769, %gather3A_779 : vector<16xf32>
        %lt3A_781 = arith.constant 0 : i32
        %lt3A_782 = vector.broadcast %lt3A_781 : i32 to vector<16xi32>
        %lt3A_783 = arith.cmpi slt, %xor3A_11, %lt3A_782 : vector<16xi32>
        %add3A_784 = arith.constant 16 : i32
        %add3A_785 = vector.broadcast %add3A_784 : i32 to vector<16xi32>
        %add3A_786 = arith.addi %xor3A_11, %add3A_785 : vector<16xi32>
        %select_n3A_787 = arith.select %lt3A_783, %add3A_786, %xor3A_11 : vector<16xi1>, vector<16xi32>
        %broadcast_in_dim3A_788 = vector.shape_cast %select_n3A_787 : vector<16xi32> to vector<16x1xi32>
        %gather3A_789 = vector.shape_cast %broadcast_in_dim3A_788 : vector<16x1xi32> to vector<16xi32>
        %gather3A_790 = tpu.dynamic_gather %max3A_780[%gather3A_789] in [0] : vector<16xf32>, vector<16xi32> -> vector<16xf32>
        %max3A_791 = arith.maximumf %max3A_780, %gather3A_790 : vector<16xf32>
        %eq3A_792 = vector.broadcast %squeeze3A_739 : i32 to vector<16xi32>
        %eq3A_793 = arith.cmpi eq, %iota3A, %eq3A_792 : vector<16xi32>
        %select_n3A_794 = arith.select %eq3A_793, %broadcast_in_dim3A_14, %get3A_735 : vector<16xi1>, vector<16xf32>
        %lt3A_795 = arith.constant 0 : i32
        %lt3A_796 = vector.broadcast %lt3A_795 : i32 to vector<16xi32>
        %lt3A_797 = arith.cmpi slt, %xor3A_2, %lt3A_796 : vector<16xi32>
        %add3A_798 = arith.constant 16 : i32
        %add3A_799 = vector.broadcast %add3A_798 : i32 to vector<16xi32>
        %add3A_800 = arith.addi %xor3A_2, %add3A_799 : vector<16xi32>
        %select_n3A_801 = arith.select %lt3A_797, %add3A_800, %xor3A_2 : vector<16xi1>, vector<16xi32>
        %broadcast_in_dim3A_802 = vector.shape_cast %select_n3A_801 : vector<16xi32> to vector<16x1xi32>
        %gather3A_803 = vector.shape_cast %broadcast_in_dim3A_802 : vector<16x1xi32> to vector<16xi32>
        %gather3A_804 = tpu.dynamic_gather %select_n3A_794[%gather3A_803] in [0] : vector<16xf32>, vector<16xi32> -> vector<16xf32>
        %max3A_805 = arith.maximumf %select_n3A_794, %gather3A_804 : vector<16xf32>
        %lt3A_806 = arith.constant 0 : i32
        %lt3A_807 = vector.broadcast %lt3A_806 : i32 to vector<16xi32>
        %lt3A_808 = arith.cmpi slt, %xor3A_5, %lt3A_807 : vector<16xi32>
        %add3A_809 = arith.constant 16 : i32
        %add3A_810 = vector.broadcast %add3A_809 : i32 to vector<16xi32>
        %add3A_811 = arith.addi %xor3A_5, %add3A_810 : vector<16xi32>
        %select_n3A_812 = arith.select %lt3A_808, %add3A_811, %xor3A_5 : vector<16xi1>, vector<16xi32>
        %broadcast_in_dim3A_813 = vector.shape_cast %select_n3A_812 : vector<16xi32> to vector<16x1xi32>
        %gather3A_814 = vector.shape_cast %broadcast_in_dim3A_813 : vector<16x1xi32> to vector<16xi32>
        %gather3A_815 = tpu.dynamic_gather %max3A_805[%gather3A_814] in [0] : vector<16xf32>, vector<16xi32> -> vector<16xf32>
        %max3A_816 = arith.maximumf %max3A_805, %gather3A_815 : vector<16xf32>
        %lt3A_817 = arith.constant 0 : i32
        %lt3A_818 = vector.broadcast %lt3A_817 : i32 to vector<16xi32>
        %lt3A_819 = arith.cmpi slt, %xor3A_8, %lt3A_818 : vector<16xi32>
        %add3A_820 = arith.constant 16 : i32
        %add3A_821 = vector.broadcast %add3A_820 : i32 to vector<16xi32>
        %add3A_822 = arith.addi %xor3A_8, %add3A_821 : vector<16xi32>
        %select_n3A_823 = arith.select %lt3A_819, %add3A_822, %xor3A_8 : vector<16xi1>, vector<16xi32>
        %broadcast_in_dim3A_824 = vector.shape_cast %select_n3A_823 : vector<16xi32> to vector<16x1xi32>
        %gather3A_825 = vector.shape_cast %broadcast_in_dim3A_824 : vector<16x1xi32> to vector<16xi32>
        %gather3A_826 = tpu.dynamic_gather %max3A_816[%gather3A_825] in [0] : vector<16xf32>, vector<16xi32> -> vector<16xf32>
        %max3A_827 = arith.maximumf %max3A_816, %gather3A_826 : vector<16xf32>
        %lt3A_828 = arith.constant 0 : i32
        %lt3A_829 = vector.broadcast %lt3A_828 : i32 to vector<16xi32>
        %lt3A_830 = arith.cmpi slt, %xor3A_11, %lt3A_829 : vector<16xi32>
        %add3A_831 = arith.constant 16 : i32
        %add3A_832 = vector.broadcast %add3A_831 : i32 to vector<16xi32>
        %add3A_833 = arith.addi %xor3A_11, %add3A_832 : vector<16xi32>
        %select_n3A_834 = arith.select %lt3A_830, %add3A_833, %xor3A_11 : vector<16xi1>, vector<16xi32>
        %broadcast_in_dim3A_835 = vector.shape_cast %select_n3A_834 : vector<16xi32> to vector<16x1xi32>
        %gather3A_836 = vector.shape_cast %broadcast_in_dim3A_835 : vector<16x1xi32> to vector<16xi32>
        %gather3A_837 = tpu.dynamic_gather %max3A_827[%gather3A_836] in [0] : vector<16xf32>, vector<16xi32> -> vector<16xf32>
        %max3A_838 = arith.maximumf %max3A_827, %gather3A_837 : vector<16xf32>
        %add3A_839 = arith.constant 0 : i32
        %add3A_840 = arith.addi %mul3A_744, %add3A_839 : i32
        %min3A_841 = arith.constant 19984 : i32
        %min3A_842 = arith.minsi %add3A_840, %min3A_841 : i32
        %add3A_843 = arith.constant 16 : i32
        %add3A_844 = arith.addi %mul3A_744, %add3A_843 : i32
        %min3A_845 = arith.constant 19984 : i32
        %min3A_846 = arith.minsi %add3A_844, %min3A_845 : i32
        %add3A_847 = arith.constant 32 : i32
        %add3A_848 = arith.addi %mul3A_744, %add3A_847 : i32
        %min3A_849 = arith.constant 19984 : i32
        %min3A_850 = arith.minsi %add3A_848, %min3A_849 : i32
        %add3A_851 = arith.constant 48 : i32
        %add3A_852 = arith.addi %mul3A_744, %add3A_851 : i32
        %min3A_853 = arith.constant 19984 : i32
        %min3A_854 = arith.minsi %add3A_852, %min3A_853 : i32
        %add3A_855 = arith.constant 64 : i32
        %add3A_856 = arith.addi %mul3A_744, %add3A_855 : i32
        %min3A_857 = arith.constant 19984 : i32
        %min3A_858 = arith.minsi %add3A_856, %min3A_857 : i32
        %add3A_859 = arith.constant 80 : i32
        %add3A_860 = arith.addi %mul3A_744, %add3A_859 : i32
        %min3A_861 = arith.constant 19984 : i32
        %min3A_862 = arith.minsi %add3A_860, %min3A_861 : i32
        %add3A_863 = arith.constant 96 : i32
        %add3A_864 = arith.addi %mul3A_744, %add3A_863 : i32
        %min3A_865 = arith.constant 19984 : i32
        %min3A_866 = arith.minsi %add3A_864, %min3A_865 : i32
        %add3A_867 = arith.constant 112 : i32
        %add3A_868 = arith.addi %mul3A_744, %add3A_867 : i32
        %min3A_869 = arith.constant 19984 : i32
        %min3A_870 = arith.minsi %add3A_868, %min3A_869 : i32
        %broadcast_in_dim3A_871 = arith.constant 4096 : i32
        %broadcast_in_dim3A_872 = vector.broadcast %broadcast_in_dim3A_871 : i32 to vector<16xi32>
        %get3A_873 = arith.index_cast %min3A_842 : i32 to index
        %get3A_874 = tpu.vector_load %arg7[%get3A_873] {strides = array<i32>} : memref<20000xf32, #tpu.memory_space<vmem>>, vector<16xf32>,
        %eq3A_875 = arith.cmpf oeq, %get3A_874, %while3A_729 : vector<16xf32>
        %all_reduce_ffs3A_876 = tpu.all_reduce %eq3A_875 {dim = 0 : i64, kind = #tpu.reduction_kind<find_first_set>} : vector<16xi1> -> vector<16xi32>
        %eq3A_877 = arith.constant 16 : i32
        %eq3A_878 = vector.broadcast %eq3A_877 : i32 to vector<16xi32>
        %eq3A_879 = arith.cmpi eq, %all_reduce_ffs3A_876, %eq3A_878 : vector<16xi32>
        %add3A_880 = arith.constant 0 : i32
        %add3A_881 = vector.broadcast %add3A_880 : i32 to vector<16xi32>
        %add3A_882 = arith.addi %add3A_881, %all_reduce_ffs3A_876 : vector<16xi32>
        %jit3A = arith.constant 4096 : i32
        %broadcast_in_dim3A_883 = vector.broadcast %jit3A : i32 to vector<16xi32>
        %select_n3A_884 = arith.select %eq3A_879, %broadcast_in_dim3A_883, %add3A_882 : vector<16xi1>, vector<16xi32>
        %min3A_885 = arith.minsi %broadcast_in_dim3A_872, %select_n3A_884 : vector<16xi32>
        %get3A_886 = arith.index_cast %min3A_846 : i32 to index
        %get3A_887 = tpu.vector_load %arg7[%get3A_886] {strides = array<i32>} : memref<20000xf32, #tpu.memory_space<vmem>>, vector<16xf32>,
        %eq3A_888 = arith.cmpf oeq, %get3A_887, %while3A_729 : vector<16xf32>
        %all_reduce_ffs3A_889 = tpu.all_reduce %eq3A_888 {dim = 0 : i64, kind = #tpu.reduction_kind<find_first_set>} : vector<16xi1> -> vector<16xi32>
        %eq3A_890 = arith.constant 16 : i32
        %eq3A_891 = vector.broadcast %eq3A_890 : i32 to vector<16xi32>
        %eq3A_892 = arith.cmpi eq, %all_reduce_ffs3A_889, %eq3A_891 : vector<16xi32>
        %add3A_893 = arith.constant 16 : i32
        %add3A_894 = vector.broadcast %add3A_893 : i32 to vector<16xi32>
        %add3A_895 = arith.addi %add3A_894, %all_reduce_ffs3A_889 : vector<16xi32>
        %jit3A_896 = arith.constant 4096 : i32
        %broadcast_in_dim3A_897 = vector.broadcast %jit3A_896 : i32 to vector<16xi32>
        %select_n3A_898 = arith.select %eq3A_892, %broadcast_in_dim3A_897, %add3A_895 : vector<16xi1>, vector<16xi32>
        %min3A_899 = arith.minsi %min3A_885, %select_n3A_898 : vector<16xi32>
        %get3A_900 = arith.index_cast %min3A_850 : i32 to index
        %get3A_901 = tpu.vector_load %arg7[%get3A_900] {strides = array<i32>} : memref<20000xf32, #tpu.memory_space<vmem>>, vector<16xf32>,
        %eq3A_902 = arith.cmpf oeq, %get3A_901, %while3A_729 : vector<16xf32>
        %all_reduce_ffs3A_903 = tpu.all_reduce %eq3A_902 {dim = 0 : i64, kind = #tpu.reduction_kind<find_first_set>} : vector<16xi1> -> vector<16xi32>
        %eq3A_904 = arith.constant 16 : i32
        %eq3A_905 = vector.broadcast %eq3A_904 : i32 to vector<16xi32>
        %eq3A_906 = arith.cmpi eq, %all_reduce_ffs3A_903, %eq3A_905 : vector<16xi32>
        %add3A_907 = arith.constant 32 : i32
        %add3A_908 = vector.broadcast %add3A_907 : i32 to vector<16xi32>
        %add3A_909 = arith.addi %add3A_908, %all_reduce_ffs3A_903 : vector<16xi32>
        %jit3A_910 = arith.constant 4096 : i32
        %broadcast_in_dim3A_911 = vector.broadcast %jit3A_910 : i32 to vector<16xi32>
        %select_n3A_912 = arith.select %eq3A_906, %broadcast_in_dim3A_911, %add3A_909 : vector<16xi1>, vector<16xi32>
        %min3A_913 = arith.minsi %min3A_899, %select_n3A_912 : vector<16xi32>
        %get3A_914 = arith.index_cast %min3A_854 : i32 to index
        %get3A_915 = tpu.vector_load %arg7[%get3A_914] {strides = array<i32>} : memref<20000xf32, #tpu.memory_space<vmem>>, vector<16xf32>,
        %eq3A_916 = arith.cmpf oeq, %get3A_915, %while3A_729 : vector<16xf32>
        %all_reduce_ffs3A_917 = tpu.all_reduce %eq3A_916 {dim = 0 : i64, kind = #tpu.reduction_kind<find_first_set>} : vector<16xi1> -> vector<16xi32>
        %eq3A_918 = arith.constant 16 : i32
        %eq3A_919 = vector.broadcast %eq3A_918 : i32 to vector<16xi32>
        %eq3A_920 = arith.cmpi eq, %all_reduce_ffs3A_917, %eq3A_919 : vector<16xi32>
        %add3A_921 = arith.constant 48 : i32
        %add3A_922 = vector.broadcast %add3A_921 : i32 to vector<16xi32>
        %add3A_923 = arith.addi %add3A_922, %all_reduce_ffs3A_917 : vector<16xi32>
        %jit3A_924 = arith.constant 4096 : i32
        %broadcast_in_dim3A_925 = vector.broadcast %jit3A_924 : i32 to vector<16xi32>
        %select_n3A_926 = arith.select %eq3A_920, %broadcast_in_dim3A_925, %add3A_923 : vector<16xi1>, vector<16xi32>
        %min3A_927 = arith.minsi %min3A_913, %select_n3A_926 : vector<16xi32>
        %get3A_928 = arith.index_cast %min3A_858 : i32 to index
        %get3A_929 = tpu.vector_load %arg7[%get3A_928] {strides = array<i32>} : memref<20000xf32, #tpu.memory_space<vmem>>, vector<16xf32>,
        %eq3A_930 = arith.cmpf oeq, %get3A_929, %while3A_729 : vector<16xf32>
        %all_reduce_ffs3A_931 = tpu.all_reduce %eq3A_930 {dim = 0 : i64, kind = #tpu.reduction_kind<find_first_set>} : vector<16xi1> -> vector<16xi32>
        %eq3A_932 = arith.constant 16 : i32
        %eq3A_933 = vector.broadcast %eq3A_932 : i32 to vector<16xi32>
        %eq3A_934 = arith.cmpi eq, %all_reduce_ffs3A_931, %eq3A_933 : vector<16xi32>
        %add3A_935 = arith.constant 64 : i32
        %add3A_936 = vector.broadcast %add3A_935 : i32 to vector<16xi32>
        %add3A_937 = arith.addi %add3A_936, %all_reduce_ffs3A_931 : vector<16xi32>
        %jit3A_938 = arith.constant 4096 : i32
        %broadcast_in_dim3A_939 = vector.broadcast %jit3A_938 : i32 to vector<16xi32>
        %select_n3A_940 = arith.select %eq3A_934, %broadcast_in_dim3A_939, %add3A_937 : vector<16xi1>, vector<16xi32>
        %min3A_941 = arith.minsi %min3A_927, %select_n3A_940 : vector<16xi32>
        %get3A_942 = arith.index_cast %min3A_862 : i32 to index
        %get3A_943 = tpu.vector_load %arg7[%get3A_942] {strides = array<i32>} : memref<20000xf32, #tpu.memory_space<vmem>>, vector<16xf32>,
        %eq3A_944 = arith.cmpf oeq, %get3A_943, %while3A_729 : vector<16xf32>
        %all_reduce_ffs3A_945 = tpu.all_reduce %eq3A_944 {dim = 0 : i64, kind = #tpu.reduction_kind<find_first_set>} : vector<16xi1> -> vector<16xi32>
        %eq3A_946 = arith.constant 16 : i32
        %eq3A_947 = vector.broadcast %eq3A_946 : i32 to vector<16xi32>
        %eq3A_948 = arith.cmpi eq, %all_reduce_ffs3A_945, %eq3A_947 : vector<16xi32>
        %add3A_949 = arith.constant 80 : i32
        %add3A_950 = vector.broadcast %add3A_949 : i32 to vector<16xi32>
        %add3A_951 = arith.addi %add3A_950, %all_reduce_ffs3A_945 : vector<16xi32>
        %jit3A_952 = arith.constant 4096 : i32
        %broadcast_in_dim3A_953 = vector.broadcast %jit3A_952 : i32 to vector<16xi32>
        %select_n3A_954 = arith.select %eq3A_948, %broadcast_in_dim3A_953, %add3A_951 : vector<16xi1>, vector<16xi32>
        %min3A_955 = arith.minsi %min3A_941, %select_n3A_954 : vector<16xi32>
        %get3A_956 = arith.index_cast %min3A_866 : i32 to index
        %get3A_957 = tpu.vector_load %arg7[%get3A_956] {strides = array<i32>} : memref<20000xf32, #tpu.memory_space<vmem>>, vector<16xf32>,
        %eq3A_958 = arith.cmpf oeq, %get3A_957, %while3A_729 : vector<16xf32>
        %all_reduce_ffs3A_959 = tpu.all_reduce %eq3A_958 {dim = 0 : i64, kind = #tpu.reduction_kind<find_first_set>} : vector<16xi1> -> vector<16xi32>
        %eq3A_960 = arith.constant 16 : i32
        %eq3A_961 = vector.broadcast %eq3A_960 : i32 to vector<16xi32>
        %eq3A_962 = arith.cmpi eq, %all_reduce_ffs3A_959, %eq3A_961 : vector<16xi32>
        %add3A_963 = arith.constant 96 : i32
        %add3A_964 = vector.broadcast %add3A_963 : i32 to vector<16xi32>
        %add3A_965 = arith.addi %add3A_964, %all_reduce_ffs3A_959 : vector<16xi32>
        %jit3A_966 = arith.constant 4096 : i32
        %broadcast_in_dim3A_967 = vector.broadcast %jit3A_966 : i32 to vector<16xi32>
        %select_n3A_968 = arith.select %eq3A_962, %broadcast_in_dim3A_967, %add3A_965 : vector<16xi1>, vector<16xi32>
        %min3A_969 = arith.minsi %min3A_955, %select_n3A_968 : vector<16xi32>
        %get3A_970 = arith.index_cast %min3A_870 : i32 to index
        %get3A_971 = tpu.vector_load %arg7[%get3A_970] {strides = array<i32>} : memref<20000xf32, #tpu.memory_space<vmem>>, vector<16xf32>,
        %eq3A_972 = arith.cmpf oeq, %get3A_971, %while3A_729 : vector<16xf32>
        %all_reduce_ffs3A_973 = tpu.all_reduce %eq3A_972 {dim = 0 : i64, kind = #tpu.reduction_kind<find_first_set>} : vector<16xi1> -> vector<16xi32>
        %eq3A_974 = arith.constant 16 : i32
        %eq3A_975 = vector.broadcast %eq3A_974 : i32 to vector<16xi32>
        %eq3A_976 = arith.cmpi eq, %all_reduce_ffs3A_973, %eq3A_975 : vector<16xi32>
        %add3A_977 = arith.constant 112 : i32
        %add3A_978 = vector.broadcast %add3A_977 : i32 to vector<16xi32>
        %add3A_979 = arith.addi %add3A_978, %all_reduce_ffs3A_973 : vector<16xi32>
        %jit3A_980 = arith.constant 4096 : i32
        %broadcast_in_dim3A_981 = vector.broadcast %jit3A_980 : i32 to vector<16xi32>
        %select_n3A_982 = arith.select %eq3A_976, %broadcast_in_dim3A_981, %add3A_979 : vector<16xi1>, vector<16xi32>
        %min3A_983 = arith.minsi %min3A_969, %select_n3A_982 : vector<16xi32>
        %slice3A_984 = vector.extract_strided_slice %min3A_983 {offsets = [0], sizes = [1], strides = [1]} : vector<16xi32> to vector<1xi32>
        %squeeze3A_985 = vector.extract %slice3A_984[0] : i32 from vector<1xi32>
        %rem3A = arith.constant 16 : i32
        %rem3A_986 = arith.remsi %squeeze3A_985, %rem3A : i32
        %div3A = arith.constant 16 : i32
        %div3A_987 = arith.divsi %squeeze3A_985, %div3A : i32
        %mul3A_988 = arith.constant 16 : i32
        %mul3A_989 = arith.muli %div3A_987, %mul3A_988 : i32
        %add3A_990 = arith.addi %mul3A_744, %mul3A_989 : i32
        %add3A_991 = arith.addi %mul3A_744, %squeeze3A_985 : i32
        %get3A_992 = arith.index_cast %add3A_990 : i32 to index
        %get3A_993 = tpu.vector_load %arg7[%get3A_992] {strides = array<i32>} : memref<20000xf32, #tpu.memory_space<vmem>>, vector<16xf32>,
        %eq3A_994 = vector.broadcast %rem3A_986 : i32 to vector<16xi32>
        %eq3A_995 = arith.cmpi eq, %iota3A, %eq3A_994 : vector<16xi32>
        %select_n3A_996 = arith.select %eq3A_995, %broadcast_in_dim3A_14, %get3A_993 : vector<16xi1>, vector<16xf32>
        %swap3A_997 = arith.index_cast %add3A_990 : i32 to index
        %swap3A_998 = tpu.vector_load %arg7[%swap3A_997] {strides = array<i32>} : memref<20000xf32, #tpu.memory_space<vmem>>, vector<16xf32>,
        tpu.vector_store %arg7[%swap3A_997], %select_n3A_996 {strides = array<i32>} : memref<20000xf32, #tpu.memory_space<vmem>>, vector<16xf32>,
        %eq3A_999 = arith.cmpi eq, %min3A_842, %add3A_990 : i32
        %broadcast_in_dim3A_1000 = vector.broadcast %eq3A_999 : i1 to vector<16xi1>
        %select_n3A_1001 = arith.select %broadcast_in_dim3A_1000, %select_n3A_996, %get3A_874 : vector<16xi1>, vector<16xf32>
        %eq3A_1002 = arith.cmpi eq, %min3A_846, %add3A_990 : i32
        %broadcast_in_dim3A_1003 = vector.broadcast %eq3A_1002 : i1 to vector<16xi1>
        %select_n3A_1004 = arith.select %broadcast_in_dim3A_1003, %select_n3A_996, %get3A_887 : vector<16xi1>, vector<16xf32>
        %max3A_1005 = arith.maximumf %select_n3A_1001, %select_n3A_1004 : vector<16xf32>
        %eq3A_1006 = arith.cmpi eq, %min3A_850, %add3A_990 : i32
        %broadcast_in_dim3A_1007 = vector.broadcast %eq3A_1006 : i1 to vector<16xi1>
        %select_n3A_1008 = arith.select %broadcast_in_dim3A_1007, %select_n3A_996, %get3A_901 : vector<16xi1>, vector<16xf32>
        %max3A_1009 = arith.maximumf %max3A_1005, %select_n3A_1008 : vector<16xf32>
        %eq3A_1010 = arith.cmpi eq, %min3A_854, %add3A_990 : i32
        %broadcast_in_dim3A_1011 = vector.broadcast %eq3A_1010 : i1 to vector<16xi1>
        %select_n3A_1012 = arith.select %broadcast_in_dim3A_1011, %select_n3A_996, %get3A_915 : vector<16xi1>, vector<16xf32>
        %max3A_1013 = arith.maximumf %max3A_1009, %select_n3A_1012 : vector<16xf32>
        %eq3A_1014 = arith.cmpi eq, %min3A_858, %add3A_990 : i32
        %broadcast_in_dim3A_1015 = vector.broadcast %eq3A_1014 : i1 to vector<16xi1>
        %select_n3A_1016 = arith.select %broadcast_in_dim3A_1015, %select_n3A_996, %get3A_929 : vector<16xi1>, vector<16xf32>
        %max3A_1017 = arith.maximumf %max3A_1013, %select_n3A_1016 : vector<16xf32>
        %eq3A_1018 = arith.cmpi eq, %min3A_862, %add3A_990 : i32
        %broadcast_in_dim3A_1019 = vector.broadcast %eq3A_1018 : i1 to vector<16xi1>
        %select_n3A_1020 = arith.select %broadcast_in_dim3A_1019, %select_n3A_996, %get3A_943 : vector<16xi1>, vector<16xf32>
        %max3A_1021 = arith.maximumf %max3A_1017, %select_n3A_1020 : vector<16xf32>
        %eq3A_1022 = arith.cmpi eq, %min3A_866, %add3A_990 : i32
        %broadcast_in_dim3A_1023 = vector.broadcast %eq3A_1022 : i1 to vector<16xi1>
        %select_n3A_1024 = arith.select %broadcast_in_dim3A_1023, %select_n3A_996, %get3A_957 : vector<16xi1>, vector<16xf32>
        %max3A_1025 = arith.maximumf %max3A_1021, %select_n3A_1024 : vector<16xf32>
        %eq3A_1026 = arith.cmpi eq, %min3A_870, %add3A_990 : i32
        %broadcast_in_dim3A_1027 = vector.broadcast %eq3A_1026 : i1 to vector<16xi1>
        %select_n3A_1028 = arith.select %broadcast_in_dim3A_1027, %select_n3A_996, %get3A_971 : vector<16xi1>, vector<16xf32>
        %max3A_1029 = arith.maximumf %max3A_1025, %select_n3A_1028 : vector<16xf32>
        %lt3A_1030 = arith.constant 0 : i32
        %lt3A_1031 = vector.broadcast %lt3A_1030 : i32 to vector<16xi32>
        %lt3A_1032 = arith.cmpi slt, %xor3A_2, %lt3A_1031 : vector<16xi32>
        %add3A_1033 = arith.constant 16 : i32
        %add3A_1034 = vector.broadcast %add3A_1033 : i32 to vector<16xi32>
        %add3A_1035 = arith.addi %xor3A_2, %add3A_1034 : vector<16xi32>
        %select_n3A_1036 = arith.select %lt3A_1032, %add3A_1035, %xor3A_2 : vector<16xi1>, vector<16xi32>
        %broadcast_in_dim3A_1037 = vector.shape_cast %select_n3A_1036 : vector<16xi32> to vector<16x1xi32>
        %gather3A_1038 = vector.shape_cast %broadcast_in_dim3A_1037 : vector<16x1xi32> to vector<16xi32>
        %gather3A_1039 = tpu.dynamic_gather %max3A_1029[%gather3A_1038] in [0] : vector<16xf32>, vector<16xi32> -> vector<16xf32>
        %max3A_1040 = arith.maximumf %max3A_1029, %gather3A_1039 : vector<16xf32>
        %lt3A_1041 = arith.constant 0 : i32
        %lt3A_1042 = vector.broadcast %lt3A_1041 : i32 to vector<16xi32>
        %lt3A_1043 = arith.cmpi slt, %xor3A_5, %lt3A_1042 : vector<16xi32>
        %add3A_1044 = arith.constant 16 : i32
        %add3A_1045 = vector.broadcast %add3A_1044 : i32 to vector<16xi32>
        %add3A_1046 = arith.addi %xor3A_5, %add3A_1045 : vector<16xi32>
        %select_n3A_1047 = arith.select %lt3A_1043, %add3A_1046, %xor3A_5 : vector<16xi1>, vector<16xi32>
        %broadcast_in_dim3A_1048 = vector.shape_cast %select_n3A_1047 : vector<16xi32> to vector<16x1xi32>
        %gather3A_1049 = vector.shape_cast %broadcast_in_dim3A_1048 : vector<16x1xi32> to vector<16xi32>
        %gather3A_1050 = tpu.dynamic_gather %max3A_1040[%gather3A_1049] in [0] : vector<16xf32>, vector<16xi32> -> vector<16xf32>
        %max3A_1051 = arith.maximumf %max3A_1040, %gather3A_1050 : vector<16xf32>
        %lt3A_1052 = arith.constant 0 : i32
        %lt3A_1053 = vector.broadcast %lt3A_1052 : i32 to vector<16xi32>
        %lt3A_1054 = arith.cmpi slt, %xor3A_8, %lt3A_1053 : vector<16xi32>
        %add3A_1055 = arith.constant 16 : i32
        %add3A_1056 = vector.broadcast %add3A_1055 : i32 to vector<16xi32>
        %add3A_1057 = arith.addi %xor3A_8, %add3A_1056 : vector<16xi32>
        %select_n3A_1058 = arith.select %lt3A_1054, %add3A_1057, %xor3A_8 : vector<16xi1>, vector<16xi32>
        %broadcast_in_dim3A_1059 = vector.shape_cast %select_n3A_1058 : vector<16xi32> to vector<16x1xi32>
        %gather3A_1060 = vector.shape_cast %broadcast_in_dim3A_1059 : vector<16x1xi32> to vector<16xi32>
        %gather3A_1061 = tpu.dynamic_gather %max3A_1051[%gather3A_1060] in [0] : vector<16xf32>, vector<16xi32> -> vector<16xf32>
        %max3A_1062 = arith.maximumf %max3A_1051, %gather3A_1061 : vector<16xf32>
        %lt3A_1063 = arith.constant 0 : i32
        %lt3A_1064 = vector.broadcast %lt3A_1063 : i32 to vector<16xi32>
        %lt3A_1065 = arith.cmpi slt, %xor3A_11, %lt3A_1064 : vector<16xi32>
        %add3A_1066 = arith.constant 16 : i32
        %add3A_1067 = vector.broadcast %add3A_1066 : i32 to vector<16xi32>
        %add3A_1068 = arith.addi %xor3A_11, %add3A_1067 : vector<16xi32>
        %select_n3A_1069 = arith.select %lt3A_1065, %add3A_1068, %xor3A_11 : vector<16xi1>, vector<16xi32>
        %broadcast_in_dim3A_1070 = vector.shape_cast %select_n3A_1069 : vector<16xi32> to vector<16x1xi32>
        %gather3A_1071 = vector.shape_cast %broadcast_in_dim3A_1070 : vector<16x1xi32> to vector<16xi32>
        %gather3A_1072 = tpu.dynamic_gather %max3A_1062[%gather3A_1071] in [0] : vector<16xf32>, vector<16xi32> -> vector<16xf32>
        %max3A_1073 = arith.maximumf %max3A_1062, %gather3A_1072 : vector<16xf32>
        %gt3A = arith.cmpf ogt, %max3A_1073, %broadcast_in_dim3A_16 : vector<16xf32>
        %select_n3A_1074 = arith.select %gt3A, %max3A_1073, %broadcast_in_dim3A_14 : vector<16xi1>, vector<16xf32>
        %eq3A_1075 = vector.broadcast %squeeze3A_739 : i32 to vector<16xi32>
        %eq3A_1076 = arith.cmpi eq, %iota3A, %eq3A_1075 : vector<16xi32>
        %select_n3A_1077 = arith.select %eq3A_1076, %select_n3A_1074, %get3A_735 : vector<16xi1>, vector<16xf32>
        %mul3A_1078 = arith.constant 16 : i32
        %mul3A_1079 = arith.muli %squeeze3A, %mul3A_1078 : i32
        %swap3A_1080 = arith.index_cast %mul3A_1079 : i32 to index
        %swap3A_1081 = tpu.vector_load %arg9[%swap3A_1080] {strides = array<i32>} : memref<160xf32, #tpu.memory_space<vmem>>, vector<16xf32>,
        tpu.vector_store %arg9[%swap3A_1080], %select_n3A_1077 {strides = array<i32>} : memref<160xf32, #tpu.memory_space<vmem>>, vector<16xf32>,
        %max3A_1082 = arith.maximumf %select_n3A_1074, %max3A_838 : vector<16xf32>
        %eq3A_1083 = vector.broadcast %squeeze3A : i32 to vector<16xi32>
        %eq3A_1084 = arith.cmpi eq, %iota3A, %eq3A_1083 : vector<16xi32>
        %select_n3A_1085 = arith.select %eq3A_1084, %max3A_1082, %get3A_731 : vector<16xi1>, vector<16xf32>
        %swap3A_1086 = arith.constant 0 : index
        %swap3A_1087 = tpu.vector_load %arg11[%swap3A_1086] {strides = array<i32>} : memref<16xf32, #tpu.memory_space<vmem>>, vector<16xf32>,
        tpu.vector_store %arg11[%swap3A_1086], %select_n3A_1085 {strides = array<i32>} : memref<16xf32, #tpu.memory_space<vmem>>, vector<16xf32>,
        %max3A_1088 = arith.maximumf %max3A_1082, %max3A_791 : vector<16xf32>
        %broadcast_in_dim3A_1089 = vector.broadcast %add3A_991 : i32 to vector<16xi32>
        %gather3A_1090 = tpu.vector_load_idx %arg13[%broadcast_in_dim3A_1089] : memref<20000xf32, #tpu.memory_space<vmem>>[vector<16xi32>], vector<16xf32>,
        %gather3A_1091 = tpu.vector_load_idx %arg14[%broadcast_in_dim3A_1089] : memref<20000xf32, #tpu.memory_space<vmem>>[vector<16xi32>], vector<16xf32>,
        %gather3A_1092 = tpu.vector_load_idx %arg15[%broadcast_in_dim3A_1089] : memref<20000xf32, #tpu.memory_space<vmem>>[vector<16xi32>], vector<16xf32>,
        %gather3A_1093 = tpu.vector_load_idx %arg16[%broadcast_in_dim3A_1089] : memref<20000xf32, #tpu.memory_space<vmem>>[vector<16xi32>], vector<16xf32>,
        %sub3A = arith.subf %gather3A_1092, %gather3A_1090 : vector<16xf32>
        %sub3A_1094 = arith.subf %gather3A_1093, %gather3A_1091 : vector<16xf32>
        %mul3A_1095 = arith.mulf %sub3A, %sub3A_1094 : vector<16xf32>
        %get3A_1096 = arith.constant 0 : index
        %get3A_1097 = tpu.vector_load %arg17[%get3A_1096] {strides = array<i32>} : memref<64xf32, #tpu.memory_space<vmem>>, vector<16xf32>,
        %get3A_1098 = arith.constant 0 : index
        %get3A_1099 = tpu.vector_load %arg18[%get3A_1098] {strides = array<i32>} : memref<64xf32, #tpu.memory_space<vmem>>, vector<16xf32>,
        %get3A_1100 = arith.constant 0 : index
        %get3A_1101 = tpu.vector_load %arg19[%get3A_1100] {strides = array<i32>} : memref<64xf32, #tpu.memory_space<vmem>>, vector<16xf32>,
        %get3A_1102 = arith.constant 0 : index
        %get3A_1103 = tpu.vector_load %arg20[%get3A_1102] {strides = array<i32>} : memref<64xf32, #tpu.memory_space<vmem>>, vector<16xf32>,
        %max3A_1104 = arith.maximumf %get3A_1097, %gather3A_1090 : vector<16xf32>
        %max3A_1105 = arith.maximumf %get3A_1099, %gather3A_1091 : vector<16xf32>
        %min3A_1106 = arith.minimumf %get3A_1101, %gather3A_1092 : vector<16xf32>
        %min3A_1107 = arith.minimumf %get3A_1103, %gather3A_1093 : vector<16xf32>
        %sub3A_1108 = arith.subf %min3A_1106, %max3A_1104 : vector<16xf32>
        %max3A_1109 = arith.constant 0.000000e+00 : f32
        %max3A_1110 = vector.broadcast %max3A_1109 : f32 to vector<16xf32>
        %max3A_1111 = arith.maximumf %sub3A_1108, %max3A_1110 : vector<16xf32>
        %sub3A_1112 = arith.subf %min3A_1107, %max3A_1105 : vector<16xf32>
        %max3A_1113 = arith.constant 0.000000e+00 : f32
        %max3A_1114 = vector.broadcast %max3A_1113 : f32 to vector<16xf32>
        %max3A_1115 = arith.maximumf %sub3A_1112, %max3A_1114 : vector<16xf32>
        %mul3A_1116 = arith.mulf %max3A_1111, %max3A_1115 : vector<16xf32>
        %sub3A_1117 = arith.subf %get3A_1101, %get3A_1097 : vector<16xf32>
        %sub3A_1118 = arith.subf %get3A_1103, %get3A_1099 : vector<16xf32>
        %mul3A_1119 = arith.mulf %sub3A_1117, %sub3A_1118 : vector<16xf32>
        %add3A_1120 = arith.addf %mul3A_1095, %mul3A_1119 : vector<16xf32>
        %sub3A_1121 = arith.subf %add3A_1120, %mul3A_1116 : vector<16xf32>
        %add3A_1122 = arith.constant 9.99999993E-9 : f32
        %add3A_1123 = vector.broadcast %add3A_1122 : f32 to vector<16xf32>
        %add3A_1124 = arith.addf %sub3A_1121, %add3A_1123 : vector<16xf32>
        %div3A_1125 = arith.divf %mul3A_1116, %add3A_1124 : vector<16xf32>
        %max3A_1126 = arith.maximumf %broadcast_in_dim3A_12, %div3A_1125 : vector<16xf32>
        %get3A_1127 = arith.constant 16 : index
        %get3A_1128 = tpu.vector_load %arg17[%get3A_1127] {strides = array<i32>} : memref<64xf32, #tpu.memory_space<vmem>>, vector<16xf32>,
        %get3A_1129 = arith.constant 16 : index
        %get3A_1130 = tpu.vector_load %arg18[%get3A_1129] {strides = array<i32>} : memref<64xf32, #tpu.memory_space<vmem>>, vector<16xf32>,
        %get3A_1131 = arith.constant 16 : index
        %get3A_1132 = tpu.vector_load %arg19[%get3A_1131] {strides = array<i32>} : memref<64xf32, #tpu.memory_space<vmem>>, vector<16xf32>,
        %get3A_1133 = arith.constant 16 : index
        %get3A_1134 = tpu.vector_load %arg20[%get3A_1133] {strides = array<i32>} : memref<64xf32, #tpu.memory_space<vmem>>, vector<16xf32>,
        %max3A_1135 = arith.maximumf %get3A_1128, %gather3A_1090 : vector<16xf32>
        %max3A_1136 = arith.maximumf %get3A_1130, %gather3A_1091 : vector<16xf32>
        %min3A_1137 = arith.minimumf %get3A_1132, %gather3A_1092 : vector<16xf32>
        %min3A_1138 = arith.minimumf %get3A_1134, %gather3A_1093 : vector<16xf32>
        %sub3A_1139 = arith.subf %min3A_1137, %max3A_1135 : vector<16xf32>
        %max3A_1140 = arith.constant 0.000000e+00 : f32
        %max3A_1141 = vector.broadcast %max3A_1140 : f32 to vector<16xf32>
        %max3A_1142 = arith.maximumf %sub3A_1139, %max3A_1141 : vector<16xf32>
        %sub3A_1143 = arith.subf %min3A_1138, %max3A_1136 : vector<16xf32>
        %max3A_1144 = arith.constant 0.000000e+00 : f32
        %max3A_1145 = vector.broadcast %max3A_1144 : f32 to vector<16xf32>
        %max3A_1146 = arith.maximumf %sub3A_1143, %max3A_1145 : vector<16xf32>
        %mul3A_1147 = arith.mulf %max3A_1142, %max3A_1146 : vector<16xf32>
        %sub3A_1148 = arith.subf %get3A_1132, %get3A_1128 : vector<16xf32>
        %sub3A_1149 = arith.subf %get3A_1134, %get3A_1130 : vector<16xf32>
        %mul3A_1150 = arith.mulf %sub3A_1148, %sub3A_1149 : vector<16xf32>
        %add3A_1151 = arith.addf %mul3A_1095, %mul3A_1150 : vector<16xf32>
        %sub3A_1152 = arith.subf %add3A_1151, %mul3A_1147 : vector<16xf32>
        %add3A_1153 = arith.constant 9.99999993E-9 : f32
        %add3A_1154 = vector.broadcast %add3A_1153 : f32 to vector<16xf32>
        %add3A_1155 = arith.addf %sub3A_1152, %add3A_1154 : vector<16xf32>
        %div3A_1156 = arith.divf %mul3A_1147, %add3A_1155 : vector<16xf32>
        %max3A_1157 = arith.maximumf %max3A_1126, %div3A_1156 : vector<16xf32>
        %get3A_1158 = arith.constant 32 : index
        %get3A_1159 = tpu.vector_load %arg17[%get3A_1158] {strides = array<i32>} : memref<64xf32, #tpu.memory_space<vmem>>, vector<16xf32>,
        %get3A_1160 = arith.constant 32 : index
        %get3A_1161 = tpu.vector_load %arg18[%get3A_1160] {strides = array<i32>} : memref<64xf32, #tpu.memory_space<vmem>>, vector<16xf32>,
        %get3A_1162 = arith.constant 32 : index
        %get3A_1163 = tpu.vector_load %arg19[%get3A_1162] {strides = array<i32>} : memref<64xf32, #tpu.memory_space<vmem>>, vector<16xf32>,
        %get3A_1164 = arith.constant 32 : index
        %get3A_1165 = tpu.vector_load %arg20[%get3A_1164] {strides = array<i32>} : memref<64xf32, #tpu.memory_space<vmem>>, vector<16xf32>,
        %max3A_1166 = arith.maximumf %get3A_1159, %gather3A_1090 : vector<16xf32>
        %max3A_1167 = arith.maximumf %get3A_1161, %gather3A_1091 : vector<16xf32>
        %min3A_1168 = arith.minimumf %get3A_1163, %gather3A_1092 : vector<16xf32>
        %min3A_1169 = arith.minimumf %get3A_1165, %gather3A_1093 : vector<16xf32>
        %sub3A_1170 = arith.subf %min3A_1168, %max3A_1166 : vector<16xf32>
        %max3A_1171 = arith.constant 0.000000e+00 : f32
        %max3A_1172 = vector.broadcast %max3A_1171 : f32 to vector<16xf32>
        %max3A_1173 = arith.maximumf %sub3A_1170, %max3A_1172 : vector<16xf32>
        %sub3A_1174 = arith.subf %min3A_1169, %max3A_1167 : vector<16xf32>
        %max3A_1175 = arith.constant 0.000000e+00 : f32
        %max3A_1176 = vector.broadcast %max3A_1175 : f32 to vector<16xf32>
        %max3A_1177 = arith.maximumf %sub3A_1174, %max3A_1176 : vector<16xf32>
        %mul3A_1178 = arith.mulf %max3A_1173, %max3A_1177 : vector<16xf32>
        %sub3A_1179 = arith.subf %get3A_1163, %get3A_1159 : vector<16xf32>
        %sub3A_1180 = arith.subf %get3A_1165, %get3A_1161 : vector<16xf32>
        %mul3A_1181 = arith.mulf %sub3A_1179, %sub3A_1180 : vector<16xf32>
        %add3A_1182 = arith.addf %mul3A_1095, %mul3A_1181 : vector<16xf32>
        %sub3A_1183 = arith.subf %add3A_1182, %mul3A_1178 : vector<16xf32>
        %add3A_1184 = arith.constant 9.99999993E-9 : f32
        %add3A_1185 = vector.broadcast %add3A_1184 : f32 to vector<16xf32>
        %add3A_1186 = arith.addf %sub3A_1183, %add3A_1185 : vector<16xf32>
        %div3A_1187 = arith.divf %mul3A_1178, %add3A_1186 : vector<16xf32>
        %max3A_1188 = arith.maximumf %max3A_1157, %div3A_1187 : vector<16xf32>
        %get3A_1189 = arith.constant 48 : index
        %get3A_1190 = tpu.vector_load %arg17[%get3A_1189] {strides = array<i32>} : memref<64xf32, #tpu.memory_space<vmem>>, vector<16xf32>,
        %get3A_1191 = arith.constant 48 : index
        %get3A_1192 = tpu.vector_load %arg18[%get3A_1191] {strides = array<i32>} : memref<64xf32, #tpu.memory_space<vmem>>, vector<16xf32>,
        %get3A_1193 = arith.constant 48 : index
        %get3A_1194 = tpu.vector_load %arg19[%get3A_1193] {strides = array<i32>} : memref<64xf32, #tpu.memory_space<vmem>>, vector<16xf32>,
        %get3A_1195 = arith.constant 48 : index
        %get3A_1196 = tpu.vector_load %arg20[%get3A_1195] {strides = array<i32>} : memref<64xf32, #tpu.memory_space<vmem>>, vector<16xf32>,
        %max3A_1197 = arith.maximumf %get3A_1190, %gather3A_1090 : vector<16xf32>
        %max3A_1198 = arith.maximumf %get3A_1192, %gather3A_1091 : vector<16xf32>
        %min3A_1199 = arith.minimumf %get3A_1194, %gather3A_1092 : vector<16xf32>
        %min3A_1200 = arith.minimumf %get3A_1196, %gather3A_1093 : vector<16xf32>
        %sub3A_1201 = arith.subf %min3A_1199, %max3A_1197 : vector<16xf32>
        %max3A_1202 = arith.constant 0.000000e+00 : f32
        %max3A_1203 = vector.broadcast %max3A_1202 : f32 to vector<16xf32>
        %max3A_1204 = arith.maximumf %sub3A_1201, %max3A_1203 : vector<16xf32>
        %sub3A_1205 = arith.subf %min3A_1200, %max3A_1198 : vector<16xf32>
        %max3A_1206 = arith.constant 0.000000e+00 : f32
        %max3A_1207 = vector.broadcast %max3A_1206 : f32 to vector<16xf32>
        %max3A_1208 = arith.maximumf %sub3A_1205, %max3A_1207 : vector<16xf32>
        %mul3A_1209 = arith.mulf %max3A_1204, %max3A_1208 : vector<16xf32>
        %sub3A_1210 = arith.subf %get3A_1194, %get3A_1190 : vector<16xf32>
        %sub3A_1211 = arith.subf %get3A_1196, %get3A_1192 : vector<16xf32>
        %mul3A_1212 = arith.mulf %sub3A_1210, %sub3A_1211 : vector<16xf32>
        %add3A_1213 = arith.addf %mul3A_1095, %mul3A_1212 : vector<16xf32>
        %sub3A_1214 = arith.subf %add3A_1213, %mul3A_1209 : vector<16xf32>
        %add3A_1215 = arith.constant 9.99999993E-9 : f32
        %add3A_1216 = vector.broadcast %add3A_1215 : f32 to vector<16xf32>
        %add3A_1217 = arith.addf %sub3A_1214, %add3A_1216 : vector<16xf32>
        %div3A_1218 = arith.divf %mul3A_1209, %add3A_1217 : vector<16xf32>
        %max3A_1219 = arith.maximumf %max3A_1188, %div3A_1218 : vector<16xf32>
        %gt3A_1220 = arith.cmpf ogt, %max3A_1219, %broadcast_in_dim3A_18 : vector<16xf32>
        %reduce_or3A = arith.constant 1.000000e+00 : f32
        %reduce_or3A_1221 = arith.constant 0.000000e+00 : f32
        %reduce_or3A_1222 = vector.broadcast %reduce_or3A : f32 to vector<16xf32>
        %reduce_or3A_1223 = vector.broadcast %reduce_or3A_1221 : f32 to vector<16xf32>
        %reduce_or3A_1224 = arith.select %gt3A_1220, %reduce_or3A_1222, %reduce_or3A_1223 : vector<16xi1>, vector<16xf32>
        %reduce_or3A_1225 = arith.constant true
        %reduce_or3A_1226 = vector.broadcast %reduce_or3A_1225 : i1 to vector<16xi1>
        %reduce_or3A_1227 = tpu.scan <max>, %reduce_or3A_1224 masked %reduce_or3A_1226 : vector<16xf32>, vector<16xi1> -> vector<16xf32>
        %reduce_or3A_1228 = vector.extract %reduce_or3A_1227[15] : f32 from vector<16xf32>
        %reduce_or3A_1229 = arith.constant 0.000000e+00 : f32
        %reduce_or3A_1230 = arith.cmpf ogt, %reduce_or3A_1228, %reduce_or3A_1229 : f32
        %not3A = arith.constant true
        %not3A_1231 = arith.xori %reduce_or3A_1230, %not3A : i1
        %div3A_1232 = arith.constant 16 : i32
        %div3A_1233 = arith.divsi %while3A_728, %div3A_1232 : i32
        %mul3A_1234 = arith.constant 16 : i32
        %mul3A_1235 = arith.muli %div3A_1233, %mul3A_1234 : i32
        %sub3A_1236 = arith.subi %while3A_728, %mul3A_1235 : i32
        %eq3A_1237 = vector.broadcast %sub3A_1236 : i32 to vector<16xi32>
        %eq3A_1238 = arith.cmpi eq, %iota3A, %eq3A_1237 : vector<16xi32>
        %broadcast_in_dim3A_1239 = vector.broadcast %not3A_1231 : i1 to vector<16xi1>
        %and3A = arith.andi %eq3A_1238, %broadcast_in_dim3A_1239 : vector<16xi1>
        %get3A_1240 = arith.index_cast %mul3A_1235 : i32 to index
        %get3A_1241 = tpu.vector_load %arg17[%get3A_1240] {strides = array<i32>} : memref<64xf32, #tpu.memory_space<vmem>>, vector<16xf32>,
        %select_n3A_1242 = arith.select %and3A, %gather3A_1090, %get3A_1241 : vector<16xi1>, vector<16xf32>
        %swap3A_1243 = arith.index_cast %mul3A_1235 : i32 to index
        %swap3A_1244 = tpu.vector_load %arg17[%swap3A_1243] {strides = array<i32>} : memref<64xf32, #tpu.memory_space<vmem>>, vector<16xf32>,
        tpu.vector_store %arg17[%swap3A_1243], %select_n3A_1242 {strides = array<i32>} : memref<64xf32, #tpu.memory_space<vmem>>, vector<16xf32>,
        %get3A_1245 = arith.index_cast %mul3A_1235 : i32 to index
        %get3A_1246 = tpu.vector_load %arg18[%get3A_1245] {strides = array<i32>} : memref<64xf32, #tpu.memory_space<vmem>>, vector<16xf32>,
        %select_n3A_1247 = arith.select %and3A, %gather3A_1091, %get3A_1246 : vector<16xi1>, vector<16xf32>
        %swap3A_1248 = arith.index_cast %mul3A_1235 : i32 to index
        %swap3A_1249 = tpu.vector_load %arg18[%swap3A_1248] {strides = array<i32>} : memref<64xf32, #tpu.memory_space<vmem>>, vector<16xf32>,
        tpu.vector_store %arg18[%swap3A_1248], %select_n3A_1247 {strides = array<i32>} : memref<64xf32, #tpu.memory_space<vmem>>, vector<16xf32>,
        %get3A_1250 = arith.index_cast %mul3A_1235 : i32 to index
        %get3A_1251 = tpu.vector_load %arg19[%get3A_1250] {strides = array<i32>} : memref<64xf32, #tpu.memory_space<vmem>>, vector<16xf32>,
        %select_n3A_1252 = arith.select %and3A, %gather3A_1092, %get3A_1251 : vector<16xi1>, vector<16xf32>
        %swap3A_1253 = arith.index_cast %mul3A_1235 : i32 to index
        %swap3A_1254 = tpu.vector_load %arg19[%swap3A_1253] {strides = array<i32>} : memref<64xf32, #tpu.memory_space<vmem>>, vector<16xf32>,
        tpu.vector_store %arg19[%swap3A_1253], %select_n3A_1252 {strides = array<i32>} : memref<64xf32, #tpu.memory_space<vmem>>, vector<16xf32>,
        %get3A_1255 = arith.index_cast %mul3A_1235 : i32 to index
        %get3A_1256 = tpu.vector_load %arg20[%get3A_1255] {strides = array<i32>} : memref<64xf32, #tpu.memory_space<vmem>>, vector<16xf32>,
        %select_n3A_1257 = arith.select %and3A, %gather3A_1093, %get3A_1256 : vector<16xi1>, vector<16xf32>
        %swap3A_1258 = arith.index_cast %mul3A_1235 : i32 to index
        %swap3A_1259 = tpu.vector_load %arg20[%swap3A_1258] {strides = array<i32>} : memref<64xf32, #tpu.memory_space<vmem>>, vector<16xf32>,
        tpu.vector_store %arg20[%swap3A_1258], %select_n3A_1257 {strides = array<i32>} : memref<64xf32, #tpu.memory_space<vmem>>, vector<16xf32>,
        %get3A_1260 = arith.index_cast %mul3A_1235 : i32 to index
        %get3A_1261 = tpu.vector_load %arg21[%get3A_1260] {strides = array<i32>} : memref<64xf32, #tpu.memory_space<vmem>>, vector<16xf32>,
        %select_n3A_1262 = arith.select %and3A, %while3A_729, %get3A_1261 : vector<16xi1>, vector<16xf32>
        %swap3A_1263 = arith.index_cast %mul3A_1235 : i32 to index
        %swap3A_1264 = tpu.vector_load %arg21[%swap3A_1263] {strides = array<i32>} : memref<64xf32, #tpu.memory_space<vmem>>, vector<16xf32>,
        tpu.vector_store %arg21[%swap3A_1263], %select_n3A_1262 {strides = array<i32>} : memref<64xf32, #tpu.memory_space<vmem>>, vector<16xf32>,
        %convert_element_type3A_1265 = arith.extui %not3A_1231 : i1 to i32
        %add3A_1266 = arith.addi %while3A_728, %convert_element_type3A_1265 : i32
        scf.yield %add3A_1266, %max3A_1088 : i32, vector<16xf32>
      }
      %get3A_636 = arith.constant 0 : index
      %get3A_637 = tpu.vector_load %arg21[%get3A_636] {strides = array<i32>} : memref<64xf32, #tpu.memory_space<vmem>>, vector<16xf32>,
      %swap3A_638 = arith.constant 0 : index
      %swap3A_639 = tpu.vector_load %arg29[%swap3A_638] {strides = array<i32>} : memref<320xf32, #tpu.memory_space<vmem>>, vector<16xf32>,
      tpu.vector_store %arg29[%swap3A_638], %get3A_637 {strides = array<i32>} : memref<320xf32, #tpu.memory_space<vmem>>, vector<16xf32>,
      %get3A_640 = arith.constant 16 : index
      %get3A_641 = tpu.vector_load %arg21[%get3A_640] {strides = array<i32>} : memref<64xf32, #tpu.memory_space<vmem>>, vector<16xf32>,
      %swap3A_642 = arith.constant 16 : index
      %swap3A_643 = tpu.vector_load %arg29[%swap3A_642] {strides = array<i32>} : memref<320xf32, #tpu.memory_space<vmem>>, vector<16xf32>,
      tpu.vector_store %arg29[%swap3A_642], %get3A_641 {strides = array<i32>} : memref<320xf32, #tpu.memory_space<vmem>>, vector<16xf32>,
      %get3A_644 = arith.constant 32 : index
      %get3A_645 = tpu.vector_load %arg21[%get3A_644] {strides = array<i32>} : memref<64xf32, #tpu.memory_space<vmem>>, vector<16xf32>,
      %swap3A_646 = arith.constant 32 : index
      %swap3A_647 = tpu.vector_load %arg29[%swap3A_646] {strides = array<i32>} : memref<320xf32, #tpu.memory_space<vmem>>, vector<16xf32>,
      tpu.vector_store %arg29[%swap3A_646], %get3A_645 {strides = array<i32>} : memref<320xf32, #tpu.memory_space<vmem>>, vector<16xf32>,
      %get3A_648 = arith.constant 48 : index
      %get3A_649 = tpu.vector_load %arg21[%get3A_648] {strides = array<i32>} : memref<64xf32, #tpu.memory_space<vmem>>, vector<16xf32>,
      %swap3A_650 = arith.constant 48 : index
      %swap3A_651 = tpu.vector_load %arg29[%swap3A_650] {strides = array<i32>} : memref<320xf32, #tpu.memory_space<vmem>>, vector<16xf32>,
      tpu.vector_store %arg29[%swap3A_650], %get3A_649 {strides = array<i32>} : memref<320xf32, #tpu.memory_space<vmem>>, vector<16xf32>,
      %get3A_652 = arith.constant 0 : index
      %get3A_653 = tpu.vector_load %arg17[%get3A_652] {strides = array<i32>} : memref<64xf32, #tpu.memory_space<vmem>>, vector<16xf32>,
      %swap3A_654 = arith.constant 64 : index
      %swap3A_655 = tpu.vector_load %arg29[%swap3A_654] {strides = array<i32>} : memref<320xf32, #tpu.memory_space<vmem>>, vector<16xf32>,
      tpu.vector_store %arg29[%swap3A_654], %get3A_653 {strides = array<i32>} : memref<320xf32, #tpu.memory_space<vmem>>, vector<16xf32>,
      %get3A_656 = arith.constant 16 : index
      %get3A_657 = tpu.vector_load %arg17[%get3A_656] {strides = array<i32>} : memref<64xf32, #tpu.memory_space<vmem>>, vector<16xf32>,
      %swap3A_658 = arith.constant 80 : index
      %swap3A_659 = tpu.vector_load %arg29[%swap3A_658] {strides = array<i32>} : memref<320xf32, #tpu.memory_space<vmem>>, vector<16xf32>,
      tpu.vector_store %arg29[%swap3A_658], %get3A_657 {strides = array<i32>} : memref<320xf32, #tpu.memory_space<vmem>>, vector<16xf32>,
      %get3A_660 = arith.constant 32 : index
      %get3A_661 = tpu.vector_load %arg17[%get3A_660] {strides = array<i32>} : memref<64xf32, #tpu.memory_space<vmem>>, vector<16xf32>,
      %swap3A_662 = arith.constant 96 : index
      %swap3A_663 = tpu.vector_load %arg29[%swap3A_662] {strides = array<i32>} : memref<320xf32, #tpu.memory_space<vmem>>, vector<16xf32>,
      tpu.vector_store %arg29[%swap3A_662], %get3A_661 {strides = array<i32>} : memref<320xf32, #tpu.memory_space<vmem>>, vector<16xf32>,
      %get3A_664 = arith.constant 48 : index
      %get3A_665 = tpu.vector_load %arg17[%get3A_664] {strides = array<i32>} : memref<64xf32, #tpu.memory_space<vmem>>, vector<16xf32>,
      %swap3A_666 = arith.constant 112 : index
      %swap3A_667 = tpu.vector_load %arg29[%swap3A_666] {strides = array<i32>} : memref<320xf32, #tpu.memory_space<vmem>>, vector<16xf32>,
      tpu.vector_store %arg29[%swap3A_666], %get3A_665 {strides = array<i32>} : memref<320xf32, #tpu.memory_space<vmem>>, vector<16xf32>,
      %get3A_668 = arith.constant 0 : index
      %get3A_669 = tpu.vector_load %arg18[%get3A_668] {strides = array<i32>} : memref<64xf32, #tpu.memory_space<vmem>>, vector<16xf32>,
      %swap3A_670 = arith.constant 128 : index
      %swap3A_671 = tpu.vector_load %arg29[%swap3A_670] {strides = array<i32>} : memref<320xf32, #tpu.memory_space<vmem>>, vector<16xf32>,
      tpu.vector_store %arg29[%swap3A_670], %get3A_669 {strides = array<i32>} : memref<320xf32, #tpu.memory_space<vmem>>, vector<16xf32>,
      %get3A_672 = arith.constant 16 : index
      %get3A_673 = tpu.vector_load %arg18[%get3A_672] {strides = array<i32>} : memref<64xf32, #tpu.memory_space<vmem>>, vector<16xf32>,
      %swap3A_674 = arith.constant 144 : index
      %swap3A_675 = tpu.vector_load %arg29[%swap3A_674] {strides = array<i32>} : memref<320xf32, #tpu.memory_space<vmem>>, vector<16xf32>,
      tpu.vector_store %arg29[%swap3A_674], %get3A_673 {strides = array<i32>} : memref<320xf32, #tpu.memory_space<vmem>>, vector<16xf32>,
      %get3A_676 = arith.constant 32 : index
      %get3A_677 = tpu.vector_load %arg18[%get3A_676] {strides = array<i32>} : memref<64xf32, #tpu.memory_space<vmem>>, vector<16xf32>,
      %swap3A_678 = arith.constant 160 : index
      %swap3A_679 = tpu.vector_load %arg29[%swap3A_678] {strides = array<i32>} : memref<320xf32, #tpu.memory_space<vmem>>, vector<16xf32>,
      tpu.vector_store %arg29[%swap3A_678], %get3A_677 {strides = array<i32>} : memref<320xf32, #tpu.memory_space<vmem>>, vector<16xf32>,
      %get3A_680 = arith.constant 48 : index
      %get3A_681 = tpu.vector_load %arg18[%get3A_680] {strides = array<i32>} : memref<64xf32, #tpu.memory_space<vmem>>, vector<16xf32>,
      %swap3A_682 = arith.constant 176 : index
      %swap3A_683 = tpu.vector_load %arg29[%swap3A_682] {strides = array<i32>} : memref<320xf32, #tpu.memory_space<vmem>>, vector<16xf32>,
      tpu.vector_store %arg29[%swap3A_682], %get3A_681 {strides = array<i32>} : memref<320xf32, #tpu.memory_space<vmem>>, vector<16xf32>,
      %get3A_684 = arith.constant 0 : index
      %get3A_685 = tpu.vector_load %arg19[%get3A_684] {strides = array<i32>} : memref<64xf32, #tpu.memory_space<vmem>>, vector<16xf32>,
      %swap3A_686 = arith.constant 192 : index
      %swap3A_687 = tpu.vector_load %arg29[%swap3A_686] {strides = array<i32>} : memref<320xf32, #tpu.memory_space<vmem>>, vector<16xf32>,
      tpu.vector_store %arg29[%swap3A_686], %get3A_685 {strides = array<i32>} : memref<320xf32, #tpu.memory_space<vmem>>, vector<16xf32>,
      %get3A_688 = arith.constant 16 : index
      %get3A_689 = tpu.vector_load %arg19[%get3A_688] {strides = array<i32>} : memref<64xf32, #tpu.memory_space<vmem>>, vector<16xf32>,
      %swap3A_690 = arith.constant 208 : index
      %swap3A_691 = tpu.vector_load %arg29[%swap3A_690] {strides = array<i32>} : memref<320xf32, #tpu.memory_space<vmem>>, vector<16xf32>,
      tpu.vector_store %arg29[%swap3A_690], %get3A_689 {strides = array<i32>} : memref<320xf32, #tpu.memory_space<vmem>>, vector<16xf32>,
      %get3A_692 = arith.constant 32 : index
      %get3A_693 = tpu.vector_load %arg19[%get3A_692] {strides = array<i32>} : memref<64xf32, #tpu.memory_space<vmem>>, vector<16xf32>,
      %swap3A_694 = arith.constant 224 : index
      %swap3A_695 = tpu.vector_load %arg29[%swap3A_694] {strides = array<i32>} : memref<320xf32, #tpu.memory_space<vmem>>, vector<16xf32>,
      tpu.vector_store %arg29[%swap3A_694], %get3A_693 {strides = array<i32>} : memref<320xf32, #tpu.memory_space<vmem>>, vector<16xf32>,
      %get3A_696 = arith.constant 48 : index
      %get3A_697 = tpu.vector_load %arg19[%get3A_696] {strides = array<i32>} : memref<64xf32, #tpu.memory_space<vmem>>, vector<16xf32>,
      %swap3A_698 = arith.constant 240 : index
      %swap3A_699 = tpu.vector_load %arg29[%swap3A_698] {strides = array<i32>} : memref<320xf32, #tpu.memory_space<vmem>>, vector<16xf32>,
      tpu.vector_store %arg29[%swap3A_698], %get3A_697 {strides = array<i32>} : memref<320xf32, #tpu.memory_space<vmem>>, vector<16xf32>,
      %get3A_700 = arith.constant 0 : index
      %get3A_701 = tpu.vector_load %arg20[%get3A_700] {strides = array<i32>} : memref<64xf32, #tpu.memory_space<vmem>>, vector<16xf32>,
      %swap3A_702 = arith.constant 256 : index
      %swap3A_703 = tpu.vector_load %arg29[%swap3A_702] {strides = array<i32>} : memref<320xf32, #tpu.memory_space<vmem>>, vector<16xf32>,
      tpu.vector_store %arg29[%swap3A_702], %get3A_701 {strides = array<i32>} : memref<320xf32, #tpu.memory_space<vmem>>, vector<16xf32>,
      %get3A_704 = arith.constant 16 : index
      %get3A_705 = tpu.vector_load %arg20[%get3A_704] {strides = array<i32>} : memref<64xf32, #tpu.memory_space<vmem>>, vector<16xf32>,
      %swap3A_706 = arith.constant 272 : index
      %swap3A_707 = tpu.vector_load %arg29[%swap3A_706] {strides = array<i32>} : memref<320xf32, #tpu.memory_space<vmem>>, vector<16xf32>,
      tpu.vector_store %arg29[%swap3A_706], %get3A_705 {strides = array<i32>} : memref<320xf32, #tpu.memory_space<vmem>>, vector<16xf32>,
      %get3A_708 = arith.constant 32 : index
      %get3A_709 = tpu.vector_load %arg20[%get3A_708] {strides = array<i32>} : memref<64xf32, #tpu.memory_space<vmem>>, vector<16xf32>,
      %swap3A_710 = arith.constant 288 : index
      %swap3A_711 = tpu.vector_load %arg29[%swap3A_710] {strides = array<i32>} : memref<320xf32, #tpu.memory_space<vmem>>, vector<16xf32>,
      tpu.vector_store %arg29[%swap3A_710], %get3A_709 {strides = array<i32>} : memref<320xf32, #tpu.memory_space<vmem>>, vector<16xf32>,
      %get3A_712 = arith.constant 48 : index
      %get3A_713 = tpu.vector_load %arg20[%get3A_712] {strides = array<i32>} : memref<64xf32, #tpu.memory_space<vmem>>, vector<16xf32>,
      %swap3A_714 = arith.constant 304 : index
      %swap3A_715 = tpu.vector_load %arg29[%swap3A_714] {strides = array<i32>} : memref<320xf32, #tpu.memory_space<vmem>>, vector<16xf32>,
      tpu.vector_store %arg29[%swap3A_714], %get3A_713 {strides = array<i32>} : memref<320xf32, #tpu.memory_space<vmem>>, vector<16xf32>,
      %dma_start3A_716 = arith.constant 0 : i32
      %dma_start3A_717 = tpu.memref_slice %arg6[%add3A_547, %dma_start3A_716] : memref<80x320xf32, #tpu.memory_space<hbm>> -> memref<1x320xf32, #tpu.memory_space<hbm>>
      %dma_start3A_718 = tpu.memref_squeeze %dma_start3A_717 : memref<1x320xf32, #tpu.memory_space<hbm>> -> memref<320xf32, #tpu.memory_space<hbm>>
      %dma_start3A_719 = arith.constant 0 : i32
      %dma_start3A_720 = tpu.memref_slice %arg6[%add3A_547, %dma_start3A_719] : memref<80x320xf32, #tpu.memory_space<hbm>> -> memref<1x320xf32, #tpu.memory_space<hbm>>
      %dma_start3A_721 = tpu.memref_squeeze %dma_start3A_720 : memref<1x320xf32, #tpu.memory_space<hbm>> -> memref<320xf32, #tpu.memory_space<hbm>>
      tpu.enqueue_dma source(%arg29 : memref<320xf32, #tpu.memory_space<vmem>>) target(%dma_start3A_721 : memref<320xf32, #tpu.memory_space<hbm>>) target_semaphore(%arg33 : memref<!tpu.dma_semaphore, #tpu.memory_space<semaphore_mem>>)
      %dma_wait3A_722 = arith.constant 0 : i32
      %dma_wait3A_723 = tpu.memref_slice %arg6[%add3A_547, %dma_wait3A_722] : memref<80x320xf32, #tpu.memory_space<hbm>> -> memref<1x320xf32, #tpu.memory_space<hbm>>
      %dma_wait3A_724 = tpu.memref_squeeze %dma_wait3A_723 : memref<1x320xf32, #tpu.memory_space<hbm>> -> memref<320xf32, #tpu.memory_space<hbm>>
      %dma_wait3A_725 = arith.constant 0 : i32
      %dma_wait3A_726 = tpu.memref_slice %arg6[%add3A_547, %dma_wait3A_725] : memref<80x320xf32, #tpu.memory_space<hbm>> -> memref<1x320xf32, #tpu.memory_space<hbm>>
      %dma_wait3A_727 = tpu.memref_squeeze %dma_wait3A_726 : memref<1x320xf32, #tpu.memory_space<hbm>> -> memref<320xf32, #tpu.memory_space<hbm>>
      tpu.wait_dma2 semaphore(%arg33 : memref<!tpu.dma_semaphore, #tpu.memory_space<semaphore_mem>>) src(%arg29 : memref<320xf32, #tpu.memory_space<vmem>>) dst(%dma_wait3A_727 : memref<320xf32, #tpu.memory_space<hbm>>)
    } else {
    }
    %dma_wait3A_534 = arith.constant 0 : i32
    %dma_wait3A_535 = tpu.memref_slice %arg6[%add3A, %dma_wait3A_534] : memref<80x320xf32, #tpu.memory_space<hbm>> -> memref<1x320xf32, #tpu.memory_space<hbm>>
    %dma_wait3A_536 = tpu.memref_squeeze %dma_wait3A_535 : memref<1x320xf32, #tpu.memory_space<hbm>> -> memref<320xf32, #tpu.memory_space<hbm>>
    %dma_wait3A_537 = arith.constant 0 : i32
    %dma_wait3A_538 = tpu.memref_slice %arg6[%add3A, %dma_wait3A_537] : memref<80x320xf32, #tpu.memory_space<hbm>> -> memref<1x320xf32, #tpu.memory_space<hbm>>
    %dma_wait3A_539 = tpu.memref_squeeze %dma_wait3A_538 : memref<1x320xf32, #tpu.memory_space<hbm>> -> memref<320xf32, #tpu.memory_space<hbm>>
    tpu.wait_dma2 semaphore(%arg33 : memref<!tpu.dma_semaphore, #tpu.memory_space<semaphore_mem>>) src(%arg27 : memref<320xf32, #tpu.memory_space<vmem>>) dst(%dma_wait3A_539 : memref<320xf32, #tpu.memory_space<hbm>>)
    %dma_wait3A_540 = arith.constant 0 : i32
    %dma_wait3A_541 = tpu.memref_slice %arg6[%add3A_340, %dma_wait3A_540] : memref<80x320xf32, #tpu.memory_space<hbm>> -> memref<1x320xf32, #tpu.memory_space<hbm>>
    %dma_wait3A_542 = tpu.memref_squeeze %dma_wait3A_541 : memref<1x320xf32, #tpu.memory_space<hbm>> -> memref<320xf32, #tpu.memory_space<hbm>>
    %dma_wait3A_543 = arith.constant 0 : i32
    %dma_wait3A_544 = tpu.memref_slice %arg6[%add3A_340, %dma_wait3A_543] : memref<80x320xf32, #tpu.memory_space<hbm>> -> memref<1x320xf32, #tpu.memory_space<hbm>>
    %dma_wait3A_545 = tpu.memref_squeeze %dma_wait3A_544 : memref<1x320xf32, #tpu.memory_space<hbm>> -> memref<320xf32, #tpu.memory_space<hbm>>
    tpu.wait_dma2 semaphore(%arg33 : memref<!tpu.dma_semaphore, #tpu.memory_space<semaphore_mem>>) src(%arg28 : memref<320xf32, #tpu.memory_space<vmem>>) dst(%dma_wait3A_545 : memref<320xf32, #tpu.memory_space<hbm>>)
    return
  }
}

module attributes {stable_mosaic.version = 14 : i64} {
  func.func @_prep_tc_kernel(%arg0: memref<80x20000xf32, #tpu.memory_space<vmem>>, %arg1: memref<4x20000xf32, #tpu.memory_space<vmem>>, %arg2: memref<4x20000xf32, #tpu.memory_space<vmem>>, %arg3: memref<80x160xf32, #tpu.memory_space<vmem>>, %arg4: memref<80x16xf32, #tpu.memory_space<vmem>>, %arg5: memref<4x20000xf32, #tpu.memory_space<vmem>>) attributes {dimension_semantics = [], scalar_prefetch = 0 : i64, scratch_operands = 0 : i64, tpu.core_type = #tpu.core_type<tc>} {
    %get3A = arith.constant 0 : index
    %get3A_0 = arith.constant 0 : index
    %get3A_1 = vector.load %arg0[%get3A, %get3A_0] : memref<80x20000xf32, #tpu.memory_space<vmem>>, vector<80x20000xf32>
    %slice3A = vector.extract_strided_slice %get3A_1 {offsets = [0, 0], sizes = [80, 19968], strides = [1, 1]} : vector<80x20000xf32> to vector<80x19968xf32>
    %reshape3A = vector.shape_cast %slice3A : vector<80x19968xf32> to vector<80x156x128xf32>
    %reduce_max3A = arith.constant dense<0xFF800000> : vector<80x156xf32>
    %reduce_max3A_2 = vector.multi_reduction <maximumf>, %reshape3A, %reduce_max3A [2] : vector<80x156x128xf32> to vector<80x156xf32>
    %slice3A_3 = vector.extract_strided_slice %get3A_1 {offsets = [0, 19968], sizes = [80, 32], strides = [1, 1]} : vector<80x20000xf32> to vector<80x32xf32>
    %reduce_max3A_4 = arith.constant dense<0xFF800000> : vector<80xf32>
    %reduce_max3A_5 = vector.multi_reduction <maximumf>, %slice3A_3, %reduce_max3A_4 [1] : vector<80x32xf32> to vector<80xf32>
    %broadcast_in_dim3A = vector.shape_cast %reduce_max3A_5 : vector<80xf32> to vector<80x1xf32>
    %broadcast_in_dim3A_6 = arith.constant -1.000000e+09 : f32
    %broadcast_in_dim3A_7 = vector.broadcast %broadcast_in_dim3A_6 : f32 to vector<80x3xf32>
    %concatenate3A = tpu.concatenate %reduce_max3A_2, %broadcast_in_dim3A, %broadcast_in_dim3A_7 in 1 : vector<80x156xf32>, vector<80x1xf32>, vector<80x3xf32> -> vector<80x160xf32>
    %gt3A = arith.constant 5.000000e-02 : f32
    %gt3A_8 = vector.broadcast %gt3A : f32 to vector<80x160xf32>
    %gt3A_9 = arith.cmpf ogt, %concatenate3A, %gt3A_8 : vector<80x160xf32>
    %jit3A = arith.constant -1.000000e+09 : f32
    %broadcast_in_dim3A_10 = vector.broadcast %jit3A : f32 to vector<80x160xf32>
    %select_n3A = arith.select %gt3A_9, %concatenate3A, %broadcast_in_dim3A_10 : vector<80x160xi1>, vector<80x160xf32>
    %swap3A = arith.constant 0 : index
    %swap3A_11 = arith.constant 0 : index
    %swap3A_12 = vector.load %arg3[%swap3A, %swap3A_11] : memref<80x160xf32, #tpu.memory_space<vmem>>, vector<80x160xf32>
    tpu.vector_store %arg3[%swap3A, %swap3A_11], %select_n3A {strides = array<i32>} : memref<80x160xf32, #tpu.memory_space<vmem>>, vector<80x160xf32>,
    %reshape3A_13 = vector.shape_cast %select_n3A : vector<80x160xf32> to vector<80x10x16xf32>
    %reduce_max3A_14 = arith.constant dense<0xFF800000> : vector<80x10xf32>
    %reduce_max3A_15 = vector.multi_reduction <maximumf>, %reshape3A_13, %reduce_max3A_14 [2] : vector<80x10x16xf32> to vector<80x10xf32>
    %broadcast_in_dim3A_16 = arith.constant -1.000000e+09 : f32
    %broadcast_in_dim3A_17 = vector.broadcast %broadcast_in_dim3A_16 : f32 to vector<80x6xf32>
    %concatenate3A_18 = tpu.concatenate %reduce_max3A_15, %broadcast_in_dim3A_17 in 1 : vector<80x10xf32>, vector<80x6xf32> -> vector<80x16xf32>
    %swap3A_19 = arith.constant 0 : index
    %swap3A_20 = arith.constant 0 : index
    %swap3A_21 = vector.load %arg4[%swap3A_19, %swap3A_20] : memref<80x16xf32, #tpu.memory_space<vmem>>, vector<80x16xf32>
    tpu.vector_store %arg4[%swap3A_19, %swap3A_20], %concatenate3A_18 {strides = array<i32>} : memref<80x16xf32, #tpu.memory_space<vmem>>, vector<80x16xf32>,
    %get3A_22 = arith.constant 0 : index
    %get3A_23 = arith.constant 0 : index
    %get3A_24 = vector.load %arg1[%get3A_22, %get3A_23] : memref<4x20000xf32, #tpu.memory_space<vmem>>, vector<1x20000xf32>
    %get3A_25 = vector.shape_cast %get3A_24 : vector<1x20000xf32> to vector<20000xf32>
    %get3A_26 = arith.constant 1 : index
    %get3A_27 = arith.constant 0 : index
    %get3A_28 = vector.load %arg1[%get3A_26, %get3A_27] : memref<4x20000xf32, #tpu.memory_space<vmem>>, vector<1x20000xf32>
    %get3A_29 = vector.shape_cast %get3A_28 : vector<1x20000xf32> to vector<20000xf32>
    %get3A_30 = arith.constant 2 : index
    %get3A_31 = arith.constant 0 : index
    %get3A_32 = vector.load %arg1[%get3A_30, %get3A_31] : memref<4x20000xf32, #tpu.memory_space<vmem>>, vector<1x20000xf32>
    %get3A_33 = vector.shape_cast %get3A_32 : vector<1x20000xf32> to vector<20000xf32>
    %get3A_34 = arith.constant 3 : index
    %get3A_35 = arith.constant 0 : index
    %get3A_36 = vector.load %arg1[%get3A_34, %get3A_35] : memref<4x20000xf32, #tpu.memory_space<vmem>>, vector<1x20000xf32>
    %get3A_37 = vector.shape_cast %get3A_36 : vector<1x20000xf32> to vector<20000xf32>
    %get3A_38 = arith.constant 0 : index
    %get3A_39 = arith.constant 0 : index
    %get3A_40 = vector.load %arg2[%get3A_38, %get3A_39] : memref<4x20000xf32, #tpu.memory_space<vmem>>, vector<1x20000xf32>
    %get3A_41 = vector.shape_cast %get3A_40 : vector<1x20000xf32> to vector<20000xf32>
    %get3A_42 = arith.constant 1 : index
    %get3A_43 = arith.constant 0 : index
    %get3A_44 = vector.load %arg2[%get3A_42, %get3A_43] : memref<4x20000xf32, #tpu.memory_space<vmem>>, vector<1x20000xf32>
    %get3A_45 = vector.shape_cast %get3A_44 : vector<1x20000xf32> to vector<20000xf32>
    %get3A_46 = arith.constant 2 : index
    %get3A_47 = arith.constant 0 : index
    %get3A_48 = vector.load %arg2[%get3A_46, %get3A_47] : memref<4x20000xf32, #tpu.memory_space<vmem>>, vector<1x20000xf32>
    %get3A_49 = vector.shape_cast %get3A_48 : vector<1x20000xf32> to vector<20000xf32>
    %get3A_50 = arith.constant 3 : index
    %get3A_51 = arith.constant 0 : index
    %get3A_52 = vector.load %arg2[%get3A_50, %get3A_51] : memref<4x20000xf32, #tpu.memory_space<vmem>>, vector<1x20000xf32>
    %get3A_53 = vector.shape_cast %get3A_52 : vector<1x20000xf32> to vector<20000xf32>
    %sub3A = arith.subf %get3A_33, %get3A_25 : vector<20000xf32>
    %sub3A_54 = arith.subf %get3A_37, %get3A_29 : vector<20000xf32>
    %mul3A = arith.constant 5.000000e-01 : f32
    %mul3A_55 = vector.broadcast %mul3A : f32 to vector<20000xf32>
    %mul3A_56 = arith.mulf %mul3A_55, %sub3A : vector<20000xf32>
    %add3A = arith.addf %get3A_25, %mul3A_56 : vector<20000xf32>
    %mul3A_57 = arith.constant 5.000000e-01 : f32
    %mul3A_58 = vector.broadcast %mul3A_57 : f32 to vector<20000xf32>
    %mul3A_59 = arith.mulf %mul3A_58, %sub3A_54 : vector<20000xf32>
    %add3A_60 = arith.addf %get3A_29, %mul3A_59 : vector<20000xf32>
    %mul3A_61 = arith.constant 1.000000e-01 : f32
    %mul3A_62 = vector.broadcast %mul3A_61 : f32 to vector<20000xf32>
    %mul3A_63 = arith.mulf %get3A_41, %mul3A_62 : vector<20000xf32>
    %mul3A_64 = arith.constant 1.000000e-01 : f32
    %mul3A_65 = vector.broadcast %mul3A_64 : f32 to vector<20000xf32>
    %mul3A_66 = arith.mulf %get3A_45, %mul3A_65 : vector<20000xf32>
    %mul3A_67 = arith.constant 2.000000e-01 : f32
    %mul3A_68 = vector.broadcast %mul3A_67 : f32 to vector<20000xf32>
    %mul3A_69 = arith.mulf %get3A_49, %mul3A_68 : vector<20000xf32>
    %mul3A_70 = arith.constant 2.000000e-01 : f32
    %mul3A_71 = vector.broadcast %mul3A_70 : f32 to vector<20000xf32>
    %mul3A_72 = arith.mulf %get3A_53, %mul3A_71 : vector<20000xf32>
    %mul3A_73 = arith.mulf %mul3A_63, %sub3A : vector<20000xf32>
    %add3A_74 = arith.addf %add3A, %mul3A_73 : vector<20000xf32>
    %mul3A_75 = arith.mulf %mul3A_66, %sub3A_54 : vector<20000xf32>
    %add3A_76 = arith.addf %add3A_60, %mul3A_75 : vector<20000xf32>
    %exp3A = math.exp %mul3A_69 : vector<20000xf32>
    %mul3A_77 = arith.mulf %exp3A, %sub3A : vector<20000xf32>
    %exp3A_78 = math.exp %mul3A_72 : vector<20000xf32>
    %mul3A_79 = arith.mulf %exp3A_78, %sub3A_54 : vector<20000xf32>
    %mul3A_80 = arith.constant 5.000000e-01 : f32
    %mul3A_81 = vector.broadcast %mul3A_80 : f32 to vector<20000xf32>
    %mul3A_82 = arith.mulf %mul3A_81, %mul3A_77 : vector<20000xf32>
    %sub3A_83 = arith.subf %add3A_74, %mul3A_82 : vector<20000xf32>
    %max3A = arith.constant 0.000000e+00 : f32
    %max3A_84 = vector.broadcast %max3A : f32 to vector<20000xf32>
    %max3A_85 = arith.maximumf %sub3A_83, %max3A_84 : vector<20000xf32>
    %swap3A_86 = arith.constant 0 : index
    %swap3A_87 = arith.constant 0 : index
    %swap3A_88 = vector.load %arg5[%swap3A_86, %swap3A_87] : memref<4x20000xf32, #tpu.memory_space<vmem>>, vector<1x20000xf32>
    %swap3A_89 = vector.shape_cast %swap3A_88 : vector<1x20000xf32> to vector<20000xf32>
    %swap3A_90 = vector.shape_cast %max3A_85 : vector<20000xf32> to vector<1x20000xf32>
    tpu.vector_store %arg5[%swap3A_86, %swap3A_87], %swap3A_90 {strides = array<i32>} : memref<4x20000xf32, #tpu.memory_space<vmem>>, vector<1x20000xf32>,
    %mul3A_91 = arith.constant 5.000000e-01 : f32
    %mul3A_92 = vector.broadcast %mul3A_91 : f32 to vector<20000xf32>
    %mul3A_93 = arith.mulf %mul3A_92, %mul3A_79 : vector<20000xf32>
    %sub3A_94 = arith.subf %add3A_76, %mul3A_93 : vector<20000xf32>
    %max3A_95 = arith.constant 0.000000e+00 : f32
    %max3A_96 = vector.broadcast %max3A_95 : f32 to vector<20000xf32>
    %max3A_97 = arith.maximumf %sub3A_94, %max3A_96 : vector<20000xf32>
    %swap3A_98 = arith.constant 1 : index
    %swap3A_99 = arith.constant 0 : index
    %swap3A_100 = vector.load %arg5[%swap3A_98, %swap3A_99] : memref<4x20000xf32, #tpu.memory_space<vmem>>, vector<1x20000xf32>
    %swap3A_101 = vector.shape_cast %swap3A_100 : vector<1x20000xf32> to vector<20000xf32>
    %swap3A_102 = vector.shape_cast %max3A_97 : vector<20000xf32> to vector<1x20000xf32>
    tpu.vector_store %arg5[%swap3A_98, %swap3A_99], %swap3A_102 {strides = array<i32>} : memref<4x20000xf32, #tpu.memory_space<vmem>>, vector<1x20000xf32>,
    %mul3A_103 = arith.constant 5.000000e-01 : f32
    %mul3A_104 = vector.broadcast %mul3A_103 : f32 to vector<20000xf32>
    %mul3A_105 = arith.mulf %mul3A_104, %mul3A_77 : vector<20000xf32>
    %add3A_106 = arith.addf %add3A_74, %mul3A_105 : vector<20000xf32>
    %min3A = arith.constant 5.120000e+02 : f32
    %min3A_107 = vector.broadcast %min3A : f32 to vector<20000xf32>
    %min3A_108 = arith.minimumf %add3A_106, %min3A_107 : vector<20000xf32>
    %swap3A_109 = arith.constant 2 : index
    %swap3A_110 = arith.constant 0 : index
    %swap3A_111 = vector.load %arg5[%swap3A_109, %swap3A_110] : memref<4x20000xf32, #tpu.memory_space<vmem>>, vector<1x20000xf32>
    %swap3A_112 = vector.shape_cast %swap3A_111 : vector<1x20000xf32> to vector<20000xf32>
    %swap3A_113 = vector.shape_cast %min3A_108 : vector<20000xf32> to vector<1x20000xf32>
    tpu.vector_store %arg5[%swap3A_109, %swap3A_110], %swap3A_113 {strides = array<i32>} : memref<4x20000xf32, #tpu.memory_space<vmem>>, vector<1x20000xf32>,
    %mul3A_114 = arith.constant 5.000000e-01 : f32
    %mul3A_115 = vector.broadcast %mul3A_114 : f32 to vector<20000xf32>
    %mul3A_116 = arith.mulf %mul3A_115, %mul3A_79 : vector<20000xf32>
    %add3A_117 = arith.addf %add3A_76, %mul3A_116 : vector<20000xf32>
    %min3A_118 = arith.constant 5.120000e+02 : f32
    %min3A_119 = vector.broadcast %min3A_118 : f32 to vector<20000xf32>
    %min3A_120 = arith.minimumf %add3A_117, %min3A_119 : vector<20000xf32>
    %swap3A_121 = arith.constant 3 : index
    %swap3A_122 = arith.constant 0 : index
    %swap3A_123 = vector.load %arg5[%swap3A_121, %swap3A_122] : memref<4x20000xf32, #tpu.memory_space<vmem>>, vector<1x20000xf32>
    %swap3A_124 = vector.shape_cast %swap3A_123 : vector<1x20000xf32> to vector<20000xf32>
    %swap3A_125 = vector.shape_cast %min3A_120 : vector<20000xf32> to vector<1x20000xf32>
    tpu.vector_store %arg5[%swap3A_121, %swap3A_122], %swap3A_125 {strides = array<i32>} : memref<4x20000xf32, #tpu.memory_space<vmem>>, vector<1x20000xf32>,
    return
  }
}

</mosaic_0001>

<sc_bundles>
// kernel: kernel.4.cloned.1.call-start
scs
__scs_entry_jumppad:
0x0: {  	(pc) =	sbr.rel $0x88, $3  }
0x1: {  	(tag) =	ssettag $0x0;
	lr =	simm.s32 $0x1  }
0x2: {  	[smem:$0x3F9E] =	sst lr;
	_ =	strace $0xD0000000  }
0x3: {  	_ = 	snop  }
0x4: {  	_ = 	snop  }
0x5: {  	_ = 	snop  }
0x6: {  	_ = 	snop  }
0x7: {  	_ = 	snop  }
__scs_overlays_trampoline_lowered:
0x8: {  	[smem:$0x3FAD] =	sst s0  }
0x9: {  	[smem:$0x3FAE] =	sst s1  }
0xa: {  	[smem:$0x3FAF] =	sst s2  }
0xb: {  	[smem:$0x3FB0] =	sst s3  }
0xc: {  	[smem:$0x3FB1] =	sst s4  }
0xd: {  	[smem:$0x3FB2] =	sst s5  }
0xe: {  	[smem:$0x3FB3] =	sst s6  }
0xf: {  	[smem:$0x3FB4] =	sst s7  }
0x10: {  	[smem:$0x3FB5] =	sst s8  }
0x11: {  	[smem:$0x3FB6] =	sst s9;
	s0 =	simm.s32 @!p0 $0x0  }
0x12: {  	s1 =	sld [smem:$0x3F9C];
	s0 =	simm.s32 @p0 $0x1  }
0x13: {  	[smem:$0x3FB7] =	sst s0;
	s0 =	simm.s32 @!p1 $0x0  }
0x14: {  	s2 =	sld [smem:$0x3F9B];
	s0 =	simm.s32 @p1 $0x1  }
0x15: {  	[smem:$0x3FB8] =	sst s0;
	s0 =	simm.s32 @!p2 $0x0  }
0x16: {  	s3 =	sld [smem:$0x3FDB];
	s0 =	simm.s32 @p2 $0x1  }
0x17: {  	s4 =	simm.s32 $0x1BF5;
	[smem:$0x3FBA] =	sst s0  }
0x18: {  	s0 =	sld [smem:$0x3F9D];
	_ =	swait.ge [sflag:s4], $0x0  }
0x19: {  	s7 =	sld [smem:$0x3F9E]  }
0x1a: {  	s8 =	sadd.s32 $0xFFFFE003, lr  }
0x1b: {  	s9 =	sadd.s32 $0xFFFFFEF7, lr;
	s5 =	simm.s32 $0xFFFFFFFF;
	p2 =	slt.u32 s8, $0xFFFFF086  }
0x1c: {  	p1 =	slt.u32 s9, $0xF7A;
	s5 =	simm.s32 @!p2 $0x0  }
0x1d: {  	s5 =	simm.s32 @p1 $0x1;
	p0 =	seq.s32 s7, s2  }
0x1e: {  	s7 =	smul.u32 @!p0 $0xF7A, s2;
	p2 =	seq.s32 @!p0 s5, $0x0  }
0x1f: {  	s9 =	smul.u32 $0xF7A, s1;
	s8 =	simm.s32 @!p0 $0x1BF5;
	p2 =	por !p2, p0  }
0x20: {  	[sflag:s8] =	ssyncset.s32 @!p0 $0xFFFFF086;
	s6 =	sadd.s32 @!p0 s3, s7;
	s7 =	simm.s32 @!p0 $0x108  }
0x21: {  	s3 =	sadd.s32 s3, s9;
	s6 =	sadd.s32 @!p0 $0x88, s6;
	s7 =	simm.s32 @p2 $0x1082  }
0x22: {  	[simem:s7], [sflag:s8] =	dma.local @!p0 [hbm:s6], $0xF7A  }
0x23: {  	s9 =	sor.u32 $0xD0000000, s2;
	s6 =	simm.s32 $0x108;
	_ =	swait.ge @!p0 [sflag:s8], $0x0  }
0x24: {  	s3 =	sadd.s32 $0x88, s3;
	s6 =	simm.s32 @!p1 $0x1082;
	[sflag:s4] =	ssyncset.s32 $0xFFFFF086  }
0x25: {  	[simem:s6], [sflag:s4] =	dma.local [hbm:s3], $0xF7A  }
0x26: {  	[smem:$0x3F9E] =	sst s1;
	(tag) =	ssettag s2;
	_ =	strace s9  }
0x27: {  	s1 =	sld [smem:$0x3FAE]  }
0x28: {  	s2 =	sld [smem:$0x3FAF]  }
0x29: {  	s4 =	sld [smem:$0x3FB1]  }
0x2a: {  	p0 =	seq.s32 s5, $0x0;
	s5 =	sld [smem:$0x3FB2]  }
0x2b: {  	s6 =	sld [smem:$0x3FB3]  }
0x2c: {  	s7 =	sld [smem:$0x3FB4]  }
0x2d: {  	s3 =	simm.s32 $0x108;
	s8 =	sld [smem:$0x3FB5]  }
0x2e: {  	s3 =	simm.s32 @!p0 $0x1082;
	s9 =	sld [smem:$0x3FB6]  }
0x2f: {  	lr =	sadd.s32 s0, s3;
	s0 =	sld [smem:$0x3FAD]  }
0x30: {  	s3 =	sld [smem:$0x3FB0]  }
0x31: {  	[smem:$0x3FB9] =	sst s10  }
0x32: {  	s10 =	sld [smem:$0x3FB7];
	_ =	sdelay $0x3  }
0x33: {  	p0 =	seq.s32 s10, $0x1;
	s10 =	sld [smem:$0x3FB9];
	_ =	sdelay $0x3  }
0x34: {  	[smem:$0x3FB9] =	sst s10  }
0x35: {  	s10 =	sld [smem:$0x3FB8];
	_ =	sdelay $0x3  }
0x36: {  	p1 =	seq.s32 s10, $0x1;
	s10 =	sld [smem:$0x3FB9];
	_ =	sdelay $0x3  }
0x37: {  	[smem:$0x3FB9] =	sst s10  }
0x38: {  	s10 =	sld [smem:$0x3FBA]  }
0x39: {  	_ = 	snop;
	(pc) =	sbr.ind lr, $3  }
0x3a: {  	_ = 	snop  }
0x3b: {  	_ = 	snop  }
0x3c: {  	p2 =	seq.s32 s10, $0x1;
	s10 =	sld [smem:$0x3FB9]  }
0x3d: {  	_ =	shalt  }
0x3e: {  	_ =	shalt  }
0x3f: {  	_ =	shalt  }
0x40: {  	_ =	shalt  }
0x41: {  	_ =	shalt  }
0x42: {  	_ =	shalt  }
0x43: {  	_ =	shalt  }
0x44: {  	_ =	shalt  }
0x45: {  	_ =	shalt  }
0x46: {  	_ =	shalt  }
0x47: {  	_ =	shalt  }
0x48: {  	_ =	shalt  }
0x49: {  	_ =	shalt  }
0x4a: {  	_ =	shalt  }
0x4b: {  	_ =	shalt  }
0x4c: {  	_ =	shalt  }
0x4d: {  	_ =	shalt  }
0x4e: {  	_ =	shalt  }
0x4f: {  	_ =	shalt  }
0x50: {  	_ =	shalt  }
0x51: {  	_ =	shalt  }
0x52: {  	_ =	shalt  }
0x53: {  	_ =	shalt  }
0x54: {  	_ =	shalt  }
0x55: {  	_ =	shalt  }
0x56: {  	_ =	shalt  }
0x57: {  	_ =	shalt  }
0x58: {  	_ =	shalt  }
0x59: {  	_ =	shalt  }
0x5a: {  	_ =	shalt  }
0x5b: {  	_ =	shalt  }
0x5c: {  	_ =	shalt  }
0x5d: {  	_ =	shalt  }
0x5e: {  	_ =	shalt  }
0x5f: {  	_ =	shalt  }
0x60: {  	_ =	shalt  }
0x61: {  	_ =	shalt  }
0x62: {  	_ =	shalt  }
0x63: {  	_ =	shalt  }
0x64: {  	_ =	shalt  }
0x65: {  	_ =	shalt  }
0x66: {  	_ =	shalt  }
0x67: {  	_ =	shalt  }
0x68: {  	_ =	shalt  }
0x69: {  	_ =	shalt  }
0x6a: {  	_ =	shalt  }
0x6b: {  	_ =	shalt  }
0x6c: {  	_ =	shalt  }
0x6d: {  	_ =	shalt  }
0x6e: {  	_ =	shalt  }
0x6f: {  	_ =	shalt  }
0x70: {  	_ =	shalt  }
0x71: {  	_ =	shalt  }
0x72: {  	_ =	shalt  }
0x73: {  	_ =	shalt  }
0x74: {  	_ =	shalt  }
0x75: {  	_ =	shalt  }
0x76: {  	_ =	shalt  }
0x77: {  	_ =	shalt  }
0x78: {  	_ =	shalt  }
0x79: {  	_ =	shalt  }
0x7a: {  	_ =	shalt  }
0x7b: {  	_ =	shalt  }
0x7c: {  	_ =	shalt  }
0x7d: {  	_ =	shalt  }
0x7e: {  	_ =	shalt  }
0x7f: {  	_ =	shalt  }
0x80: {  	_ =	shalt  }
0x81: {  	_ =	shalt  }
0x82: {  	_ =	shalt  }
0x83: {  	_ =	shalt  }
0x84: {  	_ =	shalt  }
0x85: {  	_ =	shalt  }
0x86: {  	_ =	shalt  }
0x87: {  	_ =	shalt  }
.Lfunc_end0:
.L_simem_size_0:
called_computation_lowered:
.L_overlay_start_0:
0x88: {  	s2 =	sld [smem:$0x3FD9]  }
0x89: {  	s3 =	sld [smem:$0x3FFE];
	_ =	sdelay $0x1  }
0x8a: {  	s1 =	srdreg.scid  }
0x8b: {  	s0 =	sand.u32 $0x1, s1  }
0x8c: {  	s14 =	sshll.u32 s0, $0xA;
	s2 =	sadd.s32 s3, s2  }
0x8d: {  	s2 =	sadd.s32 s2, s14  }
0x8e: {  	[smem:$0x3FC5] =	sst s2  }
0x8f: {  	_ = 	snop  }
0x90: {  	s2 =	sld [smem:$0x3FD0];
	_ =	sdelay $0x2  }
0x91: {  	s4 =	simm.s32 $0xA;
	s5 =	simm.s32 $0x10;
	s15 =	sld [smem:$0x3FC9]  }
0x92: {  	[smem:s5], [sflag:s4] =	dma.local [hbm:s2], $0x1  }
0x93: {  	_ =	swait.eq [sflag:s4], $0x1  }
0x94: {  	[sflag:s4] =	ssyncset.done $0x0  }
0x95: {  	[sflag:s4] =	ssyncadd.s32 $0xFFFFFFFF  }
0x96: {  	s16 =	sld [smem:$0x12];
	(tm) =	ssettm $0x1  }
0x97: {  	s17 =	sld [smem:$0x3FFB];
	_ =	sdelay $0x3  }
0x98: {  	_ =	strace s17  }
0x99: {  	s4 =	sld [smem:$0x3FFC];
	_ =	sdelay $0x3  }
0x9a: {  	_ =	strace s4  }
0x9b: {  	s4 =	sld [smem:$0x3FFD];
	_ =	sdelay $0x3  }
0x9c: {  	_ =	strace s4  }
0x9d: {  	_ =	strace $0x8FFFFFFF  }
0x9e: {  	s18 =	sld [smem:$0x3FDB];
	_ =	sdelay $0x1  }
0x9f: {  	s19 =	simm.s32 $_scs_section_size  }
0xa0: {  	s6 =	simm.s32 $_size__tile_overlayer_lowered;
	s7 =	simm.s32 $_tile_overlayer_lowered  }
0xa1: {  	s22 =	simm.s32 $0x1BFF;
	s21 =	sshll.u32 s7, $0x1;
	s4 =	sadd.s32 s19, s18  }
0xa2: {  	s8 =	simm.s32 $0x0;
	s20 =	sshll.u32 s6, $0x1;
	s6 =	sadd.s32 s21, s4  }
0xa3: {  	[timem:s8], [sflag:s22] =	dma.local [hbm:s6], s20  }
0xa4: {  	_ =	swait.ge [sflag:s22], s20  }
0xa5: {  	s5 =	ssub.s32 $0x0, s20;
	[sflag:s22] =	ssyncset.done $0x0  }
0xa6: {  	[sflag:s22] =	ssyncadd.s32 s5;
	_ =	sdelay $0x1  }
0xa7: {  	s23 =	simm.s32 $0x1B8B  }
0xa8: {  	_ =	swait.ge [sflag:s23], $0x1  }
0xa9: {  	[sflag:s23] =	ssyncset.done $0x0  }
0xaa: {  	s25 =	simm.s32 $0x1B8E;
	s24 =	sld [smem:$0x3FFE];
	[sflag:s23] =	ssyncadd.s32 $0xFFFFFFFF  }
0xab: {  	s26 =	simm.s32 $execute0_lowered;
	[smem:$0x3FD2] =	sst s25  }
0xac: {  	s6 =	sshll.u32 s26, $0x1;
	_ =	strace $0x80000046;
	[dreg:$0x1] =	wrdreg $0xFFFFFFFF  }
0xad: {  	s28 =	simm.s32 $_size_execute0_lowered;
	s4 =	sadd.s32 s4, s6;
	[dreg:$0x0] =	wrdreg $0x0  }
0xae: {  	s6 =	sshll.u32 s28, $0x1;
	[dreg:$0x2] =	wrdreg s4  }
0xaf: {  	[dreg:$0x3] =	wrdreg s6  }
0xb0: {  	[dreg:$0x4] =	wrdreg $0xC0  }
0xb1: {  	_ =	task [dreg:s8], $0x5FFFF  }
0xb2: {  	[dreg:$0x1] =	wrdreg $0xFFFFFFFF  }
0xb3: {  	[dreg:$0x0] =	wrdreg $0x60  }
0xb4: {  	[dreg:$0x2] =	wrdreg s15  }
0xb5: {  	[dreg:$0x3] =	wrdreg s16  }
0xb6: {  	[dreg:$0x4] =	wrdreg s24  }
0xb7: {  	[dreg:$0x5] =	wrdreg $0x9  }
0xb8: {  	_ =	task.clear_ibuf [dreg:s8], $0x6FFFF;
	_ =	strace $0x90000046  }
0xb9: {  	s29 =	simm.s32 $0x9;
	_ =	strace $0x80000048  }
0xba: {  	_ =	swait.ge [sflag:s29], $0x1  }
0xbb: {  	[sflag:s29] =	ssyncadd.s32 $0xFFFFFFFF  }
0xbc: {  	_ =	strace $0x90000048  }
0xbd: {  	_ =	sfence  }
0xbe: {  	s30 =	sld [smem:$0x0];
	_ =	sdelay $0x2  }
0xbf: {  	s31 =	sshll.u32 s1, $0xD;
	s1 =	sshrl.u32 s1, $0x2  }
0xc0: {  	s3 =	sand.u32 $0x4000, s31;
	s1 =	sadd.s32 s1, s30  }
0xc1: {  	s0 =	sor.u32 s3, s0;
	s1 =	sshll.u32 s1, $0x11  }
0xc2: {  	s0 =	sor.u32 s1, s0  }
0xc3: {  	s0 =	sadd.s32 $0x8F2B, s0  }
0xc4: {  	[sflag:s0] =	ssyncadd.remote.s32 $0x1  }
0xc5: {  	_ =	sfence.sel $0xFFFF  }
0xc6: {  	[dreg:$0x0] =	wrdreg $0xFFFFFFFF;
	(pc) =	sbr.abs _section_cstart, $3  }
0xc7: {  	[dreg:$0x1] =	wrdreg $0xFFFFFFFF  }
0xc8: {  	_ =	task.clear_ibuf [dreg:s8], $0x2FFFF;
	_ =	strace $0x9FFFFFFF  }
0xc9: {  	(tm) =	ssettm $0x7FFFFFFF  }
tec
execute0_lowered:
.L_overlay_start_1:
0x0: {  	(tag) =	ssettag $0x1  }
0x1: {  	s0 =	rddreg [dreg:$0x0]  }
0x2: {  	s1 =	rddreg [dreg:$0x1]  }
0x3: {  	s6 =	rddreg [dreg:$0x2];
	s2 =	simm.s32 $0x0  }
0x4: {  	s3 =	srdreg.scid;
	s14 =	stileid.u32;
	s28 =	simm.s32 $0x9D00  }
0x5: {  	s29 =	simm.s32 $0x9F00;
	s30 =	simm.s32 $0x2;
	s31 =	simm.s32 $0x0  }
0x6: {  	[smem:$0x7FF] =	sst s2;
	s4 =	sand.u32 $0x1, s3;
	s5 =	sshll.u32 s14, $0x1  }
0x7: {  	s3 =	sadd.s32 $0x3A00, s6;
	s8 =	sshrl.u32 s14, $0x2;
	s10 =	sadd.s32 $0x1200, s6  }
0x8: {  	s18 =	sadd.s32 $0x1210, s6;
	s19 =	sadd.s32 $0x1220, s6;
	p0 =	sgt.u32 s14, $0x7  }
0x9: {  	_ =	strace $0x80000047;
	s7 =	sor.u32 s4, s5;
	[dreg:$0x4] =	wrdreg s10  }
0xa: {  	s15 =	ssub.s32 $0x2, s4;
	s9 =	smul.u32 $0x27400, s8;
	[dreg:$0x5] =	wrdreg s18  }
0xb: {  	s4 =	sadd.s32 $0x4000, s6;
	[dreg:$0x6] =	wrdreg s19;
	s6 =	sadd.s32 $0x1230, s6  }
0xc: {  	s21 =	sshll.u32 s8, $0xB;
	s22 =	sshll.u32 s8, $0xA;
	s23 =	sor.u32 $0x4, s8  }
0xd: {  	s8 =	smul.u32 $0xC00, s8;
	s16 =	sshll.u32 s7, $0x7;
	s17 =	sshrl.u32 s15, $0x1  }
0xe: {  	[dreg:$0x7] =	wrdreg s6;
	s12 =	smul.u32 $0x27400, s23;
	s25 =	sshll.u32 s23, $0xB  }
0xf: {  	s7 =	sor.u32 $0x40, s7;
	s13 =	sshll.u32 s23, $0xA;
	s11 =	sand.u32 $0x380, s16  }
0x10: {  	s10 =	smul.u32 $0xC00, s23;
	s5 =	ssub.s32 s15, s17;
	s9 =	sor.u32 s9, s11  }
0x11: {  	s6 =	sor.u32 s21, s11;
	s26 =	sor.u32 s12, s11;
	s12 =	smin.u32 s7, $0x4F  }
0x12: {  	s8 =	sor.u32 s8, s11;
	s7 =	sshrl.u32 s7, $0x3;
	s21 =	sor.u32 s10, s11  }
0x13: {  	s9 =	sshrl.u32 s9, $0x3;
	s6 =	sshrl.u32 s6, $0x3;
	s15 =	sshrl.u32 s12, $0x3  }
0x14: {  	s8 =	sshrl.u32 s8, $0x3;
	s7 =	smul.u32 $0xC00, s7;
	s23 =	sshrl.u32 s21, $0x3  }
0x15: {  	s21 =	simm.s32 $0x200;
	s20 =	sadd.s32 s0, s9;
	s9 =	sor.u32 s22, s11  }
0x16: {  	s6 =	sadd.s32 s1, s6;
	s8 =	sadd.s32 s4, s8;
	[dreg:$0x8] =	wrdreg s20  }
0x17: {  	s18 =	sshll.u32 s15, $0xB;
	[dreg:$0x9] =	wrdreg s6;
	s24 =	sshrl.u32 s9, $0x3  }
0x18: {  	s9 =	sor.u32 s25, s11;
	[dreg:$0xe] =	wrdreg s8;
	s22 =	sor.u32 s11, s7  }
0x19: {  	s6 =	sadd.s32 s3, s24;
	s9 =	sshrl.u32 s9, $0x3;
	s24 =	sshrl.u32 s22, $0x3  }
0x1a: {  	s22 =	simm.s32 $0xA000;
	[dreg:$0xa] =	wrdreg s6;
	s6 =	sshrl.u32 s26, $0x3  }
0x1b: {  	v0 =	vimm.s32 $0xEFCDAB89;
	s9 =	sadd.s32 s1, s9;
	s25 =	sadd.s32 s4, s24;
	s26 =	smax.u32 s5, $0x1  }
0x1c: {  	v1 =	vimm.s32 $0x67452301;
	v3 =	vimm.s32 $0x54761032;
	s24 =	simm.s32 $0x13D00;
	s6 =	sadd.s32 s0, s6;
	[dreg:$0xc] =	wrdreg s9  }
0x1d: {  	v4 =	vimm.s32 $0xBA98FEDC;
	v5 =	vimm.s32 $0x32107654;
	s9 =	sor.u32 s13, s11;
	s13 =	smul.u32 $0x27400, s15;
	[dreg:$0x13] =	wrdreg s25  }
0x1e: {  	v6 =	vimm.s32 $0xFEDCBA98;
	v7 =	vimm.s32 $0x76543210;
	v0 =	vunpack.c.l.s4.s8 v0;
	[dreg:$0x14] =	wrdreg s26;
	s25 =	simm.s32 $0x18B80;
	s26 =	simm.s32 $0x400  }
0x1f: {  	vm0 =	vmxor vm0, vm0;
	v1 =	vunpack.c.l.s4.s8 v1;
	v3 =	vunpack.c.l.s4.s8 v3;
	[dreg:$0xb] =	wrdreg s6;
	s6 =	sshll.u32 s12, $0x7;
	s9 =	sshrl.u32 s9, $0x3  }
0x20: {  	v4 =	vunpack.c.l.s4.s8 v4;
	v2 =	vunpack.c.0.s8.s32 v0;
	v0 =	vimm.s32 $0xDCFE98BA;
	s12 =	sshll.u32 s15, $0xA;
	s6 =	sand.u32 $0x380, s6;
	s9 =	sadd.s32 s3, s9  }
0x21: {  	v5 =	vunpack.c.l.s4.s8 v5;
	v6 =	vunpack.c.l.s4.s8 v6;
	v0 =	vunpack.c.l.s4.s8 v0;
	[dreg:$0xd] =	wrdreg s9;
	s16 =	sor.u32 s6, s13;
	s9 =	sor.u32 s6, s18  }
0x22: {  	v7 =	vunpack.c.l.s4.s8 v7;
	v1 =	vunpack.c.0.s8.s32 v1;
	v3 =	vunpack.c.0.s8.s32 v3;
	s20 =	sor.u32 s6, s12;
	s18 =	simm.s32 $0x4;
	s17 =	sshrl.u32 s16, $0x3  }
.Ltmp0:
0x23: {  	v4 =	vunpack.c.0.s8.s32 v4;
	v5 =	vunpack.c.0.s8.s32 v5;
	v8 =	vunpack.c.0.s8.s32 v0;
	s9 =	sshrl.u32 s9, $0x3;
	s0 =	sadd.s32 s0, s17;
	(pc) =	sbr.rel .LBB2_1-.Ltmp0, $4  }
0x24: {  	v6 =	vunpack.c.0.s8.s32 v6;
	v7 =	vunpack.c.0.s8.s32 v7;
	v1 =	vcombine.low v1, v2;
	s19 =	sadd.s32 s1, s9;
	[dreg:$0xf] =	wrdreg s0;
	s0 =	sshrl.u32 s20, $0x3  }
0x25: {  	v0 =	vimm.f32 $0.0e+00;
	v2 =	vcombine.low v3, v8;
	v3 =	vcombine.low v5, v4;
	s1 =	simm.s32 $0x1;
	[dreg:$0x10] =	wrdreg s19;
	s0 =	sadd.s32 s3, s0  }
0x26: {  	v4 =	vand.u32 $0xF, v6;
	v5 =	vlaneseq.u32;
	v6 =	vand.u32 $0xF, v1;
	s20 =	simm.s32 $0x80;
	[dreg:$0x11] =	wrdreg s0;
	s0 =	sadd.s32 s4, s23  }
0x27: {  	v4 =	vcombine.low v4, v7;
	v7 =	vand.u32 $0xF, v2;
	v8 =	vand.u32 $0xF, v3;
	s23 =	simm.s32 $0xEE80;
	[dreg:$0x12] =	wrdreg s0;
	s0 =	simm.s32 $0x3  }
.LBB2_8:
0x28: {  	v9 =	vld [tilespmem:$0x1DC00]  }
0x29: {  	v10 =	vld [tilespmem:$0x1DC10]  }
0x2a: {  	v11 =	vld [tilespmem:$0x1DC20]  }
0x2b: {  	v12 =	vld [tilespmem:$0x1DC30]  }
0x2c: {  	v13 =	vld [tilespmem:$0x1DA00]  }
0x2d: {  	v58 =	vld [tilespmem:$0x1DA80];
	[tilespmem:$0x1DF80] =	vst v9  }
0x2e: {  	v59 =	vld [tilespmem:$0x1DA90];
	[tilespmem:$0x1DF90] =	vst v10  }
0x2f: {  	v9 =	vld [tilespmem:$0x1DA10];
	[tilespmem:$0x1DFA0] =	vst v11  }
0x30: {  	v10 =	vld [tilespmem:$0x1DA20];
	[tilespmem:$0x1DFB0] =	vst v12  }
0x31: {  	v11 =	vld [tilespmem:$0x1DA30];
	[tilespmem:$0x1DFC0] =	vst v13  }
0x32: {  	v60 =	vld [tilespmem:$0x1DB10];
	[tilespmem:$0x1E000] =	vst v58  }
0x33: {  	v61 =	vld [tilespmem:$0x1DB20];
	[tilespmem:$0x1E010] =	vst v59  }
0x34: {  	[tilespmem:$0x1DFD0] =	vst v9;
	v9 =	vld [tilespmem:$0x1DAA0]  }
0x35: {  	[tilespmem:$0x1DFE0] =	vst v10;
	v10 =	vld [tilespmem:$0x1DAB0]  }
0x36: {  	[tilespmem:$0x1DFF0] =	vst v11;
	v11 =	vld [tilespmem:$0x1DB00]  }
0x37: {  	v62 =	vld [tilespmem:$0x1DBA0];
	[tilespmem:$0x1E050] =	vst v60  }
0x38: {  	v63 =	vld [tilespmem:$0x1DBB0];
	[tilespmem:$0x1E060] =	vst v61  }
0x39: {  	[tilespmem:$0x1E020] =	vst v9;
	v9 =	vld [tilespmem:$0x1DB30]  }
0x3a: {  	[tilespmem:$0x1E030] =	vst v10;
	v10 =	vld [tilespmem:$0x1DB80]  }
0x3b: {  	[tilespmem:$0x1E040] =	vst v11;
	v11 =	vld [tilespmem:$0x1DB90]  }
0x3c: {  	[tilespmem:$0x1E0A0] =	vst v62  }
0x3d: {  	[tilespmem:$0x1E0B0] =	vst v63  }
0x3e: {  	[tilespmem:$0x1E070] =	vst v9  }
0x3f: {  	[tilespmem:$0x1E080] =	vst v10  }
0x40: {  	s3 =	rddreg [dreg:$0x13];
	s4 =	simm.s32 $0x1DF80;
	[tilespmem:$0x1E090] =	vst v11  }
0x41: {  	[hbm4b:s3+s20] =	stream.strided.scatter [tilespmem:s4], [sflag:$0x4], $0x180, s26, s20, $0x38;
	[tilespmem:$0x1E100] =	vst v63  }
0x42: {  	_ =	swait.ge [sflag:s18], $0x180  }
0x43: {  	[sflag:s18] =	ssyncset.done $0x0  }
0x44: {  	[sflag:s18] =	ssyncadd.s32 $0xFFFFFE80  }
.LBB2_9:
0x45: {  	_ =	swait.ge [sflag:s18], $0x180  }
0x46: {  	[sflag:s18] =	ssyncset.done $0x0  }
0x47: {  	[sflag:s18] =	ssyncadd.s32 $0xFFFFFE80  }
0x48: {  	_ =	swait.ge [sflag:s18], $0x180  }
0x49: {  	s31 =	sadd.s32 $0x1, s31;
	s3 =	rddreg [dreg:$0x14]  }
0x4a: {  	p1 =	sne.s32 s31, s3  }
.Ltmp1:
0x4b: {  	_ = 	snop;
	(pc) =	sbr.rel @!p1 .LBB2_10-.Ltmp1, $3  }
0x4c: {  	_ =	sdelay $0x1  }
0x4d: {  	[sflag:s18] =	ssyncset.done $0x0  }
0x4e: {  	[sflag:s18] =	ssyncadd.s32 $0xFFFFFE80  }
.LBB2_1:
0x4f: {  	s3 =	rddreg [dreg:$0x4]  }
0x50: {  	[tilespmem:s22], [sflag:$0x1] =	stream.strided.gather [hbm4b:s3+s20], $0x4E80, s21, s20, $0x38;
	[tilespmem:$0x1E100] =	vst v63  }
0x51: {  	s7 =	rddreg [dreg:$0x5]  }
0x52: {  	[tilespmem:s23], [sflag:$0x1] =	stream.strided.gather [hbm4b:s7+s20], $0x4E80, s21, s20, $0x38;
	[tilespmem:$0x1E100] =	vst v63  }
0x53: {  	s8 =	rddreg [dreg:$0x6]  }
0x54: {  	[tilespmem:s24], [sflag:$0x1] =	stream.strided.gather [hbm4b:s8+s20], $0x4E80, s21, s20, $0x38;
	[tilespmem:$0x1E100] =	vst v63  }
0x55: {  	s9 =	rddreg [dreg:$0x7]  }
0x56: {  	[tilespmem:s25], [sflag:$0x1] =	stream.strided.gather [hbm4b:s9+s20], $0x4E80, s21, s20, $0x38;
	[tilespmem:$0x1E100] =	vst v63  }
0x57: {  	s10 =	rddreg [dreg:$0x8]  }
0x58: {  	[tilespmem:s2], [sflag:$0x2] =	stream.strided.gather [hbm4b:s10+s20], $0x4E80, s26, s20, $0x38;
	[tilespmem:$0x1E100] =	vst v63  }
0x59: {  	s11 =	rddreg [dreg:$0x9]  }
0x5a: {  	[tilespmem:s28], [sflag:$0x2] =	stream.strided.gather [hbm4b:s11+s20], $0x100, s26, s20, $0x38;
	[tilespmem:$0x1E100] =	vst v63  }
0x5b: {  	s12 =	rddreg [dreg:$0xa]  }
0x5c: {  	[tilespmem:s29], [sflag:$0x2] =	stream.linear.gather [hbm4b:s12+s2], $0x80, $0x38;
	[tilespmem:$0x1E100] =	vst v63  }
0x5d: {  	s13 =	rddreg [dreg:$0xb];
	s4 =	simm.s32 $0x4E80  }
0x5e: {  	[tilespmem:s4], [sflag:$0x3] =	stream.strided.gather [hbm4b:s13+s20], $0x4E80, s26, s20, $0x38;
	[tilespmem:$0x1E100] =	vst v63  }
0x5f: {  	s14 =	rddreg [dreg:$0xc];
	s15 =	simm.s32 $0x9E00  }
0x60: {  	[tilespmem:s15], [sflag:$0x3] =	stream.strided.gather [hbm4b:s14+s20], $0x100, s26, s20, $0x38;
	[tilespmem:$0x1E100] =	vst v63  }
0x61: {  	s16 =	rddreg [dreg:$0xd];
	s17 =	simm.s32 $0x9F80  }
0x62: {  	[tilespmem:s17], [sflag:$0x3] =	stream.linear.gather [hbm4b:s16+s2], $0x80, $0x38;
	[tilespmem:$0x1E100] =	vst v63  }
0x63: {  	_ =	swait.ge [sflag:s1], $0x4E80  }
0x64: {  	[sflag:s1] =	ssyncset.done $0x0  }
0x65: {  	[sflag:s1] =	ssyncadd.s32 $0xFFFFB180  }
0x66: {  	_ =	swait.ge [sflag:s1], $0x4E80  }
0x67: {  	[sflag:s1] =	ssyncset.done $0x0  }
0x68: {  	[sflag:s1] =	ssyncadd.s32 $0xFFFFB180  }
0x69: {  	_ =	swait.ge [sflag:s1], $0x4E80  }
0x6a: {  	[sflag:s1] =	ssyncset.done $0x0  }
0x6b: {  	[sflag:s1] =	ssyncadd.s32 $0xFFFFB180  }
0x6c: {  	_ =	swait.ge [sflag:s1], $0x4E80  }
0x6d: {  	[sflag:s1] =	ssyncset.done $0x0  }
0x6e: {  	[sflag:s1] =	ssyncadd.s32 $0xFFFFB180  }
0x6f: {  	_ =	swait.ge [sflag:s30], $0x4E80  }
0x70: {  	[sflag:s30] =	ssyncset.done $0x0  }
0x71: {  	[sflag:s30] =	ssyncadd.s32 $0xFFFFB180  }
0x72: {  	_ =	swait.ge [sflag:s30], $0x100  }
0x73: {  	[sflag:s30] =	ssyncset.done $0x0  }
0x74: {  	[sflag:s30] =	ssyncadd.s32 $0xFFFFFF00  }
0x75: {  	_ =	swait.ge [sflag:s30], $0x80  }
0x76: {  	[sflag:s30] =	ssyncset.done $0x0  }
0x77: {  	[sflag:s30] =	ssyncadd.s32 $0xFFFFFF80  }
0x78: {  	v9 =	vld [tilespmem:$0x9F00];
	_ =	sdelay $0x4  }
0x79: {  	v10 =	vperm.xlane v9, v1;
	_ =	sdelay $0x1  }
0x7a: {  	v9 =	vmax.f32 v9, v10  }
0x7b: {  	v10 =	vperm.xlane v9, v2;
	_ =	sdelay $0x1  }
0x7c: {  	v9 =	vmax.f32 v9, v10  }
0x7d: {  	v10 =	vperm.xlane v9, v3;
	_ =	sdelay $0x1  }
0x7e: {  	v9 =	vmax.f32 v9, v10  }
0x7f: {  	v10 =	vperm.xlane v9, v4;
	_ =	sdelay $0x1  }
0x80: {  	v9 =	vmax.f32 v9, v10  }
0x81: {  	vm1 =	vgt.f32 v9, $5.000000070e-02  }
0x82: {  	v10 =	vsel vm1, $0x3F800000, v0  }
0x83: {  	(xrf0) =	vmax.scan.msk.f32 $0xffff, v10;
	_ =	sdelay $0x5  }
0x84: {  	v10, _, _ =	vpop (xrf0)  }
0x85: {  	(v2sf) =	vpush v10, $0xF;
	_ =	sdelay $0x1  }
0x86: {  	[tilespmem:$0x1DA00] =	vst v0  }
0x87: {  	[tilespmem:$0x1DA10] =	vst v0  }
0x88: {  	[tilespmem:$0x1DA20] =	vst v0  }
0x89: {  	[tilespmem:$0x1DA30] =	vst v0  }
0x8a: {  	[tilespmem:$0x1DA80] =	vst v0  }
0x8b: {  	[tilespmem:$0x1DA90] =	vst v0  }
0x8c: {  	[tilespmem:$0x1DAA0] =	vst v0  }
0x8d: {  	[tilespmem:$0x1DAB0] =	vst v0  }
0x8e: {  	[tilespmem:$0x1DB00] =	vst v0  }
0x8f: {  	[tilespmem:$0x1DB10] =	vst v0  }
0x90: {  	[tilespmem:$0x1DB20] =	vst v0  }
0x91: {  	[tilespmem:$0x1DB30] =	vst v0  }
0x92: {  	[tilespmem:$0x1DB80] =	vst v0  }
0x93: {  	[tilespmem:$0x1DB90] =	vst v0;
	s19 =	spop (v2sf)  }
0x94: {  	[tilespmem:$0x1DBA0] =	vst v0;
	p1 =	sgt.f32 s19, $0.0e+00  }
.Ltmp2:
0x95: {  	[tilespmem:$0x1DBB0] =	vst v0;
	(pc) =	sbr.rel @!p1 .LBB2_3-.Ltmp2, $4  }
0x96: {  	[tilespmem:$0x1DC00] =	vst v0  }
0x97: {  	[tilespmem:$0x1DC10] =	vst v0  }
0x98: {  	[tilespmem:$0x1DC20] =	vst v0  }
0x99: {  	s3 =	simm.s32 $0x0;
	[tilespmem:$0x1DC30] =	vst v0  }
.LBB2_2:
0x9a: {  	v10 =	vld [tilespmem:$0x9F00];
	_ =	sdelay $0x4  }
0x9b: {  	vm1 =	veq.f32 v10, v9  }
0x9c: {  	v12 =	vmctz.xlane vm1;
	_ =	sdelay $0x1  }
0x9d: {  	(v2sf) =	vpush v12, $0x0;
	_ =	sdelay $0xe  }
0x9e: {  	s4 =	spop (v2sf)  }
0x9f: {  	s4 =	sshll.u32 s4, $0x4  }
0xa0: {  	v11 =	vld [tilespmem:s4+$0x9D00];
	_ =	sdelay $0x4  }
0xa1: {  	vm1 =	veq.f32 v11, v9  }
0xa2: {  	v13 =	vmctz.xlane vm1;
	_ =	sdelay $0x1  }
0xa3: {  	(v2sf) =	vpush v13, $0x0;
	_ =	sdelay $0xe  }
0xa4: {  	s5 =	spop (v2sf)  }
0xa5: {  	s5 =	sadd.s32 s4, s5  }
0xa6: {  	s5 =	sshll.u32 s5, $0x7  }
0xa7: {  	p1 =	slt.s32 s5, $0x4E10;
	s6 =	smov.u32 s5;
	s7 =	sor.u32 $0x10, s5  }
0xa8: {  	s8 =	sor.u32 $0x20, s5;
	s6 =	simm.s32 @!p1 $0x4E10;
	p1 =	slt.s32 s7, $0x4E10  }
0xa9: {  	s9 =	sor.u32 $0x30, s5;
	v14 =	vld [tilespmem:s6+$0x0];
	s7 =	simm.s32 @!p1 $0x4E10;
	p1 =	slt.s32 s8, $0x4E10  }
0xaa: {  	v15 =	vld [tilespmem:s7+$0x0];
	s8 =	simm.s32 @!p1 $0x4E10;
	p1 =	slt.s32 s9, $0x4E10  }
0xab: {  	s10 =	sor.u32 $0x40, s5;
	s9 =	simm.s32 @!p1 $0x4E10  }
0xac: {  	s11 =	sor.u32 $0x50, s5;
	p1 =	slt.s32 s10, $0x4E10;
	v19 =	vld [tilespmem:s9+$0x0]  }
0xad: {  	v16 =	vld [tilespmem:s8+$0x0];
	s10 =	simm.s32 @!p1 $0x4E10;
	p1 =	slt.s32 s11, $0x4E10  }
0xae: {  	v22 =	vld [tilespmem:s10+$0x0];
	s11 =	simm.s32 @!p1 $0x4E10;
	vm1 =	veq.f32 v14, v9  }
0xaf: {  	s12 =	sor.u32 $0x60, s5;
	v56 =	vld [tilespmem:s11+$0x0];
	v17 =	vmctz.xlane vm1;
	vm1 =	veq.f32 v15, v9  }
0xb0: {  	p1 =	slt.s32 s12, $0x4E10;
	v18 =	vmctz.xlane vm1  }
0xb1: {  	s12 =	simm.s32 @!p1 $0x4E10;
	vm2 =	vlt.s32 v17, $0x1000;
	vm1 =	veq.s32 v17, $0x10;
	vm3 =	veq.f32 v19, v9  }
0xb2: {  	v23 =	vld [tilespmem:s12+$0x0];
	v17 =	vnsel vm2, $0x1000, v17;
	v20 =	vadd.s32 $0x10, v18;
	v55 =	vmctz.xlane vm3  }
0xb3: {  	vm3 =	veq.f32 v22, v9;
	v17 =	vsel vm1, $0x1000, v17;
	vm1 =	veq.f32 v16, v9  }
0xb4: {  	v58 =	vmctz.xlane vm3;
	vm3 =	veq.f32 v56, v9;
	v21 =	vmctz.xlane vm1  }
0xb5: {  	s13 =	sor.u32 $0x70, s5;
	vm2 =	vlt.s32 v17, v20;
	vm1 =	veq.s32 v18, $0x10;
	v60 =	vmctz.xlane vm3  }
0xb6: {  	p1 =	slt.s32 s13, $0x4E10;
	v52 =	vsel vm2, v17, v20;
	vm2 =	veq.s32 v21, $0x10;
	v53 =	vadd.s32 $0x20, v21  }
0xb7: {  	s13 =	simm.s32 @!p1 $0x4E10;
	vm3 =	veq.f32 v23, v9;
	v17 =	vsel vm1, v17, v52;
	v54 =	vsel vm2, $0x1000, v53  }
0xb8: {  	v24 =	vld [tilespmem:s13+$0x0];
	v20 =	vadd.s32 $0x30, v55;
	vm2 =	veq.s32 v55, $0x10;
	vm1 =	vlt.s32 v17, v54  }
0xb9: {  	v62 =	vmctz.xlane vm3;
	v57 =	vsel vm2, $0x1000, v20;
	v17 =	vsel vm1, v17, v54  }
0xba: {  	vm2 =	veq.s32 v58, $0x10;
	v20 =	vadd.s32 $0x40, v58;
	vm1 =	vlt.s32 v17, v57  }
0xbb: {  	vm3 =	veq.s32 v62, $0x10;
	v59 =	vsel vm2, $0x1000, v20;
	v17 =	vsel vm1, v17, v57  }
0xbc: {  	vm2 =	veq.s32 v60, $0x10;
	v20 =	vadd.s32 $0x50, v60;
	vm1 =	vlt.s32 v17, v59  }
0xbd: {  	v61 =	vsel vm2, $0x1000, v20;
	vm2 =	veq.f32 v24, v9;
	v17 =	vsel vm1, v17, v59  }
0xbe: {  	v20 =	vadd.s32 $0x60, v62;
	v25 =	vmctz.xlane vm2;
	vm1 =	vlt.s32 v17, v61  }
0xbf: {  	v63 =	vsel vm3, $0x1000, v20;
	v17 =	vsel vm1, v17, v61  }
0xc0: {  	vm2 =	veq.s32 v25, $0x10;
	v26 =	vadd.s32 $0x70, v25;
	vm1 =	vlt.s32 v17, v63  }
0xc1: {  	v27 =	vsel vm2, $0x1000, v26;
	v17 =	vsel vm1, v17, v63  }
0xc2: {  	vm1 =	vlt.s32 v17, v27  }
0xc3: {  	v17 =	vsel vm1, v17, v27  }
0xc4: {  	(v2sf) =	vpush v17, $0x0;
	_ =	sdelay $0xe  }
0xc5: {  	s14 =	spop (v2sf)  }
0xc6: {  	s15 =	sshra.s32 s14, $0x1F  }
0xc7: {  	s15 =	sshrl.u32 s15, $0x1C  }
0xc8: {  	s15 =	sadd.s32 s15, s14  }
0xc9: {  	s16 =	sand.u32 $0xFFFFFFF0, s15  }
0xca: {  	s17 =	sadd.s32 s5, s16  }
0xcb: {  	s15 =	sand.u32 $0x70, s15;
	s19 =	sand.u32 $0xFFFFFF80, s17  }
0xcc: {  	s15 =	sor.u32 s15, s19  }
0xcd: {  	v28 =	vld [tilespmem:s15+$0x0];
	_ =	sdelay $0x1  }
0xce: {  	s16 =	ssub.s32 s14, s16  }
0xcf: {  	v29 =	vmov s16  }
0xd0: {  	vm1 =	veq.s32 v29, v5  }
0xd1: {  	p4 =	seq.s32 s6, s17;
	p2 =	seq.s32 s7, s17;
	v17 =	vsel vm1, $0xCE6E6B28, v28  }
0xd2: {  	p5 =	seq.s32 s8, s17;
	v14 =	vpsel p4, v17, v14;
	v15 =	vpsel p2, v17, v15  }
0xd3: {  	p6 =	seq.s32 s9, s17;
	v30 =	vpsel p5, v17, v16;
	v14 =	vmax.f32 v14, v15  }
0xd4: {  	v31 =	vpsel p6, v17, v19;
	p2 =	seq.s32 s10, s17;
	v14 =	vmax.f32 v14, v30  }
0xd5: {  	p3 =	seq.s32 s11, s17;
	v32 =	vpsel p2, v17, v22;
	v14 =	vmax.f32 v14, v31  }
0xd6: {  	v33 =	vpsel p3, v17, v56;
	p4 =	seq.s32 s12, s17;
	v14 =	vmax.f32 v14, v32  }
0xd7: {  	p5 =	seq.s32 s13, s17;
	v34 =	vpsel p4, v17, v23;
	v14 =	vmax.f32 v14, v33  }
0xd8: {  	v35 =	vpsel p5, v17, v24;
	v14 =	vmax.f32 v14, v34  }
0xd9: {  	v14 =	vmax.f32 v14, v35  }
0xda: {  	v13 =	vbroadcast v13, $0x0;
	v36 =	vperm.xlane v14, v6;
	_ =	sdelay $0x1  }
0xdb: {  	vm2 =	veq.s32 v13, v5;
	v13 =	vmax.f32 v14, v36  }
0xdc: {  	v14 =	vperm.xlane v13, v7;
	_ =	sdelay $0x1  }
0xdd: {  	v13 =	vmax.f32 v13, v14  }
0xde: {  	v14 =	vperm.xlane v13, v8;
	_ =	sdelay $0x1  }
0xdf: {  	v13 =	vmax.f32 v13, v14  }
0xe0: {  	v14 =	vperm.xlane v13, v4;
	_ =	sdelay $0x1  }
0xe1: {  	v13 =	vmax.f32 v13, v14  }
0xe2: {  	vm1 =	vgt.f32 v13, $5.000000070e-02  }
0xe3: {  	v13 =	vnsel vm1, $0xCE6E6B28, v13  }
0xe4: {  	v37 =	vsel vm2, $0xCE6E6B28, v11;
	[tilespmem:s15+$0x0] =	vst v17;
	v11 =	vsel vm2, v13, v11  }
0xe5: {  	v38 =	vperm.xlane v37, v6;
	[tilespmem:s4+$0x9D00] =	vst v11  }
0xe6: {  	v41 =	vld [tilespmem:$0x1DA00]  }
0xe7: {  	v15 =	vmax.f32 v37, v38;
	v17 =	vld [tilespmem:$0x1DA80]  }
0xe8: {  	v16 =	vperm.xlane v15, v7;
	v42 =	vld [tilespmem:$0x1DB00]  }
0xe9: {  	v43 =	vld [tilespmem:$0x1DB80]  }
0xea: {  	v15 =	vmax.f32 v15, v16;
	v44 =	vld [tilespmem:$0x1DA10]  }
0xeb: {  	v16 =	vperm.xlane v15, v8;
	v45 =	vld [tilespmem:$0x1DA90]  }
0xec: {  	v47 =	vld [tilespmem:$0x1DB10]  }
0xed: {  	v15 =	vmax.f32 v15, v16;
	v27 =	vld [tilespmem:$0x1DB90]  }
0xee: {  	s5 =	sadd.s32 s5, s14;
	v16 =	vperm.xlane v15, v4;
	v50 =	vld [tilespmem:$0x1DA20]  }
0xef: {  	v12 =	vbroadcast v12, $0x0;
	v39 =	vmov s5;
	v29 =	vld [tilespmem:$0x1DAA0]  }
0xf0: {  	v40 =	vmax.f32 v15, v16;
	v30 =	vld [tilespmem:$0x1DB20]  }
0xf1: {  	vm1 =	veq.s32 v12, v5;
	v15 =	vmax.f32 v13, v40;
	v52 =	vld [tilespmem:$0x1DBA0]  }
0xf2: {  	v11 =	vsel vm1, v15, v10;
	v57 =	vld [tilespmem:$0x1DA30]  }
0xf3: {  	[tilespmem:$0x9F00] =	vst v11;
	v62 =	vld [tilespmem:$0x1DB30]  }
0xf4: {  	v14 =	vld.idx.msk [tilespmem:v39+s22+$0x0], $0xffff  }
0xf5: {  	v13 =	vld.idx.msk [tilespmem:v39+s23+$0x0], $0xffff  }
0xf6: {  	v12 =	vld.idx.msk [tilespmem:v39+s24+$0x0], $0xffff  }
0xf7: {  	v11 =	vld.idx.msk [tilespmem:v39+s25+$0x0], $0xffff  }
0xf8: {  	v16 =	vsub.f32 v42, v41;
	v20 =	vsub.f32 v47, v44  }
0xf9: {  	v21 =	vsub.f32 v27, v45;
	v37 =	vsub.f32 v30, v50  }
0xfa: {  	v18 =	vsub.f32 v52, v29;
	v23 =	vsub.f32 v62, v57  }
0xfb: {  	v60 =	vld [tilespmem:$0x1DAB0];
	v46 =	vmax.f32 v41, v14;
	v48 =	vmax.f32 v17, v13;
	v49 =	vmin.f32 v42, v12  }
0xfc: {  	v26 =	vmin.f32 v43, v11;
	v51 =	vsub.f32 v12, v14;
	v28 =	vsub.f32 v11, v13  }
0xfd: {  	v63 =	vld [tilespmem:$0x1DBB0];
	v17 =	vsub.f32 v43, v17;
	v53 =	vmax.f32 v44, v14;
	v54 =	vmin.f32 v47, v12  }
0xfe: {  	v55 =	vmax.f32 v45, v13;
	v31 =	vmin.f32 v27, v11;
	v58 =	vmax.f32 v50, v14  }
0xff: {  	v59 =	vmin.f32 v30, v12;
	v61 =	vmax.f32 v29, v13;
	v32 =	vmin.f32 v52, v11  }
0x100: {  	v38 =	vmax.f32 v57, v14;
	v39 =	vmax.f32 v60, v13;
	v22 =	vsub.f32 v49, v46  }
0x101: {  	v27 =	vmin.f32 v62, v12;
	v24 =	vsub.f32 v26, v48;
	v19 =	vsub.f32 v54, v53  }
0x102: {  	v40 =	vmin.f32 v63, v11;
	v56 =	vsub.f32 v31, v55;
	v31 =	vsub.f32 v32, v61  }
0x103: {  	v34 =	vmul.f32 v21, v20;
	v18 =	vmul.f32 v18, v37;
	v41 =	vsub.f32 v27, v38  }
0x104: {  	v42 =	vsub.f32 v40, v39;
	v26 =	vmul.f32 v28, v51;
	v16 =	vmul.f32 v17, v16  }
0x105: {  	v28 =	vsub.f32 v63, v60;
	v22 =	vmax.f32 v22, $0.0e+00;
	v24 =	vmax.f32 v24, $0.0e+00  }
0x106: {  	v19 =	vmax.f32 v19, $0.0e+00;
	v17 =	vmax.f32 v56, $0.0e+00;
	v36 =	vmax.f32 v31, $0.0e+00  }
0x107: {  	v21 =	vmax.f32 v41, $0.0e+00;
	v22 =	vmul.f32 v24, v22;
	v24 =	vsub.f32 v59, v58  }
0x108: {  	v17 =	vmul.f32 v17, v19;
	v16 =	vadd.f32 v16, v26;
	v23 =	vmul.f32 v28, v23  }
0x109: {  	v19 =	vadd.f32 v34, v26;
	v18 =	vadd.f32 v18, v26;
	v35 =	vmax.f32 v24, $0.0e+00  }
0x10a: {  	v16 =	vsub.f32 v16, v22;
	v24 =	vmax.f32 v42, $0.0e+00;
	v20 =	vmul.f32 v36, v35  }
0x10b: {  	v19 =	vsub.f32 v19, v17;
	v23 =	vadd.f32 v23, v26;
	v21 =	vmul.f32 v24, v21  }
0x10c: {  	v16 =	vadd.f32 $9.999999930e-09, v16;
	v18 =	vsub.f32 v18, v20  }
0x10d: {  	v19 =	vadd.f32 $9.999999930e-09, v19;
	v23 =	vsub.f32 v23, v21  }
0x10e: {  	(erf) = vrcp.f32 v16;
	v43 =	vadd.f32 $9.999999930e-09, v18  }
0x10f: {  	(erf) = vrcp.f32 v19;
	v44 =	vadd.f32 $9.999999930e-09, v23  }
0x110: {  	(erf) = vrcp.f32 v43  }
0x111: {  	(erf) = vrcp.f32 v44;
	_ =	sdelay $0x4  }
0x112: {  	v10 =	vsel vm1, $0xCE6E6B28, v10  }
0x113: {  	v47 =	vperm.xlane v10, v6;
	v45 =	vpop (erf)  }
0x114: {  	v46 =	vpop (erf);
	v16 =	vmul.f32 v45, v22  }
0x115: {  	v10 =	vmax.f32 v10, v47;
	v17 =	vmul.f32 v46, v17;
	v48 =	vpop (erf)  }
0x116: {  	v51 =	vperm.xlane v10, v7;
	v16 =	vmax.f32 v16, $0.0e+00;
	v49 =	vmul.f32 v48, v20;
	v50 =	vpop (erf)  }
0x117: {  	v16 =	vmax.f32 v16, v17;
	v52 =	vmul.f32 v50, v21  }
0x118: {  	v10 =	vmax.f32 v10, v51;
	v16 =	vmax.f32 v16, v49  }
0x119: {  	v53 =	vperm.xlane v10, v8;
	v16 =	vmax.f32 v16, v52  }
0x11a: {  	vm1 =	vgt.f32 v16, $5.000000000e-01  }
0x11b: {  	v10 =	vmax.f32 v10, v53;
	v16 =	vsel vm1, $0x3F800000, v0  }
0x11c: {  	v54 =	vperm.xlane v10, v4;
	(xrf0) =	vmax.scan.msk.f32 $0xffff, v16;
	_ =	sdelay $0x1  }
0x11d: {  	v10 =	vmax.f32 v10, v54  }
0x11e: {  	v10 =	vmax.f32 v15, v10  }
0x11f: {  	vm1 =	vgt.f32 v10, $5.000000070e-02  }
0x120: {  	v56 =	vsel vm1, $0x3F800000, v0  }
0x121: {  	v55, _, _ =	vpop (xrf0);
	(xrf0) =	vmax.scan.msk.f32 $0xffff, v56  }
0x122: {  	(v2sf) =	vpush v55, $0xF;
	_ =	sdelay $0x4  }
0x123: {  	v57, _, _ =	vpop (xrf0)  }
0x124: {  	(v2sf) =	vpush v57, $0xF;
	_ =	sdelay $0x8  }
0x125: {  	s16 =	spop (v2sf)  }
0x126: {  	p6 =	sgt.f32 s16, $0.0e+00  }
0x127: {  	s17 =	sand.u32 $0x30, s3  }
0x128: {  	s4 =	simm.s32 $0x1;
	v61 =	vld [tilespmem:s17+$0x1DB00];
	p1 =	por !p6, !p6  }
0x129: {  	v58 =	vld [tilespmem:s17+$0x1DA00];
	s4 =	simm.s32 @!p1 $0x0  }
0x12a: {  	s19 =	sand.u32 $0xF, s3;
	v59 =	vld [tilespmem:s17+$0x1DA80];
	vm1 =	vmmov vm0;
	s3 =	sadd.s32 s4, s3  }
0x12b: {  	v60 =	vmov s19;
	v63 =	vld [tilespmem:s17+$0x1DC00];
	vm1 =	vmneg @p1 vm1;
	p1 =	sgt.u32 s3, $0x3F;
	s4 =	spop (v2sf)  }
0x12c: {  	v62 =	vld [tilespmem:s17+$0x1DB80];
	vm2 =	veq.s32 v60, v5;
	p2 =	sgt.f32 @!p1 s4, $0.0e+00  }
0x12d: {  	vm1 =	vmand vm2, vm1  }
0x12e: {  	v14 =	vsel vm1, v14, v58;
	p1 =	por p1, !p2  }
.Ltmp3:
0x12f: {  	v13 =	vsel vm1, v13, v59;
	[tilespmem:s17+$0x1DA00] =	vst v14;
	(pc) =	sbr.rel @!p1 .LBB2_2-.Ltmp3, $4  }
0x130: {  	v12 =	vsel vm1, v12, v61;
	v9 =	vsel vm1, v9, v63;
	[tilespmem:s17+$0x1DA80] =	vst v13  }
0x131: {  	v11 =	vsel vm1, v11, v62;
	[tilespmem:s17+$0x1DB00] =	vst v12  }
0x132: {  	[tilespmem:s17+$0x1DB80] =	vst v11  }
0x133: {  	[tilespmem:s17+$0x1DC00] =	vst v9;
	v9 =	vmov v10  }
.LBB2_3:
0x134: {  	v9 =	vld [tilespmem:$0x1DC00]  }
0x135: {  	v10 =	vld [tilespmem:$0x1DC10]  }
0x136: {  	v11 =	vld [tilespmem:$0x1DC20]  }
0x137: {  	v12 =	vld [tilespmem:$0x1DC30]  }
0x138: {  	v13 =	vld [tilespmem:$0x1DA00]  }
0x139: {  	v58 =	vld [tilespmem:$0x1DA80];
	[tilespmem:$0x1DC80] =	vst v9  }
0x13a: {  	v59 =	vld [tilespmem:$0x1DA90];
	[tilespmem:$0x1DC90] =	vst v10  }
0x13b: {  	v9 =	vld [tilespmem:$0x1DA10];
	[tilespmem:$0x1DCA0] =	vst v11  }
0x13c: {  	v10 =	vld [tilespmem:$0x1DA20];
	[tilespmem:$0x1DCB0] =	vst v12  }
0x13d: {  	v11 =	vld [tilespmem:$0x1DA30];
	[tilespmem:$0x1DCC0] =	vst v13  }
0x13e: {  	v60 =	vld [tilespmem:$0x1DB10];
	[tilespmem:$0x1DD00] =	vst v58  }
0x13f: {  	v61 =	vld [tilespmem:$0x1DB20];
	[tilespmem:$0x1DD10] =	vst v59  }
0x140: {  	[tilespmem:$0x1DCD0] =	vst v9;
	v9 =	vld [tilespmem:$0x1DAA0]  }
0x141: {  	[tilespmem:$0x1DCE0] =	vst v10;
	v10 =	vld [tilespmem:$0x1DAB0]  }
0x142: {  	[tilespmem:$0x1DCF0] =	vst v11;
	v11 =	vld [tilespmem:$0x1DB00]  }
0x143: {  	v62 =	vld [tilespmem:$0x1DBA0];
	[tilespmem:$0x1DD50] =	vst v60  }
0x144: {  	v63 =	vld [tilespmem:$0x1DBB0];
	[tilespmem:$0x1DD60] =	vst v61  }
0x145: {  	[tilespmem:$0x1DD20] =	vst v9;
	v9 =	vld [tilespmem:$0x1DB30]  }
0x146: {  	[tilespmem:$0x1DD30] =	vst v10;
	v10 =	vld [tilespmem:$0x1DB80]  }
0x147: {  	[tilespmem:$0x1DD40] =	vst v11;
	v11 =	vld [tilespmem:$0x1DB90]  }
0x148: {  	[tilespmem:$0x1DDA0] =	vst v62  }
0x149: {  	[tilespmem:$0x1DDB0] =	vst v63  }
0x14a: {  	[tilespmem:$0x1DD70] =	vst v9  }
0x14b: {  	[tilespmem:$0x1DD80] =	vst v10  }
0x14c: {  	s3 =	rddreg [dreg:$0xe];
	s4 =	simm.s32 $0x1DC80;
	[tilespmem:$0x1DD90] =	vst v11  }
0x14d: {  	[hbm4b:s3+s20] =	stream.strided.scatter [tilespmem:s4], [sflag:$0x4], $0x180, s26, s20, $0x38;
	[tilespmem:$0x1E100] =	vst v63  }
0x14e: {  	s15 =	rddreg [dreg:$0xf];
	s3 =	simm.s32 $0x0  }
0x14f: {  	[tilespmem:s3], [sflag:$0x2] =	stream.strided.gather [hbm4b:s15+s20], $0x4E80, s26, s20, $0x38;
	[tilespmem:$0x1E100] =	vst v63  }
0x150: {  	s16 =	rddreg [dreg:$0x10]  }
0x151: {  	[tilespmem:s28], [sflag:$0x2] =	stream.strided.gather [hbm4b:s16+s20], $0x100, s26, s20, $0x38;
	[tilespmem:$0x1E100] =	vst v63  }
0x152: {  	s17 =	rddreg [dreg:$0x11]  }
0x153: {  	[tilespmem:s29], [sflag:$0x2] =	stream.linear.gather [hbm4b:s17+s3], $0x80, $0x38;
	[tilespmem:$0x1E100] =	vst v63  }
0x154: {  	_ =	swait.ge [sflag:s0], $0x4E80  }
0x155: {  	[sflag:s0] =	ssyncset.done $0x0  }
0x156: {  	[sflag:s0] =	ssyncadd.s32 $0xFFFFB180  }
0x157: {  	_ =	swait.ge [sflag:s0], $0x100  }
0x158: {  	[sflag:s0] =	ssyncset.done $0x0  }
0x159: {  	[sflag:s0] =	ssyncadd.s32 $0xFFFFFF00  }
0x15a: {  	_ =	swait.ge [sflag:s0], $0x80  }
0x15b: {  	[sflag:s0] =	ssyncset.done $0x0  }
0x15c: {  	[sflag:s0] =	ssyncadd.s32 $0xFFFFFF80  }
0x15d: {  	v9 =	vld [tilespmem:$0x9F80];
	_ =	sdelay $0x4  }
0x15e: {  	v10 =	vperm.xlane v9, v1;
	_ =	sdelay $0x1  }
0x15f: {  	v9 =	vmax.f32 v9, v10  }
0x160: {  	v10 =	vperm.xlane v9, v2;
	_ =	sdelay $0x1  }
0x161: {  	v9 =	vmax.f32 v9, v10  }
0x162: {  	v10 =	vperm.xlane v9, v3;
	_ =	sdelay $0x1  }
0x163: {  	v9 =	vmax.f32 v9, v10  }
0x164: {  	v10 =	vperm.xlane v9, v4;
	_ =	sdelay $0x1  }
0x165: {  	v9 =	vmax.f32 v9, v10  }
0x166: {  	vm1 =	vgt.f32 v9, $5.000000070e-02  }
0x167: {  	v10 =	vsel vm1, $0x3F800000, v0  }
0x168: {  	(xrf0) =	vmax.scan.msk.f32 $0xffff, v10;
	_ =	sdelay $0x5  }
0x169: {  	v10, _, _ =	vpop (xrf0)  }
0x16a: {  	(v2sf) =	vpush v10, $0xF;
	_ =	sdelay $0x1  }
0x16b: {  	[tilespmem:$0x1DA00] =	vst v0  }
0x16c: {  	[tilespmem:$0x1DA10] =	vst v0  }
0x16d: {  	[tilespmem:$0x1DA20] =	vst v0  }
0x16e: {  	[tilespmem:$0x1DA30] =	vst v0  }
0x16f: {  	[tilespmem:$0x1DA80] =	vst v0  }
0x170: {  	[tilespmem:$0x1DA90] =	vst v0  }
0x171: {  	[tilespmem:$0x1DAA0] =	vst v0  }
0x172: {  	[tilespmem:$0x1DAB0] =	vst v0  }
0x173: {  	[tilespmem:$0x1DB00] =	vst v0  }
0x174: {  	[tilespmem:$0x1DB10] =	vst v0  }
0x175: {  	[tilespmem:$0x1DB20] =	vst v0  }
0x176: {  	[tilespmem:$0x1DB30] =	vst v0  }
0x177: {  	[tilespmem:$0x1DB80] =	vst v0  }
0x178: {  	[tilespmem:$0x1DB90] =	vst v0;
	s19 =	spop (v2sf)  }
0x179: {  	[tilespmem:$0x1DBA0] =	vst v0;
	p1 =	sgt.f32 s19, $0.0e+00  }
.Ltmp4:
0x17a: {  	[tilespmem:$0x1DBB0] =	vst v0;
	(pc) =	sbr.rel @!p1 .LBB2_5-.Ltmp4, $4  }
0x17b: {  	[tilespmem:$0x1DC00] =	vst v0  }
0x17c: {  	[tilespmem:$0x1DC10] =	vst v0  }
0x17d: {  	[tilespmem:$0x1DC20] =	vst v0  }
0x17e: {  	[tilespmem:$0x1DC30] =	vst v0  }
.LBB2_4:
0x17f: {  	v10 =	vld [tilespmem:$0x9F80];
	_ =	sdelay $0x4  }
0x180: {  	vm1 =	veq.f32 v10, v9  }
0x181: {  	v12 =	vmctz.xlane vm1;
	_ =	sdelay $0x1  }
0x182: {  	(v2sf) =	vpush v12, $0x0;
	_ =	sdelay $0xe  }
0x183: {  	s4 =	spop (v2sf)  }
0x184: {  	s4 =	sshll.u32 s4, $0x4  }
0x185: {  	v11 =	vld [tilespmem:s4+$0x9E00];
	_ =	sdelay $0x4  }
0x186: {  	vm1 =	veq.f32 v11, v9  }
0x187: {  	v13 =	vmctz.xlane vm1;
	_ =	sdelay $0x1  }
0x188: {  	(v2sf) =	vpush v13, $0x0;
	_ =	sdelay $0xe  }
0x189: {  	s5 =	spop (v2sf)  }
0x18a: {  	s5 =	sadd.s32 s4, s5  }
0x18b: {  	s5 =	sshll.u32 s5, $0x7  }
0x18c: {  	p1 =	slt.s32 s5, $0x4E10;
	s6 =	smov.u32 s5;
	s7 =	sor.u32 $0x10, s5  }
0x18d: {  	s8 =	sor.u32 $0x20, s5;
	s6 =	simm.s32 @!p1 $0x4E10;
	p1 =	slt.s32 s7, $0x4E10  }
0x18e: {  	s9 =	sor.u32 $0x30, s5;
	v14 =	vld [tilespmem:s6+$0x4E80];
	s7 =	simm.s32 @!p1 $0x4E10;
	p1 =	slt.s32 s8, $0x4E10  }
0x18f: {  	v15 =	vld [tilespmem:s7+$0x4E80];
	s8 =	simm.s32 @!p1 $0x4E10;
	p1 =	slt.s32 s9, $0x4E10  }
0x190: {  	s10 =	sor.u32 $0x40, s5;
	s9 =	simm.s32 @!p1 $0x4E10  }
0x191: {  	s11 =	sor.u32 $0x50, s5;
	p1 =	slt.s32 s10, $0x4E10;
	v19 =	vld [tilespmem:s9+$0x4E80]  }
0x192: {  	v16 =	vld [tilespmem:s8+$0x4E80];
	s10 =	simm.s32 @!p1 $0x4E10;
	p1 =	slt.s32 s11, $0x4E10  }
0x193: {  	v22 =	vld [tilespmem:s10+$0x4E80];
	s11 =	simm.s32 @!p1 $0x4E10;
	vm1 =	veq.f32 v14, v9  }
0x194: {  	s12 =	sor.u32 $0x60, s5;
	v56 =	vld [tilespmem:s11+$0x4E80];
	v17 =	vmctz.xlane vm1;
	vm1 =	veq.f32 v15, v9  }
0x195: {  	p1 =	slt.s32 s12, $0x4E10;
	v18 =	vmctz.xlane vm1  }
0x196: {  	s12 =	simm.s32 @!p1 $0x4E10;
	vm2 =	vlt.s32 v17, $0x1000;
	vm1 =	veq.s32 v17, $0x10;
	vm3 =	veq.f32 v19, v9  }
0x197: {  	v23 =	vld [tilespmem:s12+$0x4E80];
	v17 =	vnsel vm2, $0x1000, v17;
	v20 =	vadd.s32 $0x10, v18;
	v55 =	vmctz.xlane vm3  }
0x198: {  	vm3 =	veq.f32 v22, v9;
	v17 =	vsel vm1, $0x1000, v17;
	vm1 =	veq.f32 v16, v9  }
0x199: {  	v58 =	vmctz.xlane vm3;
	vm3 =	veq.f32 v56, v9;
	v21 =	vmctz.xlane vm1  }
0x19a: {  	s13 =	sor.u32 $0x70, s5;
	vm2 =	vlt.s32 v17, v20;
	vm1 =	veq.s32 v18, $0x10;
	v60 =	vmctz.xlane vm3  }
0x19b: {  	p1 =	slt.s32 s13, $0x4E10;
	v52 =	vsel vm2, v17, v20;
	vm2 =	veq.s32 v21, $0x10;
	v53 =	vadd.s32 $0x20, v21  }
0x19c: {  	s13 =	simm.s32 @!p1 $0x4E10;
	vm3 =	veq.f32 v23, v9;
	v17 =	vsel vm1, v17, v52;
	v54 =	vsel vm2, $0x1000, v53  }
0x19d: {  	v24 =	vld [tilespmem:s13+$0x4E80];
	v20 =	vadd.s32 $0x30, v55;
	vm2 =	veq.s32 v55, $0x10;
	vm1 =	vlt.s32 v17, v54  }
0x19e: {  	v62 =	vmctz.xlane vm3;
	v57 =	vsel vm2, $0x1000, v20;
	v17 =	vsel vm1, v17, v54  }
0x19f: {  	vm2 =	veq.s32 v58, $0x10;
	v20 =	vadd.s32 $0x40, v58;
	vm1 =	vlt.s32 v17, v57  }
0x1a0: {  	vm3 =	veq.s32 v62, $0x10;
	v59 =	vsel vm2, $0x1000, v20;
	v17 =	vsel vm1, v17, v57  }
0x1a1: {  	vm2 =	veq.s32 v60, $0x10;
	v20 =	vadd.s32 $0x50, v60;
	vm1 =	vlt.s32 v17, v59  }
0x1a2: {  	v61 =	vsel vm2, $0x1000, v20;
	vm2 =	veq.f32 v24, v9;
	v17 =	vsel vm1, v17, v59  }
0x1a3: {  	v20 =	vadd.s32 $0x60, v62;
	v25 =	vmctz.xlane vm2;
	vm1 =	vlt.s32 v17, v61  }
0x1a4: {  	v63 =	vsel vm3, $0x1000, v20;
	v17 =	vsel vm1, v17, v61  }
0x1a5: {  	vm2 =	veq.s32 v25, $0x10;
	v26 =	vadd.s32 $0x70, v25;
	vm1 =	vlt.s32 v17, v63  }
0x1a6: {  	v27 =	vsel vm2, $0x1000, v26;
	v17 =	vsel vm1, v17, v63  }
0x1a7: {  	vm1 =	vlt.s32 v17, v27  }
0x1a8: {  	v17 =	vsel vm1, v17, v27  }
0x1a9: {  	(v2sf) =	vpush v17, $0x0;
	_ =	sdelay $0xe  }
0x1aa: {  	s14 =	spop (v2sf)  }
0x1ab: {  	s15 =	sshra.s32 s14, $0x1F  }
0x1ac: {  	s15 =	sshrl.u32 s15, $0x1C  }
0x1ad: {  	s15 =	sadd.s32 s15, s14  }
0x1ae: {  	s16 =	sand.u32 $0xFFFFFFF0, s15  }
0x1af: {  	s17 =	sadd.s32 s5, s16  }
0x1b0: {  	s15 =	sand.u32 $0x70, s15;
	s19 =	sand.u32 $0xFFFFFF80, s17  }
0x1b1: {  	s15 =	sor.u32 s15, s19  }
0x1b2: {  	v28 =	vld [tilespmem:s15+$0x4E80];
	_ =	sdelay $0x1  }
0x1b3: {  	s16 =	ssub.s32 s14, s16  }
0x1b4: {  	v29 =	vmov s16  }
0x1b5: {  	vm1 =	veq.s32 v29, v5  }
0x1b6: {  	p4 =	seq.s32 s6, s17;
	p2 =	seq.s32 s7, s17;
	v17 =	vsel vm1, $0xCE6E6B28, v28  }
0x1b7: {  	p5 =	seq.s32 s8, s17;
	v14 =	vpsel p4, v17, v14;
	v15 =	vpsel p2, v17, v15  }
0x1b8: {  	p6 =	seq.s32 s9, s17;
	v30 =	vpsel p5, v17, v16;
	v14 =	vmax.f32 v14, v15  }
0x1b9: {  	v31 =	vpsel p6, v17, v19;
	p2 =	seq.s32 s10, s17;
	v14 =	vmax.f32 v14, v30  }
0x1ba: {  	p3 =	seq.s32 s11, s17;
	v32 =	vpsel p2, v17, v22;
	v14 =	vmax.f32 v14, v31  }
0x1bb: {  	v33 =	vpsel p3, v17, v56;
	p4 =	seq.s32 s12, s17;
	v14 =	vmax.f32 v14, v32  }
0x1bc: {  	p5 =	seq.s32 s13, s17;
	v34 =	vpsel p4, v17, v23;
	v14 =	vmax.f32 v14, v33  }
0x1bd: {  	v35 =	vpsel p5, v17, v24;
	v14 =	vmax.f32 v14, v34  }
0x1be: {  	v14 =	vmax.f32 v14, v35  }
0x1bf: {  	v13 =	vbroadcast v13, $0x0;
	v36 =	vperm.xlane v14, v6;
	_ =	sdelay $0x1  }
0x1c0: {  	vm2 =	veq.s32 v13, v5;
	v13 =	vmax.f32 v14, v36  }
0x1c1: {  	v14 =	vperm.xlane v13, v7;
	_ =	sdelay $0x1  }
0x1c2: {  	v13 =	vmax.f32 v13, v14  }
0x1c3: {  	v14 =	vperm.xlane v13, v8;
	_ =	sdelay $0x1  }
0x1c4: {  	v13 =	vmax.f32 v13, v14  }
0x1c5: {  	v14 =	vperm.xlane v13, v4;
	_ =	sdelay $0x1  }
0x1c6: {  	v13 =	vmax.f32 v13, v14  }
0x1c7: {  	vm1 =	vgt.f32 v13, $5.000000070e-02  }
0x1c8: {  	v13 =	vnsel vm1, $0xCE6E6B28, v13  }
0x1c9: {  	v37 =	vsel vm2, $0xCE6E6B28, v11;
	[tilespmem:s15+$0x4E80] =	vst v17;
	v11 =	vsel vm2, v13, v11  }
0x1ca: {  	v38 =	vperm.xlane v37, v6;
	[tilespmem:s4+$0x9E00] =	vst v11  }
0x1cb: {  	v41 =	vld [tilespmem:$0x1DA00]  }
0x1cc: {  	v15 =	vmax.f32 v37, v38;
	v17 =	vld [tilespmem:$0x1DA80]  }
0x1cd: {  	v16 =	vperm.xlane v15, v7;
	v42 =	vld [tilespmem:$0x1DB00]  }
0x1ce: {  	v43 =	vld [tilespmem:$0x1DB80]  }
0x1cf: {  	v15 =	vmax.f32 v15, v16;
	v44 =	vld [tilespmem:$0x1DA10]  }
0x1d0: {  	v16 =	vperm.xlane v15, v8;
	v45 =	vld [tilespmem:$0x1DA90]  }
0x1d1: {  	v47 =	vld [tilespmem:$0x1DB10]  }
0x1d2: {  	v15 =	vmax.f32 v15, v16;
	v27 =	vld [tilespmem:$0x1DB90]  }
0x1d3: {  	s5 =	sadd.s32 s5, s14;
	v16 =	vperm.xlane v15, v4;
	v50 =	vld [tilespmem:$0x1DA20]  }
0x1d4: {  	v12 =	vbroadcast v12, $0x0;
	v39 =	vmov s5;
	v29 =	vld [tilespmem:$0x1DAA0]  }
0x1d5: {  	v40 =	vmax.f32 v15, v16;
	v30 =	vld [tilespmem:$0x1DB20]  }
0x1d6: {  	vm1 =	veq.s32 v12, v5;
	v15 =	vmax.f32 v13, v40;
	v52 =	vld [tilespmem:$0x1DBA0]  }
0x1d7: {  	v11 =	vsel vm1, v15, v10;
	v57 =	vld [tilespmem:$0x1DA30]  }
0x1d8: {  	[tilespmem:$0x9F80] =	vst v11;
	v62 =	vld [tilespmem:$0x1DB30]  }
0x1d9: {  	v14 =	vld.idx.msk [tilespmem:v39+s22+$0x0], $0xffff  }
0x1da: {  	v13 =	vld.idx.msk [tilespmem:v39+s23+$0x0], $0xffff  }
0x1db: {  	v12 =	vld.idx.msk [tilespmem:v39+s24+$0x0], $0xffff  }
0x1dc: {  	v11 =	vld.idx.msk [tilespmem:v39+s25+$0x0], $0xffff  }
0x1dd: {  	v16 =	vsub.f32 v42, v41;
	v20 =	vsub.f32 v47, v44  }
0x1de: {  	v21 =	vsub.f32 v27, v45;
	v37 =	vsub.f32 v30, v50  }
0x1df: {  	v18 =	vsub.f32 v52, v29;
	v23 =	vsub.f32 v62, v57  }
0x1e0: {  	v60 =	vld [tilespmem:$0x1DAB0];
	v46 =	vmax.f32 v41, v14;
	v48 =	vmax.f32 v17, v13;
	v49 =	vmin.f32 v42, v12  }
0x1e1: {  	v26 =	vmin.f32 v43, v11;
	v51 =	vsub.f32 v12, v14;
	v28 =	vsub.f32 v11, v13  }
0x1e2: {  	v63 =	vld [tilespmem:$0x1DBB0];
	v17 =	vsub.f32 v43, v17;
	v53 =	vmax.f32 v44, v14;
	v54 =	vmin.f32 v47, v12  }
0x1e3: {  	v55 =	vmax.f32 v45, v13;
	v31 =	vmin.f32 v27, v11;
	v58 =	vmax.f32 v50, v14  }
0x1e4: {  	v59 =	vmin.f32 v30, v12;
	v61 =	vmax.f32 v29, v13;
	v32 =	vmin.f32 v52, v11  }
0x1e5: {  	v38 =	vmax.f32 v57, v14;
	v39 =	vmax.f32 v60, v13;
	v22 =	vsub.f32 v49, v46  }
0x1e6: {  	v27 =	vmin.f32 v62, v12;
	v24 =	vsub.f32 v26, v48;
	v19 =	vsub.f32 v54, v53  }
0x1e7: {  	v40 =	vmin.f32 v63, v11;
	v56 =	vsub.f32 v31, v55;
	v31 =	vsub.f32 v32, v61  }
0x1e8: {  	v34 =	vmul.f32 v21, v20;
	v18 =	vmul.f32 v18, v37;
	v41 =	vsub.f32 v27, v38  }
0x1e9: {  	v42 =	vsub.f32 v40, v39;
	v26 =	vmul.f32 v28, v51;
	v16 =	vmul.f32 v17, v16  }
0x1ea: {  	v28 =	vsub.f32 v63, v60;
	v22 =	vmax.f32 v22, $0.0e+00;
	v24 =	vmax.f32 v24, $0.0e+00  }
0x1eb: {  	v19 =	vmax.f32 v19, $0.0e+00;
	v17 =	vmax.f32 v56, $0.0e+00;
	v36 =	vmax.f32 v31, $0.0e+00  }
0x1ec: {  	v21 =	vmax.f32 v41, $0.0e+00;
	v22 =	vmul.f32 v24, v22;
	v24 =	vsub.f32 v59, v58  }
0x1ed: {  	v17 =	vmul.f32 v17, v19;
	v16 =	vadd.f32 v16, v26;
	v23 =	vmul.f32 v28, v23  }
0x1ee: {  	v19 =	vadd.f32 v34, v26;
	v18 =	vadd.f32 v18, v26;
	v35 =	vmax.f32 v24, $0.0e+00  }
0x1ef: {  	v16 =	vsub.f32 v16, v22;
	v24 =	vmax.f32 v42, $0.0e+00;
	v20 =	vmul.f32 v36, v35  }
0x1f0: {  	v19 =	vsub.f32 v19, v17;
	v23 =	vadd.f32 v23, v26;
	v21 =	vmul.f32 v24, v21  }
0x1f1: {  	v16 =	vadd.f32 $9.999999930e-09, v16;
	v18 =	vsub.f32 v18, v20  }
0x1f2: {  	v19 =	vadd.f32 $9.999999930e-09, v19;
	v23 =	vsub.f32 v23, v21  }
0x1f3: {  	(erf) = vrcp.f32 v16;
	v43 =	vadd.f32 $9.999999930e-09, v18  }
0x1f4: {  	(erf) = vrcp.f32 v19;
	v44 =	vadd.f32 $9.999999930e-09, v23  }
0x1f5: {  	(erf) = vrcp.f32 v43  }
0x1f6: {  	(erf) = vrcp.f32 v44;
	_ =	sdelay $0x4  }
0x1f7: {  	v10 =	vsel vm1, $0xCE6E6B28, v10  }
0x1f8: {  	v47 =	vperm.xlane v10, v6;
	v45 =	vpop (erf)  }
0x1f9: {  	v46 =	vpop (erf);
	v16 =	vmul.f32 v45, v22  }
0x1fa: {  	v10 =	vmax.f32 v10, v47;
	v17 =	vmul.f32 v46, v17;
	v48 =	vpop (erf)  }
0x1fb: {  	v51 =	vperm.xlane v10, v7;
	v16 =	vmax.f32 v16, $0.0e+00;
	v49 =	vmul.f32 v48, v20;
	v50 =	vpop (erf)  }
0x1fc: {  	v16 =	vmax.f32 v16, v17;
	v52 =	vmul.f32 v50, v21  }
0x1fd: {  	v10 =	vmax.f32 v10, v51;
	v16 =	vmax.f32 v16, v49  }
0x1fe: {  	v53 =	vperm.xlane v10, v8;
	v16 =	vmax.f32 v16, v52  }
0x1ff: {  	vm1 =	vgt.f32 v16, $5.000000000e-01  }
0x200: {  	v10 =	vmax.f32 v10, v53;
	v16 =	vsel vm1, $0x3F800000, v0  }
0x201: {  	v54 =	vperm.xlane v10, v4;
	(xrf0) =	vmax.scan.msk.f32 $0xffff, v16;
	_ =	sdelay $0x1  }
0x202: {  	v10 =	vmax.f32 v10, v54  }
0x203: {  	v10 =	vmax.f32 v15, v10  }
0x204: {  	vm1 =	vgt.f32 v10, $5.000000070e-02  }
0x205: {  	v56 =	vsel vm1, $0x3F800000, v0  }
0x206: {  	v55, _, _ =	vpop (xrf0);
	(xrf0) =	vmax.scan.msk.f32 $0xffff, v56  }
0x207: {  	(v2sf) =	vpush v55, $0xF;
	_ =	sdelay $0x4  }
0x208: {  	v57, _, _ =	vpop (xrf0)  }
0x209: {  	(v2sf) =	vpush v57, $0xF;
	_ =	sdelay $0x8  }
0x20a: {  	s16 =	spop (v2sf)  }
0x20b: {  	p6 =	sgt.f32 s16, $0.0e+00  }
0x20c: {  	s17 =	sand.u32 $0x30, s3  }
0x20d: {  	s4 =	simm.s32 $0x1;
	v61 =	vld [tilespmem:s17+$0x1DB00];
	p1 =	por !p6, !p6  }
0x20e: {  	v58 =	vld [tilespmem:s17+$0x1DA00];
	s4 =	simm.s32 @!p1 $0x0  }
0x20f: {  	s19 =	sand.u32 $0xF, s3;
	v59 =	vld [tilespmem:s17+$0x1DA80];
	vm1 =	vmmov vm0;
	s3 =	sadd.s32 s4, s3  }
0x210: {  	v60 =	vmov s19;
	v63 =	vld [tilespmem:s17+$0x1DC00];
	vm1 =	vmneg @p1 vm1;
	p1 =	sgt.u32 s3, $0x3F;
	s4 =	spop (v2sf)  }
0x211: {  	v62 =	vld [tilespmem:s17+$0x1DB80];
	vm2 =	veq.s32 v60, v5;
	p2 =	sgt.f32 @!p1 s4, $0.0e+00  }
0x212: {  	vm1 =	vmand vm2, vm1  }
0x213: {  	v14 =	vsel vm1, v14, v58;
	p1 =	por p1, !p2  }
.Ltmp5:
0x214: {  	v13 =	vsel vm1, v13, v59;
	[tilespmem:s17+$0x1DA00] =	vst v14;
	(pc) =	sbr.rel @!p1 .LBB2_4-.Ltmp5, $4  }
0x215: {  	v12 =	vsel vm1, v12, v61;
	v9 =	vsel vm1, v9, v63;
	[tilespmem:s17+$0x1DA80] =	vst v13  }
0x216: {  	v11 =	vsel vm1, v11, v62;
	[tilespmem:s17+$0x1DB00] =	vst v12  }
0x217: {  	[tilespmem:s17+$0x1DB80] =	vst v11  }
0x218: {  	[tilespmem:s17+$0x1DC00] =	vst v9;
	v9 =	vmov v10  }
.LBB2_5:
0x219: {  	v9 =	vld [tilespmem:$0x1DC00]  }
0x21a: {  	v10 =	vld [tilespmem:$0x1DC10]  }
0x21b: {  	v11 =	vld [tilespmem:$0x1DC20]  }
0x21c: {  	v12 =	vld [tilespmem:$0x1DC30]  }
0x21d: {  	v13 =	vld [tilespmem:$0x1DA00]  }
0x21e: {  	v58 =	vld [tilespmem:$0x1DA80];
	[tilespmem:$0x1DE00] =	vst v9  }
0x21f: {  	v59 =	vld [tilespmem:$0x1DA90];
	[tilespmem:$0x1DE10] =	vst v10  }
0x220: {  	v9 =	vld [tilespmem:$0x1DA10];
	[tilespmem:$0x1DE20] =	vst v11  }
0x221: {  	v10 =	vld [tilespmem:$0x1DA20];
	[tilespmem:$0x1DE30] =	vst v12  }
0x222: {  	v11 =	vld [tilespmem:$0x1DA30];
	[tilespmem:$0x1DE40] =	vst v13  }
0x223: {  	v60 =	vld [tilespmem:$0x1DB10];
	[tilespmem:$0x1DE80] =	vst v58  }
0x224: {  	v61 =	vld [tilespmem:$0x1DB20];
	[tilespmem:$0x1DE90] =	vst v59  }
0x225: {  	[tilespmem:$0x1DE50] =	vst v9;
	v9 =	vld [tilespmem:$0x1DAA0]  }
0x226: {  	[tilespmem:$0x1DE60] =	vst v10;
	v10 =	vld [tilespmem:$0x1DAB0]  }
0x227: {  	[tilespmem:$0x1DE70] =	vst v11;
	v11 =	vld [tilespmem:$0x1DB00]  }
0x228: {  	v62 =	vld [tilespmem:$0x1DBA0];
	[tilespmem:$0x1DED0] =	vst v60  }
0x229: {  	v63 =	vld [tilespmem:$0x1DBB0];
	[tilespmem:$0x1DEE0] =	vst v61  }
0x22a: {  	[tilespmem:$0x1DEA0] =	vst v9;
	v9 =	vld [tilespmem:$0x1DB30]  }
0x22b: {  	[tilespmem:$0x1DEB0] =	vst v10;
	v10 =	vld [tilespmem:$0x1DB80]  }
0x22c: {  	[tilespmem:$0x1DEC0] =	vst v11;
	v11 =	vld [tilespmem:$0x1DB90]  }
0x22d: {  	[tilespmem:$0x1DF20] =	vst v62  }
0x22e: {  	[tilespmem:$0x1DF30] =	vst v63  }
0x22f: {  	[tilespmem:$0x1DEF0] =	vst v9  }
0x230: {  	[tilespmem:$0x1DF00] =	vst v10  }
0x231: {  	s3 =	rddreg [dreg:$0x12];
	s4 =	simm.s32 $0x1DE00;
	[tilespmem:$0x1DF10] =	vst v11  }
0x232: {  	[hbm4b:s3+s20] =	stream.strided.scatter [tilespmem:s4], [sflag:$0x4], $0x180, s26, s20, $0x38;
	[tilespmem:$0x1E100] =	vst v63  }
0x233: {  	_ =	swait.ge [sflag:s30], $0x4E80  }
0x234: {  	[sflag:s30] =	ssyncset.done $0x0  }
0x235: {  	[sflag:s30] =	ssyncadd.s32 $0xFFFFB180  }
0x236: {  	_ =	swait.ge [sflag:s30], $0x100  }
.Ltmp6:
0x237: {  	[sflag:s30] =	ssyncset.done $0x0;
	(pc) =	sbr.rel @p0 .LBB2_9-.Ltmp6, $4  }
0x238: {  	[sflag:s30] =	ssyncadd.s32 $0xFFFFFF00  }
0x239: {  	_ =	swait.ge [sflag:s30], $0x80  }
0x23a: {  	[sflag:s30] =	ssyncset.done $0x0  }
0x23b: {  	[sflag:s30] =	ssyncadd.s32 $0xFFFFFF80  }
0x23c: {  	v9 =	vld [tilespmem:$0x9F00];
	_ =	sdelay $0x4  }
0x23d: {  	v10 =	vperm.xlane v9, v1;
	_ =	sdelay $0x1  }
0x23e: {  	v9 =	vmax.f32 v9, v10  }
0x23f: {  	v10 =	vperm.xlane v9, v2;
	_ =	sdelay $0x1  }
0x240: {  	v9 =	vmax.f32 v9, v10  }
0x241: {  	v10 =	vperm.xlane v9, v3;
	_ =	sdelay $0x1  }
0x242: {  	v9 =	vmax.f32 v9, v10  }
0x243: {  	v10 =	vperm.xlane v9, v4;
	_ =	sdelay $0x1  }
0x244: {  	v9 =	vmax.f32 v9, v10  }
0x245: {  	vm1 =	vgt.f32 v9, $5.000000070e-02  }
0x246: {  	v10 =	vsel vm1, $0x3F800000, v0  }
0x247: {  	(xrf0) =	vmax.scan.msk.f32 $0xffff, v10;
	_ =	sdelay $0x5  }
0x248: {  	v10, _, _ =	vpop (xrf0)  }
0x249: {  	(v2sf) =	vpush v10, $0xF;
	_ =	sdelay $0x1  }
0x24a: {  	[tilespmem:$0x1DA00] =	vst v0  }
0x24b: {  	[tilespmem:$0x1DA10] =	vst v0  }
0x24c: {  	[tilespmem:$0x1DA20] =	vst v0  }
0x24d: {  	[tilespmem:$0x1DA30] =	vst v0  }
0x24e: {  	[tilespmem:$0x1DA80] =	vst v0  }
0x24f: {  	[tilespmem:$0x1DA90] =	vst v0  }
0x250: {  	[tilespmem:$0x1DAA0] =	vst v0  }
0x251: {  	[tilespmem:$0x1DAB0] =	vst v0  }
0x252: {  	[tilespmem:$0x1DB00] =	vst v0  }
0x253: {  	[tilespmem:$0x1DB10] =	vst v0  }
0x254: {  	[tilespmem:$0x1DB20] =	vst v0  }
0x255: {  	[tilespmem:$0x1DB30] =	vst v0  }
0x256: {  	[tilespmem:$0x1DB80] =	vst v0  }
0x257: {  	[tilespmem:$0x1DB90] =	vst v0;
	s3 =	spop (v2sf)  }
0x258: {  	[tilespmem:$0x1DBA0] =	vst v0;
	p1 =	sgt.f32 s3, $0.0e+00  }
.Ltmp7:
0x259: {  	[tilespmem:$0x1DBB0] =	vst v0;
	(pc) =	sbr.rel @!p1 .LBB2_8-.Ltmp7, $4  }
0x25a: {  	[tilespmem:$0x1DC00] =	vst v0  }
0x25b: {  	[tilespmem:$0x1DC10] =	vst v0  }
0x25c: {  	[tilespmem:$0x1DC20] =	vst v0  }
0x25d: {  	[tilespmem:$0x1DC30] =	vst v0;
	s3 =	simm.s32 $0x0  }
.LBB2_7:
0x25e: {  	v10 =	vld [tilespmem:$0x9F00];
	_ =	sdelay $0x4  }
0x25f: {  	vm1 =	veq.f32 v10, v9  }
0x260: {  	v12 =	vmctz.xlane vm1;
	_ =	sdelay $0x1  }
0x261: {  	(v2sf) =	vpush v12, $0x0;
	_ =	sdelay $0xe  }
0x262: {  	s4 =	spop (v2sf)  }
0x263: {  	s4 =	sshll.u32 s4, $0x4  }
0x264: {  	v11 =	vld [tilespmem:s4+$0x9D00];
	_ =	sdelay $0x4  }
0x265: {  	vm1 =	veq.f32 v11, v9  }
0x266: {  	v13 =	vmctz.xlane vm1;
	_ =	sdelay $0x1  }
0x267: {  	(v2sf) =	vpush v13, $0x0;
	_ =	sdelay $0xe  }
0x268: {  	s5 =	spop (v2sf)  }
0x269: {  	s5 =	sadd.s32 s4, s5  }
0x26a: {  	s5 =	sshll.u32 s5, $0x7  }
0x26b: {  	p1 =	slt.s32 s5, $0x4E10;
	s6 =	smov.u32 s5;
	s7 =	sor.u32 $0x10, s5  }
0x26c: {  	s8 =	sor.u32 $0x20, s5;
	s6 =	simm.s32 @!p1 $0x4E10;
	p1 =	slt.s32 s7, $0x4E10  }
0x26d: {  	s9 =	sor.u32 $0x30, s5;
	v14 =	vld [tilespmem:s6+$0x0];
	s7 =	simm.s32 @!p1 $0x4E10;
	p1 =	slt.s32 s8, $0x4E10  }
0x26e: {  	v15 =	vld [tilespmem:s7+$0x0];
	s8 =	simm.s32 @!p1 $0x4E10;
	p1 =	slt.s32 s9, $0x4E10  }
0x26f: {  	s10 =	sor.u32 $0x40, s5;
	s9 =	simm.s32 @!p1 $0x4E10  }
0x270: {  	s11 =	sor.u32 $0x50, s5;
	p1 =	slt.s32 s10, $0x4E10;
	v19 =	vld [tilespmem:s9+$0x0]  }
0x271: {  	v16 =	vld [tilespmem:s8+$0x0];
	s10 =	simm.s32 @!p1 $0x4E10;
	p1 =	slt.s32 s11, $0x4E10  }
0x272: {  	v22 =	vld [tilespmem:s10+$0x0];
	s11 =	simm.s32 @!p1 $0x4E10;
	vm1 =	veq.f32 v14, v9  }
0x273: {  	s12 =	sor.u32 $0x60, s5;
	v56 =	vld [tilespmem:s11+$0x0];
	v17 =	vmctz.xlane vm1;
	vm1 =	veq.f32 v15, v9  }
0x274: {  	p1 =	slt.s32 s12, $0x4E10;
	v18 =	vmctz.xlane vm1  }
0x275: {  	s12 =	simm.s32 @!p1 $0x4E10;
	vm2 =	vlt.s32 v17, $0x1000;
	vm1 =	veq.s32 v17, $0x10;
	vm3 =	veq.f32 v19, v9  }
0x276: {  	v23 =	vld [tilespmem:s12+$0x0];
	v17 =	vnsel vm2, $0x1000, v17;
	v20 =	vadd.s32 $0x10, v18;
	v55 =	vmctz.xlane vm3  }
0x277: {  	vm3 =	veq.f32 v22, v9;
	v17 =	vsel vm1, $0x1000, v17;
	vm1 =	veq.f32 v16, v9  }
0x278: {  	v58 =	vmctz.xlane vm3;
	vm3 =	veq.f32 v56, v9;
	v21 =	vmctz.xlane vm1  }
0x279: {  	s13 =	sor.u32 $0x70, s5;
	vm2 =	vlt.s32 v17, v20;
	vm1 =	veq.s32 v18, $0x10;
	v60 =	vmctz.xlane vm3  }
0x27a: {  	p1 =	slt.s32 s13, $0x4E10;
	v52 =	vsel vm2, v17, v20;
	vm2 =	veq.s32 v21, $0x10;
	v53 =	vadd.s32 $0x20, v21  }
0x27b: {  	s13 =	simm.s32 @!p1 $0x4E10;
	vm3 =	veq.f32 v23, v9;
	v17 =	vsel vm1, v17, v52;
	v54 =	vsel vm2, $0x1000, v53  }
0x27c: {  	v24 =	vld [tilespmem:s13+$0x0];
	v20 =	vadd.s32 $0x30, v55;
	vm2 =	veq.s32 v55, $0x10;
	vm1 =	vlt.s32 v17, v54  }
0x27d: {  	v62 =	vmctz.xlane vm3;
	v57 =	vsel vm2, $0x1000, v20;
	v17 =	vsel vm1, v17, v54  }
0x27e: {  	vm2 =	veq.s32 v58, $0x10;
	v20 =	vadd.s32 $0x40, v58;
	vm1 =	vlt.s32 v17, v57  }
0x27f: {  	vm3 =	veq.s32 v62, $0x10;
	v59 =	vsel vm2, $0x1000, v20;
	v17 =	vsel vm1, v17, v57  }
0x280: {  	vm2 =	veq.s32 v60, $0x10;
	v20 =	vadd.s32 $0x50, v60;
	vm1 =	vlt.s32 v17, v59  }
0x281: {  	v61 =	vsel vm2, $0x1000, v20;
	vm2 =	veq.f32 v24, v9;
	v17 =	vsel vm1, v17, v59  }
0x282: {  	v20 =	vadd.s32 $0x60, v62;
	v25 =	vmctz.xlane vm2;
	vm1 =	vlt.s32 v17, v61  }
0x283: {  	v63 =	vsel vm3, $0x1000, v20;
	v17 =	vsel vm1, v17, v61  }
0x284: {  	vm2 =	veq.s32 v25, $0x10;
	v26 =	vadd.s32 $0x70, v25;
	vm1 =	vlt.s32 v17, v63  }
0x285: {  	v27 =	vsel vm2, $0x1000, v26;
	v17 =	vsel vm1, v17, v63  }
0x286: {  	vm1 =	vlt.s32 v17, v27  }
0x287: {  	v17 =	vsel vm1, v17, v27  }
0x288: {  	(v2sf) =	vpush v17, $0x0;
	_ =	sdelay $0xe  }
0x289: {  	s14 =	spop (v2sf)  }
0x28a: {  	s15 =	sshra.s32 s14, $0x1F  }
0x28b: {  	s15 =	sshrl.u32 s15, $0x1C  }
0x28c: {  	s15 =	sadd.s32 s15, s14  }
0x28d: {  	s16 =	sand.u32 $0xFFFFFFF0, s15  }
0x28e: {  	s17 =	sadd.s32 s5, s16  }
0x28f: {  	s15 =	sand.u32 $0x70, s15;
	s19 =	sand.u32 $0xFFFFFF80, s17  }
0x290: {  	s15 =	sor.u32 s15, s19  }
0x291: {  	v28 =	vld [tilespmem:s15+$0x0];
	_ =	sdelay $0x1  }
0x292: {  	s16 =	ssub.s32 s14, s16  }
0x293: {  	v29 =	vmov s16  }
0x294: {  	vm1 =	veq.s32 v29, v5  }
0x295: {  	p4 =	seq.s32 s6, s17;
	p2 =	seq.s32 s7, s17;
	v17 =	vsel vm1, $0xCE6E6B28, v28  }
0x296: {  	p5 =	seq.s32 s8, s17;
	v14 =	vpsel p4, v17, v14;
	v15 =	vpsel p2, v17, v15  }
0x297: {  	p6 =	seq.s32 s9, s17;
	v30 =	vpsel p5, v17, v16;
	v14 =	vmax.f32 v14, v15  }
0x298: {  	v31 =	vpsel p6, v17, v19;
	p2 =	seq.s32 s10, s17;
	v14 =	vmax.f32 v14, v30  }
0x299: {  	p3 =	seq.s32 s11, s17;
	v32 =	vpsel p2, v17, v22;
	v14 =	vmax.f32 v14, v31  }
0x29a: {  	v33 =	vpsel p3, v17, v56;
	p4 =	seq.s32 s12, s17;
	v14 =	vmax.f32 v14, v32  }
0x29b: {  	p5 =	seq.s32 s13, s17;
	v34 =	vpsel p4, v17, v23;
	v14 =	vmax.f32 v14, v33  }
0x29c: {  	v35 =	vpsel p5, v17, v24;
	v14 =	vmax.f32 v14, v34  }
0x29d: {  	v14 =	vmax.f32 v14, v35  }
0x29e: {  	v13 =	vbroadcast v13, $0x0;
	v36 =	vperm.xlane v14, v6;
	_ =	sdelay $0x1  }
0x29f: {  	vm2 =	veq.s32 v13, v5;
	v13 =	vmax.f32 v14, v36  }
0x2a0: {  	v14 =	vperm.xlane v13, v7;
	_ =	sdelay $0x1  }
0x2a1: {  	v13 =	vmax.f32 v13, v14  }
0x2a2: {  	v14 =	vperm.xlane v13, v8;
	_ =	sdelay $0x1  }
0x2a3: {  	v13 =	vmax.f32 v13, v14  }
0x2a4: {  	v14 =	vperm.xlane v13, v4;
	_ =	sdelay $0x1  }
0x2a5: {  	v13 =	vmax.f32 v13, v14  }
0x2a6: {  	vm1 =	vgt.f32 v13, $5.000000070e-02  }
0x2a7: {  	v13 =	vnsel vm1, $0xCE6E6B28, v13  }
0x2a8: {  	v37 =	vsel vm2, $0xCE6E6B28, v11;
	[tilespmem:s15+$0x0] =	vst v17;
	v11 =	vsel vm2, v13, v11  }
0x2a9: {  	v38 =	vperm.xlane v37, v6;
	[tilespmem:s4+$0x9D00] =	vst v11  }
0x2aa: {  	v41 =	vld [tilespmem:$0x1DA00]  }
0x2ab: {  	v15 =	vmax.f32 v37, v38;
	v17 =	vld [tilespmem:$0x1DA80]  }
0x2ac: {  	v16 =	vperm.xlane v15, v7;
	v42 =	vld [tilespmem:$0x1DB00]  }
0x2ad: {  	v43 =	vld [tilespmem:$0x1DB80]  }
0x2ae: {  	v15 =	vmax.f32 v15, v16;
	v44 =	vld [tilespmem:$0x1DA10]  }
0x2af: {  	v16 =	vperm.xlane v15, v8;
	v45 =	vld [tilespmem:$0x1DA90]  }
0x2b0: {  	v47 =	vld [tilespmem:$0x1DB10]  }
0x2b1: {  	v15 =	vmax.f32 v15, v16;
	v27 =	vld [tilespmem:$0x1DB90]  }
0x2b2: {  	s5 =	sadd.s32 s5, s14;
	v16 =	vperm.xlane v15, v4;
	v50 =	vld [tilespmem:$0x1DA20]  }
0x2b3: {  	v12 =	vbroadcast v12, $0x0;
	v39 =	vmov s5;
	v29 =	vld [tilespmem:$0x1DAA0]  }
0x2b4: {  	v40 =	vmax.f32 v15, v16;
	v30 =	vld [tilespmem:$0x1DB20]  }
0x2b5: {  	vm1 =	veq.s32 v12, v5;
	v15 =	vmax.f32 v13, v40;
	v52 =	vld [tilespmem:$0x1DBA0]  }
0x2b6: {  	v11 =	vsel vm1, v15, v10;
	v57 =	vld [tilespmem:$0x1DA30]  }
0x2b7: {  	[tilespmem:$0x9F00] =	vst v11;
	v62 =	vld [tilespmem:$0x1DB30]  }
0x2b8: {  	v14 =	vld.idx.msk [tilespmem:v39+s22+$0x0], $0xffff  }
0x2b9: {  	v13 =	vld.idx.msk [tilespmem:v39+s23+$0x0], $0xffff  }
0x2ba: {  	v12 =	vld.idx.msk [tilespmem:v39+s24+$0x0], $0xffff  }
0x2bb: {  	v11 =	vld.idx.msk [tilespmem:v39+s25+$0x0], $0xffff  }
0x2bc: {  	v16 =	vsub.f32 v42, v41;
	v20 =	vsub.f32 v47, v44  }
0x2bd: {  	v21 =	vsub.f32 v27, v45;
	v37 =	vsub.f32 v30, v50  }
0x2be: {  	v18 =	vsub.f32 v52, v29;
	v23 =	vsub.f32 v62, v57  }
0x2bf: {  	v60 =	vld [tilespmem:$0x1DAB0];
	v46 =	vmax.f32 v41, v14;
	v48 =	vmax.f32 v17, v13;
	v49 =	vmin.f32 v42, v12  }
0x2c0: {  	v26 =	vmin.f32 v43, v11;
	v51 =	vsub.f32 v12, v14;
	v28 =	vsub.f32 v11, v13  }
0x2c1: {  	v63 =	vld [tilespmem:$0x1DBB0];
	v17 =	vsub.f32 v43, v17;
	v53 =	vmax.f32 v44, v14;
	v54 =	vmin.f32 v47, v12  }
0x2c2: {  	v55 =	vmax.f32 v45, v13;
	v31 =	vmin.f32 v27, v11;
	v58 =	vmax.f32 v50, v14  }
0x2c3: {  	v59 =	vmin.f32 v30, v12;
	v61 =	vmax.f32 v29, v13;
	v32 =	vmin.f32 v52, v11  }
0x2c4: {  	v38 =	vmax.f32 v57, v14;
	v39 =	vmax.f32 v60, v13;
	v22 =	vsub.f32 v49, v46  }
0x2c5: {  	v27 =	vmin.f32 v62, v12;
	v24 =	vsub.f32 v26, v48;
	v19 =	vsub.f32 v54, v53  }
0x2c6: {  	v40 =	vmin.f32 v63, v11;
	v56 =	vsub.f32 v31, v55;
	v31 =	vsub.f32 v32, v61  }
0x2c7: {  	v34 =	vmul.f32 v21, v20;
	v18 =	vmul.f32 v18, v37;
	v41 =	vsub.f32 v27, v38  }
0x2c8: {  	v42 =	vsub.f32 v40, v39;
	v26 =	vmul.f32 v28, v51;
	v16 =	vmul.f32 v17, v16  }
0x2c9: {  	v28 =	vsub.f32 v63, v60;
	v22 =	vmax.f32 v22, $0.0e+00;
	v24 =	vmax.f32 v24, $0.0e+00  }
0x2ca: {  	v19 =	vmax.f32 v19, $0.0e+00;
	v17 =	vmax.f32 v56, $0.0e+00;
	v36 =	vmax.f32 v31, $0.0e+00  }
0x2cb: {  	v21 =	vmax.f32 v41, $0.0e+00;
	v22 =	vmul.f32 v24, v22;
	v24 =	vsub.f32 v59, v58  }
0x2cc: {  	v17 =	vmul.f32 v17, v19;
	v16 =	vadd.f32 v16, v26;
	v23 =	vmul.f32 v28, v23  }
0x2cd: {  	v19 =	vadd.f32 v34, v26;
	v18 =	vadd.f32 v18, v26;
	v35 =	vmax.f32 v24, $0.0e+00  }
0x2ce: {  	v16 =	vsub.f32 v16, v22;
	v24 =	vmax.f32 v42, $0.0e+00;
	v20 =	vmul.f32 v36, v35  }
0x2cf: {  	v19 =	vsub.f32 v19, v17;
	v23 =	vadd.f32 v23, v26;
	v21 =	vmul.f32 v24, v21  }
0x2d0: {  	v16 =	vadd.f32 $9.999999930e-09, v16;
	v18 =	vsub.f32 v18, v20  }
0x2d1: {  	v19 =	vadd.f32 $9.999999930e-09, v19;
	v23 =	vsub.f32 v23, v21  }
0x2d2: {  	(erf) = vrcp.f32 v16;
	v43 =	vadd.f32 $9.999999930e-09, v18  }
0x2d3: {  	(erf) = vrcp.f32 v19;
	v44 =	vadd.f32 $9.999999930e-09, v23  }
0x2d4: {  	(erf) = vrcp.f32 v43  }
0x2d5: {  	(erf) = vrcp.f32 v44;
	_ =	sdelay $0x4  }
0x2d6: {  	v10 =	vsel vm1, $0xCE6E6B28, v10  }
0x2d7: {  	v47 =	vperm.xlane v10, v6;
	v45 =	vpop (erf)  }
0x2d8: {  	v46 =	vpop (erf);
	v16 =	vmul.f32 v45, v22  }
0x2d9: {  	v10 =	vmax.f32 v10, v47;
	v17 =	vmul.f32 v46, v17;
	v48 =	vpop (erf)  }
0x2da: {  	v51 =	vperm.xlane v10, v7;
	v16 =	vmax.f32 v16, $0.0e+00;
	v49 =	vmul.f32 v48, v20;
	v50 =	vpop (erf)  }
0x2db: {  	v16 =	vmax.f32 v16, v17;
	v52 =	vmul.f32 v50, v21  }
0x2dc: {  	v10 =	vmax.f32 v10, v51;
	v16 =	vmax.f32 v16, v49  }
0x2dd: {  	v53 =	vperm.xlane v10, v8;
	v16 =	vmax.f32 v16, v52  }
0x2de: {  	vm1 =	vgt.f32 v16, $5.000000000e-01  }
0x2df: {  	v10 =	vmax.f32 v10, v53;
	v16 =	vsel vm1, $0x3F800000, v0  }
0x2e0: {  	v54 =	vperm.xlane v10, v4;
	(xrf0) =	vmax.scan.msk.f32 $0xffff, v16;
	_ =	sdelay $0x1  }
0x2e1: {  	v10 =	vmax.f32 v10, v54  }
0x2e2: {  	v10 =	vmax.f32 v15, v10  }
0x2e3: {  	vm1 =	vgt.f32 v10, $5.000000070e-02  }
0x2e4: {  	v56 =	vsel vm1, $0x3F800000, v0  }
0x2e5: {  	v55, _, _ =	vpop (xrf0);
	(xrf0) =	vmax.scan.msk.f32 $0xffff, v56  }
0x2e6: {  	(v2sf) =	vpush v55, $0xF;
	_ =	sdelay $0x4  }
0x2e7: {  	v57, _, _ =	vpop (xrf0)  }
0x2e8: {  	(v2sf) =	vpush v57, $0xF;
	_ =	sdelay $0x8  }
0x2e9: {  	s16 =	spop (v2sf)  }
0x2ea: {  	p6 =	sgt.f32 s16, $0.0e+00  }
0x2eb: {  	s17 =	sand.u32 $0x30, s3  }
0x2ec: {  	s4 =	simm.s32 $0x1;
	v61 =	vld [tilespmem:s17+$0x1DB00];
	p1 =	por !p6, !p6  }
0x2ed: {  	v58 =	vld [tilespmem:s17+$0x1DA00];
	s4 =	simm.s32 @!p1 $0x0  }
0x2ee: {  	s19 =	sand.u32 $0xF, s3;
	v59 =	vld [tilespmem:s17+$0x1DA80];
	vm1 =	vmmov vm0;
	s3 =	sadd.s32 s4, s3  }
0x2ef: {  	v60 =	vmov s19;
	v63 =	vld [tilespmem:s17+$0x1DC00];
	vm1 =	vmneg @p1 vm1;
	p1 =	sgt.u32 s3, $0x3F;
	s4 =	spop (v2sf)  }
0x2f0: {  	v62 =	vld [tilespmem:s17+$0x1DB80];
	vm2 =	veq.s32 v60, v5;
	p2 =	sgt.f32 @!p1 s4, $0.0e+00  }
0x2f1: {  	vm1 =	vmand vm2, vm1  }
0x2f2: {  	v14 =	vsel vm1, v14, v58;
	p1 =	por p1, !p2  }
.Ltmp8:
0x2f3: {  	v13 =	vsel vm1, v13, v59;
	[tilespmem:s17+$0x1DA00] =	vst v14;
	(pc) =	sbr.rel @!p1 .LBB2_7-.Ltmp8, $4  }
0x2f4: {  	v12 =	vsel vm1, v12, v61;
	v9 =	vsel vm1, v9, v63;
	[tilespmem:s17+$0x1DA80] =	vst v13  }
0x2f5: {  	v11 =	vsel vm1, v11, v62;
	[tilespmem:s17+$0x1DB00] =	vst v12  }
0x2f6: {  	[tilespmem:s17+$0x1DB80] =	vst v11  }
0x2f7: {  	[tilespmem:s17+$0x1DC00] =	vst v9;
	v9 =	vmov v10  }
.Ltmp9:
0x2f8: {  	_ = 	snop;
	(pc) =	sbr.rel .LBB2_8-.Ltmp9, $1  }
0x2f9: {  	_ =	sdelay $0x3  }
.LBB2_10:
0x2fa: {  	_ =	sfence.sel $0x180000  }
0x2fb: {  	[bflag:$0x0] =	sbarrier.arrive $0xFFFF  }
0x2fc: {  	_ =	strace $0x90000047  }
0x2fd: {  	s0 =	stileid.u32;
	[bflag:$0x2] =	sbarrier.arrive $0xFFFF  }
0x2fe: {  	p0 =	sne.s32 s0, $0x0;
	s0 =	rddreg [dreg:$0x3]  }
0x2ff: {  	s0 =	sadd.s32 @!p0 $0x100000, s0  }
0x300: {  	[sflag:s0] =	ssyncadd.tile.s32 @!p0 $0x1;
	_ =	shalt  }
.Lfunc_end2:
_tile_overlayer_lowered:
.L_overlay_start_2:
0x301: {  	(tag) =	ssettag $0x2  }
0x302: {  	s0 =	rddreg [dreg:$0x0];
	s2 =	stileid.u32  }
0x303: {  	s1 =	rddreg [dreg:$0x1];
	p0 =	sne.s32 s2, $0x0  }
0x304: {  	s3 =	rddreg [dreg:$0x2];
	[bflag:$0x3] =	sbarrier.arrive $0xFFFF;
	s2 =	simm.s32 @!p0 $0x1C05  }
0x305: {  	[timem:s3], [sflag:s2] =	dma.local @!p0 [hbm:s0], s1  }
0x306: {  	s0 =	simm.s32 @!p0 $0x5  }
0x307: {  	_ =	swait.ge @!p0 [sflag:s0], s1  }
0x308: {  	s1 =	ssub.s32 @!p0 $0x0, s1;
	[sflag:s0] =	ssyncset.done @!p0 $0x0  }
0x309: {  	[sflag:s0] =	ssyncadd.s32 @!p0 s1  }
0x30a: {  	[bflag:$0x3] =	sbarrier.arrive $0xFFFF  }
0x30b: {  	_ =	shalt  }

</sc_bundles>
